<compile_context>
chip_gen: v7x
topology: tpu7x:2x2x1
jax: 0.10.2.dev20260603
libtpu: 0.0.44.dev20260713+nightly
codegen_flags: <defaults>
</compile_context>

<pallas_src>
import functools

import jax
import jax.numpy as jnp
from jax import lax
from jax.experimental import pallas as pl
from jax.experimental.pallas import tpu as pltpu
from jax.experimental.pallas import tpu_sc as plsc

NC = 2
NS = 16
NW = NC * NS
N_PAD = 10240
ROWS_PER_TILE = N_PAD // NS

_sc_mesh = plsc.VectorSubcoreMesh(
    core_axis_name="c", subcore_axis_name="s", num_cores=NC, num_subcores=NS
)
_sc_params = pltpu.CompilerParams(use_tc_tiling_on_sc=False)


def _wid():
    return lax.axis_index("s") * NC + lax.axis_index("c")


K_FLIGHT = 8


def _deg_body(n_chunks, dst_hbm, ones_hbm, zeros_hbm, out_hbm,
              didx_v, ones_v, deg_sh, sem):
    cid = lax.axis_index("c")
    sid = lax.axis_index("s")
    wid = _wid()
    row0 = sid * ROWS_PER_TILE
    pltpu.sync_copy(zeros_hbm, deg_sh.at[pl.ds(row0, ROWS_PER_TILE)])
    pltpu.sync_copy(ones_hbm, ones_v)
    pltpu.sync_copy(dst_hbm.at[wid], didx_v)
    plsc.subcore_barrier()

    n_sup = n_chunks // K_FLIGHT

    def body(s, carry):
        for b in range(K_FLIGHT):
            j = s * K_FLIGHT + b
            pltpu.async_copy(ones_v, deg_sh.at[didx_v.at[j]], sem, add=True)
        for b in range(K_FLIGHT):
            j = s * K_FLIGHT + b
            pltpu.make_async_copy(ones_v, deg_sh.at[didx_v.at[j]], sem).wait()
        return carry

    lax.fori_loop(0, n_sup, body, 0)
    plsc.subcore_barrier()
    pltpu.sync_copy(deg_sh.at[pl.ds(row0, ROWS_PER_TILE)],
                    out_hbm.at[cid, pl.ds(row0, ROWS_PER_TILE)])


def _edge_body(n_chunks, table_hbm, sidx_hbm, didx_hbm, zeros_hbm, out_hbm,
               sidx_v, didx_v, rows_v, table_sh, acc_sh, gsem, ssem):
    cid = lax.axis_index("c")
    sid = lax.axis_index("s")
    wid = _wid()
    row0 = sid * ROWS_PER_TILE
    pltpu.sync_copy(table_hbm.at[pl.ds(row0, ROWS_PER_TILE)],
                    table_sh.at[pl.ds(row0, ROWS_PER_TILE)])
    pltpu.sync_copy(zeros_hbm, acc_sh.at[pl.ds(row0, ROWS_PER_TILE)])
    pltpu.sync_copy(sidx_hbm.at[wid], sidx_v)
    pltpu.sync_copy(didx_hbm.at[wid], didx_v)
    plsc.subcore_barrier()

    n_sup = n_chunks // K_FLIGHT

    for b in range(K_FLIGHT):
        pltpu.async_copy(table_sh.at[sidx_v.at[b]], rows_v.at[0, b], gsem)

    def body(s, carry):
        bank = lax.rem(s, 3)
        nxt = lax.rem(s + 1, 3)

        @pl.when(s + 1 < n_sup)
        def _():
            for b in range(K_FLIGHT):
                j = (s + 1) * K_FLIGHT + b
                pltpu.async_copy(table_sh.at[sidx_v.at[j]],
                                 rows_v.at[nxt, b], gsem)

        for b in range(K_FLIGHT):
            j = s * K_FLIGHT + b
            pltpu.make_async_copy(table_sh.at[sidx_v.at[j]],
                                  rows_v.at[bank, b], gsem).wait()
            pltpu.async_copy(rows_v.at[bank, b],
                             acc_sh.at[didx_v.at[j]], ssem, add=True)

        @pl.when(s > 0)
        def _():
            prev = lax.rem(s - 1, 3)
            for b in range(K_FLIGHT):
                j = (s - 1) * K_FLIGHT + b
                pltpu.make_async_copy(rows_v.at[prev, b],
                                      acc_sh.at[didx_v.at[j]], ssem).wait()
        return carry

    lax.fori_loop(0, n_sup, body, 0)
    for b in range(K_FLIGHT):
        j = (n_sup - 1) * K_FLIGHT + b
        pltpu.make_async_copy(rows_v.at[lax.rem(n_sup - 1, 3), b],
                              acc_sh.at[didx_v.at[j]], ssem).wait()
    plsc.subcore_barrier()
    pltpu.sync_copy(acc_sh.at[pl.ds(row0, ROWS_PER_TILE)],
                    out_hbm.at[cid, pl.ds(row0, ROWS_PER_TILE)])


def _sc_degree(dst_idx):
    n_chunks, chunk = dst_idx.shape[1], dst_idx.shape[2]
    k = pl.kernel(
        functools.partial(_deg_body, n_chunks),
        out_type=jax.ShapeDtypeStruct((NC, N_PAD, 16), jnp.float32),
        mesh=_sc_mesh,
        scratch_types=[
            pltpu.VMEM((n_chunks, chunk), jnp.int32),
            pltpu.VMEM((chunk, 16), jnp.float32),
            pltpu.VMEM_SHARED((N_PAD, 16), jnp.float32),
            pltpu.SemaphoreType.DMA,
        ],
        compiler_params=_sc_params,
        name="gcn_degree_sc",
    )
    ones = jnp.ones((chunk, 16), jnp.float32)
    zeros = jnp.zeros((ROWS_PER_TILE, 16), jnp.float32)
    return k(dst_idx, ones, zeros)


def _sc_edge_pass(table, src_idx, dst_idx, name):
    n_chunks, chunk = src_idx.shape[1], src_idx.shape[2]
    k = pl.kernel(
        functools.partial(_edge_body, n_chunks),
        out_type=jax.ShapeDtypeStruct((NC, N_PAD, 16), jnp.float32),
        mesh=_sc_mesh,
        scratch_types=[
            pltpu.VMEM((n_chunks, chunk), jnp.int32),
            pltpu.VMEM((n_chunks, chunk), jnp.int32),
            pltpu.VMEM((3, K_FLIGHT, chunk, 16), jnp.float32),
            pltpu.VMEM_SHARED((N_PAD, 16), jnp.float32),
            pltpu.VMEM_SHARED((N_PAD, 16), jnp.float32),
            pltpu.SemaphoreType.DMA,
            pltpu.SemaphoreType.DMA,
        ],
        compiler_params=_sc_params,
        name=name,
    )
    zeros = jnp.zeros((ROWS_PER_TILE * 16 // 128, 128),
                      jnp.float32).reshape(ROWS_PER_TILE, 16)
    return k(table, src_idx, dst_idx, zeros)


_BLK = 2048
_PBLK = _BLK // 8
_GRID = 5
PK_ROWS = N_PAD // 8
N_REAL_PK = 1250


def _matmul_body(x_ref, w_ref, p1_ref):
    w = w_ref[...]
    for u in range(8):
        p1_ref[:, 16 * u:16 * (u + 1)] = jnp.dot(
            x_ref[:, u, :], w, preferred_element_type=jnp.float32)


def _tc_matmul(x3, W1):
    return pl.pallas_call(
        _matmul_body,
        grid=(_GRID,),
        in_specs=[
            pl.BlockSpec((_PBLK, 8, 128), lambda j: (j, 0, 0)),
            pl.BlockSpec((128, 16), lambda j: (0, 0)),
        ],
        out_specs=pl.BlockSpec((_PBLK, 128), lambda j: (j, 0)),
        out_shape=jax.ShapeDtypeStruct((PK_ROWS, 128), jnp.float32),
    )(x3, W1)


def _scale_body(p1_ref, degp_ref, p1s_ref, dinv_ref):
    dinv = lax.rsqrt(degp_ref[0] + degp_ref[1] + 1.0)
    p1s_ref[...] = dinv * p1_ref[...]
    dinv_ref[...] = dinv


def _tc_scale(p1_pk, degp_pk):
    return pl.pallas_call(
        _scale_body,
        grid=(_GRID,),
        in_specs=[
            pl.BlockSpec((_PBLK, 128), lambda j: (j, 0)),
            pl.BlockSpec((NC, _PBLK, 128), lambda j: (0, j, 0)),
        ],
        out_specs=[
            pl.BlockSpec((_PBLK, 128), lambda j: (j, 0)),
            pl.BlockSpec((_PBLK, 128), lambda j: (j, 0)),
        ],
        out_shape=[
            jax.ShapeDtypeStruct((PK_ROWS, 128), jnp.float32),
            jax.ShapeDtypeStruct((PK_ROWS, 128), jnp.float32),
        ],
    )(p1_pk, degp_pk)


def _hidden_body(aggp_ref, p1s_ref, dinv_ref, b1_ref, h1s_ref):
    dinv = dinv_ref[...]
    s1 = dinv * (aggp_ref[0] + aggp_ref[1] + p1s_ref[...]) + b1_ref[...]
    h1s_ref[...] = dinv * jnp.maximum(s1, 0.0)


def _tc_hidden(aggp_pk, p1s_pk, dinv_pk, b1t):
    return pl.pallas_call(
        _hidden_body,
        grid=(_GRID,),
        in_specs=[
            pl.BlockSpec((NC, _PBLK, 128), lambda j: (0, j, 0)),
            pl.BlockSpec((_PBLK, 128), lambda j: (j, 0)),
            pl.BlockSpec((_PBLK, 128), lambda j: (j, 0)),
            pl.BlockSpec((1, 128), lambda j: (0, 0)),
        ],
        out_specs=pl.BlockSpec((_PBLK, 128), lambda j: (j, 0)),
        out_shape=jax.ShapeDtypeStruct((PK_ROWS, 128), jnp.float32),
    )(aggp_pk, p1s_pk, dinv_pk, b1t)


def _pool_body(aggp_ref, h1s_ref, dinv_ref, batch_ref, w2_ref, b2_ref,
               out_ref):
    dinv = dinv_ref[...]
    s2 = dinv * (aggp_ref[0] + aggp_ref[1] + h1s_ref[...])
    row = lax.broadcasted_iota(jnp.int32, (PK_ROWS, 1), 0)
    s2 = jnp.where(row < N_REAL_PK, s2, 0.0)
    gi = lax.broadcasted_iota(jnp.int32, (PK_ROWS, 64), 1)
    ones = jnp.ones((PK_ROWS, 1), jnp.float32)
    sums = jnp.zeros((64, 16), jnp.float32)
    cnts = jnp.zeros((64, 1), jnp.float32)
    for u in range(8):
        mask = (batch_ref[:, 16 * u:16 * u + 1] == gi).astype(jnp.float32)
        sums += lax.dot_general(
            mask, s2[:, 16 * u:16 * (u + 1)], (((0,), (0,)), ((), ())),
            preferred_element_type=jnp.float32)
        cnts += lax.dot_general(
            mask, ones, (((0,), (0,)), ((), ())),
            preferred_element_type=jnp.float32)
    pooled = sums / jnp.maximum(cnts, 1.0)
    logits = jnp.dot(pooled, w2_ref[...],
                     preferred_element_type=jnp.float32) + b2_ref[...]
    m = jnp.max(logits, axis=1, keepdims=True)
    lse = m + jnp.log(jnp.sum(jnp.exp(logits - m), axis=1, keepdims=True))
    out_ref[...] = logits - lse


def _tc_pool(aggp_pk, h1s_pk, dinv_pk, batch_pk, W2, b2):
    return pl.pallas_call(
        _pool_body,
        in_specs=[
            pl.BlockSpec((NC, PK_ROWS, 128), lambda: (0, 0, 0)),
            pl.BlockSpec((PK_ROWS, 128), lambda: (0, 0)),
            pl.BlockSpec((PK_ROWS, 128), lambda: (0, 0)),
            pl.BlockSpec((PK_ROWS, 128), lambda: (0, 0)),
            pl.BlockSpec((16, 2), lambda: (0, 0)),
            pl.BlockSpec((1, 2), lambda: (0, 0)),
        ],
        out_specs=pl.BlockSpec((64, 2), lambda: (0, 0)),
        out_shape=jax.ShapeDtypeStruct((64, 2), jnp.float32),
    )(aggp_pk, h1s_pk, dinv_pk, batch_pk, W2, b2)


def kernel(x, edge_index, batch, W1, b1, W2, b2):
    e = edge_index.shape[1]

    per_tile = e // NW
    chunk = 125
    n_chunks = per_tile // chunk
    src = edge_index[0].reshape(NW, n_chunks, chunk)
    dst = edge_index[1].reshape(NW, n_chunks, chunk)

    bpad = jnp.pad(batch, (0, N_PAD - batch.shape[0]), constant_values=64)
    batch_pk = jnp.broadcast_to(
        bpad.reshape(-1, 8, 1), (PK_ROWS, 8, 16)).reshape(-1, 128)
    b1t = jnp.tile(b1, 8).reshape(1, 128)

    x3 = x.reshape(-1, 8, 128)
    p1_pk = _tc_matmul(x3, W1)
    degp = _sc_degree(dst)
    p1s_pk, dinv_pk = _tc_scale(p1_pk, degp.reshape(NC, PK_ROWS, 128))
    agg1 = _sc_edge_pass(p1s_pk.reshape(N_PAD, 16), src, dst, "gcn_edges1_sc")
    h1s_pk = _tc_hidden(agg1.reshape(NC, PK_ROWS, 128), p1s_pk, dinv_pk, b1t)
    agg2 = _sc_edge_pass(h1s_pk.reshape(N_PAD, 16), src, dst, "gcn_edges2_sc")
    return _tc_pool(agg2.reshape(NC, PK_ROWS, 128), h1s_pk, dinv_pk,
                    batch_pk, W2, b2.reshape(1, 2))

# --- scband reference (transcript-rebuilt; emitter-appended) ---
"""Pipeline reference for scband-gcn-78640851189892 (READ-ONLY COPY).

The authoritative reference and input builder live on the scoring server;
editing this copy changes nothing except your own understanding.
"""

import jax, jax.numpy as jnp
import numpy as np

N = 10000
E = 320000
D = 128
HIDDEN = 16
NUM_CLASSES = 2
NUM_GRAPHS = 64


def setup_inputs(seed: int = 0) -> dict:
    key = jax.random.key(seed)
    ks = jax.random.split(key, 6)
    x = jax.random.normal(ks[0], (N, D), dtype=jnp.float32)
    edge_index = jax.random.randint(ks[1], (2, E), 0, N, dtype=jnp.int32)
    batch = jnp.sort(jax.random.randint(ks[2], (N,), 0, NUM_GRAPHS, dtype=jnp.int32))
    # GCNConv learned params (glorot-style init, bias applied after aggregation as in PyG)
    W1 = jax.random.normal(ks[3], (D, HIDDEN), dtype=jnp.float32) * (1.0 / np.sqrt(D))
    b1 = jnp.zeros((HIDDEN,), dtype=jnp.float32)
    W2 = jax.random.normal(ks[4], (HIDDEN, NUM_CLASSES), dtype=jnp.float32) * (1.0 / np.sqrt(HIDDEN))
    b2 = jnp.zeros((NUM_CLASSES,), dtype=jnp.float32)
    return {"x": x, "edge_index": edge_index, "batch": batch, "W1": W1, "b1": b1, "W2": W2, "b2": b2}


def _gcn_conv(x, edge_index, W, b):
    # x' = D^{-1/2} (A + I) D^{-1/2} X W + b  (PyG GCNConv default: add self-loops, sym norm)
    src = edge_index[0]
    dst = edge_index[1]
    loop = jnp.arange(N, dtype=src.dtype)
    src = jnp.concatenate([src, loop])
    dst = jnp.concatenate([dst, loop])
    deg = jnp.zeros((N,), dtype=x.dtype).at[dst].add(1.0)
    dinv = jnp.where(deg > 0, deg ** -0.5, 0.0)
    norm = dinv[src] * dinv[dst]
    h = x @ W
    msg = h[src] * norm[:, None]
    out = jnp.zeros((N, W.shape[1]), dtype=x.dtype).at[dst].add(msg)
    return out + b


def reference(x, edge_index, batch, W1, b1, W2, b2):
    h = jax.nn.relu(_gcn_conv(x, edge_index, W1, b1))
    h = _gcn_conv(h, edge_index, W2, b2)
    sums = jax.ops.segment_sum(h, batch, num_segments=NUM_GRAPHS)
    counts = jax.ops.segment_sum(jnp.ones((N, 1), dtype=h.dtype), batch, num_segments=NUM_GRAPHS)
    pooled = sums / jnp.clip(counts, 1.0, None)
    return jax.nn.log_softmax(pooled, axis=1)

if __name__ == "__main__":
    import jax
    _d = setup_inputs()
    print(jax.jit(kernel)(*tuple(_d.values())))

</pallas_src>

<mosaic_0001>
#map = affine_map<(d0, d1) -> (0, 0)>
#map1 = affine_map<(d0, d1) -> (0, 0, 0)>
module attributes {stable_mosaic.version = 14 : i64} {
  func.func @gcn_edges2_sc(%arg0: i32, %arg1: i32, %arg2: memref<10240x16xf32, #tpu.memory_space<hbm>>, %arg3: memref<32x80x125xi32, #tpu.memory_space<hbm>>, %arg4: memref<32x80x125xi32, #tpu.memory_space<hbm>>, %arg5: memref<640x16xf32, #tpu.memory_space<hbm>>, %arg6: memref<2x10240x16xf32, #tpu.memory_space<hbm>>, %arg7: memref<80x125xi32, #tpu.memory_space<vmem>>, %arg8: memref<80x125xi32, #tpu.memory_space<vmem>>, %arg9: memref<3x8x125x16xf32, #tpu.memory_space<vmem>>, %arg10: memref<10240x16xf32, #tpu.memory_space<vmem_shared>>, %arg11: memref<10240x16xf32, #tpu.memory_space<vmem_shared>>, %arg12: memref<!tpu.dma_semaphore, #tpu.memory_space<semaphore_mem>>, %arg13: memref<!tpu.dma_semaphore, #tpu.memory_space<semaphore_mem>>) attributes {dimension_semantics = [#tpu.dimension_semantics<core_parallel>, #tpu.dimension_semantics<subcore_parallel>], iteration_bounds = array<i64: 2, 16>, scalar_prefetch = 0 : i64, scratch_operands = 7 : i64, tpu.core_type = #tpu.core_type<sc_vector_subcore>, window_params = [{transform_indices = #map}, {transform_indices = #map1}, {transform_indices = #map1}, {transform_indices = #map}, {transform_indices = #map1}]} {
    %mul3A = arith.constant 2 : i32
    %mul3A_0 = arith.muli %arg1, %mul3A : i32
    %add3A = arith.addi %mul3A_0, %arg0 : i32
    %mul3A_1 = arith.constant 640 : i32
    %mul3A_2 = arith.muli %arg1, %mul3A_1 : i32
    "tpu.region"() ({
      %run_scoped3A = tpu.sem_alloc : memref<!tpu.dma_semaphore, #tpu.memory_space<semaphore_mem>>
      %dma_start3A_230 = arith.constant 0 : i32
      %dma_start3A_231 = tpu.memref_slice %arg10[%mul3A_2, %dma_start3A_230] : memref<10240x16xf32, #tpu.memory_space<vmem_shared>> -> memref<640x16xf32, #tpu.memory_space<vmem_shared>>
      %dma_start3A_232 = arith.constant 0 : i32
      %dma_start3A_233 = tpu.memref_slice %arg2[%mul3A_2, %dma_start3A_232] : memref<10240x16xf32, #tpu.memory_space<hbm>> -> memref<640x16xf32, #tpu.memory_space<hbm>>
      tpu.enqueue_dma source(%dma_start3A_233 : memref<640x16xf32, #tpu.memory_space<hbm>>) target(%dma_start3A_231 : memref<640x16xf32, #tpu.memory_space<vmem_shared>>) target_semaphore(%run_scoped3A : memref<!tpu.dma_semaphore, #tpu.memory_space<semaphore_mem>>)
      %dma_wait3A_234 = arith.constant 0 : i32
      %dma_wait3A_235 = tpu.memref_slice %arg10[%mul3A_2, %dma_wait3A_234] : memref<10240x16xf32, #tpu.memory_space<vmem_shared>> -> memref<640x16xf32, #tpu.memory_space<vmem_shared>>
      %dma_wait3A_236 = arith.constant 0 : i32
      %dma_wait3A_237 = tpu.memref_slice %arg2[%mul3A_2, %dma_wait3A_236] : memref<10240x16xf32, #tpu.memory_space<hbm>> -> memref<640x16xf32, #tpu.memory_space<hbm>>
      tpu.wait_dma2 semaphore(%run_scoped3A : memref<!tpu.dma_semaphore, #tpu.memory_space<semaphore_mem>>) src(%dma_wait3A_237 : memref<640x16xf32, #tpu.memory_space<hbm>>) dst(%dma_wait3A_235 : memref<640x16xf32, #tpu.memory_space<vmem_shared>>)
      tpu.yield
    }) : () -> ()
    "tpu.region"() ({
      %run_scoped3A = tpu.sem_alloc : memref<!tpu.dma_semaphore, #tpu.memory_space<semaphore_mem>>
      %dma_start3A_230 = arith.constant 0 : i32
      %dma_start3A_231 = tpu.memref_slice %arg11[%mul3A_2, %dma_start3A_230] : memref<10240x16xf32, #tpu.memory_space<vmem_shared>> -> memref<640x16xf32, #tpu.memory_space<vmem_shared>>
      tpu.enqueue_dma source(%arg5 : memref<640x16xf32, #tpu.memory_space<hbm>>) target(%dma_start3A_231 : memref<640x16xf32, #tpu.memory_space<vmem_shared>>) target_semaphore(%run_scoped3A : memref<!tpu.dma_semaphore, #tpu.memory_space<semaphore_mem>>)
      %dma_wait3A_232 = arith.constant 0 : i32
      %dma_wait3A_233 = tpu.memref_slice %arg11[%mul3A_2, %dma_wait3A_232] : memref<10240x16xf32, #tpu.memory_space<vmem_shared>> -> memref<640x16xf32, #tpu.memory_space<vmem_shared>>
      tpu.wait_dma2 semaphore(%run_scoped3A : memref<!tpu.dma_semaphore, #tpu.memory_space<semaphore_mem>>) src(%arg5 : memref<640x16xf32, #tpu.memory_space<hbm>>) dst(%dma_wait3A_233 : memref<640x16xf32, #tpu.memory_space<vmem_shared>>)
      tpu.yield
    }) : () -> ()
    "tpu.region"() ({
      %run_scoped3A = tpu.sem_alloc : memref<!tpu.dma_semaphore, #tpu.memory_space<semaphore_mem>>
      %dma_start3A_230 = arith.constant 0 : i32
      %dma_start3A_231 = arith.constant 0 : i32
      %dma_start3A_232 = tpu.memref_slice %arg3[%add3A, %dma_start3A_230, %dma_start3A_231] : memref<32x80x125xi32, #tpu.memory_space<hbm>> -> memref<1x80x125xi32, #tpu.memory_space<hbm>>
      %dma_start3A_233 = tpu.memref_squeeze %dma_start3A_232 : memref<1x80x125xi32, #tpu.memory_space<hbm>> -> memref<80x125xi32, #tpu.memory_space<hbm>>
      %dma_start3A_234 = arith.constant 0 : i32
      %dma_start3A_235 = arith.constant 0 : i32
      %dma_start3A_236 = tpu.memref_slice %arg3[%add3A, %dma_start3A_234, %dma_start3A_235] : memref<32x80x125xi32, #tpu.memory_space<hbm>> -> memref<1x80x125xi32, #tpu.memory_space<hbm>>
      %dma_start3A_237 = tpu.memref_squeeze %dma_start3A_236 : memref<1x80x125xi32, #tpu.memory_space<hbm>> -> memref<80x125xi32, #tpu.memory_space<hbm>>
      tpu.enqueue_dma source(%dma_start3A_237 : memref<80x125xi32, #tpu.memory_space<hbm>>) target(%arg7 : memref<80x125xi32, #tpu.memory_space<vmem>>) target_semaphore(%run_scoped3A : memref<!tpu.dma_semaphore, #tpu.memory_space<semaphore_mem>>)
      %dma_wait3A_238 = arith.constant 0 : i32
      %dma_wait3A_239 = arith.constant 0 : i32
      %dma_wait3A_240 = tpu.memref_slice %arg3[%add3A, %dma_wait3A_238, %dma_wait3A_239] : memref<32x80x125xi32, #tpu.memory_space<hbm>> -> memref<1x80x125xi32, #tpu.memory_space<hbm>>
      %dma_wait3A_241 = tpu.memref_squeeze %dma_wait3A_240 : memref<1x80x125xi32, #tpu.memory_space<hbm>> -> memref<80x125xi32, #tpu.memory_space<hbm>>
      %dma_wait3A_242 = arith.constant 0 : i32
      %dma_wait3A_243 = arith.constant 0 : i32
      %dma_wait3A_244 = tpu.memref_slice %arg3[%add3A, %dma_wait3A_242, %dma_wait3A_243] : memref<32x80x125xi32, #tpu.memory_space<hbm>> -> memref<1x80x125xi32, #tpu.memory_space<hbm>>
      %dma_wait3A_245 = tpu.memref_squeeze %dma_wait3A_244 : memref<1x80x125xi32, #tpu.memory_space<hbm>> -> memref<80x125xi32, #tpu.memory_space<hbm>>
      tpu.wait_dma2 semaphore(%run_scoped3A : memref<!tpu.dma_semaphore, #tpu.memory_space<semaphore_mem>>) src(%dma_wait3A_245 : memref<80x125xi32, #tpu.memory_space<hbm>>) dst(%arg7 : memref<80x125xi32, #tpu.memory_space<vmem>>)
      tpu.yield
    }) : () -> ()
    "tpu.region"() ({
      %run_scoped3A = tpu.sem_alloc : memref<!tpu.dma_semaphore, #tpu.memory_space<semaphore_mem>>
      %dma_start3A_230 = arith.constant 0 : i32
      %dma_start3A_231 = arith.constant 0 : i32
      %dma_start3A_232 = tpu.memref_slice %arg4[%add3A, %dma_start3A_230, %dma_start3A_231] : memref<32x80x125xi32, #tpu.memory_space<hbm>> -> memref<1x80x125xi32, #tpu.memory_space<hbm>>
      %dma_start3A_233 = tpu.memref_squeeze %dma_start3A_232 : memref<1x80x125xi32, #tpu.memory_space<hbm>> -> memref<80x125xi32, #tpu.memory_space<hbm>>
      %dma_start3A_234 = arith.constant 0 : i32
      %dma_start3A_235 = arith.constant 0 : i32
      %dma_start3A_236 = tpu.memref_slice %arg4[%add3A, %dma_start3A_234, %dma_start3A_235] : memref<32x80x125xi32, #tpu.memory_space<hbm>> -> memref<1x80x125xi32, #tpu.memory_space<hbm>>
      %dma_start3A_237 = tpu.memref_squeeze %dma_start3A_236 : memref<1x80x125xi32, #tpu.memory_space<hbm>> -> memref<80x125xi32, #tpu.memory_space<hbm>>
      tpu.enqueue_dma source(%dma_start3A_237 : memref<80x125xi32, #tpu.memory_space<hbm>>) target(%arg8 : memref<80x125xi32, #tpu.memory_space<vmem>>) target_semaphore(%run_scoped3A : memref<!tpu.dma_semaphore, #tpu.memory_space<semaphore_mem>>)
      %dma_wait3A_238 = arith.constant 0 : i32
      %dma_wait3A_239 = arith.constant 0 : i32
      %dma_wait3A_240 = tpu.memref_slice %arg4[%add3A, %dma_wait3A_238, %dma_wait3A_239] : memref<32x80x125xi32, #tpu.memory_space<hbm>> -> memref<1x80x125xi32, #tpu.memory_space<hbm>>
      %dma_wait3A_241 = tpu.memref_squeeze %dma_wait3A_240 : memref<1x80x125xi32, #tpu.memory_space<hbm>> -> memref<80x125xi32, #tpu.memory_space<hbm>>
      %dma_wait3A_242 = arith.constant 0 : i32
      %dma_wait3A_243 = arith.constant 0 : i32
      %dma_wait3A_244 = tpu.memref_slice %arg4[%add3A, %dma_wait3A_242, %dma_wait3A_243] : memref<32x80x125xi32, #tpu.memory_space<hbm>> -> memref<1x80x125xi32, #tpu.memory_space<hbm>>
      %dma_wait3A_245 = tpu.memref_squeeze %dma_wait3A_244 : memref<1x80x125xi32, #tpu.memory_space<hbm>> -> memref<80x125xi32, #tpu.memory_space<hbm>>
      tpu.wait_dma2 semaphore(%run_scoped3A : memref<!tpu.dma_semaphore, #tpu.memory_space<semaphore_mem>>) src(%dma_wait3A_245 : memref<80x125xi32, #tpu.memory_space<hbm>>) dst(%arg8 : memref<80x125xi32, #tpu.memory_space<vmem>>)
      tpu.yield
    }) : () -> ()
    %barrier3A = arith.constant 0 : index
    tpu.barrier barrier_id(%barrier3A)
    %dma_start3A = arith.constant 0 : i32
    %dma_start3A_3 = arith.constant 0 : i32
    %dma_start3A_4 = arith.constant 0 : i32
    %dma_start3A_5 = arith.constant 0 : i32
    %dma_start3A_6 = arith.constant 0 : i32
    %dma_start3A_7 = tpu.memref_slice %arg9[%dma_start3A_3, %dma_start3A_4, %dma_start3A_5, %dma_start3A_6] : memref<3x8x125x16xf32, #tpu.memory_space<vmem>> -> memref<1x1x125x16xf32, #tpu.memory_space<vmem>>
    %dma_start3A_8 = tpu.memref_squeeze %dma_start3A_7 : memref<1x1x125x16xf32, #tpu.memory_space<vmem>> -> memref<125x16xf32, #tpu.memory_space<vmem>>
    %dma_start3A_9 = arith.constant 0 : i32
    %dma_start3A_10 = tpu.memref_slice %arg7[%dma_start3A, %dma_start3A_9] : memref<80x125xi32, #tpu.memory_space<vmem>> -> memref<1x125xi32, #tpu.memory_space<vmem>>
    %dma_start3A_11 = tpu.memref_squeeze %dma_start3A_10 : memref<1x125xi32, #tpu.memory_space<vmem>> -> memref<125xi32, #tpu.memory_space<vmem>>
    %dma_start3A_12 = arith.constant 0 : i32
    %dma_start3A_13 = arith.constant 0 : i32
    %dma_start3A_14 = tpu.memref_slice %arg10[%dma_start3A_12, %dma_start3A_13] : memref<10240x16xf32, #tpu.memory_space<vmem_shared>> -> memref<10240x16xf32, #tpu.memory_space<vmem_shared>>
    tpu.enqueue_indirect_dma source(%dma_start3A_14 : memref<10240x16xf32, #tpu.memory_space<vmem_shared>>) target(%dma_start3A_8 : memref<125x16xf32, #tpu.memory_space<vmem>>) offsets(%dma_start3A_11 : memref<125xi32, #tpu.memory_space<vmem>>) semaphore(%arg12 : memref<!tpu.dma_semaphore, #tpu.memory_space<semaphore_mem>>)
    %dma_start3A_15 = arith.constant 1 : i32
    %dma_start3A_16 = arith.constant 0 : i32
    %dma_start3A_17 = arith.constant 1 : i32
    %dma_start3A_18 = arith.constant 0 : i32
    %dma_start3A_19 = arith.constant 0 : i32
    %dma_start3A_20 = tpu.memref_slice %arg9[%dma_start3A_16, %dma_start3A_17, %dma_start3A_18, %dma_start3A_19] : memref<3x8x125x16xf32, #tpu.memory_space<vmem>> -> memref<1x1x125x16xf32, #tpu.memory_space<vmem>>
    %dma_start3A_21 = tpu.memref_squeeze %dma_start3A_20 : memref<1x1x125x16xf32, #tpu.memory_space<vmem>> -> memref<125x16xf32, #tpu.memory_space<vmem>>
    %dma_start3A_22 = arith.constant 0 : i32
    %dma_start3A_23 = tpu.memref_slice %arg7[%dma_start3A_15, %dma_start3A_22] : memref<80x125xi32, #tpu.memory_space<vmem>> -> memref<1x125xi32, #tpu.memory_space<vmem>>
    %dma_start3A_24 = tpu.memref_squeeze %dma_start3A_23 : memref<1x125xi32, #tpu.memory_space<vmem>> -> memref<125xi32, #tpu.memory_space<vmem>>
    %dma_start3A_25 = arith.constant 0 : i32
    %dma_start3A_26 = arith.constant 0 : i32
    %dma_start3A_27 = tpu.memref_slice %arg10[%dma_start3A_25, %dma_start3A_26] : memref<10240x16xf32, #tpu.memory_space<vmem_shared>> -> memref<10240x16xf32, #tpu.memory_space<vmem_shared>>
    tpu.enqueue_indirect_dma source(%dma_start3A_27 : memref<10240x16xf32, #tpu.memory_space<vmem_shared>>) target(%dma_start3A_21 : memref<125x16xf32, #tpu.memory_space<vmem>>) offsets(%dma_start3A_24 : memref<125xi32, #tpu.memory_space<vmem>>) semaphore(%arg12 : memref<!tpu.dma_semaphore, #tpu.memory_space<semaphore_mem>>)
    %dma_start3A_28 = arith.constant 2 : i32
    %dma_start3A_29 = arith.constant 0 : i32
    %dma_start3A_30 = arith.constant 2 : i32
    %dma_start3A_31 = arith.constant 0 : i32
    %dma_start3A_32 = arith.constant 0 : i32
    %dma_start3A_33 = tpu.memref_slice %arg9[%dma_start3A_29, %dma_start3A_30, %dma_start3A_31, %dma_start3A_32] : memref<3x8x125x16xf32, #tpu.memory_space<vmem>> -> memref<1x1x125x16xf32, #tpu.memory_space<vmem>>
    %dma_start3A_34 = tpu.memref_squeeze %dma_start3A_33 : memref<1x1x125x16xf32, #tpu.memory_space<vmem>> -> memref<125x16xf32, #tpu.memory_space<vmem>>
    %dma_start3A_35 = arith.constant 0 : i32
    %dma_start3A_36 = tpu.memref_slice %arg7[%dma_start3A_28, %dma_start3A_35] : memref<80x125xi32, #tpu.memory_space<vmem>> -> memref<1x125xi32, #tpu.memory_space<vmem>>
    %dma_start3A_37 = tpu.memref_squeeze %dma_start3A_36 : memref<1x125xi32, #tpu.memory_space<vmem>> -> memref<125xi32, #tpu.memory_space<vmem>>
    %dma_start3A_38 = arith.constant 0 : i32
    %dma_start3A_39 = arith.constant 0 : i32
    %dma_start3A_40 = tpu.memref_slice %arg10[%dma_start3A_38, %dma_start3A_39] : memref<10240x16xf32, #tpu.memory_space<vmem_shared>> -> memref<10240x16xf32, #tpu.memory_space<vmem_shared>>
    tpu.enqueue_indirect_dma source(%dma_start3A_40 : memref<10240x16xf32, #tpu.memory_space<vmem_shared>>) target(%dma_start3A_34 : memref<125x16xf32, #tpu.memory_space<vmem>>) offsets(%dma_start3A_37 : memref<125xi32, #tpu.memory_space<vmem>>) semaphore(%arg12 : memref<!tpu.dma_semaphore, #tpu.memory_space<semaphore_mem>>)
    %dma_start3A_41 = arith.constant 3 : i32
    %dma_start3A_42 = arith.constant 0 : i32
    %dma_start3A_43 = arith.constant 3 : i32
    %dma_start3A_44 = arith.constant 0 : i32
    %dma_start3A_45 = arith.constant 0 : i32
    %dma_start3A_46 = tpu.memref_slice %arg9[%dma_start3A_42, %dma_start3A_43, %dma_start3A_44, %dma_start3A_45] : memref<3x8x125x16xf32, #tpu.memory_space<vmem>> -> memref<1x1x125x16xf32, #tpu.memory_space<vmem>>
    %dma_start3A_47 = tpu.memref_squeeze %dma_start3A_46 : memref<1x1x125x16xf32, #tpu.memory_space<vmem>> -> memref<125x16xf32, #tpu.memory_space<vmem>>
    %dma_start3A_48 = arith.constant 0 : i32
    %dma_start3A_49 = tpu.memref_slice %arg7[%dma_start3A_41, %dma_start3A_48] : memref<80x125xi32, #tpu.memory_space<vmem>> -> memref<1x125xi32, #tpu.memory_space<vmem>>
    %dma_start3A_50 = tpu.memref_squeeze %dma_start3A_49 : memref<1x125xi32, #tpu.memory_space<vmem>> -> memref<125xi32, #tpu.memory_space<vmem>>
    %dma_start3A_51 = arith.constant 0 : i32
    %dma_start3A_52 = arith.constant 0 : i32
    %dma_start3A_53 = tpu.memref_slice %arg10[%dma_start3A_51, %dma_start3A_52] : memref<10240x16xf32, #tpu.memory_space<vmem_shared>> -> memref<10240x16xf32, #tpu.memory_space<vmem_shared>>
    tpu.enqueue_indirect_dma source(%dma_start3A_53 : memref<10240x16xf32, #tpu.memory_space<vmem_shared>>) target(%dma_start3A_47 : memref<125x16xf32, #tpu.memory_space<vmem>>) offsets(%dma_start3A_50 : memref<125xi32, #tpu.memory_space<vmem>>) semaphore(%arg12 : memref<!tpu.dma_semaphore, #tpu.memory_space<semaphore_mem>>)
    %dma_start3A_54 = arith.constant 4 : i32
    %dma_start3A_55 = arith.constant 0 : i32
    %dma_start3A_56 = arith.constant 4 : i32
    %dma_start3A_57 = arith.constant 0 : i32
    %dma_start3A_58 = arith.constant 0 : i32
    %dma_start3A_59 = tpu.memref_slice %arg9[%dma_start3A_55, %dma_start3A_56, %dma_start3A_57, %dma_start3A_58] : memref<3x8x125x16xf32, #tpu.memory_space<vmem>> -> memref<1x1x125x16xf32, #tpu.memory_space<vmem>>
    %dma_start3A_60 = tpu.memref_squeeze %dma_start3A_59 : memref<1x1x125x16xf32, #tpu.memory_space<vmem>> -> memref<125x16xf32, #tpu.memory_space<vmem>>
    %dma_start3A_61 = arith.constant 0 : i32
    %dma_start3A_62 = tpu.memref_slice %arg7[%dma_start3A_54, %dma_start3A_61] : memref<80x125xi32, #tpu.memory_space<vmem>> -> memref<1x125xi32, #tpu.memory_space<vmem>>
    %dma_start3A_63 = tpu.memref_squeeze %dma_start3A_62 : memref<1x125xi32, #tpu.memory_space<vmem>> -> memref<125xi32, #tpu.memory_space<vmem>>
    %dma_start3A_64 = arith.constant 0 : i32
    %dma_start3A_65 = arith.constant 0 : i32
    %dma_start3A_66 = tpu.memref_slice %arg10[%dma_start3A_64, %dma_start3A_65] : memref<10240x16xf32, #tpu.memory_space<vmem_shared>> -> memref<10240x16xf32, #tpu.memory_space<vmem_shared>>
    tpu.enqueue_indirect_dma source(%dma_start3A_66 : memref<10240x16xf32, #tpu.memory_space<vmem_shared>>) target(%dma_start3A_60 : memref<125x16xf32, #tpu.memory_space<vmem>>) offsets(%dma_start3A_63 : memref<125xi32, #tpu.memory_space<vmem>>) semaphore(%arg12 : memref<!tpu.dma_semaphore, #tpu.memory_space<semaphore_mem>>)
    %dma_start3A_67 = arith.constant 5 : i32
    %dma_start3A_68 = arith.constant 0 : i32
    %dma_start3A_69 = arith.constant 5 : i32
    %dma_start3A_70 = arith.constant 0 : i32
    %dma_start3A_71 = arith.constant 0 : i32
    %dma_start3A_72 = tpu.memref_slice %arg9[%dma_start3A_68, %dma_start3A_69, %dma_start3A_70, %dma_start3A_71] : memref<3x8x125x16xf32, #tpu.memory_space<vmem>> -> memref<1x1x125x16xf32, #tpu.memory_space<vmem>>
    %dma_start3A_73 = tpu.memref_squeeze %dma_start3A_72 : memref<1x1x125x16xf32, #tpu.memory_space<vmem>> -> memref<125x16xf32, #tpu.memory_space<vmem>>
    %dma_start3A_74 = arith.constant 0 : i32
    %dma_start3A_75 = tpu.memref_slice %arg7[%dma_start3A_67, %dma_start3A_74] : memref<80x125xi32, #tpu.memory_space<vmem>> -> memref<1x125xi32, #tpu.memory_space<vmem>>
    %dma_start3A_76 = tpu.memref_squeeze %dma_start3A_75 : memref<1x125xi32, #tpu.memory_space<vmem>> -> memref<125xi32, #tpu.memory_space<vmem>>
    %dma_start3A_77 = arith.constant 0 : i32
    %dma_start3A_78 = arith.constant 0 : i32
    %dma_start3A_79 = tpu.memref_slice %arg10[%dma_start3A_77, %dma_start3A_78] : memref<10240x16xf32, #tpu.memory_space<vmem_shared>> -> memref<10240x16xf32, #tpu.memory_space<vmem_shared>>
    tpu.enqueue_indirect_dma source(%dma_start3A_79 : memref<10240x16xf32, #tpu.memory_space<vmem_shared>>) target(%dma_start3A_73 : memref<125x16xf32, #tpu.memory_space<vmem>>) offsets(%dma_start3A_76 : memref<125xi32, #tpu.memory_space<vmem>>) semaphore(%arg12 : memref<!tpu.dma_semaphore, #tpu.memory_space<semaphore_mem>>)
    %dma_start3A_80 = arith.constant 6 : i32
    %dma_start3A_81 = arith.constant 0 : i32
    %dma_start3A_82 = arith.constant 6 : i32
    %dma_start3A_83 = arith.constant 0 : i32
    %dma_start3A_84 = arith.constant 0 : i32
    %dma_start3A_85 = tpu.memref_slice %arg9[%dma_start3A_81, %dma_start3A_82, %dma_start3A_83, %dma_start3A_84] : memref<3x8x125x16xf32, #tpu.memory_space<vmem>> -> memref<1x1x125x16xf32, #tpu.memory_space<vmem>>
    %dma_start3A_86 = tpu.memref_squeeze %dma_start3A_85 : memref<1x1x125x16xf32, #tpu.memory_space<vmem>> -> memref<125x16xf32, #tpu.memory_space<vmem>>
    %dma_start3A_87 = arith.constant 0 : i32
    %dma_start3A_88 = tpu.memref_slice %arg7[%dma_start3A_80, %dma_start3A_87] : memref<80x125xi32, #tpu.memory_space<vmem>> -> memref<1x125xi32, #tpu.memory_space<vmem>>
    %dma_start3A_89 = tpu.memref_squeeze %dma_start3A_88 : memref<1x125xi32, #tpu.memory_space<vmem>> -> memref<125xi32, #tpu.memory_space<vmem>>
    %dma_start3A_90 = arith.constant 0 : i32
    %dma_start3A_91 = arith.constant 0 : i32
    %dma_start3A_92 = tpu.memref_slice %arg10[%dma_start3A_90, %dma_start3A_91] : memref<10240x16xf32, #tpu.memory_space<vmem_shared>> -> memref<10240x16xf32, #tpu.memory_space<vmem_shared>>
    tpu.enqueue_indirect_dma source(%dma_start3A_92 : memref<10240x16xf32, #tpu.memory_space<vmem_shared>>) target(%dma_start3A_86 : memref<125x16xf32, #tpu.memory_space<vmem>>) offsets(%dma_start3A_89 : memref<125xi32, #tpu.memory_space<vmem>>) semaphore(%arg12 : memref<!tpu.dma_semaphore, #tpu.memory_space<semaphore_mem>>)
    %dma_start3A_93 = arith.constant 7 : i32
    %dma_start3A_94 = arith.constant 0 : i32
    %dma_start3A_95 = arith.constant 7 : i32
    %dma_start3A_96 = arith.constant 0 : i32
    %dma_start3A_97 = arith.constant 0 : i32
    %dma_start3A_98 = tpu.memref_slice %arg9[%dma_start3A_94, %dma_start3A_95, %dma_start3A_96, %dma_start3A_97] : memref<3x8x125x16xf32, #tpu.memory_space<vmem>> -> memref<1x1x125x16xf32, #tpu.memory_space<vmem>>
    %dma_start3A_99 = tpu.memref_squeeze %dma_start3A_98 : memref<1x1x125x16xf32, #tpu.memory_space<vmem>> -> memref<125x16xf32, #tpu.memory_space<vmem>>
    %dma_start3A_100 = arith.constant 0 : i32
    %dma_start3A_101 = tpu.memref_slice %arg7[%dma_start3A_93, %dma_start3A_100] : memref<80x125xi32, #tpu.memory_space<vmem>> -> memref<1x125xi32, #tpu.memory_space<vmem>>
    %dma_start3A_102 = tpu.memref_squeeze %dma_start3A_101 : memref<1x125xi32, #tpu.memory_space<vmem>> -> memref<125xi32, #tpu.memory_space<vmem>>
    %dma_start3A_103 = arith.constant 0 : i32
    %dma_start3A_104 = arith.constant 0 : i32
    %dma_start3A_105 = tpu.memref_slice %arg10[%dma_start3A_103, %dma_start3A_104] : memref<10240x16xf32, #tpu.memory_space<vmem_shared>> -> memref<10240x16xf32, #tpu.memory_space<vmem_shared>>
    tpu.enqueue_indirect_dma source(%dma_start3A_105 : memref<10240x16xf32, #tpu.memory_space<vmem_shared>>) target(%dma_start3A_99 : memref<125x16xf32, #tpu.memory_space<vmem>>) offsets(%dma_start3A_102 : memref<125xi32, #tpu.memory_space<vmem>>) semaphore(%arg12 : memref<!tpu.dma_semaphore, #tpu.memory_space<semaphore_mem>>)
    %scan3A = arith.constant 0 : i32
    %scan3A_106 = arith.constant 0 : i32
    %scan3A_107 = arith.constant 10 : i32
    %scan3A_108 = arith.addi %scan3A_106, %scan3A_107 : i32
    %scan3A_109 = arith.constant 1 : i32
    scf.for %scan3A_230 = %scan3A_106 to %scan3A_108 step %scan3A_109  : i32 {
      %rem3A_231 = arith.constant 3 : i32
      %rem3A_232 = arith.remsi %scan3A_230, %rem3A_231 : i32
      %add3A_233 = arith.constant 1 : i32
      %add3A_234 = arith.addi %scan3A_230, %add3A_233 : i32
      %rem3A_235 = arith.constant 3 : i32
      %rem3A_236 = arith.remsi %add3A_234, %rem3A_235 : i32
      %add3A_237 = arith.constant 1 : i32
      %add3A_238 = arith.addi %scan3A_230, %add3A_237 : i32
      %lt3A = arith.constant 10 : i32
      %lt3A_239 = arith.cmpi slt, %add3A_238, %lt3A : i32
      %convert_element_type3A = arith.extui %lt3A_239 : i1 to i32
      %cond3A = arith.constant 0 : i32
      %cond3A_240 = arith.cmpi ne, %convert_element_type3A, %cond3A : i32
      scf.if %cond3A_240 {
        %add3A_453 = arith.constant 1 : i32
        %add3A_454 = arith.addi %scan3A_230, %add3A_453 : i32
        %mul3A_455 = arith.constant 8 : i32
        %mul3A_456 = arith.muli %add3A_454, %mul3A_455 : i32
        %add3A_457 = arith.constant 0 : i32
        %add3A_458 = arith.addi %mul3A_456, %add3A_457 : i32
        %dma_start3A_459 = arith.constant 0 : i32
        %dma_start3A_460 = arith.constant 0 : i32
        %dma_start3A_461 = arith.constant 0 : i32
        %dma_start3A_462 = tpu.memref_slice %arg9[%rem3A_236, %dma_start3A_459, %dma_start3A_460, %dma_start3A_461] : memref<3x8x125x16xf32, #tpu.memory_space<vmem>> -> memref<1x1x125x16xf32, #tpu.memory_space<vmem>>
        %dma_start3A_463 = tpu.memref_squeeze %dma_start3A_462 : memref<1x1x125x16xf32, #tpu.memory_space<vmem>> -> memref<125x16xf32, #tpu.memory_space<vmem>>
        %dma_start3A_464 = arith.constant 0 : i32
        %dma_start3A_465 = tpu.memref_slice %arg7[%add3A_458, %dma_start3A_464] : memref<80x125xi32, #tpu.memory_space<vmem>> -> memref<1x125xi32, #tpu.memory_space<vmem>>
        %dma_start3A_466 = tpu.memref_squeeze %dma_start3A_465 : memref<1x125xi32, #tpu.memory_space<vmem>> -> memref<125xi32, #tpu.memory_space<vmem>>
        %dma_start3A_467 = arith.constant 0 : i32
        %dma_start3A_468 = arith.constant 0 : i32
        %dma_start3A_469 = tpu.memref_slice %arg10[%dma_start3A_467, %dma_start3A_468] : memref<10240x16xf32, #tpu.memory_space<vmem_shared>> -> memref<10240x16xf32, #tpu.memory_space<vmem_shared>>
        tpu.enqueue_indirect_dma source(%dma_start3A_469 : memref<10240x16xf32, #tpu.memory_space<vmem_shared>>) target(%dma_start3A_463 : memref<125x16xf32, #tpu.memory_space<vmem>>) offsets(%dma_start3A_466 : memref<125xi32, #tpu.memory_space<vmem>>) semaphore(%arg12 : memref<!tpu.dma_semaphore, #tpu.memory_space<semaphore_mem>>)
        %add3A_470 = arith.constant 1 : i32
        %add3A_471 = arith.addi %scan3A_230, %add3A_470 : i32
        %mul3A_472 = arith.constant 8 : i32
        %mul3A_473 = arith.muli %add3A_471, %mul3A_472 : i32
        %add3A_474 = arith.constant 1 : i32
        %add3A_475 = arith.addi %mul3A_473, %add3A_474 : i32
        %dma_start3A_476 = arith.constant 1 : i32
        %dma_start3A_477 = arith.constant 0 : i32
        %dma_start3A_478 = arith.constant 0 : i32
        %dma_start3A_479 = tpu.memref_slice %arg9[%rem3A_236, %dma_start3A_476, %dma_start3A_477, %dma_start3A_478] : memref<3x8x125x16xf32, #tpu.memory_space<vmem>> -> memref<1x1x125x16xf32, #tpu.memory_space<vmem>>
        %dma_start3A_480 = tpu.memref_squeeze %dma_start3A_479 : memref<1x1x125x16xf32, #tpu.memory_space<vmem>> -> memref<125x16xf32, #tpu.memory_space<vmem>>
        %dma_start3A_481 = arith.constant 0 : i32
        %dma_start3A_482 = tpu.memref_slice %arg7[%add3A_475, %dma_start3A_481] : memref<80x125xi32, #tpu.memory_space<vmem>> -> memref<1x125xi32, #tpu.memory_space<vmem>>
        %dma_start3A_483 = tpu.memref_squeeze %dma_start3A_482 : memref<1x125xi32, #tpu.memory_space<vmem>> -> memref<125xi32, #tpu.memory_space<vmem>>
        %dma_start3A_484 = arith.constant 0 : i32
        %dma_start3A_485 = arith.constant 0 : i32
        %dma_start3A_486 = tpu.memref_slice %arg10[%dma_start3A_484, %dma_start3A_485] : memref<10240x16xf32, #tpu.memory_space<vmem_shared>> -> memref<10240x16xf32, #tpu.memory_space<vmem_shared>>
        tpu.enqueue_indirect_dma source(%dma_start3A_486 : memref<10240x16xf32, #tpu.memory_space<vmem_shared>>) target(%dma_start3A_480 : memref<125x16xf32, #tpu.memory_space<vmem>>) offsets(%dma_start3A_483 : memref<125xi32, #tpu.memory_space<vmem>>) semaphore(%arg12 : memref<!tpu.dma_semaphore, #tpu.memory_space<semaphore_mem>>)
        %add3A_487 = arith.constant 1 : i32
        %add3A_488 = arith.addi %scan3A_230, %add3A_487 : i32
        %mul3A_489 = arith.constant 8 : i32
        %mul3A_490 = arith.muli %add3A_488, %mul3A_489 : i32
        %add3A_491 = arith.constant 2 : i32
        %add3A_492 = arith.addi %mul3A_490, %add3A_491 : i32
        %dma_start3A_493 = arith.constant 2 : i32
        %dma_start3A_494 = arith.constant 0 : i32
        %dma_start3A_495 = arith.constant 0 : i32
        %dma_start3A_496 = tpu.memref_slice %arg9[%rem3A_236, %dma_start3A_493, %dma_start3A_494, %dma_start3A_495] : memref<3x8x125x16xf32, #tpu.memory_space<vmem>> -> memref<1x1x125x16xf32, #tpu.memory_space<vmem>>
        %dma_start3A_497 = tpu.memref_squeeze %dma_start3A_496 : memref<1x1x125x16xf32, #tpu.memory_space<vmem>> -> memref<125x16xf32, #tpu.memory_space<vmem>>
        %dma_start3A_498 = arith.constant 0 : i32
        %dma_start3A_499 = tpu.memref_slice %arg7[%add3A_492, %dma_start3A_498] : memref<80x125xi32, #tpu.memory_space<vmem>> -> memref<1x125xi32, #tpu.memory_space<vmem>>
        %dma_start3A_500 = tpu.memref_squeeze %dma_start3A_499 : memref<1x125xi32, #tpu.memory_space<vmem>> -> memref<125xi32, #tpu.memory_space<vmem>>
        %dma_start3A_501 = arith.constant 0 : i32
        %dma_start3A_502 = arith.constant 0 : i32
        %dma_start3A_503 = tpu.memref_slice %arg10[%dma_start3A_501, %dma_start3A_502] : memref<10240x16xf32, #tpu.memory_space<vmem_shared>> -> memref<10240x16xf32, #tpu.memory_space<vmem_shared>>
        tpu.enqueue_indirect_dma source(%dma_start3A_503 : memref<10240x16xf32, #tpu.memory_space<vmem_shared>>) target(%dma_start3A_497 : memref<125x16xf32, #tpu.memory_space<vmem>>) offsets(%dma_start3A_500 : memref<125xi32, #tpu.memory_space<vmem>>) semaphore(%arg12 : memref<!tpu.dma_semaphore, #tpu.memory_space<semaphore_mem>>)
        %add3A_504 = arith.constant 1 : i32
        %add3A_505 = arith.addi %scan3A_230, %add3A_504 : i32
        %mul3A_506 = arith.constant 8 : i32
        %mul3A_507 = arith.muli %add3A_505, %mul3A_506 : i32
        %add3A_508 = arith.constant 3 : i32
        %add3A_509 = arith.addi %mul3A_507, %add3A_508 : i32
        %dma_start3A_510 = arith.constant 3 : i32
        %dma_start3A_511 = arith.constant 0 : i32
        %dma_start3A_512 = arith.constant 0 : i32
        %dma_start3A_513 = tpu.memref_slice %arg9[%rem3A_236, %dma_start3A_510, %dma_start3A_511, %dma_start3A_512] : memref<3x8x125x16xf32, #tpu.memory_space<vmem>> -> memref<1x1x125x16xf32, #tpu.memory_space<vmem>>
        %dma_start3A_514 = tpu.memref_squeeze %dma_start3A_513 : memref<1x1x125x16xf32, #tpu.memory_space<vmem>> -> memref<125x16xf32, #tpu.memory_space<vmem>>
        %dma_start3A_515 = arith.constant 0 : i32
        %dma_start3A_516 = tpu.memref_slice %arg7[%add3A_509, %dma_start3A_515] : memref<80x125xi32, #tpu.memory_space<vmem>> -> memref<1x125xi32, #tpu.memory_space<vmem>>
        %dma_start3A_517 = tpu.memref_squeeze %dma_start3A_516 : memref<1x125xi32, #tpu.memory_space<vmem>> -> memref<125xi32, #tpu.memory_space<vmem>>
        %dma_start3A_518 = arith.constant 0 : i32
        %dma_start3A_519 = arith.constant 0 : i32
        %dma_start3A_520 = tpu.memref_slice %arg10[%dma_start3A_518, %dma_start3A_519] : memref<10240x16xf32, #tpu.memory_space<vmem_shared>> -> memref<10240x16xf32, #tpu.memory_space<vmem_shared>>
        tpu.enqueue_indirect_dma source(%dma_start3A_520 : memref<10240x16xf32, #tpu.memory_space<vmem_shared>>) target(%dma_start3A_514 : memref<125x16xf32, #tpu.memory_space<vmem>>) offsets(%dma_start3A_517 : memref<125xi32, #tpu.memory_space<vmem>>) semaphore(%arg12 : memref<!tpu.dma_semaphore, #tpu.memory_space<semaphore_mem>>)
        %add3A_521 = arith.constant 1 : i32
        %add3A_522 = arith.addi %scan3A_230, %add3A_521 : i32
        %mul3A_523 = arith.constant 8 : i32
        %mul3A_524 = arith.muli %add3A_522, %mul3A_523 : i32
        %add3A_525 = arith.constant 4 : i32
        %add3A_526 = arith.addi %mul3A_524, %add3A_525 : i32
        %dma_start3A_527 = arith.constant 4 : i32
        %dma_start3A_528 = arith.constant 0 : i32
        %dma_start3A_529 = arith.constant 0 : i32
        %dma_start3A_530 = tpu.memref_slice %arg9[%rem3A_236, %dma_start3A_527, %dma_start3A_528, %dma_start3A_529] : memref<3x8x125x16xf32, #tpu.memory_space<vmem>> -> memref<1x1x125x16xf32, #tpu.memory_space<vmem>>
        %dma_start3A_531 = tpu.memref_squeeze %dma_start3A_530 : memref<1x1x125x16xf32, #tpu.memory_space<vmem>> -> memref<125x16xf32, #tpu.memory_space<vmem>>
        %dma_start3A_532 = arith.constant 0 : i32
        %dma_start3A_533 = tpu.memref_slice %arg7[%add3A_526, %dma_start3A_532] : memref<80x125xi32, #tpu.memory_space<vmem>> -> memref<1x125xi32, #tpu.memory_space<vmem>>
        %dma_start3A_534 = tpu.memref_squeeze %dma_start3A_533 : memref<1x125xi32, #tpu.memory_space<vmem>> -> memref<125xi32, #tpu.memory_space<vmem>>
        %dma_start3A_535 = arith.constant 0 : i32
        %dma_start3A_536 = arith.constant 0 : i32
        %dma_start3A_537 = tpu.memref_slice %arg10[%dma_start3A_535, %dma_start3A_536] : memref<10240x16xf32, #tpu.memory_space<vmem_shared>> -> memref<10240x16xf32, #tpu.memory_space<vmem_shared>>
        tpu.enqueue_indirect_dma source(%dma_start3A_537 : memref<10240x16xf32, #tpu.memory_space<vmem_shared>>) target(%dma_start3A_531 : memref<125x16xf32, #tpu.memory_space<vmem>>) offsets(%dma_start3A_534 : memref<125xi32, #tpu.memory_space<vmem>>) semaphore(%arg12 : memref<!tpu.dma_semaphore, #tpu.memory_space<semaphore_mem>>)
        %add3A_538 = arith.constant 1 : i32
        %add3A_539 = arith.addi %scan3A_230, %add3A_538 : i32
        %mul3A_540 = arith.constant 8 : i32
        %mul3A_541 = arith.muli %add3A_539, %mul3A_540 : i32
        %add3A_542 = arith.constant 5 : i32
        %add3A_543 = arith.addi %mul3A_541, %add3A_542 : i32
        %dma_start3A_544 = arith.constant 5 : i32
        %dma_start3A_545 = arith.constant 0 : i32
        %dma_start3A_546 = arith.constant 0 : i32
        %dma_start3A_547 = tpu.memref_slice %arg9[%rem3A_236, %dma_start3A_544, %dma_start3A_545, %dma_start3A_546] : memref<3x8x125x16xf32, #tpu.memory_space<vmem>> -> memref<1x1x125x16xf32, #tpu.memory_space<vmem>>
        %dma_start3A_548 = tpu.memref_squeeze %dma_start3A_547 : memref<1x1x125x16xf32, #tpu.memory_space<vmem>> -> memref<125x16xf32, #tpu.memory_space<vmem>>
        %dma_start3A_549 = arith.constant 0 : i32
        %dma_start3A_550 = tpu.memref_slice %arg7[%add3A_543, %dma_start3A_549] : memref<80x125xi32, #tpu.memory_space<vmem>> -> memref<1x125xi32, #tpu.memory_space<vmem>>
        %dma_start3A_551 = tpu.memref_squeeze %dma_start3A_550 : memref<1x125xi32, #tpu.memory_space<vmem>> -> memref<125xi32, #tpu.memory_space<vmem>>
        %dma_start3A_552 = arith.constant 0 : i32
        %dma_start3A_553 = arith.constant 0 : i32
        %dma_start3A_554 = tpu.memref_slice %arg10[%dma_start3A_552, %dma_start3A_553] : memref<10240x16xf32, #tpu.memory_space<vmem_shared>> -> memref<10240x16xf32, #tpu.memory_space<vmem_shared>>
        tpu.enqueue_indirect_dma source(%dma_start3A_554 : memref<10240x16xf32, #tpu.memory_space<vmem_shared>>) target(%dma_start3A_548 : memref<125x16xf32, #tpu.memory_space<vmem>>) offsets(%dma_start3A_551 : memref<125xi32, #tpu.memory_space<vmem>>) semaphore(%arg12 : memref<!tpu.dma_semaphore, #tpu.memory_space<semaphore_mem>>)
        %add3A_555 = arith.constant 1 : i32
        %add3A_556 = arith.addi %scan3A_230, %add3A_555 : i32
        %mul3A_557 = arith.constant 8 : i32
        %mul3A_558 = arith.muli %add3A_556, %mul3A_557 : i32
        %add3A_559 = arith.constant 6 : i32
        %add3A_560 = arith.addi %mul3A_558, %add3A_559 : i32
        %dma_start3A_561 = arith.constant 6 : i32
        %dma_start3A_562 = arith.constant 0 : i32
        %dma_start3A_563 = arith.constant 0 : i32
        %dma_start3A_564 = tpu.memref_slice %arg9[%rem3A_236, %dma_start3A_561, %dma_start3A_562, %dma_start3A_563] : memref<3x8x125x16xf32, #tpu.memory_space<vmem>> -> memref<1x1x125x16xf32, #tpu.memory_space<vmem>>
        %dma_start3A_565 = tpu.memref_squeeze %dma_start3A_564 : memref<1x1x125x16xf32, #tpu.memory_space<vmem>> -> memref<125x16xf32, #tpu.memory_space<vmem>>
        %dma_start3A_566 = arith.constant 0 : i32
        %dma_start3A_567 = tpu.memref_slice %arg7[%add3A_560, %dma_start3A_566] : memref<80x125xi32, #tpu.memory_space<vmem>> -> memref<1x125xi32, #tpu.memory_space<vmem>>
        %dma_start3A_568 = tpu.memref_squeeze %dma_start3A_567 : memref<1x125xi32, #tpu.memory_space<vmem>> -> memref<125xi32, #tpu.memory_space<vmem>>
        %dma_start3A_569 = arith.constant 0 : i32
        %dma_start3A_570 = arith.constant 0 : i32
        %dma_start3A_571 = tpu.memref_slice %arg10[%dma_start3A_569, %dma_start3A_570] : memref<10240x16xf32, #tpu.memory_space<vmem_shared>> -> memref<10240x16xf32, #tpu.memory_space<vmem_shared>>
        tpu.enqueue_indirect_dma source(%dma_start3A_571 : memref<10240x16xf32, #tpu.memory_space<vmem_shared>>) target(%dma_start3A_565 : memref<125x16xf32, #tpu.memory_space<vmem>>) offsets(%dma_start3A_568 : memref<125xi32, #tpu.memory_space<vmem>>) semaphore(%arg12 : memref<!tpu.dma_semaphore, #tpu.memory_space<semaphore_mem>>)
        %add3A_572 = arith.constant 1 : i32
        %add3A_573 = arith.addi %scan3A_230, %add3A_572 : i32
        %mul3A_574 = arith.constant 8 : i32
        %mul3A_575 = arith.muli %add3A_573, %mul3A_574 : i32
        %add3A_576 = arith.constant 7 : i32
        %add3A_577 = arith.addi %mul3A_575, %add3A_576 : i32
        %dma_start3A_578 = arith.constant 7 : i32
        %dma_start3A_579 = arith.constant 0 : i32
        %dma_start3A_580 = arith.constant 0 : i32
        %dma_start3A_581 = tpu.memref_slice %arg9[%rem3A_236, %dma_start3A_578, %dma_start3A_579, %dma_start3A_580] : memref<3x8x125x16xf32, #tpu.memory_space<vmem>> -> memref<1x1x125x16xf32, #tpu.memory_space<vmem>>
        %dma_start3A_582 = tpu.memref_squeeze %dma_start3A_581 : memref<1x1x125x16xf32, #tpu.memory_space<vmem>> -> memref<125x16xf32, #tpu.memory_space<vmem>>
        %dma_start3A_583 = arith.constant 0 : i32
        %dma_start3A_584 = tpu.memref_slice %arg7[%add3A_577, %dma_start3A_583] : memref<80x125xi32, #tpu.memory_space<vmem>> -> memref<1x125xi32, #tpu.memory_space<vmem>>
        %dma_start3A_585 = tpu.memref_squeeze %dma_start3A_584 : memref<1x125xi32, #tpu.memory_space<vmem>> -> memref<125xi32, #tpu.memory_space<vmem>>
        %dma_start3A_586 = arith.constant 0 : i32
        %dma_start3A_587 = arith.constant 0 : i32
        %dma_start3A_588 = tpu.memref_slice %arg10[%dma_start3A_586, %dma_start3A_587] : memref<10240x16xf32, #tpu.memory_space<vmem_shared>> -> memref<10240x16xf32, #tpu.memory_space<vmem_shared>>
        tpu.enqueue_indirect_dma source(%dma_start3A_588 : memref<10240x16xf32, #tpu.memory_space<vmem_shared>>) target(%dma_start3A_582 : memref<125x16xf32, #tpu.memory_space<vmem>>) offsets(%dma_start3A_585 : memref<125xi32, #tpu.memory_space<vmem>>) semaphore(%arg12 : memref<!tpu.dma_semaphore, #tpu.memory_space<semaphore_mem>>)
      } else {
      }
      %mul3A_241 = arith.constant 8 : i32
      %mul3A_242 = arith.muli %scan3A_230, %mul3A_241 : i32
      %add3A_243 = arith.constant 0 : i32
      %add3A_244 = arith.addi %mul3A_242, %add3A_243 : i32
      %dma_wait3A_245 = arith.constant 0 : i32
      %dma_wait3A_246 = arith.constant 0 : i32
      %dma_wait3A_247 = arith.constant 0 : i32
      %dma_wait3A_248 = tpu.memref_slice %arg9[%rem3A_232, %dma_wait3A_245, %dma_wait3A_246, %dma_wait3A_247] : memref<3x8x125x16xf32, #tpu.memory_space<vmem>> -> memref<1x1x125x16xf32, #tpu.memory_space<vmem>>
      %dma_wait3A_249 = tpu.memref_squeeze %dma_wait3A_248 : memref<1x1x125x16xf32, #tpu.memory_space<vmem>> -> memref<125x16xf32, #tpu.memory_space<vmem>>
      %dma_wait3A_250 = arith.constant 0 : i32
      %dma_wait3A_251 = tpu.memref_slice %arg7[%add3A_244, %dma_wait3A_250] : memref<80x125xi32, #tpu.memory_space<vmem>> -> memref<1x125xi32, #tpu.memory_space<vmem>>
      %dma_wait3A_252 = tpu.memref_squeeze %dma_wait3A_251 : memref<1x125xi32, #tpu.memory_space<vmem>> -> memref<125xi32, #tpu.memory_space<vmem>>
      %dma_wait3A_253 = arith.constant 0 : i32
      %dma_wait3A_254 = arith.constant 0 : i32
      %dma_wait3A_255 = tpu.memref_slice %arg10[%dma_wait3A_253, %dma_wait3A_254] : memref<10240x16xf32, #tpu.memory_space<vmem_shared>> -> memref<10240x16xf32, #tpu.memory_space<vmem_shared>>
      tpu.wait_indirect_dma semaphore(%arg12 : memref<!tpu.dma_semaphore, #tpu.memory_space<semaphore_mem>>) src(%dma_wait3A_255 : memref<10240x16xf32, #tpu.memory_space<vmem_shared>>) dst(%dma_wait3A_249 : memref<125x16xf32, #tpu.memory_space<vmem>>)
      %dma_start3A_256 = arith.constant 0 : i32
      %dma_start3A_257 = arith.constant 0 : i32
      %dma_start3A_258 = arith.constant 0 : i32
      %dma_start3A_259 = tpu.memref_slice %arg9[%rem3A_232, %dma_start3A_256, %dma_start3A_257, %dma_start3A_258] : memref<3x8x125x16xf32, #tpu.memory_space<vmem>> -> memref<1x1x125x16xf32, #tpu.memory_space<vmem>>
      %dma_start3A_260 = tpu.memref_squeeze %dma_start3A_259 : memref<1x1x125x16xf32, #tpu.memory_space<vmem>> -> memref<125x16xf32, #tpu.memory_space<vmem>>
      %dma_start3A_261 = arith.constant 0 : i32
      %dma_start3A_262 = tpu.memref_slice %arg8[%add3A_244, %dma_start3A_261] : memref<80x125xi32, #tpu.memory_space<vmem>> -> memref<1x125xi32, #tpu.memory_space<vmem>>
      %dma_start3A_263 = tpu.memref_squeeze %dma_start3A_262 : memref<1x125xi32, #tpu.memory_space<vmem>> -> memref<125xi32, #tpu.memory_space<vmem>>
      %dma_start3A_264 = arith.constant 0 : i32
      %dma_start3A_265 = arith.constant 0 : i32
      %dma_start3A_266 = tpu.memref_slice %arg11[%dma_start3A_264, %dma_start3A_265] : memref<10240x16xf32, #tpu.memory_space<vmem_shared>> -> memref<10240x16xf32, #tpu.memory_space<vmem_shared>>
      tpu.enqueue_indirect_dma source(%dma_start3A_260 : memref<125x16xf32, #tpu.memory_space<vmem>>) target(%dma_start3A_266 : memref<10240x16xf32, #tpu.memory_space<vmem_shared>>) offsets(%dma_start3A_263 : memref<125xi32, #tpu.memory_space<vmem>>) semaphore(%arg13 : memref<!tpu.dma_semaphore, #tpu.memory_space<semaphore_mem>>) {add = true}
      %mul3A_267 = arith.constant 8 : i32
      %mul3A_268 = arith.muli %scan3A_230, %mul3A_267 : i32
      %add3A_269 = arith.constant 1 : i32
      %add3A_270 = arith.addi %mul3A_268, %add3A_269 : i32
      %dma_wait3A_271 = arith.constant 1 : i32
      %dma_wait3A_272 = arith.constant 0 : i32
      %dma_wait3A_273 = arith.constant 0 : i32
      %dma_wait3A_274 = tpu.memref_slice %arg9[%rem3A_232, %dma_wait3A_271, %dma_wait3A_272, %dma_wait3A_273] : memref<3x8x125x16xf32, #tpu.memory_space<vmem>> -> memref<1x1x125x16xf32, #tpu.memory_space<vmem>>
      %dma_wait3A_275 = tpu.memref_squeeze %dma_wait3A_274 : memref<1x1x125x16xf32, #tpu.memory_space<vmem>> -> memref<125x16xf32, #tpu.memory_space<vmem>>
      %dma_wait3A_276 = arith.constant 0 : i32
      %dma_wait3A_277 = tpu.memref_slice %arg7[%add3A_270, %dma_wait3A_276] : memref<80x125xi32, #tpu.memory_space<vmem>> -> memref<1x125xi32, #tpu.memory_space<vmem>>
      %dma_wait3A_278 = tpu.memref_squeeze %dma_wait3A_277 : memref<1x125xi32, #tpu.memory_space<vmem>> -> memref<125xi32, #tpu.memory_space<vmem>>
      %dma_wait3A_279 = arith.constant 0 : i32
      %dma_wait3A_280 = arith.constant 0 : i32
      %dma_wait3A_281 = tpu.memref_slice %arg10[%dma_wait3A_279, %dma_wait3A_280] : memref<10240x16xf32, #tpu.memory_space<vmem_shared>> -> memref<10240x16xf32, #tpu.memory_space<vmem_shared>>
      tpu.wait_indirect_dma semaphore(%arg12 : memref<!tpu.dma_semaphore, #tpu.memory_space<semaphore_mem>>) src(%dma_wait3A_281 : memref<10240x16xf32, #tpu.memory_space<vmem_shared>>) dst(%dma_wait3A_275 : memref<125x16xf32, #tpu.memory_space<vmem>>)
      %dma_start3A_282 = arith.constant 1 : i32
      %dma_start3A_283 = arith.constant 0 : i32
      %dma_start3A_284 = arith.constant 0 : i32
      %dma_start3A_285 = tpu.memref_slice %arg9[%rem3A_232, %dma_start3A_282, %dma_start3A_283, %dma_start3A_284] : memref<3x8x125x16xf32, #tpu.memory_space<vmem>> -> memref<1x1x125x16xf32, #tpu.memory_space<vmem>>
      %dma_start3A_286 = tpu.memref_squeeze %dma_start3A_285 : memref<1x1x125x16xf32, #tpu.memory_space<vmem>> -> memref<125x16xf32, #tpu.memory_space<vmem>>
      %dma_start3A_287 = arith.constant 0 : i32
      %dma_start3A_288 = tpu.memref_slice %arg8[%add3A_270, %dma_start3A_287] : memref<80x125xi32, #tpu.memory_space<vmem>> -> memref<1x125xi32, #tpu.memory_space<vmem>>
      %dma_start3A_289 = tpu.memref_squeeze %dma_start3A_288 : memref<1x125xi32, #tpu.memory_space<vmem>> -> memref<125xi32, #tpu.memory_space<vmem>>
      %dma_start3A_290 = arith.constant 0 : i32
      %dma_start3A_291 = arith.constant 0 : i32
      %dma_start3A_292 = tpu.memref_slice %arg11[%dma_start3A_290, %dma_start3A_291] : memref<10240x16xf32, #tpu.memory_space<vmem_shared>> -> memref<10240x16xf32, #tpu.memory_space<vmem_shared>>
      tpu.enqueue_indirect_dma source(%dma_start3A_286 : memref<125x16xf32, #tpu.memory_space<vmem>>) target(%dma_start3A_292 : memref<10240x16xf32, #tpu.memory_space<vmem_shared>>) offsets(%dma_start3A_289 : memref<125xi32, #tpu.memory_space<vmem>>) semaphore(%arg13 : memref<!tpu.dma_semaphore, #tpu.memory_space<semaphore_mem>>) {add = true}
      %mul3A_293 = arith.constant 8 : i32
      %mul3A_294 = arith.muli %scan3A_230, %mul3A_293 : i32
      %add3A_295 = arith.constant 2 : i32
      %add3A_296 = arith.addi %mul3A_294, %add3A_295 : i32
      %dma_wait3A_297 = arith.constant 2 : i32
      %dma_wait3A_298 = arith.constant 0 : i32
      %dma_wait3A_299 = arith.constant 0 : i32
      %dma_wait3A_300 = tpu.memref_slice %arg9[%rem3A_232, %dma_wait3A_297, %dma_wait3A_298, %dma_wait3A_299] : memref<3x8x125x16xf32, #tpu.memory_space<vmem>> -> memref<1x1x125x16xf32, #tpu.memory_space<vmem>>
      %dma_wait3A_301 = tpu.memref_squeeze %dma_wait3A_300 : memref<1x1x125x16xf32, #tpu.memory_space<vmem>> -> memref<125x16xf32, #tpu.memory_space<vmem>>
      %dma_wait3A_302 = arith.constant 0 : i32
      %dma_wait3A_303 = tpu.memref_slice %arg7[%add3A_296, %dma_wait3A_302] : memref<80x125xi32, #tpu.memory_space<vmem>> -> memref<1x125xi32, #tpu.memory_space<vmem>>
      %dma_wait3A_304 = tpu.memref_squeeze %dma_wait3A_303 : memref<1x125xi32, #tpu.memory_space<vmem>> -> memref<125xi32, #tpu.memory_space<vmem>>
      %dma_wait3A_305 = arith.constant 0 : i32
      %dma_wait3A_306 = arith.constant 0 : i32
      %dma_wait3A_307 = tpu.memref_slice %arg10[%dma_wait3A_305, %dma_wait3A_306] : memref<10240x16xf32, #tpu.memory_space<vmem_shared>> -> memref<10240x16xf32, #tpu.memory_space<vmem_shared>>
      tpu.wait_indirect_dma semaphore(%arg12 : memref<!tpu.dma_semaphore, #tpu.memory_space<semaphore_mem>>) src(%dma_wait3A_307 : memref<10240x16xf32, #tpu.memory_space<vmem_shared>>) dst(%dma_wait3A_301 : memref<125x16xf32, #tpu.memory_space<vmem>>)
      %dma_start3A_308 = arith.constant 2 : i32
      %dma_start3A_309 = arith.constant 0 : i32
      %dma_start3A_310 = arith.constant 0 : i32
      %dma_start3A_311 = tpu.memref_slice %arg9[%rem3A_232, %dma_start3A_308, %dma_start3A_309, %dma_start3A_310] : memref<3x8x125x16xf32, #tpu.memory_space<vmem>> -> memref<1x1x125x16xf32, #tpu.memory_space<vmem>>
      %dma_start3A_312 = tpu.memref_squeeze %dma_start3A_311 : memref<1x1x125x16xf32, #tpu.memory_space<vmem>> -> memref<125x16xf32, #tpu.memory_space<vmem>>
      %dma_start3A_313 = arith.constant 0 : i32
      %dma_start3A_314 = tpu.memref_slice %arg8[%add3A_296, %dma_start3A_313] : memref<80x125xi32, #tpu.memory_space<vmem>> -> memref<1x125xi32, #tpu.memory_space<vmem>>
      %dma_start3A_315 = tpu.memref_squeeze %dma_start3A_314 : memref<1x125xi32, #tpu.memory_space<vmem>> -> memref<125xi32, #tpu.memory_space<vmem>>
      %dma_start3A_316 = arith.constant 0 : i32
      %dma_start3A_317 = arith.constant 0 : i32
      %dma_start3A_318 = tpu.memref_slice %arg11[%dma_start3A_316, %dma_start3A_317] : memref<10240x16xf32, #tpu.memory_space<vmem_shared>> -> memref<10240x16xf32, #tpu.memory_space<vmem_shared>>
      tpu.enqueue_indirect_dma source(%dma_start3A_312 : memref<125x16xf32, #tpu.memory_space<vmem>>) target(%dma_start3A_318 : memref<10240x16xf32, #tpu.memory_space<vmem_shared>>) offsets(%dma_start3A_315 : memref<125xi32, #tpu.memory_space<vmem>>) semaphore(%arg13 : memref<!tpu.dma_semaphore, #tpu.memory_space<semaphore_mem>>) {add = true}
      %mul3A_319 = arith.constant 8 : i32
      %mul3A_320 = arith.muli %scan3A_230, %mul3A_319 : i32
      %add3A_321 = arith.constant 3 : i32
      %add3A_322 = arith.addi %mul3A_320, %add3A_321 : i32
      %dma_wait3A_323 = arith.constant 3 : i32
      %dma_wait3A_324 = arith.constant 0 : i32
      %dma_wait3A_325 = arith.constant 0 : i32
      %dma_wait3A_326 = tpu.memref_slice %arg9[%rem3A_232, %dma_wait3A_323, %dma_wait3A_324, %dma_wait3A_325] : memref<3x8x125x16xf32, #tpu.memory_space<vmem>> -> memref<1x1x125x16xf32, #tpu.memory_space<vmem>>
      %dma_wait3A_327 = tpu.memref_squeeze %dma_wait3A_326 : memref<1x1x125x16xf32, #tpu.memory_space<vmem>> -> memref<125x16xf32, #tpu.memory_space<vmem>>
      %dma_wait3A_328 = arith.constant 0 : i32
      %dma_wait3A_329 = tpu.memref_slice %arg7[%add3A_322, %dma_wait3A_328] : memref<80x125xi32, #tpu.memory_space<vmem>> -> memref<1x125xi32, #tpu.memory_space<vmem>>
      %dma_wait3A_330 = tpu.memref_squeeze %dma_wait3A_329 : memref<1x125xi32, #tpu.memory_space<vmem>> -> memref<125xi32, #tpu.memory_space<vmem>>
      %dma_wait3A_331 = arith.constant 0 : i32
      %dma_wait3A_332 = arith.constant 0 : i32
      %dma_wait3A_333 = tpu.memref_slice %arg10[%dma_wait3A_331, %dma_wait3A_332] : memref<10240x16xf32, #tpu.memory_space<vmem_shared>> -> memref<10240x16xf32, #tpu.memory_space<vmem_shared>>
      tpu.wait_indirect_dma semaphore(%arg12 : memref<!tpu.dma_semaphore, #tpu.memory_space<semaphore_mem>>) src(%dma_wait3A_333 : memref<10240x16xf32, #tpu.memory_space<vmem_shared>>) dst(%dma_wait3A_327 : memref<125x16xf32, #tpu.memory_space<vmem>>)
      %dma_start3A_334 = arith.constant 3 : i32
      %dma_start3A_335 = arith.constant 0 : i32
      %dma_start3A_336 = arith.constant 0 : i32
      %dma_start3A_337 = tpu.memref_slice %arg9[%rem3A_232, %dma_start3A_334, %dma_start3A_335, %dma_start3A_336] : memref<3x8x125x16xf32, #tpu.memory_space<vmem>> -> memref<1x1x125x16xf32, #tpu.memory_space<vmem>>
      %dma_start3A_338 = tpu.memref_squeeze %dma_start3A_337 : memref<1x1x125x16xf32, #tpu.memory_space<vmem>> -> memref<125x16xf32, #tpu.memory_space<vmem>>
      %dma_start3A_339 = arith.constant 0 : i32
      %dma_start3A_340 = tpu.memref_slice %arg8[%add3A_322, %dma_start3A_339] : memref<80x125xi32, #tpu.memory_space<vmem>> -> memref<1x125xi32, #tpu.memory_space<vmem>>
      %dma_start3A_341 = tpu.memref_squeeze %dma_start3A_340 : memref<1x125xi32, #tpu.memory_space<vmem>> -> memref<125xi32, #tpu.memory_space<vmem>>
      %dma_start3A_342 = arith.constant 0 : i32
      %dma_start3A_343 = arith.constant 0 : i32
      %dma_start3A_344 = tpu.memref_slice %arg11[%dma_start3A_342, %dma_start3A_343] : memref<10240x16xf32, #tpu.memory_space<vmem_shared>> -> memref<10240x16xf32, #tpu.memory_space<vmem_shared>>
      tpu.enqueue_indirect_dma source(%dma_start3A_338 : memref<125x16xf32, #tpu.memory_space<vmem>>) target(%dma_start3A_344 : memref<10240x16xf32, #tpu.memory_space<vmem_shared>>) offsets(%dma_start3A_341 : memref<125xi32, #tpu.memory_space<vmem>>) semaphore(%arg13 : memref<!tpu.dma_semaphore, #tpu.memory_space<semaphore_mem>>) {add = true}
      %mul3A_345 = arith.constant 8 : i32
      %mul3A_346 = arith.muli %scan3A_230, %mul3A_345 : i32
      %add3A_347 = arith.constant 4 : i32
      %add3A_348 = arith.addi %mul3A_346, %add3A_347 : i32
      %dma_wait3A_349 = arith.constant 4 : i32
      %dma_wait3A_350 = arith.constant 0 : i32
      %dma_wait3A_351 = arith.constant 0 : i32
      %dma_wait3A_352 = tpu.memref_slice %arg9[%rem3A_232, %dma_wait3A_349, %dma_wait3A_350, %dma_wait3A_351] : memref<3x8x125x16xf32, #tpu.memory_space<vmem>> -> memref<1x1x125x16xf32, #tpu.memory_space<vmem>>
      %dma_wait3A_353 = tpu.memref_squeeze %dma_wait3A_352 : memref<1x1x125x16xf32, #tpu.memory_space<vmem>> -> memref<125x16xf32, #tpu.memory_space<vmem>>
      %dma_wait3A_354 = arith.constant 0 : i32
      %dma_wait3A_355 = tpu.memref_slice %arg7[%add3A_348, %dma_wait3A_354] : memref<80x125xi32, #tpu.memory_space<vmem>> -> memref<1x125xi32, #tpu.memory_space<vmem>>
      %dma_wait3A_356 = tpu.memref_squeeze %dma_wait3A_355 : memref<1x125xi32, #tpu.memory_space<vmem>> -> memref<125xi32, #tpu.memory_space<vmem>>
      %dma_wait3A_357 = arith.constant 0 : i32
      %dma_wait3A_358 = arith.constant 0 : i32
      %dma_wait3A_359 = tpu.memref_slice %arg10[%dma_wait3A_357, %dma_wait3A_358] : memref<10240x16xf32, #tpu.memory_space<vmem_shared>> -> memref<10240x16xf32, #tpu.memory_space<vmem_shared>>
      tpu.wait_indirect_dma semaphore(%arg12 : memref<!tpu.dma_semaphore, #tpu.memory_space<semaphore_mem>>) src(%dma_wait3A_359 : memref<10240x16xf32, #tpu.memory_space<vmem_shared>>) dst(%dma_wait3A_353 : memref<125x16xf32, #tpu.memory_space<vmem>>)
      %dma_start3A_360 = arith.constant 4 : i32
      %dma_start3A_361 = arith.constant 0 : i32
      %dma_start3A_362 = arith.constant 0 : i32
      %dma_start3A_363 = tpu.memref_slice %arg9[%rem3A_232, %dma_start3A_360, %dma_start3A_361, %dma_start3A_362] : memref<3x8x125x16xf32, #tpu.memory_space<vmem>> -> memref<1x1x125x16xf32, #tpu.memory_space<vmem>>
      %dma_start3A_364 = tpu.memref_squeeze %dma_start3A_363 : memref<1x1x125x16xf32, #tpu.memory_space<vmem>> -> memref<125x16xf32, #tpu.memory_space<vmem>>
      %dma_start3A_365 = arith.constant 0 : i32
      %dma_start3A_366 = tpu.memref_slice %arg8[%add3A_348, %dma_start3A_365] : memref<80x125xi32, #tpu.memory_space<vmem>> -> memref<1x125xi32, #tpu.memory_space<vmem>>
      %dma_start3A_367 = tpu.memref_squeeze %dma_start3A_366 : memref<1x125xi32, #tpu.memory_space<vmem>> -> memref<125xi32, #tpu.memory_space<vmem>>
      %dma_start3A_368 = arith.constant 0 : i32
      %dma_start3A_369 = arith.constant 0 : i32
      %dma_start3A_370 = tpu.memref_slice %arg11[%dma_start3A_368, %dma_start3A_369] : memref<10240x16xf32, #tpu.memory_space<vmem_shared>> -> memref<10240x16xf32, #tpu.memory_space<vmem_shared>>
      tpu.enqueue_indirect_dma source(%dma_start3A_364 : memref<125x16xf32, #tpu.memory_space<vmem>>) target(%dma_start3A_370 : memref<10240x16xf32, #tpu.memory_space<vmem_shared>>) offsets(%dma_start3A_367 : memref<125xi32, #tpu.memory_space<vmem>>) semaphore(%arg13 : memref<!tpu.dma_semaphore, #tpu.memory_space<semaphore_mem>>) {add = true}
      %mul3A_371 = arith.constant 8 : i32
      %mul3A_372 = arith.muli %scan3A_230, %mul3A_371 : i32
      %add3A_373 = arith.constant 5 : i32
      %add3A_374 = arith.addi %mul3A_372, %add3A_373 : i32
      %dma_wait3A_375 = arith.constant 5 : i32
      %dma_wait3A_376 = arith.constant 0 : i32
      %dma_wait3A_377 = arith.constant 0 : i32
      %dma_wait3A_378 = tpu.memref_slice %arg9[%rem3A_232, %dma_wait3A_375, %dma_wait3A_376, %dma_wait3A_377] : memref<3x8x125x16xf32, #tpu.memory_space<vmem>> -> memref<1x1x125x16xf32, #tpu.memory_space<vmem>>
      %dma_wait3A_379 = tpu.memref_squeeze %dma_wait3A_378 : memref<1x1x125x16xf32, #tpu.memory_space<vmem>> -> memref<125x16xf32, #tpu.memory_space<vmem>>
      %dma_wait3A_380 = arith.constant 0 : i32
      %dma_wait3A_381 = tpu.memref_slice %arg7[%add3A_374, %dma_wait3A_380] : memref<80x125xi32, #tpu.memory_space<vmem>> -> memref<1x125xi32, #tpu.memory_space<vmem>>
      %dma_wait3A_382 = tpu.memref_squeeze %dma_wait3A_381 : memref<1x125xi32, #tpu.memory_space<vmem>> -> memref<125xi32, #tpu.memory_space<vmem>>
      %dma_wait3A_383 = arith.constant 0 : i32
      %dma_wait3A_384 = arith.constant 0 : i32
      %dma_wait3A_385 = tpu.memref_slice %arg10[%dma_wait3A_383, %dma_wait3A_384] : memref<10240x16xf32, #tpu.memory_space<vmem_shared>> -> memref<10240x16xf32, #tpu.memory_space<vmem_shared>>
      tpu.wait_indirect_dma semaphore(%arg12 : memref<!tpu.dma_semaphore, #tpu.memory_space<semaphore_mem>>) src(%dma_wait3A_385 : memref<10240x16xf32, #tpu.memory_space<vmem_shared>>) dst(%dma_wait3A_379 : memref<125x16xf32, #tpu.memory_space<vmem>>)
      %dma_start3A_386 = arith.constant 5 : i32
      %dma_start3A_387 = arith.constant 0 : i32
      %dma_start3A_388 = arith.constant 0 : i32
      %dma_start3A_389 = tpu.memref_slice %arg9[%rem3A_232, %dma_start3A_386, %dma_start3A_387, %dma_start3A_388] : memref<3x8x125x16xf32, #tpu.memory_space<vmem>> -> memref<1x1x125x16xf32, #tpu.memory_space<vmem>>
      %dma_start3A_390 = tpu.memref_squeeze %dma_start3A_389 : memref<1x1x125x16xf32, #tpu.memory_space<vmem>> -> memref<125x16xf32, #tpu.memory_space<vmem>>
      %dma_start3A_391 = arith.constant 0 : i32
      %dma_start3A_392 = tpu.memref_slice %arg8[%add3A_374, %dma_start3A_391] : memref<80x125xi32, #tpu.memory_space<vmem>> -> memref<1x125xi32, #tpu.memory_space<vmem>>
      %dma_start3A_393 = tpu.memref_squeeze %dma_start3A_392 : memref<1x125xi32, #tpu.memory_space<vmem>> -> memref<125xi32, #tpu.memory_space<vmem>>
      %dma_start3A_394 = arith.constant 0 : i32
      %dma_start3A_395 = arith.constant 0 : i32
      %dma_start3A_396 = tpu.memref_slice %arg11[%dma_start3A_394, %dma_start3A_395] : memref<10240x16xf32, #tpu.memory_space<vmem_shared>> -> memref<10240x16xf32, #tpu.memory_space<vmem_shared>>
      tpu.enqueue_indirect_dma source(%dma_start3A_390 : memref<125x16xf32, #tpu.memory_space<vmem>>) target(%dma_start3A_396 : memref<10240x16xf32, #tpu.memory_space<vmem_shared>>) offsets(%dma_start3A_393 : memref<125xi32, #tpu.memory_space<vmem>>) semaphore(%arg13 : memref<!tpu.dma_semaphore, #tpu.memory_space<semaphore_mem>>) {add = true}
      %mul3A_397 = arith.constant 8 : i32
      %mul3A_398 = arith.muli %scan3A_230, %mul3A_397 : i32
      %add3A_399 = arith.constant 6 : i32
      %add3A_400 = arith.addi %mul3A_398, %add3A_399 : i32
      %dma_wait3A_401 = arith.constant 6 : i32
      %dma_wait3A_402 = arith.constant 0 : i32
      %dma_wait3A_403 = arith.constant 0 : i32
      %dma_wait3A_404 = tpu.memref_slice %arg9[%rem3A_232, %dma_wait3A_401, %dma_wait3A_402, %dma_wait3A_403] : memref<3x8x125x16xf32, #tpu.memory_space<vmem>> -> memref<1x1x125x16xf32, #tpu.memory_space<vmem>>
      %dma_wait3A_405 = tpu.memref_squeeze %dma_wait3A_404 : memref<1x1x125x16xf32, #tpu.memory_space<vmem>> -> memref<125x16xf32, #tpu.memory_space<vmem>>
      %dma_wait3A_406 = arith.constant 0 : i32
      %dma_wait3A_407 = tpu.memref_slice %arg7[%add3A_400, %dma_wait3A_406] : memref<80x125xi32, #tpu.memory_space<vmem>> -> memref<1x125xi32, #tpu.memory_space<vmem>>
      %dma_wait3A_408 = tpu.memref_squeeze %dma_wait3A_407 : memref<1x125xi32, #tpu.memory_space<vmem>> -> memref<125xi32, #tpu.memory_space<vmem>>
      %dma_wait3A_409 = arith.constant 0 : i32
      %dma_wait3A_410 = arith.constant 0 : i32
      %dma_wait3A_411 = tpu.memref_slice %arg10[%dma_wait3A_409, %dma_wait3A_410] : memref<10240x16xf32, #tpu.memory_space<vmem_shared>> -> memref<10240x16xf32, #tpu.memory_space<vmem_shared>>
      tpu.wait_indirect_dma semaphore(%arg12 : memref<!tpu.dma_semaphore, #tpu.memory_space<semaphore_mem>>) src(%dma_wait3A_411 : memref<10240x16xf32, #tpu.memory_space<vmem_shared>>) dst(%dma_wait3A_405 : memref<125x16xf32, #tpu.memory_space<vmem>>)
      %dma_start3A_412 = arith.constant 6 : i32
      %dma_start3A_413 = arith.constant 0 : i32
      %dma_start3A_414 = arith.constant 0 : i32
      %dma_start3A_415 = tpu.memref_slice %arg9[%rem3A_232, %dma_start3A_412, %dma_start3A_413, %dma_start3A_414] : memref<3x8x125x16xf32, #tpu.memory_space<vmem>> -> memref<1x1x125x16xf32, #tpu.memory_space<vmem>>
      %dma_start3A_416 = tpu.memref_squeeze %dma_start3A_415 : memref<1x1x125x16xf32, #tpu.memory_space<vmem>> -> memref<125x16xf32, #tpu.memory_space<vmem>>
      %dma_start3A_417 = arith.constant 0 : i32
      %dma_start3A_418 = tpu.memref_slice %arg8[%add3A_400, %dma_start3A_417] : memref<80x125xi32, #tpu.memory_space<vmem>> -> memref<1x125xi32, #tpu.memory_space<vmem>>
      %dma_start3A_419 = tpu.memref_squeeze %dma_start3A_418 : memref<1x125xi32, #tpu.memory_space<vmem>> -> memref<125xi32, #tpu.memory_space<vmem>>
      %dma_start3A_420 = arith.constant 0 : i32
      %dma_start3A_421 = arith.constant 0 : i32
      %dma_start3A_422 = tpu.memref_slice %arg11[%dma_start3A_420, %dma_start3A_421] : memref<10240x16xf32, #tpu.memory_space<vmem_shared>> -> memref<10240x16xf32, #tpu.memory_space<vmem_shared>>
      tpu.enqueue_indirect_dma source(%dma_start3A_416 : memref<125x16xf32, #tpu.memory_space<vmem>>) target(%dma_start3A_422 : memref<10240x16xf32, #tpu.memory_space<vmem_shared>>) offsets(%dma_start3A_419 : memref<125xi32, #tpu.memory_space<vmem>>) semaphore(%arg13 : memref<!tpu.dma_semaphore, #tpu.memory_space<semaphore_mem>>) {add = true}
      %mul3A_423 = arith.constant 8 : i32
      %mul3A_424 = arith.muli %scan3A_230, %mul3A_423 : i32
      %add3A_425 = arith.constant 7 : i32
      %add3A_426 = arith.addi %mul3A_424, %add3A_425 : i32
      %dma_wait3A_427 = arith.constant 7 : i32
      %dma_wait3A_428 = arith.constant 0 : i32
      %dma_wait3A_429 = arith.constant 0 : i32
      %dma_wait3A_430 = tpu.memref_slice %arg9[%rem3A_232, %dma_wait3A_427, %dma_wait3A_428, %dma_wait3A_429] : memref<3x8x125x16xf32, #tpu.memory_space<vmem>> -> memref<1x1x125x16xf32, #tpu.memory_space<vmem>>
      %dma_wait3A_431 = tpu.memref_squeeze %dma_wait3A_430 : memref<1x1x125x16xf32, #tpu.memory_space<vmem>> -> memref<125x16xf32, #tpu.memory_space<vmem>>
      %dma_wait3A_432 = arith.constant 0 : i32
      %dma_wait3A_433 = tpu.memref_slice %arg7[%add3A_426, %dma_wait3A_432] : memref<80x125xi32, #tpu.memory_space<vmem>> -> memref<1x125xi32, #tpu.memory_space<vmem>>
      %dma_wait3A_434 = tpu.memref_squeeze %dma_wait3A_433 : memref<1x125xi32, #tpu.memory_space<vmem>> -> memref<125xi32, #tpu.memory_space<vmem>>
      %dma_wait3A_435 = arith.constant 0 : i32
      %dma_wait3A_436 = arith.constant 0 : i32
      %dma_wait3A_437 = tpu.memref_slice %arg10[%dma_wait3A_435, %dma_wait3A_436] : memref<10240x16xf32, #tpu.memory_space<vmem_shared>> -> memref<10240x16xf32, #tpu.memory_space<vmem_shared>>
      tpu.wait_indirect_dma semaphore(%arg12 : memref<!tpu.dma_semaphore, #tpu.memory_space<semaphore_mem>>) src(%dma_wait3A_437 : memref<10240x16xf32, #tpu.memory_space<vmem_shared>>) dst(%dma_wait3A_431 : memref<125x16xf32, #tpu.memory_space<vmem>>)
      %dma_start3A_438 = arith.constant 7 : i32
      %dma_start3A_439 = arith.constant 0 : i32
      %dma_start3A_440 = arith.constant 0 : i32
      %dma_start3A_441 = tpu.memref_slice %arg9[%rem3A_232, %dma_start3A_438, %dma_start3A_439, %dma_start3A_440] : memref<3x8x125x16xf32, #tpu.memory_space<vmem>> -> memref<1x1x125x16xf32, #tpu.memory_space<vmem>>
      %dma_start3A_442 = tpu.memref_squeeze %dma_start3A_441 : memref<1x1x125x16xf32, #tpu.memory_space<vmem>> -> memref<125x16xf32, #tpu.memory_space<vmem>>
      %dma_start3A_443 = arith.constant 0 : i32
      %dma_start3A_444 = tpu.memref_slice %arg8[%add3A_426, %dma_start3A_443] : memref<80x125xi32, #tpu.memory_space<vmem>> -> memref<1x125xi32, #tpu.memory_space<vmem>>
      %dma_start3A_445 = tpu.memref_squeeze %dma_start3A_444 : memref<1x125xi32, #tpu.memory_space<vmem>> -> memref<125xi32, #tpu.memory_space<vmem>>
      %dma_start3A_446 = arith.constant 0 : i32
      %dma_start3A_447 = arith.constant 0 : i32
      %dma_start3A_448 = tpu.memref_slice %arg11[%dma_start3A_446, %dma_start3A_447] : memref<10240x16xf32, #tpu.memory_space<vmem_shared>> -> memref<10240x16xf32, #tpu.memory_space<vmem_shared>>
      tpu.enqueue_indirect_dma source(%dma_start3A_442 : memref<125x16xf32, #tpu.memory_space<vmem>>) target(%dma_start3A_448 : memref<10240x16xf32, #tpu.memory_space<vmem_shared>>) offsets(%dma_start3A_445 : memref<125xi32, #tpu.memory_space<vmem>>) semaphore(%arg13 : memref<!tpu.dma_semaphore, #tpu.memory_space<semaphore_mem>>) {add = true}
      %gt3A = arith.constant 0 : i32
      %gt3A_449 = arith.cmpi sgt, %scan3A_230, %gt3A : i32
      %convert_element_type3A_450 = arith.extui %gt3A_449 : i1 to i32
      %cond3A_451 = arith.constant 0 : i32
      %cond3A_452 = arith.cmpi ne, %convert_element_type3A_450, %cond3A_451 : i32
      scf.if %cond3A_452 {
        %sub3A = arith.constant 1 : i32
        %sub3A_453 = arith.subi %scan3A_230, %sub3A : i32
        %rem3A_454 = arith.constant 3 : i32
        %rem3A_455 = arith.remsi %sub3A_453, %rem3A_454 : i32
        %sub3A_456 = arith.constant 1 : i32
        %sub3A_457 = arith.subi %scan3A_230, %sub3A_456 : i32
        %mul3A_458 = arith.constant 8 : i32
        %mul3A_459 = arith.muli %sub3A_457, %mul3A_458 : i32
        %add3A_460 = arith.constant 0 : i32
        %add3A_461 = arith.addi %mul3A_459, %add3A_460 : i32
        %dma_wait3A_462 = arith.constant 0 : i32
        %dma_wait3A_463 = arith.constant 0 : i32
        %dma_wait3A_464 = arith.constant 0 : i32
        %dma_wait3A_465 = tpu.memref_slice %arg9[%rem3A_455, %dma_wait3A_462, %dma_wait3A_463, %dma_wait3A_464] : memref<3x8x125x16xf32, #tpu.memory_space<vmem>> -> memref<1x1x125x16xf32, #tpu.memory_space<vmem>>
        %dma_wait3A_466 = tpu.memref_squeeze %dma_wait3A_465 : memref<1x1x125x16xf32, #tpu.memory_space<vmem>> -> memref<125x16xf32, #tpu.memory_space<vmem>>
        %dma_wait3A_467 = arith.constant 0 : i32
        %dma_wait3A_468 = tpu.memref_slice %arg8[%add3A_461, %dma_wait3A_467] : memref<80x125xi32, #tpu.memory_space<vmem>> -> memref<1x125xi32, #tpu.memory_space<vmem>>
        %dma_wait3A_469 = tpu.memref_squeeze %dma_wait3A_468 : memref<1x125xi32, #tpu.memory_space<vmem>> -> memref<125xi32, #tpu.memory_space<vmem>>
        %dma_wait3A_470 = arith.constant 0 : i32
        %dma_wait3A_471 = arith.constant 0 : i32
        %dma_wait3A_472 = tpu.memref_slice %arg11[%dma_wait3A_470, %dma_wait3A_471] : memref<10240x16xf32, #tpu.memory_space<vmem_shared>> -> memref<10240x16xf32, #tpu.memory_space<vmem_shared>>
        tpu.wait_indirect_dma semaphore(%arg13 : memref<!tpu.dma_semaphore, #tpu.memory_space<semaphore_mem>>) src(%dma_wait3A_466 : memref<125x16xf32, #tpu.memory_space<vmem>>) dst(%dma_wait3A_472 : memref<10240x16xf32, #tpu.memory_space<vmem_shared>>)
        %sub3A_473 = arith.constant 1 : i32
        %sub3A_474 = arith.subi %scan3A_230, %sub3A_473 : i32
        %mul3A_475 = arith.constant 8 : i32
        %mul3A_476 = arith.muli %sub3A_474, %mul3A_475 : i32
        %add3A_477 = arith.constant 1 : i32
        %add3A_478 = arith.addi %mul3A_476, %add3A_477 : i32
        %dma_wait3A_479 = arith.constant 1 : i32
        %dma_wait3A_480 = arith.constant 0 : i32
        %dma_wait3A_481 = arith.constant 0 : i32
        %dma_wait3A_482 = tpu.memref_slice %arg9[%rem3A_455, %dma_wait3A_479, %dma_wait3A_480, %dma_wait3A_481] : memref<3x8x125x16xf32, #tpu.memory_space<vmem>> -> memref<1x1x125x16xf32, #tpu.memory_space<vmem>>
        %dma_wait3A_483 = tpu.memref_squeeze %dma_wait3A_482 : memref<1x1x125x16xf32, #tpu.memory_space<vmem>> -> memref<125x16xf32, #tpu.memory_space<vmem>>
        %dma_wait3A_484 = arith.constant 0 : i32
        %dma_wait3A_485 = tpu.memref_slice %arg8[%add3A_478, %dma_wait3A_484] : memref<80x125xi32, #tpu.memory_space<vmem>> -> memref<1x125xi32, #tpu.memory_space<vmem>>
        %dma_wait3A_486 = tpu.memref_squeeze %dma_wait3A_485 : memref<1x125xi32, #tpu.memory_space<vmem>> -> memref<125xi32, #tpu.memory_space<vmem>>
        %dma_wait3A_487 = arith.constant 0 : i32
        %dma_wait3A_488 = arith.constant 0 : i32
        %dma_wait3A_489 = tpu.memref_slice %arg11[%dma_wait3A_487, %dma_wait3A_488] : memref<10240x16xf32, #tpu.memory_space<vmem_shared>> -> memref<10240x16xf32, #tpu.memory_space<vmem_shared>>
        tpu.wait_indirect_dma semaphore(%arg13 : memref<!tpu.dma_semaphore, #tpu.memory_space<semaphore_mem>>) src(%dma_wait3A_483 : memref<125x16xf32, #tpu.memory_space<vmem>>) dst(%dma_wait3A_489 : memref<10240x16xf32, #tpu.memory_space<vmem_shared>>)
        %sub3A_490 = arith.constant 1 : i32
        %sub3A_491 = arith.subi %scan3A_230, %sub3A_490 : i32
        %mul3A_492 = arith.constant 8 : i32
        %mul3A_493 = arith.muli %sub3A_491, %mul3A_492 : i32
        %add3A_494 = arith.constant 2 : i32
        %add3A_495 = arith.addi %mul3A_493, %add3A_494 : i32
        %dma_wait3A_496 = arith.constant 2 : i32
        %dma_wait3A_497 = arith.constant 0 : i32
        %dma_wait3A_498 = arith.constant 0 : i32
        %dma_wait3A_499 = tpu.memref_slice %arg9[%rem3A_455, %dma_wait3A_496, %dma_wait3A_497, %dma_wait3A_498] : memref<3x8x125x16xf32, #tpu.memory_space<vmem>> -> memref<1x1x125x16xf32, #tpu.memory_space<vmem>>
        %dma_wait3A_500 = tpu.memref_squeeze %dma_wait3A_499 : memref<1x1x125x16xf32, #tpu.memory_space<vmem>> -> memref<125x16xf32, #tpu.memory_space<vmem>>
        %dma_wait3A_501 = arith.constant 0 : i32
        %dma_wait3A_502 = tpu.memref_slice %arg8[%add3A_495, %dma_wait3A_501] : memref<80x125xi32, #tpu.memory_space<vmem>> -> memref<1x125xi32, #tpu.memory_space<vmem>>
        %dma_wait3A_503 = tpu.memref_squeeze %dma_wait3A_502 : memref<1x125xi32, #tpu.memory_space<vmem>> -> memref<125xi32, #tpu.memory_space<vmem>>
        %dma_wait3A_504 = arith.constant 0 : i32
        %dma_wait3A_505 = arith.constant 0 : i32
        %dma_wait3A_506 = tpu.memref_slice %arg11[%dma_wait3A_504, %dma_wait3A_505] : memref<10240x16xf32, #tpu.memory_space<vmem_shared>> -> memref<10240x16xf32, #tpu.memory_space<vmem_shared>>
        tpu.wait_indirect_dma semaphore(%arg13 : memref<!tpu.dma_semaphore, #tpu.memory_space<semaphore_mem>>) src(%dma_wait3A_500 : memref<125x16xf32, #tpu.memory_space<vmem>>) dst(%dma_wait3A_506 : memref<10240x16xf32, #tpu.memory_space<vmem_shared>>)
        %sub3A_507 = arith.constant 1 : i32
        %sub3A_508 = arith.subi %scan3A_230, %sub3A_507 : i32
        %mul3A_509 = arith.constant 8 : i32
        %mul3A_510 = arith.muli %sub3A_508, %mul3A_509 : i32
        %add3A_511 = arith.constant 3 : i32
        %add3A_512 = arith.addi %mul3A_510, %add3A_511 : i32
        %dma_wait3A_513 = arith.constant 3 : i32
        %dma_wait3A_514 = arith.constant 0 : i32
        %dma_wait3A_515 = arith.constant 0 : i32
        %dma_wait3A_516 = tpu.memref_slice %arg9[%rem3A_455, %dma_wait3A_513, %dma_wait3A_514, %dma_wait3A_515] : memref<3x8x125x16xf32, #tpu.memory_space<vmem>> -> memref<1x1x125x16xf32, #tpu.memory_space<vmem>>
        %dma_wait3A_517 = tpu.memref_squeeze %dma_wait3A_516 : memref<1x1x125x16xf32, #tpu.memory_space<vmem>> -> memref<125x16xf32, #tpu.memory_space<vmem>>
        %dma_wait3A_518 = arith.constant 0 : i32
        %dma_wait3A_519 = tpu.memref_slice %arg8[%add3A_512, %dma_wait3A_518] : memref<80x125xi32, #tpu.memory_space<vmem>> -> memref<1x125xi32, #tpu.memory_space<vmem>>
        %dma_wait3A_520 = tpu.memref_squeeze %dma_wait3A_519 : memref<1x125xi32, #tpu.memory_space<vmem>> -> memref<125xi32, #tpu.memory_space<vmem>>
        %dma_wait3A_521 = arith.constant 0 : i32
        %dma_wait3A_522 = arith.constant 0 : i32
        %dma_wait3A_523 = tpu.memref_slice %arg11[%dma_wait3A_521, %dma_wait3A_522] : memref<10240x16xf32, #tpu.memory_space<vmem_shared>> -> memref<10240x16xf32, #tpu.memory_space<vmem_shared>>
        tpu.wait_indirect_dma semaphore(%arg13 : memref<!tpu.dma_semaphore, #tpu.memory_space<semaphore_mem>>) src(%dma_wait3A_517 : memref<125x16xf32, #tpu.memory_space<vmem>>) dst(%dma_wait3A_523 : memref<10240x16xf32, #tpu.memory_space<vmem_shared>>)
        %sub3A_524 = arith.constant 1 : i32
        %sub3A_525 = arith.subi %scan3A_230, %sub3A_524 : i32
        %mul3A_526 = arith.constant 8 : i32
        %mul3A_527 = arith.muli %sub3A_525, %mul3A_526 : i32
        %add3A_528 = arith.constant 4 : i32
        %add3A_529 = arith.addi %mul3A_527, %add3A_528 : i32
        %dma_wait3A_530 = arith.constant 4 : i32
        %dma_wait3A_531 = arith.constant 0 : i32
        %dma_wait3A_532 = arith.constant 0 : i32
        %dma_wait3A_533 = tpu.memref_slice %arg9[%rem3A_455, %dma_wait3A_530, %dma_wait3A_531, %dma_wait3A_532] : memref<3x8x125x16xf32, #tpu.memory_space<vmem>> -> memref<1x1x125x16xf32, #tpu.memory_space<vmem>>
        %dma_wait3A_534 = tpu.memref_squeeze %dma_wait3A_533 : memref<1x1x125x16xf32, #tpu.memory_space<vmem>> -> memref<125x16xf32, #tpu.memory_space<vmem>>
        %dma_wait3A_535 = arith.constant 0 : i32
        %dma_wait3A_536 = tpu.memref_slice %arg8[%add3A_529, %dma_wait3A_535] : memref<80x125xi32, #tpu.memory_space<vmem>> -> memref<1x125xi32, #tpu.memory_space<vmem>>
        %dma_wait3A_537 = tpu.memref_squeeze %dma_wait3A_536 : memref<1x125xi32, #tpu.memory_space<vmem>> -> memref<125xi32, #tpu.memory_space<vmem>>
        %dma_wait3A_538 = arith.constant 0 : i32
        %dma_wait3A_539 = arith.constant 0 : i32
        %dma_wait3A_540 = tpu.memref_slice %arg11[%dma_wait3A_538, %dma_wait3A_539] : memref<10240x16xf32, #tpu.memory_space<vmem_shared>> -> memref<10240x16xf32, #tpu.memory_space<vmem_shared>>
        tpu.wait_indirect_dma semaphore(%arg13 : memref<!tpu.dma_semaphore, #tpu.memory_space<semaphore_mem>>) src(%dma_wait3A_534 : memref<125x16xf32, #tpu.memory_space<vmem>>) dst(%dma_wait3A_540 : memref<10240x16xf32, #tpu.memory_space<vmem_shared>>)
        %sub3A_541 = arith.constant 1 : i32
        %sub3A_542 = arith.subi %scan3A_230, %sub3A_541 : i32
        %mul3A_543 = arith.constant 8 : i32
        %mul3A_544 = arith.muli %sub3A_542, %mul3A_543 : i32
        %add3A_545 = arith.constant 5 : i32
        %add3A_546 = arith.addi %mul3A_544, %add3A_545 : i32
        %dma_wait3A_547 = arith.constant 5 : i32
        %dma_wait3A_548 = arith.constant 0 : i32
        %dma_wait3A_549 = arith.constant 0 : i32
        %dma_wait3A_550 = tpu.memref_slice %arg9[%rem3A_455, %dma_wait3A_547, %dma_wait3A_548, %dma_wait3A_549] : memref<3x8x125x16xf32, #tpu.memory_space<vmem>> -> memref<1x1x125x16xf32, #tpu.memory_space<vmem>>
        %dma_wait3A_551 = tpu.memref_squeeze %dma_wait3A_550 : memref<1x1x125x16xf32, #tpu.memory_space<vmem>> -> memref<125x16xf32, #tpu.memory_space<vmem>>
        %dma_wait3A_552 = arith.constant 0 : i32
        %dma_wait3A_553 = tpu.memref_slice %arg8[%add3A_546, %dma_wait3A_552] : memref<80x125xi32, #tpu.memory_space<vmem>> -> memref<1x125xi32, #tpu.memory_space<vmem>>
        %dma_wait3A_554 = tpu.memref_squeeze %dma_wait3A_553 : memref<1x125xi32, #tpu.memory_space<vmem>> -> memref<125xi32, #tpu.memory_space<vmem>>
        %dma_wait3A_555 = arith.constant 0 : i32
        %dma_wait3A_556 = arith.constant 0 : i32
        %dma_wait3A_557 = tpu.memref_slice %arg11[%dma_wait3A_555, %dma_wait3A_556] : memref<10240x16xf32, #tpu.memory_space<vmem_shared>> -> memref<10240x16xf32, #tpu.memory_space<vmem_shared>>
        tpu.wait_indirect_dma semaphore(%arg13 : memref<!tpu.dma_semaphore, #tpu.memory_space<semaphore_mem>>) src(%dma_wait3A_551 : memref<125x16xf32, #tpu.memory_space<vmem>>) dst(%dma_wait3A_557 : memref<10240x16xf32, #tpu.memory_space<vmem_shared>>)
        %sub3A_558 = arith.constant 1 : i32
        %sub3A_559 = arith.subi %scan3A_230, %sub3A_558 : i32
        %mul3A_560 = arith.constant 8 : i32
        %mul3A_561 = arith.muli %sub3A_559, %mul3A_560 : i32
        %add3A_562 = arith.constant 6 : i32
        %add3A_563 = arith.addi %mul3A_561, %add3A_562 : i32
        %dma_wait3A_564 = arith.constant 6 : i32
        %dma_wait3A_565 = arith.constant 0 : i32
        %dma_wait3A_566 = arith.constant 0 : i32
        %dma_wait3A_567 = tpu.memref_slice %arg9[%rem3A_455, %dma_wait3A_564, %dma_wait3A_565, %dma_wait3A_566] : memref<3x8x125x16xf32, #tpu.memory_space<vmem>> -> memref<1x1x125x16xf32, #tpu.memory_space<vmem>>
        %dma_wait3A_568 = tpu.memref_squeeze %dma_wait3A_567 : memref<1x1x125x16xf32, #tpu.memory_space<vmem>> -> memref<125x16xf32, #tpu.memory_space<vmem>>
        %dma_wait3A_569 = arith.constant 0 : i32
        %dma_wait3A_570 = tpu.memref_slice %arg8[%add3A_563, %dma_wait3A_569] : memref<80x125xi32, #tpu.memory_space<vmem>> -> memref<1x125xi32, #tpu.memory_space<vmem>>
        %dma_wait3A_571 = tpu.memref_squeeze %dma_wait3A_570 : memref<1x125xi32, #tpu.memory_space<vmem>> -> memref<125xi32, #tpu.memory_space<vmem>>
        %dma_wait3A_572 = arith.constant 0 : i32
        %dma_wait3A_573 = arith.constant 0 : i32
        %dma_wait3A_574 = tpu.memref_slice %arg11[%dma_wait3A_572, %dma_wait3A_573] : memref<10240x16xf32, #tpu.memory_space<vmem_shared>> -> memref<10240x16xf32, #tpu.memory_space<vmem_shared>>
        tpu.wait_indirect_dma semaphore(%arg13 : memref<!tpu.dma_semaphore, #tpu.memory_space<semaphore_mem>>) src(%dma_wait3A_568 : memref<125x16xf32, #tpu.memory_space<vmem>>) dst(%dma_wait3A_574 : memref<10240x16xf32, #tpu.memory_space<vmem_shared>>)
        %sub3A_575 = arith.constant 1 : i32
        %sub3A_576 = arith.subi %scan3A_230, %sub3A_575 : i32
        %mul3A_577 = arith.constant 8 : i32
        %mul3A_578 = arith.muli %sub3A_576, %mul3A_577 : i32
        %add3A_579 = arith.constant 7 : i32
        %add3A_580 = arith.addi %mul3A_578, %add3A_579 : i32
        %dma_wait3A_581 = arith.constant 7 : i32
        %dma_wait3A_582 = arith.constant 0 : i32
        %dma_wait3A_583 = arith.constant 0 : i32
        %dma_wait3A_584 = tpu.memref_slice %arg9[%rem3A_455, %dma_wait3A_581, %dma_wait3A_582, %dma_wait3A_583] : memref<3x8x125x16xf32, #tpu.memory_space<vmem>> -> memref<1x1x125x16xf32, #tpu.memory_space<vmem>>
        %dma_wait3A_585 = tpu.memref_squeeze %dma_wait3A_584 : memref<1x1x125x16xf32, #tpu.memory_space<vmem>> -> memref<125x16xf32, #tpu.memory_space<vmem>>
        %dma_wait3A_586 = arith.constant 0 : i32
        %dma_wait3A_587 = tpu.memref_slice %arg8[%add3A_580, %dma_wait3A_586] : memref<80x125xi32, #tpu.memory_space<vmem>> -> memref<1x125xi32, #tpu.memory_space<vmem>>
        %dma_wait3A_588 = tpu.memref_squeeze %dma_wait3A_587 : memref<1x125xi32, #tpu.memory_space<vmem>> -> memref<125xi32, #tpu.memory_space<vmem>>
        %dma_wait3A_589 = arith.constant 0 : i32
        %dma_wait3A_590 = arith.constant 0 : i32
        %dma_wait3A_591 = tpu.memref_slice %arg11[%dma_wait3A_589, %dma_wait3A_590] : memref<10240x16xf32, #tpu.memory_space<vmem_shared>> -> memref<10240x16xf32, #tpu.memory_space<vmem_shared>>
        tpu.wait_indirect_dma semaphore(%arg13 : memref<!tpu.dma_semaphore, #tpu.memory_space<semaphore_mem>>) src(%dma_wait3A_585 : memref<125x16xf32, #tpu.memory_space<vmem>>) dst(%dma_wait3A_591 : memref<10240x16xf32, #tpu.memory_space<vmem_shared>>)
      } else {
      }
    }
    %scan3A_110 = arith.constant 10 : i32
    %rem3A = arith.constant 9 : i32
    %rem3A_111 = arith.constant 3 : i32
    %rem3A_112 = arith.remsi %rem3A, %rem3A_111 : i32
    %dma_wait3A = arith.constant 0 : i32
    %dma_wait3A_113 = arith.constant 72 : i32
    %dma_wait3A_114 = arith.constant 0 : i32
    %dma_wait3A_115 = arith.constant 0 : i32
    %dma_wait3A_116 = tpu.memref_slice %arg9[%rem3A_112, %dma_wait3A, %dma_wait3A_114, %dma_wait3A_115] : memref<3x8x125x16xf32, #tpu.memory_space<vmem>> -> memref<1x1x125x16xf32, #tpu.memory_space<vmem>>
    %dma_wait3A_117 = tpu.memref_squeeze %dma_wait3A_116 : memref<1x1x125x16xf32, #tpu.memory_space<vmem>> -> memref<125x16xf32, #tpu.memory_space<vmem>>
    %dma_wait3A_118 = arith.constant 0 : i32
    %dma_wait3A_119 = tpu.memref_slice %arg8[%dma_wait3A_113, %dma_wait3A_118] : memref<80x125xi32, #tpu.memory_space<vmem>> -> memref<1x125xi32, #tpu.memory_space<vmem>>
    %dma_wait3A_120 = tpu.memref_squeeze %dma_wait3A_119 : memref<1x125xi32, #tpu.memory_space<vmem>> -> memref<125xi32, #tpu.memory_space<vmem>>
    %dma_wait3A_121 = arith.constant 0 : i32
    %dma_wait3A_122 = arith.constant 0 : i32
    %dma_wait3A_123 = tpu.memref_slice %arg11[%dma_wait3A_121, %dma_wait3A_122] : memref<10240x16xf32, #tpu.memory_space<vmem_shared>> -> memref<10240x16xf32, #tpu.memory_space<vmem_shared>>
    tpu.wait_indirect_dma semaphore(%arg13 : memref<!tpu.dma_semaphore, #tpu.memory_space<semaphore_mem>>) src(%dma_wait3A_117 : memref<125x16xf32, #tpu.memory_space<vmem>>) dst(%dma_wait3A_123 : memref<10240x16xf32, #tpu.memory_space<vmem_shared>>)
    %rem3A_124 = arith.constant 9 : i32
    %rem3A_125 = arith.constant 3 : i32
    %rem3A_126 = arith.remsi %rem3A_124, %rem3A_125 : i32
    %dma_wait3A_127 = arith.constant 1 : i32
    %dma_wait3A_128 = arith.constant 73 : i32
    %dma_wait3A_129 = arith.constant 0 : i32
    %dma_wait3A_130 = arith.constant 0 : i32
    %dma_wait3A_131 = tpu.memref_slice %arg9[%rem3A_126, %dma_wait3A_127, %dma_wait3A_129, %dma_wait3A_130] : memref<3x8x125x16xf32, #tpu.memory_space<vmem>> -> memref<1x1x125x16xf32, #tpu.memory_space<vmem>>
    %dma_wait3A_132 = tpu.memref_squeeze %dma_wait3A_131 : memref<1x1x125x16xf32, #tpu.memory_space<vmem>> -> memref<125x16xf32, #tpu.memory_space<vmem>>
    %dma_wait3A_133 = arith.constant 0 : i32
    %dma_wait3A_134 = tpu.memref_slice %arg8[%dma_wait3A_128, %dma_wait3A_133] : memref<80x125xi32, #tpu.memory_space<vmem>> -> memref<1x125xi32, #tpu.memory_space<vmem>>
    %dma_wait3A_135 = tpu.memref_squeeze %dma_wait3A_134 : memref<1x125xi32, #tpu.memory_space<vmem>> -> memref<125xi32, #tpu.memory_space<vmem>>
    %dma_wait3A_136 = arith.constant 0 : i32
    %dma_wait3A_137 = arith.constant 0 : i32
    %dma_wait3A_138 = tpu.memref_slice %arg11[%dma_wait3A_136, %dma_wait3A_137] : memref<10240x16xf32, #tpu.memory_space<vmem_shared>> -> memref<10240x16xf32, #tpu.memory_space<vmem_shared>>
    tpu.wait_indirect_dma semaphore(%arg13 : memref<!tpu.dma_semaphore, #tpu.memory_space<semaphore_mem>>) src(%dma_wait3A_132 : memref<125x16xf32, #tpu.memory_space<vmem>>) dst(%dma_wait3A_138 : memref<10240x16xf32, #tpu.memory_space<vmem_shared>>)
    %rem3A_139 = arith.constant 9 : i32
    %rem3A_140 = arith.constant 3 : i32
    %rem3A_141 = arith.remsi %rem3A_139, %rem3A_140 : i32
    %dma_wait3A_142 = arith.constant 2 : i32
    %dma_wait3A_143 = arith.constant 74 : i32
    %dma_wait3A_144 = arith.constant 0 : i32
    %dma_wait3A_145 = arith.constant 0 : i32
    %dma_wait3A_146 = tpu.memref_slice %arg9[%rem3A_141, %dma_wait3A_142, %dma_wait3A_144, %dma_wait3A_145] : memref<3x8x125x16xf32, #tpu.memory_space<vmem>> -> memref<1x1x125x16xf32, #tpu.memory_space<vmem>>
    %dma_wait3A_147 = tpu.memref_squeeze %dma_wait3A_146 : memref<1x1x125x16xf32, #tpu.memory_space<vmem>> -> memref<125x16xf32, #tpu.memory_space<vmem>>
    %dma_wait3A_148 = arith.constant 0 : i32
    %dma_wait3A_149 = tpu.memref_slice %arg8[%dma_wait3A_143, %dma_wait3A_148] : memref<80x125xi32, #tpu.memory_space<vmem>> -> memref<1x125xi32, #tpu.memory_space<vmem>>
    %dma_wait3A_150 = tpu.memref_squeeze %dma_wait3A_149 : memref<1x125xi32, #tpu.memory_space<vmem>> -> memref<125xi32, #tpu.memory_space<vmem>>
    %dma_wait3A_151 = arith.constant 0 : i32
    %dma_wait3A_152 = arith.constant 0 : i32
    %dma_wait3A_153 = tpu.memref_slice %arg11[%dma_wait3A_151, %dma_wait3A_152] : memref<10240x16xf32, #tpu.memory_space<vmem_shared>> -> memref<10240x16xf32, #tpu.memory_space<vmem_shared>>
    tpu.wait_indirect_dma semaphore(%arg13 : memref<!tpu.dma_semaphore, #tpu.memory_space<semaphore_mem>>) src(%dma_wait3A_147 : memref<125x16xf32, #tpu.memory_space<vmem>>) dst(%dma_wait3A_153 : memref<10240x16xf32, #tpu.memory_space<vmem_shared>>)
    %rem3A_154 = arith.constant 9 : i32
    %rem3A_155 = arith.constant 3 : i32
    %rem3A_156 = arith.remsi %rem3A_154, %rem3A_155 : i32
    %dma_wait3A_157 = arith.constant 3 : i32
    %dma_wait3A_158 = arith.constant 75 : i32
    %dma_wait3A_159 = arith.constant 0 : i32
    %dma_wait3A_160 = arith.constant 0 : i32
    %dma_wait3A_161 = tpu.memref_slice %arg9[%rem3A_156, %dma_wait3A_157, %dma_wait3A_159, %dma_wait3A_160] : memref<3x8x125x16xf32, #tpu.memory_space<vmem>> -> memref<1x1x125x16xf32, #tpu.memory_space<vmem>>
    %dma_wait3A_162 = tpu.memref_squeeze %dma_wait3A_161 : memref<1x1x125x16xf32, #tpu.memory_space<vmem>> -> memref<125x16xf32, #tpu.memory_space<vmem>>
    %dma_wait3A_163 = arith.constant 0 : i32
    %dma_wait3A_164 = tpu.memref_slice %arg8[%dma_wait3A_158, %dma_wait3A_163] : memref<80x125xi32, #tpu.memory_space<vmem>> -> memref<1x125xi32, #tpu.memory_space<vmem>>
    %dma_wait3A_165 = tpu.memref_squeeze %dma_wait3A_164 : memref<1x125xi32, #tpu.memory_space<vmem>> -> memref<125xi32, #tpu.memory_space<vmem>>
    %dma_wait3A_166 = arith.constant 0 : i32
    %dma_wait3A_167 = arith.constant 0 : i32
    %dma_wait3A_168 = tpu.memref_slice %arg11[%dma_wait3A_166, %dma_wait3A_167] : memref<10240x16xf32, #tpu.memory_space<vmem_shared>> -> memref<10240x16xf32, #tpu.memory_space<vmem_shared>>
    tpu.wait_indirect_dma semaphore(%arg13 : memref<!tpu.dma_semaphore, #tpu.memory_space<semaphore_mem>>) src(%dma_wait3A_162 : memref<125x16xf32, #tpu.memory_space<vmem>>) dst(%dma_wait3A_168 : memref<10240x16xf32, #tpu.memory_space<vmem_shared>>)
    %rem3A_169 = arith.constant 9 : i32
    %rem3A_170 = arith.constant 3 : i32
    %rem3A_171 = arith.remsi %rem3A_169, %rem3A_170 : i32
    %dma_wait3A_172 = arith.constant 4 : i32
    %dma_wait3A_173 = arith.constant 76 : i32
    %dma_wait3A_174 = arith.constant 0 : i32
    %dma_wait3A_175 = arith.constant 0 : i32
    %dma_wait3A_176 = tpu.memref_slice %arg9[%rem3A_171, %dma_wait3A_172, %dma_wait3A_174, %dma_wait3A_175] : memref<3x8x125x16xf32, #tpu.memory_space<vmem>> -> memref<1x1x125x16xf32, #tpu.memory_space<vmem>>
    %dma_wait3A_177 = tpu.memref_squeeze %dma_wait3A_176 : memref<1x1x125x16xf32, #tpu.memory_space<vmem>> -> memref<125x16xf32, #tpu.memory_space<vmem>>
    %dma_wait3A_178 = arith.constant 0 : i32
    %dma_wait3A_179 = tpu.memref_slice %arg8[%dma_wait3A_173, %dma_wait3A_178] : memref<80x125xi32, #tpu.memory_space<vmem>> -> memref<1x125xi32, #tpu.memory_space<vmem>>
    %dma_wait3A_180 = tpu.memref_squeeze %dma_wait3A_179 : memref<1x125xi32, #tpu.memory_space<vmem>> -> memref<125xi32, #tpu.memory_space<vmem>>
    %dma_wait3A_181 = arith.constant 0 : i32
    %dma_wait3A_182 = arith.constant 0 : i32
    %dma_wait3A_183 = tpu.memref_slice %arg11[%dma_wait3A_181, %dma_wait3A_182] : memref<10240x16xf32, #tpu.memory_space<vmem_shared>> -> memref<10240x16xf32, #tpu.memory_space<vmem_shared>>
    tpu.wait_indirect_dma semaphore(%arg13 : memref<!tpu.dma_semaphore, #tpu.memory_space<semaphore_mem>>) src(%dma_wait3A_177 : memref<125x16xf32, #tpu.memory_space<vmem>>) dst(%dma_wait3A_183 : memref<10240x16xf32, #tpu.memory_space<vmem_shared>>)
    %rem3A_184 = arith.constant 9 : i32
    %rem3A_185 = arith.constant 3 : i32
    %rem3A_186 = arith.remsi %rem3A_184, %rem3A_185 : i32
    %dma_wait3A_187 = arith.constant 5 : i32
    %dma_wait3A_188 = arith.constant 77 : i32
    %dma_wait3A_189 = arith.constant 0 : i32
    %dma_wait3A_190 = arith.constant 0 : i32
    %dma_wait3A_191 = tpu.memref_slice %arg9[%rem3A_186, %dma_wait3A_187, %dma_wait3A_189, %dma_wait3A_190] : memref<3x8x125x16xf32, #tpu.memory_space<vmem>> -> memref<1x1x125x16xf32, #tpu.memory_space<vmem>>
    %dma_wait3A_192 = tpu.memref_squeeze %dma_wait3A_191 : memref<1x1x125x16xf32, #tpu.memory_space<vmem>> -> memref<125x16xf32, #tpu.memory_space<vmem>>
    %dma_wait3A_193 = arith.constant 0 : i32
    %dma_wait3A_194 = tpu.memref_slice %arg8[%dma_wait3A_188, %dma_wait3A_193] : memref<80x125xi32, #tpu.memory_space<vmem>> -> memref<1x125xi32, #tpu.memory_space<vmem>>
    %dma_wait3A_195 = tpu.memref_squeeze %dma_wait3A_194 : memref<1x125xi32, #tpu.memory_space<vmem>> -> memref<125xi32, #tpu.memory_space<vmem>>
    %dma_wait3A_196 = arith.constant 0 : i32
    %dma_wait3A_197 = arith.constant 0 : i32
    %dma_wait3A_198 = tpu.memref_slice %arg11[%dma_wait3A_196, %dma_wait3A_197] : memref<10240x16xf32, #tpu.memory_space<vmem_shared>> -> memref<10240x16xf32, #tpu.memory_space<vmem_shared>>
    tpu.wait_indirect_dma semaphore(%arg13 : memref<!tpu.dma_semaphore, #tpu.memory_space<semaphore_mem>>) src(%dma_wait3A_192 : memref<125x16xf32, #tpu.memory_space<vmem>>) dst(%dma_wait3A_198 : memref<10240x16xf32, #tpu.memory_space<vmem_shared>>)
    %rem3A_199 = arith.constant 9 : i32
    %rem3A_200 = arith.constant 3 : i32
    %rem3A_201 = arith.remsi %rem3A_199, %rem3A_200 : i32
    %dma_wait3A_202 = arith.constant 6 : i32
    %dma_wait3A_203 = arith.constant 78 : i32
    %dma_wait3A_204 = arith.constant 0 : i32
    %dma_wait3A_205 = arith.constant 0 : i32
    %dma_wait3A_206 = tpu.memref_slice %arg9[%rem3A_201, %dma_wait3A_202, %dma_wait3A_204, %dma_wait3A_205] : memref<3x8x125x16xf32, #tpu.memory_space<vmem>> -> memref<1x1x125x16xf32, #tpu.memory_space<vmem>>
    %dma_wait3A_207 = tpu.memref_squeeze %dma_wait3A_206 : memref<1x1x125x16xf32, #tpu.memory_space<vmem>> -> memref<125x16xf32, #tpu.memory_space<vmem>>
    %dma_wait3A_208 = arith.constant 0 : i32
    %dma_wait3A_209 = tpu.memref_slice %arg8[%dma_wait3A_203, %dma_wait3A_208] : memref<80x125xi32, #tpu.memory_space<vmem>> -> memref<1x125xi32, #tpu.memory_space<vmem>>
    %dma_wait3A_210 = tpu.memref_squeeze %dma_wait3A_209 : memref<1x125xi32, #tpu.memory_space<vmem>> -> memref<125xi32, #tpu.memory_space<vmem>>
    %dma_wait3A_211 = arith.constant 0 : i32
    %dma_wait3A_212 = arith.constant 0 : i32
    %dma_wait3A_213 = tpu.memref_slice %arg11[%dma_wait3A_211, %dma_wait3A_212] : memref<10240x16xf32, #tpu.memory_space<vmem_shared>> -> memref<10240x16xf32, #tpu.memory_space<vmem_shared>>
    tpu.wait_indirect_dma semaphore(%arg13 : memref<!tpu.dma_semaphore, #tpu.memory_space<semaphore_mem>>) src(%dma_wait3A_207 : memref<125x16xf32, #tpu.memory_space<vmem>>) dst(%dma_wait3A_213 : memref<10240x16xf32, #tpu.memory_space<vmem_shared>>)
    %rem3A_214 = arith.constant 9 : i32
    %rem3A_215 = arith.constant 3 : i32
    %rem3A_216 = arith.remsi %rem3A_214, %rem3A_215 : i32
    %dma_wait3A_217 = arith.constant 7 : i32
    %dma_wait3A_218 = arith.constant 79 : i32
    %dma_wait3A_219 = arith.constant 0 : i32
    %dma_wait3A_220 = arith.constant 0 : i32
    %dma_wait3A_221 = tpu.memref_slice %arg9[%rem3A_216, %dma_wait3A_217, %dma_wait3A_219, %dma_wait3A_220] : memref<3x8x125x16xf32, #tpu.memory_space<vmem>> -> memref<1x1x125x16xf32, #tpu.memory_space<vmem>>
    %dma_wait3A_222 = tpu.memref_squeeze %dma_wait3A_221 : memref<1x1x125x16xf32, #tpu.memory_space<vmem>> -> memref<125x16xf32, #tpu.memory_space<vmem>>
    %dma_wait3A_223 = arith.constant 0 : i32
    %dma_wait3A_224 = tpu.memref_slice %arg8[%dma_wait3A_218, %dma_wait3A_223] : memref<80x125xi32, #tpu.memory_space<vmem>> -> memref<1x125xi32, #tpu.memory_space<vmem>>
    %dma_wait3A_225 = tpu.memref_squeeze %dma_wait3A_224 : memref<1x125xi32, #tpu.memory_space<vmem>> -> memref<125xi32, #tpu.memory_space<vmem>>
    %dma_wait3A_226 = arith.constant 0 : i32
    %dma_wait3A_227 = arith.constant 0 : i32
    %dma_wait3A_228 = tpu.memref_slice %arg11[%dma_wait3A_226, %dma_wait3A_227] : memref<10240x16xf32, #tpu.memory_space<vmem_shared>> -> memref<10240x16xf32, #tpu.memory_space<vmem_shared>>
    tpu.wait_indirect_dma semaphore(%arg13 : memref<!tpu.dma_semaphore, #tpu.memory_space<semaphore_mem>>) src(%dma_wait3A_222 : memref<125x16xf32, #tpu.memory_space<vmem>>) dst(%dma_wait3A_228 : memref<10240x16xf32, #tpu.memory_space<vmem_shared>>)
    %barrier3A_229 = arith.constant 0 : index
    tpu.barrier barrier_id(%barrier3A_229)
    "tpu.region"() ({
      %run_scoped3A = tpu.sem_alloc : memref<!tpu.dma_semaphore, #tpu.memory_space<semaphore_mem>>
      %dma_start3A_230 = arith.constant 0 : i32
      %dma_start3A_231 = tpu.memref_slice %arg6[%arg0, %mul3A_2, %dma_start3A_230] : memref<2x10240x16xf32, #tpu.memory_space<hbm>> -> memref<1x640x16xf32, #tpu.memory_space<hbm>>
      %dma_start3A_232 = tpu.memref_squeeze %dma_start3A_231 : memref<1x640x16xf32, #tpu.memory_space<hbm>> -> memref<640x16xf32, #tpu.memory_space<hbm>>
      %dma_start3A_233 = arith.constant 0 : i32
      %dma_start3A_234 = tpu.memref_slice %arg11[%mul3A_2, %dma_start3A_233] : memref<10240x16xf32, #tpu.memory_space<vmem_shared>> -> memref<640x16xf32, #tpu.memory_space<vmem_shared>>
      tpu.enqueue_dma source(%dma_start3A_234 : memref<640x16xf32, #tpu.memory_space<vmem_shared>>) target(%dma_start3A_232 : memref<640x16xf32, #tpu.memory_space<hbm>>) target_semaphore(%run_scoped3A : memref<!tpu.dma_semaphore, #tpu.memory_space<semaphore_mem>>)
      %dma_wait3A_235 = arith.constant 0 : i32
      %dma_wait3A_236 = tpu.memref_slice %arg6[%arg0, %mul3A_2, %dma_wait3A_235] : memref<2x10240x16xf32, #tpu.memory_space<hbm>> -> memref<1x640x16xf32, #tpu.memory_space<hbm>>
      %dma_wait3A_237 = tpu.memref_squeeze %dma_wait3A_236 : memref<1x640x16xf32, #tpu.memory_space<hbm>> -> memref<640x16xf32, #tpu.memory_space<hbm>>
      %dma_wait3A_238 = arith.constant 0 : i32
      %dma_wait3A_239 = tpu.memref_slice %arg11[%mul3A_2, %dma_wait3A_238] : memref<10240x16xf32, #tpu.memory_space<vmem_shared>> -> memref<640x16xf32, #tpu.memory_space<vmem_shared>>
      tpu.wait_dma2 semaphore(%run_scoped3A : memref<!tpu.dma_semaphore, #tpu.memory_space<semaphore_mem>>) src(%dma_wait3A_239 : memref<640x16xf32, #tpu.memory_space<vmem_shared>>) dst(%dma_wait3A_237 : memref<640x16xf32, #tpu.memory_space<hbm>>)
      tpu.yield
    }) : () -> ()
    return
  }
}

#map = affine_map<(d0, d1) -> (0, 0, 0)>
#map1 = affine_map<(d0, d1) -> (0, 0)>
module attributes {stable_mosaic.version = 14 : i64} {
  func.func @gcn_degree_sc(%arg0: i32, %arg1: i32, %arg2: memref<32x80x125xi32, #tpu.memory_space<hbm>>, %arg3: memref<125x16xf32, #tpu.memory_space<hbm>>, %arg4: memref<640x16xf32, #tpu.memory_space<hbm>>, %arg5: memref<2x10240x16xf32, #tpu.memory_space<hbm>>, %arg6: memref<80x125xi32, #tpu.memory_space<vmem>>, %arg7: memref<125x16xf32, #tpu.memory_space<vmem>>, %arg8: memref<10240x16xf32, #tpu.memory_space<vmem_shared>>, %arg9: memref<!tpu.dma_semaphore, #tpu.memory_space<semaphore_mem>>) attributes {dimension_semantics = [#tpu.dimension_semantics<core_parallel>, #tpu.dimension_semantics<subcore_parallel>], iteration_bounds = array<i64: 2, 16>, scalar_prefetch = 0 : i64, scratch_operands = 4 : i64, tpu.core_type = #tpu.core_type<sc_vector_subcore>, window_params = [{transform_indices = #map}, {transform_indices = #map1}, {transform_indices = #map1}, {transform_indices = #map}]} {
    %mul3A = arith.constant 2 : i32
    %mul3A_0 = arith.muli %arg1, %mul3A : i32
    %add3A = arith.addi %mul3A_0, %arg0 : i32
    %mul3A_1 = arith.constant 640 : i32
    %mul3A_2 = arith.muli %arg1, %mul3A_1 : i32
    "tpu.region"() ({
      %run_scoped3A = tpu.sem_alloc : memref<!tpu.dma_semaphore, #tpu.memory_space<semaphore_mem>>
      %dma_start3A = arith.constant 0 : i32
      %dma_start3A_9 = tpu.memref_slice %arg8[%mul3A_2, %dma_start3A] : memref<10240x16xf32, #tpu.memory_space<vmem_shared>> -> memref<640x16xf32, #tpu.memory_space<vmem_shared>>
      tpu.enqueue_dma source(%arg4 : memref<640x16xf32, #tpu.memory_space<hbm>>) target(%dma_start3A_9 : memref<640x16xf32, #tpu.memory_space<vmem_shared>>) target_semaphore(%run_scoped3A : memref<!tpu.dma_semaphore, #tpu.memory_space<semaphore_mem>>)
      %dma_wait3A = arith.constant 0 : i32
      %dma_wait3A_10 = tpu.memref_slice %arg8[%mul3A_2, %dma_wait3A] : memref<10240x16xf32, #tpu.memory_space<vmem_shared>> -> memref<640x16xf32, #tpu.memory_space<vmem_shared>>
      tpu.wait_dma2 semaphore(%run_scoped3A : memref<!tpu.dma_semaphore, #tpu.memory_space<semaphore_mem>>) src(%arg4 : memref<640x16xf32, #tpu.memory_space<hbm>>) dst(%dma_wait3A_10 : memref<640x16xf32, #tpu.memory_space<vmem_shared>>)
      tpu.yield
    }) : () -> ()
    "tpu.region"() ({
      %run_scoped3A = tpu.sem_alloc : memref<!tpu.dma_semaphore, #tpu.memory_space<semaphore_mem>>
      tpu.enqueue_dma source(%arg3 : memref<125x16xf32, #tpu.memory_space<hbm>>) target(%arg7 : memref<125x16xf32, #tpu.memory_space<vmem>>) target_semaphore(%run_scoped3A : memref<!tpu.dma_semaphore, #tpu.memory_space<semaphore_mem>>)
      tpu.wait_dma2 semaphore(%run_scoped3A : memref<!tpu.dma_semaphore, #tpu.memory_space<semaphore_mem>>) src(%arg3 : memref<125x16xf32, #tpu.memory_space<hbm>>) dst(%arg7 : memref<125x16xf32, #tpu.memory_space<vmem>>)
      tpu.yield
    }) : () -> ()
    "tpu.region"() ({
      %run_scoped3A = tpu.sem_alloc : memref<!tpu.dma_semaphore, #tpu.memory_space<semaphore_mem>>
      %dma_start3A = arith.constant 0 : i32
      %dma_start3A_9 = arith.constant 0 : i32
      %dma_start3A_10 = tpu.memref_slice %arg2[%add3A, %dma_start3A, %dma_start3A_9] : memref<32x80x125xi32, #tpu.memory_space<hbm>> -> memref<1x80x125xi32, #tpu.memory_space<hbm>>
      %dma_start3A_11 = tpu.memref_squeeze %dma_start3A_10 : memref<1x80x125xi32, #tpu.memory_space<hbm>> -> memref<80x125xi32, #tpu.memory_space<hbm>>
      %dma_start3A_12 = arith.constant 0 : i32
      %dma_start3A_13 = arith.constant 0 : i32
      %dma_start3A_14 = tpu.memref_slice %arg2[%add3A, %dma_start3A_12, %dma_start3A_13] : memref<32x80x125xi32, #tpu.memory_space<hbm>> -> memref<1x80x125xi32, #tpu.memory_space<hbm>>
      %dma_start3A_15 = tpu.memref_squeeze %dma_start3A_14 : memref<1x80x125xi32, #tpu.memory_space<hbm>> -> memref<80x125xi32, #tpu.memory_space<hbm>>
      tpu.enqueue_dma source(%dma_start3A_15 : memref<80x125xi32, #tpu.memory_space<hbm>>) target(%arg6 : memref<80x125xi32, #tpu.memory_space<vmem>>) target_semaphore(%run_scoped3A : memref<!tpu.dma_semaphore, #tpu.memory_space<semaphore_mem>>)
      %dma_wait3A = arith.constant 0 : i32
      %dma_wait3A_16 = arith.constant 0 : i32
      %dma_wait3A_17 = tpu.memref_slice %arg2[%add3A, %dma_wait3A, %dma_wait3A_16] : memref<32x80x125xi32, #tpu.memory_space<hbm>> -> memref<1x80x125xi32, #tpu.memory_space<hbm>>
      %dma_wait3A_18 = tpu.memref_squeeze %dma_wait3A_17 : memref<1x80x125xi32, #tpu.memory_space<hbm>> -> memref<80x125xi32, #tpu.memory_space<hbm>>
      %dma_wait3A_19 = arith.constant 0 : i32
      %dma_wait3A_20 = arith.constant 0 : i32
      %dma_wait3A_21 = tpu.memref_slice %arg2[%add3A, %dma_wait3A_19, %dma_wait3A_20] : memref<32x80x125xi32, #tpu.memory_space<hbm>> -> memref<1x80x125xi32, #tpu.memory_space<hbm>>
      %dma_wait3A_22 = tpu.memref_squeeze %dma_wait3A_21 : memref<1x80x125xi32, #tpu.memory_space<hbm>> -> memref<80x125xi32, #tpu.memory_space<hbm>>
      tpu.wait_dma2 semaphore(%run_scoped3A : memref<!tpu.dma_semaphore, #tpu.memory_space<semaphore_mem>>) src(%dma_wait3A_22 : memref<80x125xi32, #tpu.memory_space<hbm>>) dst(%arg6 : memref<80x125xi32, #tpu.memory_space<vmem>>)
      tpu.yield
    }) : () -> ()
    %barrier3A = arith.constant 0 : index
    tpu.barrier barrier_id(%barrier3A)
    %scan3A = arith.constant 0 : i32
    %scan3A_3 = arith.constant 0 : i32
    %scan3A_4 = arith.constant 10 : i32
    %scan3A_5 = arith.addi %scan3A_3, %scan3A_4 : i32
    %scan3A_6 = arith.constant 1 : i32
    scf.for %scan3A_9 = %scan3A_3 to %scan3A_5 step %scan3A_6  : i32 {
      %mul3A_10 = arith.constant 8 : i32
      %mul3A_11 = arith.muli %scan3A_9, %mul3A_10 : i32
      %add3A_12 = arith.constant 0 : i32
      %add3A_13 = arith.addi %mul3A_11, %add3A_12 : i32
      %dma_start3A = arith.constant 0 : i32
      %dma_start3A_14 = tpu.memref_slice %arg6[%add3A_13, %dma_start3A] : memref<80x125xi32, #tpu.memory_space<vmem>> -> memref<1x125xi32, #tpu.memory_space<vmem>>
      %dma_start3A_15 = tpu.memref_squeeze %dma_start3A_14 : memref<1x125xi32, #tpu.memory_space<vmem>> -> memref<125xi32, #tpu.memory_space<vmem>>
      %dma_start3A_16 = arith.constant 0 : i32
      %dma_start3A_17 = arith.constant 0 : i32
      %dma_start3A_18 = tpu.memref_slice %arg8[%dma_start3A_16, %dma_start3A_17] : memref<10240x16xf32, #tpu.memory_space<vmem_shared>> -> memref<10240x16xf32, #tpu.memory_space<vmem_shared>>
      tpu.enqueue_indirect_dma source(%arg7 : memref<125x16xf32, #tpu.memory_space<vmem>>) target(%dma_start3A_18 : memref<10240x16xf32, #tpu.memory_space<vmem_shared>>) offsets(%dma_start3A_15 : memref<125xi32, #tpu.memory_space<vmem>>) semaphore(%arg9 : memref<!tpu.dma_semaphore, #tpu.memory_space<semaphore_mem>>) {add = true}
      %mul3A_19 = arith.constant 8 : i32
      %mul3A_20 = arith.muli %scan3A_9, %mul3A_19 : i32
      %add3A_21 = arith.constant 1 : i32
      %add3A_22 = arith.addi %mul3A_20, %add3A_21 : i32
      %dma_start3A_23 = arith.constant 0 : i32
      %dma_start3A_24 = tpu.memref_slice %arg6[%add3A_22, %dma_start3A_23] : memref<80x125xi32, #tpu.memory_space<vmem>> -> memref<1x125xi32, #tpu.memory_space<vmem>>
      %dma_start3A_25 = tpu.memref_squeeze %dma_start3A_24 : memref<1x125xi32, #tpu.memory_space<vmem>> -> memref<125xi32, #tpu.memory_space<vmem>>
      %dma_start3A_26 = arith.constant 0 : i32
      %dma_start3A_27 = arith.constant 0 : i32
      %dma_start3A_28 = tpu.memref_slice %arg8[%dma_start3A_26, %dma_start3A_27] : memref<10240x16xf32, #tpu.memory_space<vmem_shared>> -> memref<10240x16xf32, #tpu.memory_space<vmem_shared>>
      tpu.enqueue_indirect_dma source(%arg7 : memref<125x16xf32, #tpu.memory_space<vmem>>) target(%dma_start3A_28 : memref<10240x16xf32, #tpu.memory_space<vmem_shared>>) offsets(%dma_start3A_25 : memref<125xi32, #tpu.memory_space<vmem>>) semaphore(%arg9 : memref<!tpu.dma_semaphore, #tpu.memory_space<semaphore_mem>>) {add = true}
      %mul3A_29 = arith.constant 8 : i32
      %mul3A_30 = arith.muli %scan3A_9, %mul3A_29 : i32
      %add3A_31 = arith.constant 2 : i32
      %add3A_32 = arith.addi %mul3A_30, %add3A_31 : i32
      %dma_start3A_33 = arith.constant 0 : i32
      %dma_start3A_34 = tpu.memref_slice %arg6[%add3A_32, %dma_start3A_33] : memref<80x125xi32, #tpu.memory_space<vmem>> -> memref<1x125xi32, #tpu.memory_space<vmem>>
      %dma_start3A_35 = tpu.memref_squeeze %dma_start3A_34 : memref<1x125xi32, #tpu.memory_space<vmem>> -> memref<125xi32, #tpu.memory_space<vmem>>
      %dma_start3A_36 = arith.constant 0 : i32
      %dma_start3A_37 = arith.constant 0 : i32
      %dma_start3A_38 = tpu.memref_slice %arg8[%dma_start3A_36, %dma_start3A_37] : memref<10240x16xf32, #tpu.memory_space<vmem_shared>> -> memref<10240x16xf32, #tpu.memory_space<vmem_shared>>
      tpu.enqueue_indirect_dma source(%arg7 : memref<125x16xf32, #tpu.memory_space<vmem>>) target(%dma_start3A_38 : memref<10240x16xf32, #tpu.memory_space<vmem_shared>>) offsets(%dma_start3A_35 : memref<125xi32, #tpu.memory_space<vmem>>) semaphore(%arg9 : memref<!tpu.dma_semaphore, #tpu.memory_space<semaphore_mem>>) {add = true}
      %mul3A_39 = arith.constant 8 : i32
      %mul3A_40 = arith.muli %scan3A_9, %mul3A_39 : i32
      %add3A_41 = arith.constant 3 : i32
      %add3A_42 = arith.addi %mul3A_40, %add3A_41 : i32
      %dma_start3A_43 = arith.constant 0 : i32
      %dma_start3A_44 = tpu.memref_slice %arg6[%add3A_42, %dma_start3A_43] : memref<80x125xi32, #tpu.memory_space<vmem>> -> memref<1x125xi32, #tpu.memory_space<vmem>>
      %dma_start3A_45 = tpu.memref_squeeze %dma_start3A_44 : memref<1x125xi32, #tpu.memory_space<vmem>> -> memref<125xi32, #tpu.memory_space<vmem>>
      %dma_start3A_46 = arith.constant 0 : i32
      %dma_start3A_47 = arith.constant 0 : i32
      %dma_start3A_48 = tpu.memref_slice %arg8[%dma_start3A_46, %dma_start3A_47] : memref<10240x16xf32, #tpu.memory_space<vmem_shared>> -> memref<10240x16xf32, #tpu.memory_space<vmem_shared>>
      tpu.enqueue_indirect_dma source(%arg7 : memref<125x16xf32, #tpu.memory_space<vmem>>) target(%dma_start3A_48 : memref<10240x16xf32, #tpu.memory_space<vmem_shared>>) offsets(%dma_start3A_45 : memref<125xi32, #tpu.memory_space<vmem>>) semaphore(%arg9 : memref<!tpu.dma_semaphore, #tpu.memory_space<semaphore_mem>>) {add = true}
      %mul3A_49 = arith.constant 8 : i32
      %mul3A_50 = arith.muli %scan3A_9, %mul3A_49 : i32
      %add3A_51 = arith.constant 4 : i32
      %add3A_52 = arith.addi %mul3A_50, %add3A_51 : i32
      %dma_start3A_53 = arith.constant 0 : i32
      %dma_start3A_54 = tpu.memref_slice %arg6[%add3A_52, %dma_start3A_53] : memref<80x125xi32, #tpu.memory_space<vmem>> -> memref<1x125xi32, #tpu.memory_space<vmem>>
      %dma_start3A_55 = tpu.memref_squeeze %dma_start3A_54 : memref<1x125xi32, #tpu.memory_space<vmem>> -> memref<125xi32, #tpu.memory_space<vmem>>
      %dma_start3A_56 = arith.constant 0 : i32
      %dma_start3A_57 = arith.constant 0 : i32
      %dma_start3A_58 = tpu.memref_slice %arg8[%dma_start3A_56, %dma_start3A_57] : memref<10240x16xf32, #tpu.memory_space<vmem_shared>> -> memref<10240x16xf32, #tpu.memory_space<vmem_shared>>
      tpu.enqueue_indirect_dma source(%arg7 : memref<125x16xf32, #tpu.memory_space<vmem>>) target(%dma_start3A_58 : memref<10240x16xf32, #tpu.memory_space<vmem_shared>>) offsets(%dma_start3A_55 : memref<125xi32, #tpu.memory_space<vmem>>) semaphore(%arg9 : memref<!tpu.dma_semaphore, #tpu.memory_space<semaphore_mem>>) {add = true}
      %mul3A_59 = arith.constant 8 : i32
      %mul3A_60 = arith.muli %scan3A_9, %mul3A_59 : i32
      %add3A_61 = arith.constant 5 : i32
      %add3A_62 = arith.addi %mul3A_60, %add3A_61 : i32
      %dma_start3A_63 = arith.constant 0 : i32
      %dma_start3A_64 = tpu.memref_slice %arg6[%add3A_62, %dma_start3A_63] : memref<80x125xi32, #tpu.memory_space<vmem>> -> memref<1x125xi32, #tpu.memory_space<vmem>>
      %dma_start3A_65 = tpu.memref_squeeze %dma_start3A_64 : memref<1x125xi32, #tpu.memory_space<vmem>> -> memref<125xi32, #tpu.memory_space<vmem>>
      %dma_start3A_66 = arith.constant 0 : i32
      %dma_start3A_67 = arith.constant 0 : i32
      %dma_start3A_68 = tpu.memref_slice %arg8[%dma_start3A_66, %dma_start3A_67] : memref<10240x16xf32, #tpu.memory_space<vmem_shared>> -> memref<10240x16xf32, #tpu.memory_space<vmem_shared>>
      tpu.enqueue_indirect_dma source(%arg7 : memref<125x16xf32, #tpu.memory_space<vmem>>) target(%dma_start3A_68 : memref<10240x16xf32, #tpu.memory_space<vmem_shared>>) offsets(%dma_start3A_65 : memref<125xi32, #tpu.memory_space<vmem>>) semaphore(%arg9 : memref<!tpu.dma_semaphore, #tpu.memory_space<semaphore_mem>>) {add = true}
      %mul3A_69 = arith.constant 8 : i32
      %mul3A_70 = arith.muli %scan3A_9, %mul3A_69 : i32
      %add3A_71 = arith.constant 6 : i32
      %add3A_72 = arith.addi %mul3A_70, %add3A_71 : i32
      %dma_start3A_73 = arith.constant 0 : i32
      %dma_start3A_74 = tpu.memref_slice %arg6[%add3A_72, %dma_start3A_73] : memref<80x125xi32, #tpu.memory_space<vmem>> -> memref<1x125xi32, #tpu.memory_space<vmem>>
      %dma_start3A_75 = tpu.memref_squeeze %dma_start3A_74 : memref<1x125xi32, #tpu.memory_space<vmem>> -> memref<125xi32, #tpu.memory_space<vmem>>
      %dma_start3A_76 = arith.constant 0 : i32
      %dma_start3A_77 = arith.constant 0 : i32
      %dma_start3A_78 = tpu.memref_slice %arg8[%dma_start3A_76, %dma_start3A_77] : memref<10240x16xf32, #tpu.memory_space<vmem_shared>> -> memref<10240x16xf32, #tpu.memory_space<vmem_shared>>
      tpu.enqueue_indirect_dma source(%arg7 : memref<125x16xf32, #tpu.memory_space<vmem>>) target(%dma_start3A_78 : memref<10240x16xf32, #tpu.memory_space<vmem_shared>>) offsets(%dma_start3A_75 : memref<125xi32, #tpu.memory_space<vmem>>) semaphore(%arg9 : memref<!tpu.dma_semaphore, #tpu.memory_space<semaphore_mem>>) {add = true}
      %mul3A_79 = arith.constant 8 : i32
      %mul3A_80 = arith.muli %scan3A_9, %mul3A_79 : i32
      %add3A_81 = arith.constant 7 : i32
      %add3A_82 = arith.addi %mul3A_80, %add3A_81 : i32
      %dma_start3A_83 = arith.constant 0 : i32
      %dma_start3A_84 = tpu.memref_slice %arg6[%add3A_82, %dma_start3A_83] : memref<80x125xi32, #tpu.memory_space<vmem>> -> memref<1x125xi32, #tpu.memory_space<vmem>>
      %dma_start3A_85 = tpu.memref_squeeze %dma_start3A_84 : memref<1x125xi32, #tpu.memory_space<vmem>> -> memref<125xi32, #tpu.memory_space<vmem>>
      %dma_start3A_86 = arith.constant 0 : i32
      %dma_start3A_87 = arith.constant 0 : i32
      %dma_start3A_88 = tpu.memref_slice %arg8[%dma_start3A_86, %dma_start3A_87] : memref<10240x16xf32, #tpu.memory_space<vmem_shared>> -> memref<10240x16xf32, #tpu.memory_space<vmem_shared>>
      tpu.enqueue_indirect_dma source(%arg7 : memref<125x16xf32, #tpu.memory_space<vmem>>) target(%dma_start3A_88 : memref<10240x16xf32, #tpu.memory_space<vmem_shared>>) offsets(%dma_start3A_85 : memref<125xi32, #tpu.memory_space<vmem>>) semaphore(%arg9 : memref<!tpu.dma_semaphore, #tpu.memory_space<semaphore_mem>>) {add = true}
      %mul3A_89 = arith.constant 8 : i32
      %mul3A_90 = arith.muli %scan3A_9, %mul3A_89 : i32
      %add3A_91 = arith.constant 0 : i32
      %add3A_92 = arith.addi %mul3A_90, %add3A_91 : i32
      %dma_wait3A = arith.constant 0 : i32
      %dma_wait3A_93 = tpu.memref_slice %arg6[%add3A_92, %dma_wait3A] : memref<80x125xi32, #tpu.memory_space<vmem>> -> memref<1x125xi32, #tpu.memory_space<vmem>>
      %dma_wait3A_94 = tpu.memref_squeeze %dma_wait3A_93 : memref<1x125xi32, #tpu.memory_space<vmem>> -> memref<125xi32, #tpu.memory_space<vmem>>
      %dma_wait3A_95 = arith.constant 0 : i32
      %dma_wait3A_96 = arith.constant 0 : i32
      %dma_wait3A_97 = tpu.memref_slice %arg8[%dma_wait3A_95, %dma_wait3A_96] : memref<10240x16xf32, #tpu.memory_space<vmem_shared>> -> memref<10240x16xf32, #tpu.memory_space<vmem_shared>>
      tpu.wait_indirect_dma semaphore(%arg9 : memref<!tpu.dma_semaphore, #tpu.memory_space<semaphore_mem>>) src(%arg7 : memref<125x16xf32, #tpu.memory_space<vmem>>) dst(%dma_wait3A_97 : memref<10240x16xf32, #tpu.memory_space<vmem_shared>>)
      %mul3A_98 = arith.constant 8 : i32
      %mul3A_99 = arith.muli %scan3A_9, %mul3A_98 : i32
      %add3A_100 = arith.constant 1 : i32
      %add3A_101 = arith.addi %mul3A_99, %add3A_100 : i32
      %dma_wait3A_102 = arith.constant 0 : i32
      %dma_wait3A_103 = tpu.memref_slice %arg6[%add3A_101, %dma_wait3A_102] : memref<80x125xi32, #tpu.memory_space<vmem>> -> memref<1x125xi32, #tpu.memory_space<vmem>>
      %dma_wait3A_104 = tpu.memref_squeeze %dma_wait3A_103 : memref<1x125xi32, #tpu.memory_space<vmem>> -> memref<125xi32, #tpu.memory_space<vmem>>
      %dma_wait3A_105 = arith.constant 0 : i32
      %dma_wait3A_106 = arith.constant 0 : i32
      %dma_wait3A_107 = tpu.memref_slice %arg8[%dma_wait3A_105, %dma_wait3A_106] : memref<10240x16xf32, #tpu.memory_space<vmem_shared>> -> memref<10240x16xf32, #tpu.memory_space<vmem_shared>>
      tpu.wait_indirect_dma semaphore(%arg9 : memref<!tpu.dma_semaphore, #tpu.memory_space<semaphore_mem>>) src(%arg7 : memref<125x16xf32, #tpu.memory_space<vmem>>) dst(%dma_wait3A_107 : memref<10240x16xf32, #tpu.memory_space<vmem_shared>>)
      %mul3A_108 = arith.constant 8 : i32
      %mul3A_109 = arith.muli %scan3A_9, %mul3A_108 : i32
      %add3A_110 = arith.constant 2 : i32
      %add3A_111 = arith.addi %mul3A_109, %add3A_110 : i32
      %dma_wait3A_112 = arith.constant 0 : i32
      %dma_wait3A_113 = tpu.memref_slice %arg6[%add3A_111, %dma_wait3A_112] : memref<80x125xi32, #tpu.memory_space<vmem>> -> memref<1x125xi32, #tpu.memory_space<vmem>>
      %dma_wait3A_114 = tpu.memref_squeeze %dma_wait3A_113 : memref<1x125xi32, #tpu.memory_space<vmem>> -> memref<125xi32, #tpu.memory_space<vmem>>
      %dma_wait3A_115 = arith.constant 0 : i32
      %dma_wait3A_116 = arith.constant 0 : i32
      %dma_wait3A_117 = tpu.memref_slice %arg8[%dma_wait3A_115, %dma_wait3A_116] : memref<10240x16xf32, #tpu.memory_space<vmem_shared>> -> memref<10240x16xf32, #tpu.memory_space<vmem_shared>>
      tpu.wait_indirect_dma semaphore(%arg9 : memref<!tpu.dma_semaphore, #tpu.memory_space<semaphore_mem>>) src(%arg7 : memref<125x16xf32, #tpu.memory_space<vmem>>) dst(%dma_wait3A_117 : memref<10240x16xf32, #tpu.memory_space<vmem_shared>>)
      %mul3A_118 = arith.constant 8 : i32
      %mul3A_119 = arith.muli %scan3A_9, %mul3A_118 : i32
      %add3A_120 = arith.constant 3 : i32
      %add3A_121 = arith.addi %mul3A_119, %add3A_120 : i32
      %dma_wait3A_122 = arith.constant 0 : i32
      %dma_wait3A_123 = tpu.memref_slice %arg6[%add3A_121, %dma_wait3A_122] : memref<80x125xi32, #tpu.memory_space<vmem>> -> memref<1x125xi32, #tpu.memory_space<vmem>>
      %dma_wait3A_124 = tpu.memref_squeeze %dma_wait3A_123 : memref<1x125xi32, #tpu.memory_space<vmem>> -> memref<125xi32, #tpu.memory_space<vmem>>
      %dma_wait3A_125 = arith.constant 0 : i32
      %dma_wait3A_126 = arith.constant 0 : i32
      %dma_wait3A_127 = tpu.memref_slice %arg8[%dma_wait3A_125, %dma_wait3A_126] : memref<10240x16xf32, #tpu.memory_space<vmem_shared>> -> memref<10240x16xf32, #tpu.memory_space<vmem_shared>>
      tpu.wait_indirect_dma semaphore(%arg9 : memref<!tpu.dma_semaphore, #tpu.memory_space<semaphore_mem>>) src(%arg7 : memref<125x16xf32, #tpu.memory_space<vmem>>) dst(%dma_wait3A_127 : memref<10240x16xf32, #tpu.memory_space<vmem_shared>>)
      %mul3A_128 = arith.constant 8 : i32
      %mul3A_129 = arith.muli %scan3A_9, %mul3A_128 : i32
      %add3A_130 = arith.constant 4 : i32
      %add3A_131 = arith.addi %mul3A_129, %add3A_130 : i32
      %dma_wait3A_132 = arith.constant 0 : i32
      %dma_wait3A_133 = tpu.memref_slice %arg6[%add3A_131, %dma_wait3A_132] : memref<80x125xi32, #tpu.memory_space<vmem>> -> memref<1x125xi32, #tpu.memory_space<vmem>>
      %dma_wait3A_134 = tpu.memref_squeeze %dma_wait3A_133 : memref<1x125xi32, #tpu.memory_space<vmem>> -> memref<125xi32, #tpu.memory_space<vmem>>
      %dma_wait3A_135 = arith.constant 0 : i32
      %dma_wait3A_136 = arith.constant 0 : i32
      %dma_wait3A_137 = tpu.memref_slice %arg8[%dma_wait3A_135, %dma_wait3A_136] : memref<10240x16xf32, #tpu.memory_space<vmem_shared>> -> memref<10240x16xf32, #tpu.memory_space<vmem_shared>>
      tpu.wait_indirect_dma semaphore(%arg9 : memref<!tpu.dma_semaphore, #tpu.memory_space<semaphore_mem>>) src(%arg7 : memref<125x16xf32, #tpu.memory_space<vmem>>) dst(%dma_wait3A_137 : memref<10240x16xf32, #tpu.memory_space<vmem_shared>>)
      %mul3A_138 = arith.constant 8 : i32
      %mul3A_139 = arith.muli %scan3A_9, %mul3A_138 : i32
      %add3A_140 = arith.constant 5 : i32
      %add3A_141 = arith.addi %mul3A_139, %add3A_140 : i32
      %dma_wait3A_142 = arith.constant 0 : i32
      %dma_wait3A_143 = tpu.memref_slice %arg6[%add3A_141, %dma_wait3A_142] : memref<80x125xi32, #tpu.memory_space<vmem>> -> memref<1x125xi32, #tpu.memory_space<vmem>>
      %dma_wait3A_144 = tpu.memref_squeeze %dma_wait3A_143 : memref<1x125xi32, #tpu.memory_space<vmem>> -> memref<125xi32, #tpu.memory_space<vmem>>
      %dma_wait3A_145 = arith.constant 0 : i32
      %dma_wait3A_146 = arith.constant 0 : i32
      %dma_wait3A_147 = tpu.memref_slice %arg8[%dma_wait3A_145, %dma_wait3A_146] : memref<10240x16xf32, #tpu.memory_space<vmem_shared>> -> memref<10240x16xf32, #tpu.memory_space<vmem_shared>>
      tpu.wait_indirect_dma semaphore(%arg9 : memref<!tpu.dma_semaphore, #tpu.memory_space<semaphore_mem>>) src(%arg7 : memref<125x16xf32, #tpu.memory_space<vmem>>) dst(%dma_wait3A_147 : memref<10240x16xf32, #tpu.memory_space<vmem_shared>>)
      %mul3A_148 = arith.constant 8 : i32
      %mul3A_149 = arith.muli %scan3A_9, %mul3A_148 : i32
      %add3A_150 = arith.constant 6 : i32
      %add3A_151 = arith.addi %mul3A_149, %add3A_150 : i32
      %dma_wait3A_152 = arith.constant 0 : i32
      %dma_wait3A_153 = tpu.memref_slice %arg6[%add3A_151, %dma_wait3A_152] : memref<80x125xi32, #tpu.memory_space<vmem>> -> memref<1x125xi32, #tpu.memory_space<vmem>>
      %dma_wait3A_154 = tpu.memref_squeeze %dma_wait3A_153 : memref<1x125xi32, #tpu.memory_space<vmem>> -> memref<125xi32, #tpu.memory_space<vmem>>
      %dma_wait3A_155 = arith.constant 0 : i32
      %dma_wait3A_156 = arith.constant 0 : i32
      %dma_wait3A_157 = tpu.memref_slice %arg8[%dma_wait3A_155, %dma_wait3A_156] : memref<10240x16xf32, #tpu.memory_space<vmem_shared>> -> memref<10240x16xf32, #tpu.memory_space<vmem_shared>>
      tpu.wait_indirect_dma semaphore(%arg9 : memref<!tpu.dma_semaphore, #tpu.memory_space<semaphore_mem>>) src(%arg7 : memref<125x16xf32, #tpu.memory_space<vmem>>) dst(%dma_wait3A_157 : memref<10240x16xf32, #tpu.memory_space<vmem_shared>>)
      %mul3A_158 = arith.constant 8 : i32
      %mul3A_159 = arith.muli %scan3A_9, %mul3A_158 : i32
      %add3A_160 = arith.constant 7 : i32
      %add3A_161 = arith.addi %mul3A_159, %add3A_160 : i32
      %dma_wait3A_162 = arith.constant 0 : i32
      %dma_wait3A_163 = tpu.memref_slice %arg6[%add3A_161, %dma_wait3A_162] : memref<80x125xi32, #tpu.memory_space<vmem>> -> memref<1x125xi32, #tpu.memory_space<vmem>>
      %dma_wait3A_164 = tpu.memref_squeeze %dma_wait3A_163 : memref<1x125xi32, #tpu.memory_space<vmem>> -> memref<125xi32, #tpu.memory_space<vmem>>
      %dma_wait3A_165 = arith.constant 0 : i32
      %dma_wait3A_166 = arith.constant 0 : i32
      %dma_wait3A_167 = tpu.memref_slice %arg8[%dma_wait3A_165, %dma_wait3A_166] : memref<10240x16xf32, #tpu.memory_space<vmem_shared>> -> memref<10240x16xf32, #tpu.memory_space<vmem_shared>>
      tpu.wait_indirect_dma semaphore(%arg9 : memref<!tpu.dma_semaphore, #tpu.memory_space<semaphore_mem>>) src(%arg7 : memref<125x16xf32, #tpu.memory_space<vmem>>) dst(%dma_wait3A_167 : memref<10240x16xf32, #tpu.memory_space<vmem_shared>>)
    }
    %scan3A_7 = arith.constant 10 : i32
    %barrier3A_8 = arith.constant 0 : index
    tpu.barrier barrier_id(%barrier3A_8)
    "tpu.region"() ({
      %run_scoped3A = tpu.sem_alloc : memref<!tpu.dma_semaphore, #tpu.memory_space<semaphore_mem>>
      %dma_start3A = arith.constant 0 : i32
      %dma_start3A_9 = tpu.memref_slice %arg5[%arg0, %mul3A_2, %dma_start3A] : memref<2x10240x16xf32, #tpu.memory_space<hbm>> -> memref<1x640x16xf32, #tpu.memory_space<hbm>>
      %dma_start3A_10 = tpu.memref_squeeze %dma_start3A_9 : memref<1x640x16xf32, #tpu.memory_space<hbm>> -> memref<640x16xf32, #tpu.memory_space<hbm>>
      %dma_start3A_11 = arith.constant 0 : i32
      %dma_start3A_12 = tpu.memref_slice %arg8[%mul3A_2, %dma_start3A_11] : memref<10240x16xf32, #tpu.memory_space<vmem_shared>> -> memref<640x16xf32, #tpu.memory_space<vmem_shared>>
      tpu.enqueue_dma source(%dma_start3A_12 : memref<640x16xf32, #tpu.memory_space<vmem_shared>>) target(%dma_start3A_10 : memref<640x16xf32, #tpu.memory_space<hbm>>) target_semaphore(%run_scoped3A : memref<!tpu.dma_semaphore, #tpu.memory_space<semaphore_mem>>)
      %dma_wait3A = arith.constant 0 : i32
      %dma_wait3A_13 = tpu.memref_slice %arg5[%arg0, %mul3A_2, %dma_wait3A] : memref<2x10240x16xf32, #tpu.memory_space<hbm>> -> memref<1x640x16xf32, #tpu.memory_space<hbm>>
      %dma_wait3A_14 = tpu.memref_squeeze %dma_wait3A_13 : memref<1x640x16xf32, #tpu.memory_space<hbm>> -> memref<640x16xf32, #tpu.memory_space<hbm>>
      %dma_wait3A_15 = arith.constant 0 : i32
      %dma_wait3A_16 = tpu.memref_slice %arg8[%mul3A_2, %dma_wait3A_15] : memref<10240x16xf32, #tpu.memory_space<vmem_shared>> -> memref<640x16xf32, #tpu.memory_space<vmem_shared>>
      tpu.wait_dma2 semaphore(%run_scoped3A : memref<!tpu.dma_semaphore, #tpu.memory_space<semaphore_mem>>) src(%dma_wait3A_16 : memref<640x16xf32, #tpu.memory_space<vmem_shared>>) dst(%dma_wait3A_14 : memref<640x16xf32, #tpu.memory_space<hbm>>)
      tpu.yield
    }) : () -> ()
    return
  }
}

#map = affine_map<(d0, d1) -> (0, 0)>
#map1 = affine_map<(d0, d1) -> (0, 0, 0)>
module attributes {stable_mosaic.version = 14 : i64} {
  func.func @gcn_edges1_sc(%arg0: i32, %arg1: i32, %arg2: memref<10240x16xf32, #tpu.memory_space<hbm>>, %arg3: memref<32x80x125xi32, #tpu.memory_space<hbm>>, %arg4: memref<32x80x125xi32, #tpu.memory_space<hbm>>, %arg5: memref<640x16xf32, #tpu.memory_space<hbm>>, %arg6: memref<2x10240x16xf32, #tpu.memory_space<hbm>>, %arg7: memref<80x125xi32, #tpu.memory_space<vmem>>, %arg8: memref<80x125xi32, #tpu.memory_space<vmem>>, %arg9: memref<3x8x125x16xf32, #tpu.memory_space<vmem>>, %arg10: memref<10240x16xf32, #tpu.memory_space<vmem_shared>>, %arg11: memref<10240x16xf32, #tpu.memory_space<vmem_shared>>, %arg12: memref<!tpu.dma_semaphore, #tpu.memory_space<semaphore_mem>>, %arg13: memref<!tpu.dma_semaphore, #tpu.memory_space<semaphore_mem>>) attributes {dimension_semantics = [#tpu.dimension_semantics<core_parallel>, #tpu.dimension_semantics<subcore_parallel>], iteration_bounds = array<i64: 2, 16>, scalar_prefetch = 0 : i64, scratch_operands = 7 : i64, tpu.core_type = #tpu.core_type<sc_vector_subcore>, window_params = [{transform_indices = #map}, {transform_indices = #map1}, {transform_indices = #map1}, {transform_indices = #map}, {transform_indices = #map1}]} {
    %mul3A = arith.constant 2 : i32
    %mul3A_0 = arith.muli %arg1, %mul3A : i32
    %add3A = arith.addi %mul3A_0, %arg0 : i32
    %mul3A_1 = arith.constant 640 : i32
    %mul3A_2 = arith.muli %arg1, %mul3A_1 : i32
    "tpu.region"() ({
      %run_scoped3A = tpu.sem_alloc : memref<!tpu.dma_semaphore, #tpu.memory_space<semaphore_mem>>
      %dma_start3A_230 = arith.constant 0 : i32
      %dma_start3A_231 = tpu.memref_slice %arg10[%mul3A_2, %dma_start3A_230] : memref<10240x16xf32, #tpu.memory_space<vmem_shared>> -> memref<640x16xf32, #tpu.memory_space<vmem_shared>>
      %dma_start3A_232 = arith.constant 0 : i32
      %dma_start3A_233 = tpu.memref_slice %arg2[%mul3A_2, %dma_start3A_232] : memref<10240x16xf32, #tpu.memory_space<hbm>> -> memref<640x16xf32, #tpu.memory_space<hbm>>
      tpu.enqueue_dma source(%dma_start3A_233 : memref<640x16xf32, #tpu.memory_space<hbm>>) target(%dma_start3A_231 : memref<640x16xf32, #tpu.memory_space<vmem_shared>>) target_semaphore(%run_scoped3A : memref<!tpu.dma_semaphore, #tpu.memory_space<semaphore_mem>>)
      %dma_wait3A_234 = arith.constant 0 : i32
      %dma_wait3A_235 = tpu.memref_slice %arg10[%mul3A_2, %dma_wait3A_234] : memref<10240x16xf32, #tpu.memory_space<vmem_shared>> -> memref<640x16xf32, #tpu.memory_space<vmem_shared>>
      %dma_wait3A_236 = arith.constant 0 : i32
      %dma_wait3A_237 = tpu.memref_slice %arg2[%mul3A_2, %dma_wait3A_236] : memref<10240x16xf32, #tpu.memory_space<hbm>> -> memref<640x16xf32, #tpu.memory_space<hbm>>
      tpu.wait_dma2 semaphore(%run_scoped3A : memref<!tpu.dma_semaphore, #tpu.memory_space<semaphore_mem>>) src(%dma_wait3A_237 : memref<640x16xf32, #tpu.memory_space<hbm>>) dst(%dma_wait3A_235 : memref<640x16xf32, #tpu.memory_space<vmem_shared>>)
      tpu.yield
    }) : () -> ()
    "tpu.region"() ({
      %run_scoped3A = tpu.sem_alloc : memref<!tpu.dma_semaphore, #tpu.memory_space<semaphore_mem>>
      %dma_start3A_230 = arith.constant 0 : i32
      %dma_start3A_231 = tpu.memref_slice %arg11[%mul3A_2, %dma_start3A_230] : memref<10240x16xf32, #tpu.memory_space<vmem_shared>> -> memref<640x16xf32, #tpu.memory_space<vmem_shared>>
      tpu.enqueue_dma source(%arg5 : memref<640x16xf32, #tpu.memory_space<hbm>>) target(%dma_start3A_231 : memref<640x16xf32, #tpu.memory_space<vmem_shared>>) target_semaphore(%run_scoped3A : memref<!tpu.dma_semaphore, #tpu.memory_space<semaphore_mem>>)
      %dma_wait3A_232 = arith.constant 0 : i32
      %dma_wait3A_233 = tpu.memref_slice %arg11[%mul3A_2, %dma_wait3A_232] : memref<10240x16xf32, #tpu.memory_space<vmem_shared>> -> memref<640x16xf32, #tpu.memory_space<vmem_shared>>
      tpu.wait_dma2 semaphore(%run_scoped3A : memref<!tpu.dma_semaphore, #tpu.memory_space<semaphore_mem>>) src(%arg5 : memref<640x16xf32, #tpu.memory_space<hbm>>) dst(%dma_wait3A_233 : memref<640x16xf32, #tpu.memory_space<vmem_shared>>)
      tpu.yield
    }) : () -> ()
    "tpu.region"() ({
      %run_scoped3A = tpu.sem_alloc : memref<!tpu.dma_semaphore, #tpu.memory_space<semaphore_mem>>
      %dma_start3A_230 = arith.constant 0 : i32
      %dma_start3A_231 = arith.constant 0 : i32
      %dma_start3A_232 = tpu.memref_slice %arg3[%add3A, %dma_start3A_230, %dma_start3A_231] : memref<32x80x125xi32, #tpu.memory_space<hbm>> -> memref<1x80x125xi32, #tpu.memory_space<hbm>>
      %dma_start3A_233 = tpu.memref_squeeze %dma_start3A_232 : memref<1x80x125xi32, #tpu.memory_space<hbm>> -> memref<80x125xi32, #tpu.memory_space<hbm>>
      %dma_start3A_234 = arith.constant 0 : i32
      %dma_start3A_235 = arith.constant 0 : i32
      %dma_start3A_236 = tpu.memref_slice %arg3[%add3A, %dma_start3A_234, %dma_start3A_235] : memref<32x80x125xi32, #tpu.memory_space<hbm>> -> memref<1x80x125xi32, #tpu.memory_space<hbm>>
      %dma_start3A_237 = tpu.memref_squeeze %dma_start3A_236 : memref<1x80x125xi32, #tpu.memory_space<hbm>> -> memref<80x125xi32, #tpu.memory_space<hbm>>
      tpu.enqueue_dma source(%dma_start3A_237 : memref<80x125xi32, #tpu.memory_space<hbm>>) target(%arg7 : memref<80x125xi32, #tpu.memory_space<vmem>>) target_semaphore(%run_scoped3A : memref<!tpu.dma_semaphore, #tpu.memory_space<semaphore_mem>>)
      %dma_wait3A_238 = arith.constant 0 : i32
      %dma_wait3A_239 = arith.constant 0 : i32
      %dma_wait3A_240 = tpu.memref_slice %arg3[%add3A, %dma_wait3A_238, %dma_wait3A_239] : memref<32x80x125xi32, #tpu.memory_space<hbm>> -> memref<1x80x125xi32, #tpu.memory_space<hbm>>
      %dma_wait3A_241 = tpu.memref_squeeze %dma_wait3A_240 : memref<1x80x125xi32, #tpu.memory_space<hbm>> -> memref<80x125xi32, #tpu.memory_space<hbm>>
      %dma_wait3A_242 = arith.constant 0 : i32
      %dma_wait3A_243 = arith.constant 0 : i32
      %dma_wait3A_244 = tpu.memref_slice %arg3[%add3A, %dma_wait3A_242, %dma_wait3A_243] : memref<32x80x125xi32, #tpu.memory_space<hbm>> -> memref<1x80x125xi32, #tpu.memory_space<hbm>>
      %dma_wait3A_245 = tpu.memref_squeeze %dma_wait3A_244 : memref<1x80x125xi32, #tpu.memory_space<hbm>> -> memref<80x125xi32, #tpu.memory_space<hbm>>
      tpu.wait_dma2 semaphore(%run_scoped3A : memref<!tpu.dma_semaphore, #tpu.memory_space<semaphore_mem>>) src(%dma_wait3A_245 : memref<80x125xi32, #tpu.memory_space<hbm>>) dst(%arg7 : memref<80x125xi32, #tpu.memory_space<vmem>>)
      tpu.yield
    }) : () -> ()
    "tpu.region"() ({
      %run_scoped3A = tpu.sem_alloc : memref<!tpu.dma_semaphore, #tpu.memory_space<semaphore_mem>>
      %dma_start3A_230 = arith.constant 0 : i32
      %dma_start3A_231 = arith.constant 0 : i32
      %dma_start3A_232 = tpu.memref_slice %arg4[%add3A, %dma_start3A_230, %dma_start3A_231] : memref<32x80x125xi32, #tpu.memory_space<hbm>> -> memref<1x80x125xi32, #tpu.memory_space<hbm>>
      %dma_start3A_233 = tpu.memref_squeeze %dma_start3A_232 : memref<1x80x125xi32, #tpu.memory_space<hbm>> -> memref<80x125xi32, #tpu.memory_space<hbm>>
      %dma_start3A_234 = arith.constant 0 : i32
      %dma_start3A_235 = arith.constant 0 : i32
      %dma_start3A_236 = tpu.memref_slice %arg4[%add3A, %dma_start3A_234, %dma_start3A_235] : memref<32x80x125xi32, #tpu.memory_space<hbm>> -> memref<1x80x125xi32, #tpu.memory_space<hbm>>
      %dma_start3A_237 = tpu.memref_squeeze %dma_start3A_236 : memref<1x80x125xi32, #tpu.memory_space<hbm>> -> memref<80x125xi32, #tpu.memory_space<hbm>>
      tpu.enqueue_dma source(%dma_start3A_237 : memref<80x125xi32, #tpu.memory_space<hbm>>) target(%arg8 : memref<80x125xi32, #tpu.memory_space<vmem>>) target_semaphore(%run_scoped3A : memref<!tpu.dma_semaphore, #tpu.memory_space<semaphore_mem>>)
      %dma_wait3A_238 = arith.constant 0 : i32
      %dma_wait3A_239 = arith.constant 0 : i32
      %dma_wait3A_240 = tpu.memref_slice %arg4[%add3A, %dma_wait3A_238, %dma_wait3A_239] : memref<32x80x125xi32, #tpu.memory_space<hbm>> -> memref<1x80x125xi32, #tpu.memory_space<hbm>>
      %dma_wait3A_241 = tpu.memref_squeeze %dma_wait3A_240 : memref<1x80x125xi32, #tpu.memory_space<hbm>> -> memref<80x125xi32, #tpu.memory_space<hbm>>
      %dma_wait3A_242 = arith.constant 0 : i32
      %dma_wait3A_243 = arith.constant 0 : i32
      %dma_wait3A_244 = tpu.memref_slice %arg4[%add3A, %dma_wait3A_242, %dma_wait3A_243] : memref<32x80x125xi32, #tpu.memory_space<hbm>> -> memref<1x80x125xi32, #tpu.memory_space<hbm>>
      %dma_wait3A_245 = tpu.memref_squeeze %dma_wait3A_244 : memref<1x80x125xi32, #tpu.memory_space<hbm>> -> memref<80x125xi32, #tpu.memory_space<hbm>>
      tpu.wait_dma2 semaphore(%run_scoped3A : memref<!tpu.dma_semaphore, #tpu.memory_space<semaphore_mem>>) src(%dma_wait3A_245 : memref<80x125xi32, #tpu.memory_space<hbm>>) dst(%arg8 : memref<80x125xi32, #tpu.memory_space<vmem>>)
      tpu.yield
    }) : () -> ()
    %barrier3A = arith.constant 0 : index
    tpu.barrier barrier_id(%barrier3A)
    %dma_start3A = arith.constant 0 : i32
    %dma_start3A_3 = arith.constant 0 : i32
    %dma_start3A_4 = arith.constant 0 : i32
    %dma_start3A_5 = arith.constant 0 : i32
    %dma_start3A_6 = arith.constant 0 : i32
    %dma_start3A_7 = tpu.memref_slice %arg9[%dma_start3A_3, %dma_start3A_4, %dma_start3A_5, %dma_start3A_6] : memref<3x8x125x16xf32, #tpu.memory_space<vmem>> -> memref<1x1x125x16xf32, #tpu.memory_space<vmem>>
    %dma_start3A_8 = tpu.memref_squeeze %dma_start3A_7 : memref<1x1x125x16xf32, #tpu.memory_space<vmem>> -> memref<125x16xf32, #tpu.memory_space<vmem>>
    %dma_start3A_9 = arith.constant 0 : i32
    %dma_start3A_10 = tpu.memref_slice %arg7[%dma_start3A, %dma_start3A_9] : memref<80x125xi32, #tpu.memory_space<vmem>> -> memref<1x125xi32, #tpu.memory_space<vmem>>
    %dma_start3A_11 = tpu.memref_squeeze %dma_start3A_10 : memref<1x125xi32, #tpu.memory_space<vmem>> -> memref<125xi32, #tpu.memory_space<vmem>>
    %dma_start3A_12 = arith.constant 0 : i32
    %dma_start3A_13 = arith.constant 0 : i32
    %dma_start3A_14 = tpu.memref_slice %arg10[%dma_start3A_12, %dma_start3A_13] : memref<10240x16xf32, #tpu.memory_space<vmem_shared>> -> memref<10240x16xf32, #tpu.memory_space<vmem_shared>>
    tpu.enqueue_indirect_dma source(%dma_start3A_14 : memref<10240x16xf32, #tpu.memory_space<vmem_shared>>) target(%dma_start3A_8 : memref<125x16xf32, #tpu.memory_space<vmem>>) offsets(%dma_start3A_11 : memref<125xi32, #tpu.memory_space<vmem>>) semaphore(%arg12 : memref<!tpu.dma_semaphore, #tpu.memory_space<semaphore_mem>>)
    %dma_start3A_15 = arith.constant 1 : i32
    %dma_start3A_16 = arith.constant 0 : i32
    %dma_start3A_17 = arith.constant 1 : i32
    %dma_start3A_18 = arith.constant 0 : i32
    %dma_start3A_19 = arith.constant 0 : i32
    %dma_start3A_20 = tpu.memref_slice %arg9[%dma_start3A_16, %dma_start3A_17, %dma_start3A_18, %dma_start3A_19] : memref<3x8x125x16xf32, #tpu.memory_space<vmem>> -> memref<1x1x125x16xf32, #tpu.memory_space<vmem>>
    %dma_start3A_21 = tpu.memref_squeeze %dma_start3A_20 : memref<1x1x125x16xf32, #tpu.memory_space<vmem>> -> memref<125x16xf32, #tpu.memory_space<vmem>>
    %dma_start3A_22 = arith.constant 0 : i32
    %dma_start3A_23 = tpu.memref_slice %arg7[%dma_start3A_15, %dma_start3A_22] : memref<80x125xi32, #tpu.memory_space<vmem>> -> memref<1x125xi32, #tpu.memory_space<vmem>>
    %dma_start3A_24 = tpu.memref_squeeze %dma_start3A_23 : memref<1x125xi32, #tpu.memory_space<vmem>> -> memref<125xi32, #tpu.memory_space<vmem>>
    %dma_start3A_25 = arith.constant 0 : i32
    %dma_start3A_26 = arith.constant 0 : i32
    %dma_start3A_27 = tpu.memref_slice %arg10[%dma_start3A_25, %dma_start3A_26] : memref<10240x16xf32, #tpu.memory_space<vmem_shared>> -> memref<10240x16xf32, #tpu.memory_space<vmem_shared>>
    tpu.enqueue_indirect_dma source(%dma_start3A_27 : memref<10240x16xf32, #tpu.memory_space<vmem_shared>>) target(%dma_start3A_21 : memref<125x16xf32, #tpu.memory_space<vmem>>) offsets(%dma_start3A_24 : memref<125xi32, #tpu.memory_space<vmem>>) semaphore(%arg12 : memref<!tpu.dma_semaphore, #tpu.memory_space<semaphore_mem>>)
    %dma_start3A_28 = arith.constant 2 : i32
    %dma_start3A_29 = arith.constant 0 : i32
    %dma_start3A_30 = arith.constant 2 : i32
    %dma_start3A_31 = arith.constant 0 : i32
    %dma_start3A_32 = arith.constant 0 : i32
    %dma_start3A_33 = tpu.memref_slice %arg9[%dma_start3A_29, %dma_start3A_30, %dma_start3A_31, %dma_start3A_32] : memref<3x8x125x16xf32, #tpu.memory_space<vmem>> -> memref<1x1x125x16xf32, #tpu.memory_space<vmem>>
    %dma_start3A_34 = tpu.memref_squeeze %dma_start3A_33 : memref<1x1x125x16xf32, #tpu.memory_space<vmem>> -> memref<125x16xf32, #tpu.memory_space<vmem>>
    %dma_start3A_35 = arith.constant 0 : i32
    %dma_start3A_36 = tpu.memref_slice %arg7[%dma_start3A_28, %dma_start3A_35] : memref<80x125xi32, #tpu.memory_space<vmem>> -> memref<1x125xi32, #tpu.memory_space<vmem>>
    %dma_start3A_37 = tpu.memref_squeeze %dma_start3A_36 : memref<1x125xi32, #tpu.memory_space<vmem>> -> memref<125xi32, #tpu.memory_space<vmem>>
    %dma_start3A_38 = arith.constant 0 : i32
    %dma_start3A_39 = arith.constant 0 : i32
    %dma_start3A_40 = tpu.memref_slice %arg10[%dma_start3A_38, %dma_start3A_39] : memref<10240x16xf32, #tpu.memory_space<vmem_shared>> -> memref<10240x16xf32, #tpu.memory_space<vmem_shared>>
    tpu.enqueue_indirect_dma source(%dma_start3A_40 : memref<10240x16xf32, #tpu.memory_space<vmem_shared>>) target(%dma_start3A_34 : memref<125x16xf32, #tpu.memory_space<vmem>>) offsets(%dma_start3A_37 : memref<125xi32, #tpu.memory_space<vmem>>) semaphore(%arg12 : memref<!tpu.dma_semaphore, #tpu.memory_space<semaphore_mem>>)
    %dma_start3A_41 = arith.constant 3 : i32
    %dma_start3A_42 = arith.constant 0 : i32
    %dma_start3A_43 = arith.constant 3 : i32
    %dma_start3A_44 = arith.constant 0 : i32
    %dma_start3A_45 = arith.constant 0 : i32
    %dma_start3A_46 = tpu.memref_slice %arg9[%dma_start3A_42, %dma_start3A_43, %dma_start3A_44, %dma_start3A_45] : memref<3x8x125x16xf32, #tpu.memory_space<vmem>> -> memref<1x1x125x16xf32, #tpu.memory_space<vmem>>
    %dma_start3A_47 = tpu.memref_squeeze %dma_start3A_46 : memref<1x1x125x16xf32, #tpu.memory_space<vmem>> -> memref<125x16xf32, #tpu.memory_space<vmem>>
    %dma_start3A_48 = arith.constant 0 : i32
    %dma_start3A_49 = tpu.memref_slice %arg7[%dma_start3A_41, %dma_start3A_48] : memref<80x125xi32, #tpu.memory_space<vmem>> -> memref<1x125xi32, #tpu.memory_space<vmem>>
    %dma_start3A_50 = tpu.memref_squeeze %dma_start3A_49 : memref<1x125xi32, #tpu.memory_space<vmem>> -> memref<125xi32, #tpu.memory_space<vmem>>
    %dma_start3A_51 = arith.constant 0 : i32
    %dma_start3A_52 = arith.constant 0 : i32
    %dma_start3A_53 = tpu.memref_slice %arg10[%dma_start3A_51, %dma_start3A_52] : memref<10240x16xf32, #tpu.memory_space<vmem_shared>> -> memref<10240x16xf32, #tpu.memory_space<vmem_shared>>
    tpu.enqueue_indirect_dma source(%dma_start3A_53 : memref<10240x16xf32, #tpu.memory_space<vmem_shared>>) target(%dma_start3A_47 : memref<125x16xf32, #tpu.memory_space<vmem>>) offsets(%dma_start3A_50 : memref<125xi32, #tpu.memory_space<vmem>>) semaphore(%arg12 : memref<!tpu.dma_semaphore, #tpu.memory_space<semaphore_mem>>)
    %dma_start3A_54 = arith.constant 4 : i32
    %dma_start3A_55 = arith.constant 0 : i32
    %dma_start3A_56 = arith.constant 4 : i32
    %dma_start3A_57 = arith.constant 0 : i32
    %dma_start3A_58 = arith.constant 0 : i32
    %dma_start3A_59 = tpu.memref_slice %arg9[%dma_start3A_55, %dma_start3A_56, %dma_start3A_57, %dma_start3A_58] : memref<3x8x125x16xf32, #tpu.memory_space<vmem>> -> memref<1x1x125x16xf32, #tpu.memory_space<vmem>>
    %dma_start3A_60 = tpu.memref_squeeze %dma_start3A_59 : memref<1x1x125x16xf32, #tpu.memory_space<vmem>> -> memref<125x16xf32, #tpu.memory_space<vmem>>
    %dma_start3A_61 = arith.constant 0 : i32
    %dma_start3A_62 = tpu.memref_slice %arg7[%dma_start3A_54, %dma_start3A_61] : memref<80x125xi32, #tpu.memory_space<vmem>> -> memref<1x125xi32, #tpu.memory_space<vmem>>
    %dma_start3A_63 = tpu.memref_squeeze %dma_start3A_62 : memref<1x125xi32, #tpu.memory_space<vmem>> -> memref<125xi32, #tpu.memory_space<vmem>>
    %dma_start3A_64 = arith.constant 0 : i32
    %dma_start3A_65 = arith.constant 0 : i32
    %dma_start3A_66 = tpu.memref_slice %arg10[%dma_start3A_64, %dma_start3A_65] : memref<10240x16xf32, #tpu.memory_space<vmem_shared>> -> memref<10240x16xf32, #tpu.memory_space<vmem_shared>>
    tpu.enqueue_indirect_dma source(%dma_start3A_66 : memref<10240x16xf32, #tpu.memory_space<vmem_shared>>) target(%dma_start3A_60 : memref<125x16xf32, #tpu.memory_space<vmem>>) offsets(%dma_start3A_63 : memref<125xi32, #tpu.memory_space<vmem>>) semaphore(%arg12 : memref<!tpu.dma_semaphore, #tpu.memory_space<semaphore_mem>>)
    %dma_start3A_67 = arith.constant 5 : i32
    %dma_start3A_68 = arith.constant 0 : i32
    %dma_start3A_69 = arith.constant 5 : i32
    %dma_start3A_70 = arith.constant 0 : i32
    %dma_start3A_71 = arith.constant 0 : i32
    %dma_start3A_72 = tpu.memref_slice %arg9[%dma_start3A_68, %dma_start3A_69, %dma_start3A_70, %dma_start3A_71] : memref<3x8x125x16xf32, #tpu.memory_space<vmem>> -> memref<1x1x125x16xf32, #tpu.memory_space<vmem>>
    %dma_start3A_73 = tpu.memref_squeeze %dma_start3A_72 : memref<1x1x125x16xf32, #tpu.memory_space<vmem>> -> memref<125x16xf32, #tpu.memory_space<vmem>>
    %dma_start3A_74 = arith.constant 0 : i32
    %dma_start3A_75 = tpu.memref_slice %arg7[%dma_start3A_67, %dma_start3A_74] : memref<80x125xi32, #tpu.memory_space<vmem>> -> memref<1x125xi32, #tpu.memory_space<vmem>>
    %dma_start3A_76 = tpu.memref_squeeze %dma_start3A_75 : memref<1x125xi32, #tpu.memory_space<vmem>> -> memref<125xi32, #tpu.memory_space<vmem>>
    %dma_start3A_77 = arith.constant 0 : i32
    %dma_start3A_78 = arith.constant 0 : i32
    %dma_start3A_79 = tpu.memref_slice %arg10[%dma_start3A_77, %dma_start3A_78] : memref<10240x16xf32, #tpu.memory_space<vmem_shared>> -> memref<10240x16xf32, #tpu.memory_space<vmem_shared>>
    tpu.enqueue_indirect_dma source(%dma_start3A_79 : memref<10240x16xf32, #tpu.memory_space<vmem_shared>>) target(%dma_start3A_73 : memref<125x16xf32, #tpu.memory_space<vmem>>) offsets(%dma_start3A_76 : memref<125xi32, #tpu.memory_space<vmem>>) semaphore(%arg12 : memref<!tpu.dma_semaphore, #tpu.memory_space<semaphore_mem>>)
    %dma_start3A_80 = arith.constant 6 : i32
    %dma_start3A_81 = arith.constant 0 : i32
    %dma_start3A_82 = arith.constant 6 : i32
    %dma_start3A_83 = arith.constant 0 : i32
    %dma_start3A_84 = arith.constant 0 : i32
    %dma_start3A_85 = tpu.memref_slice %arg9[%dma_start3A_81, %dma_start3A_82, %dma_start3A_83, %dma_start3A_84] : memref<3x8x125x16xf32, #tpu.memory_space<vmem>> -> memref<1x1x125x16xf32, #tpu.memory_space<vmem>>
    %dma_start3A_86 = tpu.memref_squeeze %dma_start3A_85 : memref<1x1x125x16xf32, #tpu.memory_space<vmem>> -> memref<125x16xf32, #tpu.memory_space<vmem>>
    %dma_start3A_87 = arith.constant 0 : i32
    %dma_start3A_88 = tpu.memref_slice %arg7[%dma_start3A_80, %dma_start3A_87] : memref<80x125xi32, #tpu.memory_space<vmem>> -> memref<1x125xi32, #tpu.memory_space<vmem>>
    %dma_start3A_89 = tpu.memref_squeeze %dma_start3A_88 : memref<1x125xi32, #tpu.memory_space<vmem>> -> memref<125xi32, #tpu.memory_space<vmem>>
    %dma_start3A_90 = arith.constant 0 : i32
    %dma_start3A_91 = arith.constant 0 : i32
    %dma_start3A_92 = tpu.memref_slice %arg10[%dma_start3A_90, %dma_start3A_91] : memref<10240x16xf32, #tpu.memory_space<vmem_shared>> -> memref<10240x16xf32, #tpu.memory_space<vmem_shared>>
    tpu.enqueue_indirect_dma source(%dma_start3A_92 : memref<10240x16xf32, #tpu.memory_space<vmem_shared>>) target(%dma_start3A_86 : memref<125x16xf32, #tpu.memory_space<vmem>>) offsets(%dma_start3A_89 : memref<125xi32, #tpu.memory_space<vmem>>) semaphore(%arg12 : memref<!tpu.dma_semaphore, #tpu.memory_space<semaphore_mem>>)
    %dma_start3A_93 = arith.constant 7 : i32
    %dma_start3A_94 = arith.constant 0 : i32
    %dma_start3A_95 = arith.constant 7 : i32
    %dma_start3A_96 = arith.constant 0 : i32
    %dma_start3A_97 = arith.constant 0 : i32
    %dma_start3A_98 = tpu.memref_slice %arg9[%dma_start3A_94, %dma_start3A_95, %dma_start3A_96, %dma_start3A_97] : memref<3x8x125x16xf32, #tpu.memory_space<vmem>> -> memref<1x1x125x16xf32, #tpu.memory_space<vmem>>
    %dma_start3A_99 = tpu.memref_squeeze %dma_start3A_98 : memref<1x1x125x16xf32, #tpu.memory_space<vmem>> -> memref<125x16xf32, #tpu.memory_space<vmem>>
    %dma_start3A_100 = arith.constant 0 : i32
    %dma_start3A_101 = tpu.memref_slice %arg7[%dma_start3A_93, %dma_start3A_100] : memref<80x125xi32, #tpu.memory_space<vmem>> -> memref<1x125xi32, #tpu.memory_space<vmem>>
    %dma_start3A_102 = tpu.memref_squeeze %dma_start3A_101 : memref<1x125xi32, #tpu.memory_space<vmem>> -> memref<125xi32, #tpu.memory_space<vmem>>
    %dma_start3A_103 = arith.constant 0 : i32
    %dma_start3A_104 = arith.constant 0 : i32
    %dma_start3A_105 = tpu.memref_slice %arg10[%dma_start3A_103, %dma_start3A_104] : memref<10240x16xf32, #tpu.memory_space<vmem_shared>> -> memref<10240x16xf32, #tpu.memory_space<vmem_shared>>
    tpu.enqueue_indirect_dma source(%dma_start3A_105 : memref<10240x16xf32, #tpu.memory_space<vmem_shared>>) target(%dma_start3A_99 : memref<125x16xf32, #tpu.memory_space<vmem>>) offsets(%dma_start3A_102 : memref<125xi32, #tpu.memory_space<vmem>>) semaphore(%arg12 : memref<!tpu.dma_semaphore, #tpu.memory_space<semaphore_mem>>)
    %scan3A = arith.constant 0 : i32
    %scan3A_106 = arith.constant 0 : i32
    %scan3A_107 = arith.constant 10 : i32
    %scan3A_108 = arith.addi %scan3A_106, %scan3A_107 : i32
    %scan3A_109 = arith.constant 1 : i32
    scf.for %scan3A_230 = %scan3A_106 to %scan3A_108 step %scan3A_109  : i32 {
      %rem3A_231 = arith.constant 3 : i32
      %rem3A_232 = arith.remsi %scan3A_230, %rem3A_231 : i32
      %add3A_233 = arith.constant 1 : i32
      %add3A_234 = arith.addi %scan3A_230, %add3A_233 : i32
      %rem3A_235 = arith.constant 3 : i32
      %rem3A_236 = arith.remsi %add3A_234, %rem3A_235 : i32
      %add3A_237 = arith.constant 1 : i32
      %add3A_238 = arith.addi %scan3A_230, %add3A_237 : i32
      %lt3A = arith.constant 10 : i32
      %lt3A_239 = arith.cmpi slt, %add3A_238, %lt3A : i32
      %convert_element_type3A = arith.extui %lt3A_239 : i1 to i32
      %cond3A = arith.constant 0 : i32
      %cond3A_240 = arith.cmpi ne, %convert_element_type3A, %cond3A : i32
      scf.if %cond3A_240 {
        %add3A_453 = arith.constant 1 : i32
        %add3A_454 = arith.addi %scan3A_230, %add3A_453 : i32
        %mul3A_455 = arith.constant 8 : i32
        %mul3A_456 = arith.muli %add3A_454, %mul3A_455 : i32
        %add3A_457 = arith.constant 0 : i32
        %add3A_458 = arith.addi %mul3A_456, %add3A_457 : i32
        %dma_start3A_459 = arith.constant 0 : i32
        %dma_start3A_460 = arith.constant 0 : i32
        %dma_start3A_461 = arith.constant 0 : i32
        %dma_start3A_462 = tpu.memref_slice %arg9[%rem3A_236, %dma_start3A_459, %dma_start3A_460, %dma_start3A_461] : memref<3x8x125x16xf32, #tpu.memory_space<vmem>> -> memref<1x1x125x16xf32, #tpu.memory_space<vmem>>
        %dma_start3A_463 = tpu.memref_squeeze %dma_start3A_462 : memref<1x1x125x16xf32, #tpu.memory_space<vmem>> -> memref<125x16xf32, #tpu.memory_space<vmem>>
        %dma_start3A_464 = arith.constant 0 : i32
        %dma_start3A_465 = tpu.memref_slice %arg7[%add3A_458, %dma_start3A_464] : memref<80x125xi32, #tpu.memory_space<vmem>> -> memref<1x125xi32, #tpu.memory_space<vmem>>
        %dma_start3A_466 = tpu.memref_squeeze %dma_start3A_465 : memref<1x125xi32, #tpu.memory_space<vmem>> -> memref<125xi32, #tpu.memory_space<vmem>>
        %dma_start3A_467 = arith.constant 0 : i32
        %dma_start3A_468 = arith.constant 0 : i32
        %dma_start3A_469 = tpu.memref_slice %arg10[%dma_start3A_467, %dma_start3A_468] : memref<10240x16xf32, #tpu.memory_space<vmem_shared>> -> memref<10240x16xf32, #tpu.memory_space<vmem_shared>>
        tpu.enqueue_indirect_dma source(%dma_start3A_469 : memref<10240x16xf32, #tpu.memory_space<vmem_shared>>) target(%dma_start3A_463 : memref<125x16xf32, #tpu.memory_space<vmem>>) offsets(%dma_start3A_466 : memref<125xi32, #tpu.memory_space<vmem>>) semaphore(%arg12 : memref<!tpu.dma_semaphore, #tpu.memory_space<semaphore_mem>>)
        %add3A_470 = arith.constant 1 : i32
        %add3A_471 = arith.addi %scan3A_230, %add3A_470 : i32
        %mul3A_472 = arith.constant 8 : i32
        %mul3A_473 = arith.muli %add3A_471, %mul3A_472 : i32
        %add3A_474 = arith.constant 1 : i32
        %add3A_475 = arith.addi %mul3A_473, %add3A_474 : i32
        %dma_start3A_476 = arith.constant 1 : i32
        %dma_start3A_477 = arith.constant 0 : i32
        %dma_start3A_478 = arith.constant 0 : i32
        %dma_start3A_479 = tpu.memref_slice %arg9[%rem3A_236, %dma_start3A_476, %dma_start3A_477, %dma_start3A_478] : memref<3x8x125x16xf32, #tpu.memory_space<vmem>> -> memref<1x1x125x16xf32, #tpu.memory_space<vmem>>
        %dma_start3A_480 = tpu.memref_squeeze %dma_start3A_479 : memref<1x1x125x16xf32, #tpu.memory_space<vmem>> -> memref<125x16xf32, #tpu.memory_space<vmem>>
        %dma_start3A_481 = arith.constant 0 : i32
        %dma_start3A_482 = tpu.memref_slice %arg7[%add3A_475, %dma_start3A_481] : memref<80x125xi32, #tpu.memory_space<vmem>> -> memref<1x125xi32, #tpu.memory_space<vmem>>
        %dma_start3A_483 = tpu.memref_squeeze %dma_start3A_482 : memref<1x125xi32, #tpu.memory_space<vmem>> -> memref<125xi32, #tpu.memory_space<vmem>>
        %dma_start3A_484 = arith.constant 0 : i32
        %dma_start3A_485 = arith.constant 0 : i32
        %dma_start3A_486 = tpu.memref_slice %arg10[%dma_start3A_484, %dma_start3A_485] : memref<10240x16xf32, #tpu.memory_space<vmem_shared>> -> memref<10240x16xf32, #tpu.memory_space<vmem_shared>>
        tpu.enqueue_indirect_dma source(%dma_start3A_486 : memref<10240x16xf32, #tpu.memory_space<vmem_shared>>) target(%dma_start3A_480 : memref<125x16xf32, #tpu.memory_space<vmem>>) offsets(%dma_start3A_483 : memref<125xi32, #tpu.memory_space<vmem>>) semaphore(%arg12 : memref<!tpu.dma_semaphore, #tpu.memory_space<semaphore_mem>>)
        %add3A_487 = arith.constant 1 : i32
        %add3A_488 = arith.addi %scan3A_230, %add3A_487 : i32
        %mul3A_489 = arith.constant 8 : i32
        %mul3A_490 = arith.muli %add3A_488, %mul3A_489 : i32
        %add3A_491 = arith.constant 2 : i32
        %add3A_492 = arith.addi %mul3A_490, %add3A_491 : i32
        %dma_start3A_493 = arith.constant 2 : i32
        %dma_start3A_494 = arith.constant 0 : i32
        %dma_start3A_495 = arith.constant 0 : i32
        %dma_start3A_496 = tpu.memref_slice %arg9[%rem3A_236, %dma_start3A_493, %dma_start3A_494, %dma_start3A_495] : memref<3x8x125x16xf32, #tpu.memory_space<vmem>> -> memref<1x1x125x16xf32, #tpu.memory_space<vmem>>
        %dma_start3A_497 = tpu.memref_squeeze %dma_start3A_496 : memref<1x1x125x16xf32, #tpu.memory_space<vmem>> -> memref<125x16xf32, #tpu.memory_space<vmem>>
        %dma_start3A_498 = arith.constant 0 : i32
        %dma_start3A_499 = tpu.memref_slice %arg7[%add3A_492, %dma_start3A_498] : memref<80x125xi32, #tpu.memory_space<vmem>> -> memref<1x125xi32, #tpu.memory_space<vmem>>
        %dma_start3A_500 = tpu.memref_squeeze %dma_start3A_499 : memref<1x125xi32, #tpu.memory_space<vmem>> -> memref<125xi32, #tpu.memory_space<vmem>>
        %dma_start3A_501 = arith.constant 0 : i32
        %dma_start3A_502 = arith.constant 0 : i32
        %dma_start3A_503 = tpu.memref_slice %arg10[%dma_start3A_501, %dma_start3A_502] : memref<10240x16xf32, #tpu.memory_space<vmem_shared>> -> memref<10240x16xf32, #tpu.memory_space<vmem_shared>>
        tpu.enqueue_indirect_dma source(%dma_start3A_503 : memref<10240x16xf32, #tpu.memory_space<vmem_shared>>) target(%dma_start3A_497 : memref<125x16xf32, #tpu.memory_space<vmem>>) offsets(%dma_start3A_500 : memref<125xi32, #tpu.memory_space<vmem>>) semaphore(%arg12 : memref<!tpu.dma_semaphore, #tpu.memory_space<semaphore_mem>>)
        %add3A_504 = arith.constant 1 : i32
        %add3A_505 = arith.addi %scan3A_230, %add3A_504 : i32
        %mul3A_506 = arith.constant 8 : i32
        %mul3A_507 = arith.muli %add3A_505, %mul3A_506 : i32
        %add3A_508 = arith.constant 3 : i32
        %add3A_509 = arith.addi %mul3A_507, %add3A_508 : i32
        %dma_start3A_510 = arith.constant 3 : i32
        %dma_start3A_511 = arith.constant 0 : i32
        %dma_start3A_512 = arith.constant 0 : i32
        %dma_start3A_513 = tpu.memref_slice %arg9[%rem3A_236, %dma_start3A_510, %dma_start3A_511, %dma_start3A_512] : memref<3x8x125x16xf32, #tpu.memory_space<vmem>> -> memref<1x1x125x16xf32, #tpu.memory_space<vmem>>
        %dma_start3A_514 = tpu.memref_squeeze %dma_start3A_513 : memref<1x1x125x16xf32, #tpu.memory_space<vmem>> -> memref<125x16xf32, #tpu.memory_space<vmem>>
        %dma_start3A_515 = arith.constant 0 : i32
        %dma_start3A_516 = tpu.memref_slice %arg7[%add3A_509, %dma_start3A_515] : memref<80x125xi32, #tpu.memory_space<vmem>> -> memref<1x125xi32, #tpu.memory_space<vmem>>
        %dma_start3A_517 = tpu.memref_squeeze %dma_start3A_516 : memref<1x125xi32, #tpu.memory_space<vmem>> -> memref<125xi32, #tpu.memory_space<vmem>>
        %dma_start3A_518 = arith.constant 0 : i32
        %dma_start3A_519 = arith.constant 0 : i32
        %dma_start3A_520 = tpu.memref_slice %arg10[%dma_start3A_518, %dma_start3A_519] : memref<10240x16xf32, #tpu.memory_space<vmem_shared>> -> memref<10240x16xf32, #tpu.memory_space<vmem_shared>>
        tpu.enqueue_indirect_dma source(%dma_start3A_520 : memref<10240x16xf32, #tpu.memory_space<vmem_shared>>) target(%dma_start3A_514 : memref<125x16xf32, #tpu.memory_space<vmem>>) offsets(%dma_start3A_517 : memref<125xi32, #tpu.memory_space<vmem>>) semaphore(%arg12 : memref<!tpu.dma_semaphore, #tpu.memory_space<semaphore_mem>>)
        %add3A_521 = arith.constant 1 : i32
        %add3A_522 = arith.addi %scan3A_230, %add3A_521 : i32
        %mul3A_523 = arith.constant 8 : i32
        %mul3A_524 = arith.muli %add3A_522, %mul3A_523 : i32
        %add3A_525 = arith.constant 4 : i32
        %add3A_526 = arith.addi %mul3A_524, %add3A_525 : i32
        %dma_start3A_527 = arith.constant 4 : i32
        %dma_start3A_528 = arith.constant 0 : i32
        %dma_start3A_529 = arith.constant 0 : i32
        %dma_start3A_530 = tpu.memref_slice %arg9[%rem3A_236, %dma_start3A_527, %dma_start3A_528, %dma_start3A_529] : memref<3x8x125x16xf32, #tpu.memory_space<vmem>> -> memref<1x1x125x16xf32, #tpu.memory_space<vmem>>
        %dma_start3A_531 = tpu.memref_squeeze %dma_start3A_530 : memref<1x1x125x16xf32, #tpu.memory_space<vmem>> -> memref<125x16xf32, #tpu.memory_space<vmem>>
        %dma_start3A_532 = arith.constant 0 : i32
        %dma_start3A_533 = tpu.memref_slice %arg7[%add3A_526, %dma_start3A_532] : memref<80x125xi32, #tpu.memory_space<vmem>> -> memref<1x125xi32, #tpu.memory_space<vmem>>
        %dma_start3A_534 = tpu.memref_squeeze %dma_start3A_533 : memref<1x125xi32, #tpu.memory_space<vmem>> -> memref<125xi32, #tpu.memory_space<vmem>>
        %dma_start3A_535 = arith.constant 0 : i32
        %dma_start3A_536 = arith.constant 0 : i32
        %dma_start3A_537 = tpu.memref_slice %arg10[%dma_start3A_535, %dma_start3A_536] : memref<10240x16xf32, #tpu.memory_space<vmem_shared>> -> memref<10240x16xf32, #tpu.memory_space<vmem_shared>>
        tpu.enqueue_indirect_dma source(%dma_start3A_537 : memref<10240x16xf32, #tpu.memory_space<vmem_shared>>) target(%dma_start3A_531 : memref<125x16xf32, #tpu.memory_space<vmem>>) offsets(%dma_start3A_534 : memref<125xi32, #tpu.memory_space<vmem>>) semaphore(%arg12 : memref<!tpu.dma_semaphore, #tpu.memory_space<semaphore_mem>>)
        %add3A_538 = arith.constant 1 : i32
        %add3A_539 = arith.addi %scan3A_230, %add3A_538 : i32
        %mul3A_540 = arith.constant 8 : i32
        %mul3A_541 = arith.muli %add3A_539, %mul3A_540 : i32
        %add3A_542 = arith.constant 5 : i32
        %add3A_543 = arith.addi %mul3A_541, %add3A_542 : i32
        %dma_start3A_544 = arith.constant 5 : i32
        %dma_start3A_545 = arith.constant 0 : i32
        %dma_start3A_546 = arith.constant 0 : i32
        %dma_start3A_547 = tpu.memref_slice %arg9[%rem3A_236, %dma_start3A_544, %dma_start3A_545, %dma_start3A_546] : memref<3x8x125x16xf32, #tpu.memory_space<vmem>> -> memref<1x1x125x16xf32, #tpu.memory_space<vmem>>
        %dma_start3A_548 = tpu.memref_squeeze %dma_start3A_547 : memref<1x1x125x16xf32, #tpu.memory_space<vmem>> -> memref<125x16xf32, #tpu.memory_space<vmem>>
        %dma_start3A_549 = arith.constant 0 : i32
        %dma_start3A_550 = tpu.memref_slice %arg7[%add3A_543, %dma_start3A_549] : memref<80x125xi32, #tpu.memory_space<vmem>> -> memref<1x125xi32, #tpu.memory_space<vmem>>
        %dma_start3A_551 = tpu.memref_squeeze %dma_start3A_550 : memref<1x125xi32, #tpu.memory_space<vmem>> -> memref<125xi32, #tpu.memory_space<vmem>>
        %dma_start3A_552 = arith.constant 0 : i32
        %dma_start3A_553 = arith.constant 0 : i32
        %dma_start3A_554 = tpu.memref_slice %arg10[%dma_start3A_552, %dma_start3A_553] : memref<10240x16xf32, #tpu.memory_space<vmem_shared>> -> memref<10240x16xf32, #tpu.memory_space<vmem_shared>>
        tpu.enqueue_indirect_dma source(%dma_start3A_554 : memref<10240x16xf32, #tpu.memory_space<vmem_shared>>) target(%dma_start3A_548 : memref<125x16xf32, #tpu.memory_space<vmem>>) offsets(%dma_start3A_551 : memref<125xi32, #tpu.memory_space<vmem>>) semaphore(%arg12 : memref<!tpu.dma_semaphore, #tpu.memory_space<semaphore_mem>>)
        %add3A_555 = arith.constant 1 : i32
        %add3A_556 = arith.addi %scan3A_230, %add3A_555 : i32
        %mul3A_557 = arith.constant 8 : i32
        %mul3A_558 = arith.muli %add3A_556, %mul3A_557 : i32
        %add3A_559 = arith.constant 6 : i32
        %add3A_560 = arith.addi %mul3A_558, %add3A_559 : i32
        %dma_start3A_561 = arith.constant 6 : i32
        %dma_start3A_562 = arith.constant 0 : i32
        %dma_start3A_563 = arith.constant 0 : i32
        %dma_start3A_564 = tpu.memref_slice %arg9[%rem3A_236, %dma_start3A_561, %dma_start3A_562, %dma_start3A_563] : memref<3x8x125x16xf32, #tpu.memory_space<vmem>> -> memref<1x1x125x16xf32, #tpu.memory_space<vmem>>
        %dma_start3A_565 = tpu.memref_squeeze %dma_start3A_564 : memref<1x1x125x16xf32, #tpu.memory_space<vmem>> -> memref<125x16xf32, #tpu.memory_space<vmem>>
        %dma_start3A_566 = arith.constant 0 : i32
        %dma_start3A_567 = tpu.memref_slice %arg7[%add3A_560, %dma_start3A_566] : memref<80x125xi32, #tpu.memory_space<vmem>> -> memref<1x125xi32, #tpu.memory_space<vmem>>
        %dma_start3A_568 = tpu.memref_squeeze %dma_start3A_567 : memref<1x125xi32, #tpu.memory_space<vmem>> -> memref<125xi32, #tpu.memory_space<vmem>>
        %dma_start3A_569 = arith.constant 0 : i32
        %dma_start3A_570 = arith.constant 0 : i32
        %dma_start3A_571 = tpu.memref_slice %arg10[%dma_start3A_569, %dma_start3A_570] : memref<10240x16xf32, #tpu.memory_space<vmem_shared>> -> memref<10240x16xf32, #tpu.memory_space<vmem_shared>>
        tpu.enqueue_indirect_dma source(%dma_start3A_571 : memref<10240x16xf32, #tpu.memory_space<vmem_shared>>) target(%dma_start3A_565 : memref<125x16xf32, #tpu.memory_space<vmem>>) offsets(%dma_start3A_568 : memref<125xi32, #tpu.memory_space<vmem>>) semaphore(%arg12 : memref<!tpu.dma_semaphore, #tpu.memory_space<semaphore_mem>>)
        %add3A_572 = arith.constant 1 : i32
        %add3A_573 = arith.addi %scan3A_230, %add3A_572 : i32
        %mul3A_574 = arith.constant 8 : i32
        %mul3A_575 = arith.muli %add3A_573, %mul3A_574 : i32
        %add3A_576 = arith.constant 7 : i32
        %add3A_577 = arith.addi %mul3A_575, %add3A_576 : i32
        %dma_start3A_578 = arith.constant 7 : i32
        %dma_start3A_579 = arith.constant 0 : i32
        %dma_start3A_580 = arith.constant 0 : i32
        %dma_start3A_581 = tpu.memref_slice %arg9[%rem3A_236, %dma_start3A_578, %dma_start3A_579, %dma_start3A_580] : memref<3x8x125x16xf32, #tpu.memory_space<vmem>> -> memref<1x1x125x16xf32, #tpu.memory_space<vmem>>
        %dma_start3A_582 = tpu.memref_squeeze %dma_start3A_581 : memref<1x1x125x16xf32, #tpu.memory_space<vmem>> -> memref<125x16xf32, #tpu.memory_space<vmem>>
        %dma_start3A_583 = arith.constant 0 : i32
        %dma_start3A_584 = tpu.memref_slice %arg7[%add3A_577, %dma_start3A_583] : memref<80x125xi32, #tpu.memory_space<vmem>> -> memref<1x125xi32, #tpu.memory_space<vmem>>
        %dma_start3A_585 = tpu.memref_squeeze %dma_start3A_584 : memref<1x125xi32, #tpu.memory_space<vmem>> -> memref<125xi32, #tpu.memory_space<vmem>>
        %dma_start3A_586 = arith.constant 0 : i32
        %dma_start3A_587 = arith.constant 0 : i32
        %dma_start3A_588 = tpu.memref_slice %arg10[%dma_start3A_586, %dma_start3A_587] : memref<10240x16xf32, #tpu.memory_space<vmem_shared>> -> memref<10240x16xf32, #tpu.memory_space<vmem_shared>>
        tpu.enqueue_indirect_dma source(%dma_start3A_588 : memref<10240x16xf32, #tpu.memory_space<vmem_shared>>) target(%dma_start3A_582 : memref<125x16xf32, #tpu.memory_space<vmem>>) offsets(%dma_start3A_585 : memref<125xi32, #tpu.memory_space<vmem>>) semaphore(%arg12 : memref<!tpu.dma_semaphore, #tpu.memory_space<semaphore_mem>>)
      } else {
      }
      %mul3A_241 = arith.constant 8 : i32
      %mul3A_242 = arith.muli %scan3A_230, %mul3A_241 : i32
      %add3A_243 = arith.constant 0 : i32
      %add3A_244 = arith.addi %mul3A_242, %add3A_243 : i32
      %dma_wait3A_245 = arith.constant 0 : i32
      %dma_wait3A_246 = arith.constant 0 : i32
      %dma_wait3A_247 = arith.constant 0 : i32
      %dma_wait3A_248 = tpu.memref_slice %arg9[%rem3A_232, %dma_wait3A_245, %dma_wait3A_246, %dma_wait3A_247] : memref<3x8x125x16xf32, #tpu.memory_space<vmem>> -> memref<1x1x125x16xf32, #tpu.memory_space<vmem>>
      %dma_wait3A_249 = tpu.memref_squeeze %dma_wait3A_248 : memref<1x1x125x16xf32, #tpu.memory_space<vmem>> -> memref<125x16xf32, #tpu.memory_space<vmem>>
      %dma_wait3A_250 = arith.constant 0 : i32
      %dma_wait3A_251 = tpu.memref_slice %arg7[%add3A_244, %dma_wait3A_250] : memref<80x125xi32, #tpu.memory_space<vmem>> -> memref<1x125xi32, #tpu.memory_space<vmem>>
      %dma_wait3A_252 = tpu.memref_squeeze %dma_wait3A_251 : memref<1x125xi32, #tpu.memory_space<vmem>> -> memref<125xi32, #tpu.memory_space<vmem>>
      %dma_wait3A_253 = arith.constant 0 : i32
      %dma_wait3A_254 = arith.constant 0 : i32
      %dma_wait3A_255 = tpu.memref_slice %arg10[%dma_wait3A_253, %dma_wait3A_254] : memref<10240x16xf32, #tpu.memory_space<vmem_shared>> -> memref<10240x16xf32, #tpu.memory_space<vmem_shared>>
      tpu.wait_indirect_dma semaphore(%arg12 : memref<!tpu.dma_semaphore, #tpu.memory_space<semaphore_mem>>) src(%dma_wait3A_255 : memref<10240x16xf32, #tpu.memory_space<vmem_shared>>) dst(%dma_wait3A_249 : memref<125x16xf32, #tpu.memory_space<vmem>>)
      %dma_start3A_256 = arith.constant 0 : i32
      %dma_start3A_257 = arith.constant 0 : i32
      %dma_start3A_258 = arith.constant 0 : i32
      %dma_start3A_259 = tpu.memref_slice %arg9[%rem3A_232, %dma_start3A_256, %dma_start3A_257, %dma_start3A_258] : memref<3x8x125x16xf32, #tpu.memory_space<vmem>> -> memref<1x1x125x16xf32, #tpu.memory_space<vmem>>
      %dma_start3A_260 = tpu.memref_squeeze %dma_start3A_259 : memref<1x1x125x16xf32, #tpu.memory_space<vmem>> -> memref<125x16xf32, #tpu.memory_space<vmem>>
      %dma_start3A_261 = arith.constant 0 : i32
      %dma_start3A_262 = tpu.memref_slice %arg8[%add3A_244, %dma_start3A_261] : memref<80x125xi32, #tpu.memory_space<vmem>> -> memref<1x125xi32, #tpu.memory_space<vmem>>
      %dma_start3A_263 = tpu.memref_squeeze %dma_start3A_262 : memref<1x125xi32, #tpu.memory_space<vmem>> -> memref<125xi32, #tpu.memory_space<vmem>>
      %dma_start3A_264 = arith.constant 0 : i32
      %dma_start3A_265 = arith.constant 0 : i32
      %dma_start3A_266 = tpu.memref_slice %arg11[%dma_start3A_264, %dma_start3A_265] : memref<10240x16xf32, #tpu.memory_space<vmem_shared>> -> memref<10240x16xf32, #tpu.memory_space<vmem_shared>>
      tpu.enqueue_indirect_dma source(%dma_start3A_260 : memref<125x16xf32, #tpu.memory_space<vmem>>) target(%dma_start3A_266 : memref<10240x16xf32, #tpu.memory_space<vmem_shared>>) offsets(%dma_start3A_263 : memref<125xi32, #tpu.memory_space<vmem>>) semaphore(%arg13 : memref<!tpu.dma_semaphore, #tpu.memory_space<semaphore_mem>>) {add = true}
      %mul3A_267 = arith.constant 8 : i32
      %mul3A_268 = arith.muli %scan3A_230, %mul3A_267 : i32
      %add3A_269 = arith.constant 1 : i32
      %add3A_270 = arith.addi %mul3A_268, %add3A_269 : i32
      %dma_wait3A_271 = arith.constant 1 : i32
      %dma_wait3A_272 = arith.constant 0 : i32
      %dma_wait3A_273 = arith.constant 0 : i32
      %dma_wait3A_274 = tpu.memref_slice %arg9[%rem3A_232, %dma_wait3A_271, %dma_wait3A_272, %dma_wait3A_273] : memref<3x8x125x16xf32, #tpu.memory_space<vmem>> -> memref<1x1x125x16xf32, #tpu.memory_space<vmem>>
      %dma_wait3A_275 = tpu.memref_squeeze %dma_wait3A_274 : memref<1x1x125x16xf32, #tpu.memory_space<vmem>> -> memref<125x16xf32, #tpu.memory_space<vmem>>
      %dma_wait3A_276 = arith.constant 0 : i32
      %dma_wait3A_277 = tpu.memref_slice %arg7[%add3A_270, %dma_wait3A_276] : memref<80x125xi32, #tpu.memory_space<vmem>> -> memref<1x125xi32, #tpu.memory_space<vmem>>
      %dma_wait3A_278 = tpu.memref_squeeze %dma_wait3A_277 : memref<1x125xi32, #tpu.memory_space<vmem>> -> memref<125xi32, #tpu.memory_space<vmem>>
      %dma_wait3A_279 = arith.constant 0 : i32
      %dma_wait3A_280 = arith.constant 0 : i32
      %dma_wait3A_281 = tpu.memref_slice %arg10[%dma_wait3A_279, %dma_wait3A_280] : memref<10240x16xf32, #tpu.memory_space<vmem_shared>> -> memref<10240x16xf32, #tpu.memory_space<vmem_shared>>
      tpu.wait_indirect_dma semaphore(%arg12 : memref<!tpu.dma_semaphore, #tpu.memory_space<semaphore_mem>>) src(%dma_wait3A_281 : memref<10240x16xf32, #tpu.memory_space<vmem_shared>>) dst(%dma_wait3A_275 : memref<125x16xf32, #tpu.memory_space<vmem>>)
      %dma_start3A_282 = arith.constant 1 : i32
      %dma_start3A_283 = arith.constant 0 : i32
      %dma_start3A_284 = arith.constant 0 : i32
      %dma_start3A_285 = tpu.memref_slice %arg9[%rem3A_232, %dma_start3A_282, %dma_start3A_283, %dma_start3A_284] : memref<3x8x125x16xf32, #tpu.memory_space<vmem>> -> memref<1x1x125x16xf32, #tpu.memory_space<vmem>>
      %dma_start3A_286 = tpu.memref_squeeze %dma_start3A_285 : memref<1x1x125x16xf32, #tpu.memory_space<vmem>> -> memref<125x16xf32, #tpu.memory_space<vmem>>
      %dma_start3A_287 = arith.constant 0 : i32
      %dma_start3A_288 = tpu.memref_slice %arg8[%add3A_270, %dma_start3A_287] : memref<80x125xi32, #tpu.memory_space<vmem>> -> memref<1x125xi32, #tpu.memory_space<vmem>>
      %dma_start3A_289 = tpu.memref_squeeze %dma_start3A_288 : memref<1x125xi32, #tpu.memory_space<vmem>> -> memref<125xi32, #tpu.memory_space<vmem>>
      %dma_start3A_290 = arith.constant 0 : i32
      %dma_start3A_291 = arith.constant 0 : i32
      %dma_start3A_292 = tpu.memref_slice %arg11[%dma_start3A_290, %dma_start3A_291] : memref<10240x16xf32, #tpu.memory_space<vmem_shared>> -> memref<10240x16xf32, #tpu.memory_space<vmem_shared>>
      tpu.enqueue_indirect_dma source(%dma_start3A_286 : memref<125x16xf32, #tpu.memory_space<vmem>>) target(%dma_start3A_292 : memref<10240x16xf32, #tpu.memory_space<vmem_shared>>) offsets(%dma_start3A_289 : memref<125xi32, #tpu.memory_space<vmem>>) semaphore(%arg13 : memref<!tpu.dma_semaphore, #tpu.memory_space<semaphore_mem>>) {add = true}
      %mul3A_293 = arith.constant 8 : i32
      %mul3A_294 = arith.muli %scan3A_230, %mul3A_293 : i32
      %add3A_295 = arith.constant 2 : i32
      %add3A_296 = arith.addi %mul3A_294, %add3A_295 : i32
      %dma_wait3A_297 = arith.constant 2 : i32
      %dma_wait3A_298 = arith.constant 0 : i32
      %dma_wait3A_299 = arith.constant 0 : i32
      %dma_wait3A_300 = tpu.memref_slice %arg9[%rem3A_232, %dma_wait3A_297, %dma_wait3A_298, %dma_wait3A_299] : memref<3x8x125x16xf32, #tpu.memory_space<vmem>> -> memref<1x1x125x16xf32, #tpu.memory_space<vmem>>
      %dma_wait3A_301 = tpu.memref_squeeze %dma_wait3A_300 : memref<1x1x125x16xf32, #tpu.memory_space<vmem>> -> memref<125x16xf32, #tpu.memory_space<vmem>>
      %dma_wait3A_302 = arith.constant 0 : i32
      %dma_wait3A_303 = tpu.memref_slice %arg7[%add3A_296, %dma_wait3A_302] : memref<80x125xi32, #tpu.memory_space<vmem>> -> memref<1x125xi32, #tpu.memory_space<vmem>>
      %dma_wait3A_304 = tpu.memref_squeeze %dma_wait3A_303 : memref<1x125xi32, #tpu.memory_space<vmem>> -> memref<125xi32, #tpu.memory_space<vmem>>
      %dma_wait3A_305 = arith.constant 0 : i32
      %dma_wait3A_306 = arith.constant 0 : i32
      %dma_wait3A_307 = tpu.memref_slice %arg10[%dma_wait3A_305, %dma_wait3A_306] : memref<10240x16xf32, #tpu.memory_space<vmem_shared>> -> memref<10240x16xf32, #tpu.memory_space<vmem_shared>>
      tpu.wait_indirect_dma semaphore(%arg12 : memref<!tpu.dma_semaphore, #tpu.memory_space<semaphore_mem>>) src(%dma_wait3A_307 : memref<10240x16xf32, #tpu.memory_space<vmem_shared>>) dst(%dma_wait3A_301 : memref<125x16xf32, #tpu.memory_space<vmem>>)
      %dma_start3A_308 = arith.constant 2 : i32
      %dma_start3A_309 = arith.constant 0 : i32
      %dma_start3A_310 = arith.constant 0 : i32
      %dma_start3A_311 = tpu.memref_slice %arg9[%rem3A_232, %dma_start3A_308, %dma_start3A_309, %dma_start3A_310] : memref<3x8x125x16xf32, #tpu.memory_space<vmem>> -> memref<1x1x125x16xf32, #tpu.memory_space<vmem>>
      %dma_start3A_312 = tpu.memref_squeeze %dma_start3A_311 : memref<1x1x125x16xf32, #tpu.memory_space<vmem>> -> memref<125x16xf32, #tpu.memory_space<vmem>>
      %dma_start3A_313 = arith.constant 0 : i32
      %dma_start3A_314 = tpu.memref_slice %arg8[%add3A_296, %dma_start3A_313] : memref<80x125xi32, #tpu.memory_space<vmem>> -> memref<1x125xi32, #tpu.memory_space<vmem>>
      %dma_start3A_315 = tpu.memref_squeeze %dma_start3A_314 : memref<1x125xi32, #tpu.memory_space<vmem>> -> memref<125xi32, #tpu.memory_space<vmem>>
      %dma_start3A_316 = arith.constant 0 : i32
      %dma_start3A_317 = arith.constant 0 : i32
      %dma_start3A_318 = tpu.memref_slice %arg11[%dma_start3A_316, %dma_start3A_317] : memref<10240x16xf32, #tpu.memory_space<vmem_shared>> -> memref<10240x16xf32, #tpu.memory_space<vmem_shared>>
      tpu.enqueue_indirect_dma source(%dma_start3A_312 : memref<125x16xf32, #tpu.memory_space<vmem>>) target(%dma_start3A_318 : memref<10240x16xf32, #tpu.memory_space<vmem_shared>>) offsets(%dma_start3A_315 : memref<125xi32, #tpu.memory_space<vmem>>) semaphore(%arg13 : memref<!tpu.dma_semaphore, #tpu.memory_space<semaphore_mem>>) {add = true}
      %mul3A_319 = arith.constant 8 : i32
      %mul3A_320 = arith.muli %scan3A_230, %mul3A_319 : i32
      %add3A_321 = arith.constant 3 : i32
      %add3A_322 = arith.addi %mul3A_320, %add3A_321 : i32
      %dma_wait3A_323 = arith.constant 3 : i32
      %dma_wait3A_324 = arith.constant 0 : i32
      %dma_wait3A_325 = arith.constant 0 : i32
      %dma_wait3A_326 = tpu.memref_slice %arg9[%rem3A_232, %dma_wait3A_323, %dma_wait3A_324, %dma_wait3A_325] : memref<3x8x125x16xf32, #tpu.memory_space<vmem>> -> memref<1x1x125x16xf32, #tpu.memory_space<vmem>>
      %dma_wait3A_327 = tpu.memref_squeeze %dma_wait3A_326 : memref<1x1x125x16xf32, #tpu.memory_space<vmem>> -> memref<125x16xf32, #tpu.memory_space<vmem>>
      %dma_wait3A_328 = arith.constant 0 : i32
      %dma_wait3A_329 = tpu.memref_slice %arg7[%add3A_322, %dma_wait3A_328] : memref<80x125xi32, #tpu.memory_space<vmem>> -> memref<1x125xi32, #tpu.memory_space<vmem>>
      %dma_wait3A_330 = tpu.memref_squeeze %dma_wait3A_329 : memref<1x125xi32, #tpu.memory_space<vmem>> -> memref<125xi32, #tpu.memory_space<vmem>>
      %dma_wait3A_331 = arith.constant 0 : i32
      %dma_wait3A_332 = arith.constant 0 : i32
      %dma_wait3A_333 = tpu.memref_slice %arg10[%dma_wait3A_331, %dma_wait3A_332] : memref<10240x16xf32, #tpu.memory_space<vmem_shared>> -> memref<10240x16xf32, #tpu.memory_space<vmem_shared>>
      tpu.wait_indirect_dma semaphore(%arg12 : memref<!tpu.dma_semaphore, #tpu.memory_space<semaphore_mem>>) src(%dma_wait3A_333 : memref<10240x16xf32, #tpu.memory_space<vmem_shared>>) dst(%dma_wait3A_327 : memref<125x16xf32, #tpu.memory_space<vmem>>)
      %dma_start3A_334 = arith.constant 3 : i32
      %dma_start3A_335 = arith.constant 0 : i32
      %dma_start3A_336 = arith.constant 0 : i32
      %dma_start3A_337 = tpu.memref_slice %arg9[%rem3A_232, %dma_start3A_334, %dma_start3A_335, %dma_start3A_336] : memref<3x8x125x16xf32, #tpu.memory_space<vmem>> -> memref<1x1x125x16xf32, #tpu.memory_space<vmem>>
      %dma_start3A_338 = tpu.memref_squeeze %dma_start3A_337 : memref<1x1x125x16xf32, #tpu.memory_space<vmem>> -> memref<125x16xf32, #tpu.memory_space<vmem>>
      %dma_start3A_339 = arith.constant 0 : i32
      %dma_start3A_340 = tpu.memref_slice %arg8[%add3A_322, %dma_start3A_339] : memref<80x125xi32, #tpu.memory_space<vmem>> -> memref<1x125xi32, #tpu.memory_space<vmem>>
      %dma_start3A_341 = tpu.memref_squeeze %dma_start3A_340 : memref<1x125xi32, #tpu.memory_space<vmem>> -> memref<125xi32, #tpu.memory_space<vmem>>
      %dma_start3A_342 = arith.constant 0 : i32
      %dma_start3A_343 = arith.constant 0 : i32
      %dma_start3A_344 = tpu.memref_slice %arg11[%dma_start3A_342, %dma_start3A_343] : memref<10240x16xf32, #tpu.memory_space<vmem_shared>> -> memref<10240x16xf32, #tpu.memory_space<vmem_shared>>
      tpu.enqueue_indirect_dma source(%dma_start3A_338 : memref<125x16xf32, #tpu.memory_space<vmem>>) target(%dma_start3A_344 : memref<10240x16xf32, #tpu.memory_space<vmem_shared>>) offsets(%dma_start3A_341 : memref<125xi32, #tpu.memory_space<vmem>>) semaphore(%arg13 : memref<!tpu.dma_semaphore, #tpu.memory_space<semaphore_mem>>) {add = true}
      %mul3A_345 = arith.constant 8 : i32
      %mul3A_346 = arith.muli %scan3A_230, %mul3A_345 : i32
      %add3A_347 = arith.constant 4 : i32
      %add3A_348 = arith.addi %mul3A_346, %add3A_347 : i32
      %dma_wait3A_349 = arith.constant 4 : i32
      %dma_wait3A_350 = arith.constant 0 : i32
      %dma_wait3A_351 = arith.constant 0 : i32
      %dma_wait3A_352 = tpu.memref_slice %arg9[%rem3A_232, %dma_wait3A_349, %dma_wait3A_350, %dma_wait3A_351] : memref<3x8x125x16xf32, #tpu.memory_space<vmem>> -> memref<1x1x125x16xf32, #tpu.memory_space<vmem>>
      %dma_wait3A_353 = tpu.memref_squeeze %dma_wait3A_352 : memref<1x1x125x16xf32, #tpu.memory_space<vmem>> -> memref<125x16xf32, #tpu.memory_space<vmem>>
      %dma_wait3A_354 = arith.constant 0 : i32
      %dma_wait3A_355 = tpu.memref_slice %arg7[%add3A_348, %dma_wait3A_354] : memref<80x125xi32, #tpu.memory_space<vmem>> -> memref<1x125xi32, #tpu.memory_space<vmem>>
      %dma_wait3A_356 = tpu.memref_squeeze %dma_wait3A_355 : memref<1x125xi32, #tpu.memory_space<vmem>> -> memref<125xi32, #tpu.memory_space<vmem>>
      %dma_wait3A_357 = arith.constant 0 : i32
      %dma_wait3A_358 = arith.constant 0 : i32
      %dma_wait3A_359 = tpu.memref_slice %arg10[%dma_wait3A_357, %dma_wait3A_358] : memref<10240x16xf32, #tpu.memory_space<vmem_shared>> -> memref<10240x16xf32, #tpu.memory_space<vmem_shared>>
      tpu.wait_indirect_dma semaphore(%arg12 : memref<!tpu.dma_semaphore, #tpu.memory_space<semaphore_mem>>) src(%dma_wait3A_359 : memref<10240x16xf32, #tpu.memory_space<vmem_shared>>) dst(%dma_wait3A_353 : memref<125x16xf32, #tpu.memory_space<vmem>>)
      %dma_start3A_360 = arith.constant 4 : i32
      %dma_start3A_361 = arith.constant 0 : i32
      %dma_start3A_362 = arith.constant 0 : i32
      %dma_start3A_363 = tpu.memref_slice %arg9[%rem3A_232, %dma_start3A_360, %dma_start3A_361, %dma_start3A_362] : memref<3x8x125x16xf32, #tpu.memory_space<vmem>> -> memref<1x1x125x16xf32, #tpu.memory_space<vmem>>
      %dma_start3A_364 = tpu.memref_squeeze %dma_start3A_363 : memref<1x1x125x16xf32, #tpu.memory_space<vmem>> -> memref<125x16xf32, #tpu.memory_space<vmem>>
      %dma_start3A_365 = arith.constant 0 : i32
      %dma_start3A_366 = tpu.memref_slice %arg8[%add3A_348, %dma_start3A_365] : memref<80x125xi32, #tpu.memory_space<vmem>> -> memref<1x125xi32, #tpu.memory_space<vmem>>
      %dma_start3A_367 = tpu.memref_squeeze %dma_start3A_366 : memref<1x125xi32, #tpu.memory_space<vmem>> -> memref<125xi32, #tpu.memory_space<vmem>>
      %dma_start3A_368 = arith.constant 0 : i32
      %dma_start3A_369 = arith.constant 0 : i32
      %dma_start3A_370 = tpu.memref_slice %arg11[%dma_start3A_368, %dma_start3A_369] : memref<10240x16xf32, #tpu.memory_space<vmem_shared>> -> memref<10240x16xf32, #tpu.memory_space<vmem_shared>>
      tpu.enqueue_indirect_dma source(%dma_start3A_364 : memref<125x16xf32, #tpu.memory_space<vmem>>) target(%dma_start3A_370 : memref<10240x16xf32, #tpu.memory_space<vmem_shared>>) offsets(%dma_start3A_367 : memref<125xi32, #tpu.memory_space<vmem>>) semaphore(%arg13 : memref<!tpu.dma_semaphore, #tpu.memory_space<semaphore_mem>>) {add = true}
      %mul3A_371 = arith.constant 8 : i32
      %mul3A_372 = arith.muli %scan3A_230, %mul3A_371 : i32
      %add3A_373 = arith.constant 5 : i32
      %add3A_374 = arith.addi %mul3A_372, %add3A_373 : i32
      %dma_wait3A_375 = arith.constant 5 : i32
      %dma_wait3A_376 = arith.constant 0 : i32
      %dma_wait3A_377 = arith.constant 0 : i32
      %dma_wait3A_378 = tpu.memref_slice %arg9[%rem3A_232, %dma_wait3A_375, %dma_wait3A_376, %dma_wait3A_377] : memref<3x8x125x16xf32, #tpu.memory_space<vmem>> -> memref<1x1x125x16xf32, #tpu.memory_space<vmem>>
      %dma_wait3A_379 = tpu.memref_squeeze %dma_wait3A_378 : memref<1x1x125x16xf32, #tpu.memory_space<vmem>> -> memref<125x16xf32, #tpu.memory_space<vmem>>
      %dma_wait3A_380 = arith.constant 0 : i32
      %dma_wait3A_381 = tpu.memref_slice %arg7[%add3A_374, %dma_wait3A_380] : memref<80x125xi32, #tpu.memory_space<vmem>> -> memref<1x125xi32, #tpu.memory_space<vmem>>
      %dma_wait3A_382 = tpu.memref_squeeze %dma_wait3A_381 : memref<1x125xi32, #tpu.memory_space<vmem>> -> memref<125xi32, #tpu.memory_space<vmem>>
      %dma_wait3A_383 = arith.constant 0 : i32
      %dma_wait3A_384 = arith.constant 0 : i32
      %dma_wait3A_385 = tpu.memref_slice %arg10[%dma_wait3A_383, %dma_wait3A_384] : memref<10240x16xf32, #tpu.memory_space<vmem_shared>> -> memref<10240x16xf32, #tpu.memory_space<vmem_shared>>
      tpu.wait_indirect_dma semaphore(%arg12 : memref<!tpu.dma_semaphore, #tpu.memory_space<semaphore_mem>>) src(%dma_wait3A_385 : memref<10240x16xf32, #tpu.memory_space<vmem_shared>>) dst(%dma_wait3A_379 : memref<125x16xf32, #tpu.memory_space<vmem>>)
      %dma_start3A_386 = arith.constant 5 : i32
      %dma_start3A_387 = arith.constant 0 : i32
      %dma_start3A_388 = arith.constant 0 : i32
      %dma_start3A_389 = tpu.memref_slice %arg9[%rem3A_232, %dma_start3A_386, %dma_start3A_387, %dma_start3A_388] : memref<3x8x125x16xf32, #tpu.memory_space<vmem>> -> memref<1x1x125x16xf32, #tpu.memory_space<vmem>>
      %dma_start3A_390 = tpu.memref_squeeze %dma_start3A_389 : memref<1x1x125x16xf32, #tpu.memory_space<vmem>> -> memref<125x16xf32, #tpu.memory_space<vmem>>
      %dma_start3A_391 = arith.constant 0 : i32
      %dma_start3A_392 = tpu.memref_slice %arg8[%add3A_374, %dma_start3A_391] : memref<80x125xi32, #tpu.memory_space<vmem>> -> memref<1x125xi32, #tpu.memory_space<vmem>>
      %dma_start3A_393 = tpu.memref_squeeze %dma_start3A_392 : memref<1x125xi32, #tpu.memory_space<vmem>> -> memref<125xi32, #tpu.memory_space<vmem>>
      %dma_start3A_394 = arith.constant 0 : i32
      %dma_start3A_395 = arith.constant 0 : i32
      %dma_start3A_396 = tpu.memref_slice %arg11[%dma_start3A_394, %dma_start3A_395] : memref<10240x16xf32, #tpu.memory_space<vmem_shared>> -> memref<10240x16xf32, #tpu.memory_space<vmem_shared>>
      tpu.enqueue_indirect_dma source(%dma_start3A_390 : memref<125x16xf32, #tpu.memory_space<vmem>>) target(%dma_start3A_396 : memref<10240x16xf32, #tpu.memory_space<vmem_shared>>) offsets(%dma_start3A_393 : memref<125xi32, #tpu.memory_space<vmem>>) semaphore(%arg13 : memref<!tpu.dma_semaphore, #tpu.memory_space<semaphore_mem>>) {add = true}
      %mul3A_397 = arith.constant 8 : i32
      %mul3A_398 = arith.muli %scan3A_230, %mul3A_397 : i32
      %add3A_399 = arith.constant 6 : i32
      %add3A_400 = arith.addi %mul3A_398, %add3A_399 : i32
      %dma_wait3A_401 = arith.constant 6 : i32
      %dma_wait3A_402 = arith.constant 0 : i32
      %dma_wait3A_403 = arith.constant 0 : i32
      %dma_wait3A_404 = tpu.memref_slice %arg9[%rem3A_232, %dma_wait3A_401, %dma_wait3A_402, %dma_wait3A_403] : memref<3x8x125x16xf32, #tpu.memory_space<vmem>> -> memref<1x1x125x16xf32, #tpu.memory_space<vmem>>
      %dma_wait3A_405 = tpu.memref_squeeze %dma_wait3A_404 : memref<1x1x125x16xf32, #tpu.memory_space<vmem>> -> memref<125x16xf32, #tpu.memory_space<vmem>>
      %dma_wait3A_406 = arith.constant 0 : i32
      %dma_wait3A_407 = tpu.memref_slice %arg7[%add3A_400, %dma_wait3A_406] : memref<80x125xi32, #tpu.memory_space<vmem>> -> memref<1x125xi32, #tpu.memory_space<vmem>>
      %dma_wait3A_408 = tpu.memref_squeeze %dma_wait3A_407 : memref<1x125xi32, #tpu.memory_space<vmem>> -> memref<125xi32, #tpu.memory_space<vmem>>
      %dma_wait3A_409 = arith.constant 0 : i32
      %dma_wait3A_410 = arith.constant 0 : i32
      %dma_wait3A_411 = tpu.memref_slice %arg10[%dma_wait3A_409, %dma_wait3A_410] : memref<10240x16xf32, #tpu.memory_space<vmem_shared>> -> memref<10240x16xf32, #tpu.memory_space<vmem_shared>>
      tpu.wait_indirect_dma semaphore(%arg12 : memref<!tpu.dma_semaphore, #tpu.memory_space<semaphore_mem>>) src(%dma_wait3A_411 : memref<10240x16xf32, #tpu.memory_space<vmem_shared>>) dst(%dma_wait3A_405 : memref<125x16xf32, #tpu.memory_space<vmem>>)
      %dma_start3A_412 = arith.constant 6 : i32
      %dma_start3A_413 = arith.constant 0 : i32
      %dma_start3A_414 = arith.constant 0 : i32
      %dma_start3A_415 = tpu.memref_slice %arg9[%rem3A_232, %dma_start3A_412, %dma_start3A_413, %dma_start3A_414] : memref<3x8x125x16xf32, #tpu.memory_space<vmem>> -> memref<1x1x125x16xf32, #tpu.memory_space<vmem>>
      %dma_start3A_416 = tpu.memref_squeeze %dma_start3A_415 : memref<1x1x125x16xf32, #tpu.memory_space<vmem>> -> memref<125x16xf32, #tpu.memory_space<vmem>>
      %dma_start3A_417 = arith.constant 0 : i32
      %dma_start3A_418 = tpu.memref_slice %arg8[%add3A_400, %dma_start3A_417] : memref<80x125xi32, #tpu.memory_space<vmem>> -> memref<1x125xi32, #tpu.memory_space<vmem>>
      %dma_start3A_419 = tpu.memref_squeeze %dma_start3A_418 : memref<1x125xi32, #tpu.memory_space<vmem>> -> memref<125xi32, #tpu.memory_space<vmem>>
      %dma_start3A_420 = arith.constant 0 : i32
      %dma_start3A_421 = arith.constant 0 : i32
      %dma_start3A_422 = tpu.memref_slice %arg11[%dma_start3A_420, %dma_start3A_421] : memref<10240x16xf32, #tpu.memory_space<vmem_shared>> -> memref<10240x16xf32, #tpu.memory_space<vmem_shared>>
      tpu.enqueue_indirect_dma source(%dma_start3A_416 : memref<125x16xf32, #tpu.memory_space<vmem>>) target(%dma_start3A_422 : memref<10240x16xf32, #tpu.memory_space<vmem_shared>>) offsets(%dma_start3A_419 : memref<125xi32, #tpu.memory_space<vmem>>) semaphore(%arg13 : memref<!tpu.dma_semaphore, #tpu.memory_space<semaphore_mem>>) {add = true}
      %mul3A_423 = arith.constant 8 : i32
      %mul3A_424 = arith.muli %scan3A_230, %mul3A_423 : i32
      %add3A_425 = arith.constant 7 : i32
      %add3A_426 = arith.addi %mul3A_424, %add3A_425 : i32
      %dma_wait3A_427 = arith.constant 7 : i32
      %dma_wait3A_428 = arith.constant 0 : i32
      %dma_wait3A_429 = arith.constant 0 : i32
      %dma_wait3A_430 = tpu.memref_slice %arg9[%rem3A_232, %dma_wait3A_427, %dma_wait3A_428, %dma_wait3A_429] : memref<3x8x125x16xf32, #tpu.memory_space<vmem>> -> memref<1x1x125x16xf32, #tpu.memory_space<vmem>>
      %dma_wait3A_431 = tpu.memref_squeeze %dma_wait3A_430 : memref<1x1x125x16xf32, #tpu.memory_space<vmem>> -> memref<125x16xf32, #tpu.memory_space<vmem>>
      %dma_wait3A_432 = arith.constant 0 : i32
      %dma_wait3A_433 = tpu.memref_slice %arg7[%add3A_426, %dma_wait3A_432] : memref<80x125xi32, #tpu.memory_space<vmem>> -> memref<1x125xi32, #tpu.memory_space<vmem>>
      %dma_wait3A_434 = tpu.memref_squeeze %dma_wait3A_433 : memref<1x125xi32, #tpu.memory_space<vmem>> -> memref<125xi32, #tpu.memory_space<vmem>>
      %dma_wait3A_435 = arith.constant 0 : i32
      %dma_wait3A_436 = arith.constant 0 : i32
      %dma_wait3A_437 = tpu.memref_slice %arg10[%dma_wait3A_435, %dma_wait3A_436] : memref<10240x16xf32, #tpu.memory_space<vmem_shared>> -> memref<10240x16xf32, #tpu.memory_space<vmem_shared>>
      tpu.wait_indirect_dma semaphore(%arg12 : memref<!tpu.dma_semaphore, #tpu.memory_space<semaphore_mem>>) src(%dma_wait3A_437 : memref<10240x16xf32, #tpu.memory_space<vmem_shared>>) dst(%dma_wait3A_431 : memref<125x16xf32, #tpu.memory_space<vmem>>)
      %dma_start3A_438 = arith.constant 7 : i32
      %dma_start3A_439 = arith.constant 0 : i32
      %dma_start3A_440 = arith.constant 0 : i32
      %dma_start3A_441 = tpu.memref_slice %arg9[%rem3A_232, %dma_start3A_438, %dma_start3A_439, %dma_start3A_440] : memref<3x8x125x16xf32, #tpu.memory_space<vmem>> -> memref<1x1x125x16xf32, #tpu.memory_space<vmem>>
      %dma_start3A_442 = tpu.memref_squeeze %dma_start3A_441 : memref<1x1x125x16xf32, #tpu.memory_space<vmem>> -> memref<125x16xf32, #tpu.memory_space<vmem>>
      %dma_start3A_443 = arith.constant 0 : i32
      %dma_start3A_444 = tpu.memref_slice %arg8[%add3A_426, %dma_start3A_443] : memref<80x125xi32, #tpu.memory_space<vmem>> -> memref<1x125xi32, #tpu.memory_space<vmem>>
      %dma_start3A_445 = tpu.memref_squeeze %dma_start3A_444 : memref<1x125xi32, #tpu.memory_space<vmem>> -> memref<125xi32, #tpu.memory_space<vmem>>
      %dma_start3A_446 = arith.constant 0 : i32
      %dma_start3A_447 = arith.constant 0 : i32
      %dma_start3A_448 = tpu.memref_slice %arg11[%dma_start3A_446, %dma_start3A_447] : memref<10240x16xf32, #tpu.memory_space<vmem_shared>> -> memref<10240x16xf32, #tpu.memory_space<vmem_shared>>
      tpu.enqueue_indirect_dma source(%dma_start3A_442 : memref<125x16xf32, #tpu.memory_space<vmem>>) target(%dma_start3A_448 : memref<10240x16xf32, #tpu.memory_space<vmem_shared>>) offsets(%dma_start3A_445 : memref<125xi32, #tpu.memory_space<vmem>>) semaphore(%arg13 : memref<!tpu.dma_semaphore, #tpu.memory_space<semaphore_mem>>) {add = true}
      %gt3A = arith.constant 0 : i32
      %gt3A_449 = arith.cmpi sgt, %scan3A_230, %gt3A : i32
      %convert_element_type3A_450 = arith.extui %gt3A_449 : i1 to i32
      %cond3A_451 = arith.constant 0 : i32
      %cond3A_452 = arith.cmpi ne, %convert_element_type3A_450, %cond3A_451 : i32
      scf.if %cond3A_452 {
        %sub3A = arith.constant 1 : i32
        %sub3A_453 = arith.subi %scan3A_230, %sub3A : i32
        %rem3A_454 = arith.constant 3 : i32
        %rem3A_455 = arith.remsi %sub3A_453, %rem3A_454 : i32
        %sub3A_456 = arith.constant 1 : i32
        %sub3A_457 = arith.subi %scan3A_230, %sub3A_456 : i32
        %mul3A_458 = arith.constant 8 : i32
        %mul3A_459 = arith.muli %sub3A_457, %mul3A_458 : i32
        %add3A_460 = arith.constant 0 : i32
        %add3A_461 = arith.addi %mul3A_459, %add3A_460 : i32
        %dma_wait3A_462 = arith.constant 0 : i32
        %dma_wait3A_463 = arith.constant 0 : i32
        %dma_wait3A_464 = arith.constant 0 : i32
        %dma_wait3A_465 = tpu.memref_slice %arg9[%rem3A_455, %dma_wait3A_462, %dma_wait3A_463, %dma_wait3A_464] : memref<3x8x125x16xf32, #tpu.memory_space<vmem>> -> memref<1x1x125x16xf32, #tpu.memory_space<vmem>>
        %dma_wait3A_466 = tpu.memref_squeeze %dma_wait3A_465 : memref<1x1x125x16xf32, #tpu.memory_space<vmem>> -> memref<125x16xf32, #tpu.memory_space<vmem>>
        %dma_wait3A_467 = arith.constant 0 : i32
        %dma_wait3A_468 = tpu.memref_slice %arg8[%add3A_461, %dma_wait3A_467] : memref<80x125xi32, #tpu.memory_space<vmem>> -> memref<1x125xi32, #tpu.memory_space<vmem>>
        %dma_wait3A_469 = tpu.memref_squeeze %dma_wait3A_468 : memref<1x125xi32, #tpu.memory_space<vmem>> -> memref<125xi32, #tpu.memory_space<vmem>>
        %dma_wait3A_470 = arith.constant 0 : i32
        %dma_wait3A_471 = arith.constant 0 : i32
        %dma_wait3A_472 = tpu.memref_slice %arg11[%dma_wait3A_470, %dma_wait3A_471] : memref<10240x16xf32, #tpu.memory_space<vmem_shared>> -> memref<10240x16xf32, #tpu.memory_space<vmem_shared>>
        tpu.wait_indirect_dma semaphore(%arg13 : memref<!tpu.dma_semaphore, #tpu.memory_space<semaphore_mem>>) src(%dma_wait3A_466 : memref<125x16xf32, #tpu.memory_space<vmem>>) dst(%dma_wait3A_472 : memref<10240x16xf32, #tpu.memory_space<vmem_shared>>)
        %sub3A_473 = arith.constant 1 : i32
        %sub3A_474 = arith.subi %scan3A_230, %sub3A_473 : i32
        %mul3A_475 = arith.constant 8 : i32
        %mul3A_476 = arith.muli %sub3A_474, %mul3A_475 : i32
        %add3A_477 = arith.constant 1 : i32
        %add3A_478 = arith.addi %mul3A_476, %add3A_477 : i32
        %dma_wait3A_479 = arith.constant 1 : i32
        %dma_wait3A_480 = arith.constant 0 : i32
        %dma_wait3A_481 = arith.constant 0 : i32
        %dma_wait3A_482 = tpu.memref_slice %arg9[%rem3A_455, %dma_wait3A_479, %dma_wait3A_480, %dma_wait3A_481] : memref<3x8x125x16xf32, #tpu.memory_space<vmem>> -> memref<1x1x125x16xf32, #tpu.memory_space<vmem>>
        %dma_wait3A_483 = tpu.memref_squeeze %dma_wait3A_482 : memref<1x1x125x16xf32, #tpu.memory_space<vmem>> -> memref<125x16xf32, #tpu.memory_space<vmem>>
        %dma_wait3A_484 = arith.constant 0 : i32
        %dma_wait3A_485 = tpu.memref_slice %arg8[%add3A_478, %dma_wait3A_484] : memref<80x125xi32, #tpu.memory_space<vmem>> -> memref<1x125xi32, #tpu.memory_space<vmem>>
        %dma_wait3A_486 = tpu.memref_squeeze %dma_wait3A_485 : memref<1x125xi32, #tpu.memory_space<vmem>> -> memref<125xi32, #tpu.memory_space<vmem>>
        %dma_wait3A_487 = arith.constant 0 : i32
        %dma_wait3A_488 = arith.constant 0 : i32
        %dma_wait3A_489 = tpu.memref_slice %arg11[%dma_wait3A_487, %dma_wait3A_488] : memref<10240x16xf32, #tpu.memory_space<vmem_shared>> -> memref<10240x16xf32, #tpu.memory_space<vmem_shared>>
        tpu.wait_indirect_dma semaphore(%arg13 : memref<!tpu.dma_semaphore, #tpu.memory_space<semaphore_mem>>) src(%dma_wait3A_483 : memref<125x16xf32, #tpu.memory_space<vmem>>) dst(%dma_wait3A_489 : memref<10240x16xf32, #tpu.memory_space<vmem_shared>>)
        %sub3A_490 = arith.constant 1 : i32
        %sub3A_491 = arith.subi %scan3A_230, %sub3A_490 : i32
        %mul3A_492 = arith.constant 8 : i32
        %mul3A_493 = arith.muli %sub3A_491, %mul3A_492 : i32
        %add3A_494 = arith.constant 2 : i32
        %add3A_495 = arith.addi %mul3A_493, %add3A_494 : i32
        %dma_wait3A_496 = arith.constant 2 : i32
        %dma_wait3A_497 = arith.constant 0 : i32
        %dma_wait3A_498 = arith.constant 0 : i32
        %dma_wait3A_499 = tpu.memref_slice %arg9[%rem3A_455, %dma_wait3A_496, %dma_wait3A_497, %dma_wait3A_498] : memref<3x8x125x16xf32, #tpu.memory_space<vmem>> -> memref<1x1x125x16xf32, #tpu.memory_space<vmem>>
        %dma_wait3A_500 = tpu.memref_squeeze %dma_wait3A_499 : memref<1x1x125x16xf32, #tpu.memory_space<vmem>> -> memref<125x16xf32, #tpu.memory_space<vmem>>
        %dma_wait3A_501 = arith.constant 0 : i32
        %dma_wait3A_502 = tpu.memref_slice %arg8[%add3A_495, %dma_wait3A_501] : memref<80x125xi32, #tpu.memory_space<vmem>> -> memref<1x125xi32, #tpu.memory_space<vmem>>
        %dma_wait3A_503 = tpu.memref_squeeze %dma_wait3A_502 : memref<1x125xi32, #tpu.memory_space<vmem>> -> memref<125xi32, #tpu.memory_space<vmem>>
        %dma_wait3A_504 = arith.constant 0 : i32
        %dma_wait3A_505 = arith.constant 0 : i32
        %dma_wait3A_506 = tpu.memref_slice %arg11[%dma_wait3A_504, %dma_wait3A_505] : memref<10240x16xf32, #tpu.memory_space<vmem_shared>> -> memref<10240x16xf32, #tpu.memory_space<vmem_shared>>
        tpu.wait_indirect_dma semaphore(%arg13 : memref<!tpu.dma_semaphore, #tpu.memory_space<semaphore_mem>>) src(%dma_wait3A_500 : memref<125x16xf32, #tpu.memory_space<vmem>>) dst(%dma_wait3A_506 : memref<10240x16xf32, #tpu.memory_space<vmem_shared>>)
        %sub3A_507 = arith.constant 1 : i32
        %sub3A_508 = arith.subi %scan3A_230, %sub3A_507 : i32
        %mul3A_509 = arith.constant 8 : i32
        %mul3A_510 = arith.muli %sub3A_508, %mul3A_509 : i32
        %add3A_511 = arith.constant 3 : i32
        %add3A_512 = arith.addi %mul3A_510, %add3A_511 : i32
        %dma_wait3A_513 = arith.constant 3 : i32
        %dma_wait3A_514 = arith.constant 0 : i32
        %dma_wait3A_515 = arith.constant 0 : i32
        %dma_wait3A_516 = tpu.memref_slice %arg9[%rem3A_455, %dma_wait3A_513, %dma_wait3A_514, %dma_wait3A_515] : memref<3x8x125x16xf32, #tpu.memory_space<vmem>> -> memref<1x1x125x16xf32, #tpu.memory_space<vmem>>
        %dma_wait3A_517 = tpu.memref_squeeze %dma_wait3A_516 : memref<1x1x125x16xf32, #tpu.memory_space<vmem>> -> memref<125x16xf32, #tpu.memory_space<vmem>>
        %dma_wait3A_518 = arith.constant 0 : i32
        %dma_wait3A_519 = tpu.memref_slice %arg8[%add3A_512, %dma_wait3A_518] : memref<80x125xi32, #tpu.memory_space<vmem>> -> memref<1x125xi32, #tpu.memory_space<vmem>>
        %dma_wait3A_520 = tpu.memref_squeeze %dma_wait3A_519 : memref<1x125xi32, #tpu.memory_space<vmem>> -> memref<125xi32, #tpu.memory_space<vmem>>
        %dma_wait3A_521 = arith.constant 0 : i32
        %dma_wait3A_522 = arith.constant 0 : i32
        %dma_wait3A_523 = tpu.memref_slice %arg11[%dma_wait3A_521, %dma_wait3A_522] : memref<10240x16xf32, #tpu.memory_space<vmem_shared>> -> memref<10240x16xf32, #tpu.memory_space<vmem_shared>>
        tpu.wait_indirect_dma semaphore(%arg13 : memref<!tpu.dma_semaphore, #tpu.memory_space<semaphore_mem>>) src(%dma_wait3A_517 : memref<125x16xf32, #tpu.memory_space<vmem>>) dst(%dma_wait3A_523 : memref<10240x16xf32, #tpu.memory_space<vmem_shared>>)
        %sub3A_524 = arith.constant 1 : i32
        %sub3A_525 = arith.subi %scan3A_230, %sub3A_524 : i32
        %mul3A_526 = arith.constant 8 : i32
        %mul3A_527 = arith.muli %sub3A_525, %mul3A_526 : i32
        %add3A_528 = arith.constant 4 : i32
        %add3A_529 = arith.addi %mul3A_527, %add3A_528 : i32
        %dma_wait3A_530 = arith.constant 4 : i32
        %dma_wait3A_531 = arith.constant 0 : i32
        %dma_wait3A_532 = arith.constant 0 : i32
        %dma_wait3A_533 = tpu.memref_slice %arg9[%rem3A_455, %dma_wait3A_530, %dma_wait3A_531, %dma_wait3A_532] : memref<3x8x125x16xf32, #tpu.memory_space<vmem>> -> memref<1x1x125x16xf32, #tpu.memory_space<vmem>>
        %dma_wait3A_534 = tpu.memref_squeeze %dma_wait3A_533 : memref<1x1x125x16xf32, #tpu.memory_space<vmem>> -> memref<125x16xf32, #tpu.memory_space<vmem>>
        %dma_wait3A_535 = arith.constant 0 : i32
        %dma_wait3A_536 = tpu.memref_slice %arg8[%add3A_529, %dma_wait3A_535] : memref<80x125xi32, #tpu.memory_space<vmem>> -> memref<1x125xi32, #tpu.memory_space<vmem>>
        %dma_wait3A_537 = tpu.memref_squeeze %dma_wait3A_536 : memref<1x125xi32, #tpu.memory_space<vmem>> -> memref<125xi32, #tpu.memory_space<vmem>>
        %dma_wait3A_538 = arith.constant 0 : i32
        %dma_wait3A_539 = arith.constant 0 : i32
        %dma_wait3A_540 = tpu.memref_slice %arg11[%dma_wait3A_538, %dma_wait3A_539] : memref<10240x16xf32, #tpu.memory_space<vmem_shared>> -> memref<10240x16xf32, #tpu.memory_space<vmem_shared>>
        tpu.wait_indirect_dma semaphore(%arg13 : memref<!tpu.dma_semaphore, #tpu.memory_space<semaphore_mem>>) src(%dma_wait3A_534 : memref<125x16xf32, #tpu.memory_space<vmem>>) dst(%dma_wait3A_540 : memref<10240x16xf32, #tpu.memory_space<vmem_shared>>)
        %sub3A_541 = arith.constant 1 : i32
        %sub3A_542 = arith.subi %scan3A_230, %sub3A_541 : i32
        %mul3A_543 = arith.constant 8 : i32
        %mul3A_544 = arith.muli %sub3A_542, %mul3A_543 : i32
        %add3A_545 = arith.constant 5 : i32
        %add3A_546 = arith.addi %mul3A_544, %add3A_545 : i32
        %dma_wait3A_547 = arith.constant 5 : i32
        %dma_wait3A_548 = arith.constant 0 : i32
        %dma_wait3A_549 = arith.constant 0 : i32
        %dma_wait3A_550 = tpu.memref_slice %arg9[%rem3A_455, %dma_wait3A_547, %dma_wait3A_548, %dma_wait3A_549] : memref<3x8x125x16xf32, #tpu.memory_space<vmem>> -> memref<1x1x125x16xf32, #tpu.memory_space<vmem>>
        %dma_wait3A_551 = tpu.memref_squeeze %dma_wait3A_550 : memref<1x1x125x16xf32, #tpu.memory_space<vmem>> -> memref<125x16xf32, #tpu.memory_space<vmem>>
        %dma_wait3A_552 = arith.constant 0 : i32
        %dma_wait3A_553 = tpu.memref_slice %arg8[%add3A_546, %dma_wait3A_552] : memref<80x125xi32, #tpu.memory_space<vmem>> -> memref<1x125xi32, #tpu.memory_space<vmem>>
        %dma_wait3A_554 = tpu.memref_squeeze %dma_wait3A_553 : memref<1x125xi32, #tpu.memory_space<vmem>> -> memref<125xi32, #tpu.memory_space<vmem>>
        %dma_wait3A_555 = arith.constant 0 : i32
        %dma_wait3A_556 = arith.constant 0 : i32
        %dma_wait3A_557 = tpu.memref_slice %arg11[%dma_wait3A_555, %dma_wait3A_556] : memref<10240x16xf32, #tpu.memory_space<vmem_shared>> -> memref<10240x16xf32, #tpu.memory_space<vmem_shared>>
        tpu.wait_indirect_dma semaphore(%arg13 : memref<!tpu.dma_semaphore, #tpu.memory_space<semaphore_mem>>) src(%dma_wait3A_551 : memref<125x16xf32, #tpu.memory_space<vmem>>) dst(%dma_wait3A_557 : memref<10240x16xf32, #tpu.memory_space<vmem_shared>>)
        %sub3A_558 = arith.constant 1 : i32
        %sub3A_559 = arith.subi %scan3A_230, %sub3A_558 : i32
        %mul3A_560 = arith.constant 8 : i32
        %mul3A_561 = arith.muli %sub3A_559, %mul3A_560 : i32
        %add3A_562 = arith.constant 6 : i32
        %add3A_563 = arith.addi %mul3A_561, %add3A_562 : i32
        %dma_wait3A_564 = arith.constant 6 : i32
        %dma_wait3A_565 = arith.constant 0 : i32
        %dma_wait3A_566 = arith.constant 0 : i32
        %dma_wait3A_567 = tpu.memref_slice %arg9[%rem3A_455, %dma_wait3A_564, %dma_wait3A_565, %dma_wait3A_566] : memref<3x8x125x16xf32, #tpu.memory_space<vmem>> -> memref<1x1x125x16xf32, #tpu.memory_space<vmem>>
        %dma_wait3A_568 = tpu.memref_squeeze %dma_wait3A_567 : memref<1x1x125x16xf32, #tpu.memory_space<vmem>> -> memref<125x16xf32, #tpu.memory_space<vmem>>
        %dma_wait3A_569 = arith.constant 0 : i32
        %dma_wait3A_570 = tpu.memref_slice %arg8[%add3A_563, %dma_wait3A_569] : memref<80x125xi32, #tpu.memory_space<vmem>> -> memref<1x125xi32, #tpu.memory_space<vmem>>
        %dma_wait3A_571 = tpu.memref_squeeze %dma_wait3A_570 : memref<1x125xi32, #tpu.memory_space<vmem>> -> memref<125xi32, #tpu.memory_space<vmem>>
        %dma_wait3A_572 = arith.constant 0 : i32
        %dma_wait3A_573 = arith.constant 0 : i32
        %dma_wait3A_574 = tpu.memref_slice %arg11[%dma_wait3A_572, %dma_wait3A_573] : memref<10240x16xf32, #tpu.memory_space<vmem_shared>> -> memref<10240x16xf32, #tpu.memory_space<vmem_shared>>
        tpu.wait_indirect_dma semaphore(%arg13 : memref<!tpu.dma_semaphore, #tpu.memory_space<semaphore_mem>>) src(%dma_wait3A_568 : memref<125x16xf32, #tpu.memory_space<vmem>>) dst(%dma_wait3A_574 : memref<10240x16xf32, #tpu.memory_space<vmem_shared>>)
        %sub3A_575 = arith.constant 1 : i32
        %sub3A_576 = arith.subi %scan3A_230, %sub3A_575 : i32
        %mul3A_577 = arith.constant 8 : i32
        %mul3A_578 = arith.muli %sub3A_576, %mul3A_577 : i32
        %add3A_579 = arith.constant 7 : i32
        %add3A_580 = arith.addi %mul3A_578, %add3A_579 : i32
        %dma_wait3A_581 = arith.constant 7 : i32
        %dma_wait3A_582 = arith.constant 0 : i32
        %dma_wait3A_583 = arith.constant 0 : i32
        %dma_wait3A_584 = tpu.memref_slice %arg9[%rem3A_455, %dma_wait3A_581, %dma_wait3A_582, %dma_wait3A_583] : memref<3x8x125x16xf32, #tpu.memory_space<vmem>> -> memref<1x1x125x16xf32, #tpu.memory_space<vmem>>
        %dma_wait3A_585 = tpu.memref_squeeze %dma_wait3A_584 : memref<1x1x125x16xf32, #tpu.memory_space<vmem>> -> memref<125x16xf32, #tpu.memory_space<vmem>>
        %dma_wait3A_586 = arith.constant 0 : i32
        %dma_wait3A_587 = tpu.memref_slice %arg8[%add3A_580, %dma_wait3A_586] : memref<80x125xi32, #tpu.memory_space<vmem>> -> memref<1x125xi32, #tpu.memory_space<vmem>>
        %dma_wait3A_588 = tpu.memref_squeeze %dma_wait3A_587 : memref<1x125xi32, #tpu.memory_space<vmem>> -> memref<125xi32, #tpu.memory_space<vmem>>
        %dma_wait3A_589 = arith.constant 0 : i32
        %dma_wait3A_590 = arith.constant 0 : i32
        %dma_wait3A_591 = tpu.memref_slice %arg11[%dma_wait3A_589, %dma_wait3A_590] : memref<10240x16xf32, #tpu.memory_space<vmem_shared>> -> memref<10240x16xf32, #tpu.memory_space<vmem_shared>>
        tpu.wait_indirect_dma semaphore(%arg13 : memref<!tpu.dma_semaphore, #tpu.memory_space<semaphore_mem>>) src(%dma_wait3A_585 : memref<125x16xf32, #tpu.memory_space<vmem>>) dst(%dma_wait3A_591 : memref<10240x16xf32, #tpu.memory_space<vmem_shared>>)
      } else {
      }
    }
    %scan3A_110 = arith.constant 10 : i32
    %rem3A = arith.constant 9 : i32
    %rem3A_111 = arith.constant 3 : i32
    %rem3A_112 = arith.remsi %rem3A, %rem3A_111 : i32
    %dma_wait3A = arith.constant 0 : i32
    %dma_wait3A_113 = arith.constant 72 : i32
    %dma_wait3A_114 = arith.constant 0 : i32
    %dma_wait3A_115 = arith.constant 0 : i32
    %dma_wait3A_116 = tpu.memref_slice %arg9[%rem3A_112, %dma_wait3A, %dma_wait3A_114, %dma_wait3A_115] : memref<3x8x125x16xf32, #tpu.memory_space<vmem>> -> memref<1x1x125x16xf32, #tpu.memory_space<vmem>>
    %dma_wait3A_117 = tpu.memref_squeeze %dma_wait3A_116 : memref<1x1x125x16xf32, #tpu.memory_space<vmem>> -> memref<125x16xf32, #tpu.memory_space<vmem>>
    %dma_wait3A_118 = arith.constant 0 : i32
    %dma_wait3A_119 = tpu.memref_slice %arg8[%dma_wait3A_113, %dma_wait3A_118] : memref<80x125xi32, #tpu.memory_space<vmem>> -> memref<1x125xi32, #tpu.memory_space<vmem>>
    %dma_wait3A_120 = tpu.memref_squeeze %dma_wait3A_119 : memref<1x125xi32, #tpu.memory_space<vmem>> -> memref<125xi32, #tpu.memory_space<vmem>>
    %dma_wait3A_121 = arith.constant 0 : i32
    %dma_wait3A_122 = arith.constant 0 : i32
    %dma_wait3A_123 = tpu.memref_slice %arg11[%dma_wait3A_121, %dma_wait3A_122] : memref<10240x16xf32, #tpu.memory_space<vmem_shared>> -> memref<10240x16xf32, #tpu.memory_space<vmem_shared>>
    tpu.wait_indirect_dma semaphore(%arg13 : memref<!tpu.dma_semaphore, #tpu.memory_space<semaphore_mem>>) src(%dma_wait3A_117 : memref<125x16xf32, #tpu.memory_space<vmem>>) dst(%dma_wait3A_123 : memref<10240x16xf32, #tpu.memory_space<vmem_shared>>)
    %rem3A_124 = arith.constant 9 : i32
    %rem3A_125 = arith.constant 3 : i32
    %rem3A_126 = arith.remsi %rem3A_124, %rem3A_125 : i32
    %dma_wait3A_127 = arith.constant 1 : i32
    %dma_wait3A_128 = arith.constant 73 : i32
    %dma_wait3A_129 = arith.constant 0 : i32
    %dma_wait3A_130 = arith.constant 0 : i32
    %dma_wait3A_131 = tpu.memref_slice %arg9[%rem3A_126, %dma_wait3A_127, %dma_wait3A_129, %dma_wait3A_130] : memref<3x8x125x16xf32, #tpu.memory_space<vmem>> -> memref<1x1x125x16xf32, #tpu.memory_space<vmem>>
    %dma_wait3A_132 = tpu.memref_squeeze %dma_wait3A_131 : memref<1x1x125x16xf32, #tpu.memory_space<vmem>> -> memref<125x16xf32, #tpu.memory_space<vmem>>
    %dma_wait3A_133 = arith.constant 0 : i32
    %dma_wait3A_134 = tpu.memref_slice %arg8[%dma_wait3A_128, %dma_wait3A_133] : memref<80x125xi32, #tpu.memory_space<vmem>> -> memref<1x125xi32, #tpu.memory_space<vmem>>
    %dma_wait3A_135 = tpu.memref_squeeze %dma_wait3A_134 : memref<1x125xi32, #tpu.memory_space<vmem>> -> memref<125xi32, #tpu.memory_space<vmem>>
    %dma_wait3A_136 = arith.constant 0 : i32
    %dma_wait3A_137 = arith.constant 0 : i32
    %dma_wait3A_138 = tpu.memref_slice %arg11[%dma_wait3A_136, %dma_wait3A_137] : memref<10240x16xf32, #tpu.memory_space<vmem_shared>> -> memref<10240x16xf32, #tpu.memory_space<vmem_shared>>
    tpu.wait_indirect_dma semaphore(%arg13 : memref<!tpu.dma_semaphore, #tpu.memory_space<semaphore_mem>>) src(%dma_wait3A_132 : memref<125x16xf32, #tpu.memory_space<vmem>>) dst(%dma_wait3A_138 : memref<10240x16xf32, #tpu.memory_space<vmem_shared>>)
    %rem3A_139 = arith.constant 9 : i32
    %rem3A_140 = arith.constant 3 : i32
    %rem3A_141 = arith.remsi %rem3A_139, %rem3A_140 : i32
    %dma_wait3A_142 = arith.constant 2 : i32
    %dma_wait3A_143 = arith.constant 74 : i32
    %dma_wait3A_144 = arith.constant 0 : i32
    %dma_wait3A_145 = arith.constant 0 : i32
    %dma_wait3A_146 = tpu.memref_slice %arg9[%rem3A_141, %dma_wait3A_142, %dma_wait3A_144, %dma_wait3A_145] : memref<3x8x125x16xf32, #tpu.memory_space<vmem>> -> memref<1x1x125x16xf32, #tpu.memory_space<vmem>>
    %dma_wait3A_147 = tpu.memref_squeeze %dma_wait3A_146 : memref<1x1x125x16xf32, #tpu.memory_space<vmem>> -> memref<125x16xf32, #tpu.memory_space<vmem>>
    %dma_wait3A_148 = arith.constant 0 : i32
    %dma_wait3A_149 = tpu.memref_slice %arg8[%dma_wait3A_143, %dma_wait3A_148] : memref<80x125xi32, #tpu.memory_space<vmem>> -> memref<1x125xi32, #tpu.memory_space<vmem>>
    %dma_wait3A_150 = tpu.memref_squeeze %dma_wait3A_149 : memref<1x125xi32, #tpu.memory_space<vmem>> -> memref<125xi32, #tpu.memory_space<vmem>>
    %dma_wait3A_151 = arith.constant 0 : i32
    %dma_wait3A_152 = arith.constant 0 : i32
    %dma_wait3A_153 = tpu.memref_slice %arg11[%dma_wait3A_151, %dma_wait3A_152] : memref<10240x16xf32, #tpu.memory_space<vmem_shared>> -> memref<10240x16xf32, #tpu.memory_space<vmem_shared>>
    tpu.wait_indirect_dma semaphore(%arg13 : memref<!tpu.dma_semaphore, #tpu.memory_space<semaphore_mem>>) src(%dma_wait3A_147 : memref<125x16xf32, #tpu.memory_space<vmem>>) dst(%dma_wait3A_153 : memref<10240x16xf32, #tpu.memory_space<vmem_shared>>)
    %rem3A_154 = arith.constant 9 : i32
    %rem3A_155 = arith.constant 3 : i32
    %rem3A_156 = arith.remsi %rem3A_154, %rem3A_155 : i32
    %dma_wait3A_157 = arith.constant 3 : i32
    %dma_wait3A_158 = arith.constant 75 : i32
    %dma_wait3A_159 = arith.constant 0 : i32
    %dma_wait3A_160 = arith.constant 0 : i32
    %dma_wait3A_161 = tpu.memref_slice %arg9[%rem3A_156, %dma_wait3A_157, %dma_wait3A_159, %dma_wait3A_160] : memref<3x8x125x16xf32, #tpu.memory_space<vmem>> -> memref<1x1x125x16xf32, #tpu.memory_space<vmem>>
    %dma_wait3A_162 = tpu.memref_squeeze %dma_wait3A_161 : memref<1x1x125x16xf32, #tpu.memory_space<vmem>> -> memref<125x16xf32, #tpu.memory_space<vmem>>
    %dma_wait3A_163 = arith.constant 0 : i32
    %dma_wait3A_164 = tpu.memref_slice %arg8[%dma_wait3A_158, %dma_wait3A_163] : memref<80x125xi32, #tpu.memory_space<vmem>> -> memref<1x125xi32, #tpu.memory_space<vmem>>
    %dma_wait3A_165 = tpu.memref_squeeze %dma_wait3A_164 : memref<1x125xi32, #tpu.memory_space<vmem>> -> memref<125xi32, #tpu.memory_space<vmem>>
    %dma_wait3A_166 = arith.constant 0 : i32
    %dma_wait3A_167 = arith.constant 0 : i32
    %dma_wait3A_168 = tpu.memref_slice %arg11[%dma_wait3A_166, %dma_wait3A_167] : memref<10240x16xf32, #tpu.memory_space<vmem_shared>> -> memref<10240x16xf32, #tpu.memory_space<vmem_shared>>
    tpu.wait_indirect_dma semaphore(%arg13 : memref<!tpu.dma_semaphore, #tpu.memory_space<semaphore_mem>>) src(%dma_wait3A_162 : memref<125x16xf32, #tpu.memory_space<vmem>>) dst(%dma_wait3A_168 : memref<10240x16xf32, #tpu.memory_space<vmem_shared>>)
    %rem3A_169 = arith.constant 9 : i32
    %rem3A_170 = arith.constant 3 : i32
    %rem3A_171 = arith.remsi %rem3A_169, %rem3A_170 : i32
    %dma_wait3A_172 = arith.constant 4 : i32
    %dma_wait3A_173 = arith.constant 76 : i32
    %dma_wait3A_174 = arith.constant 0 : i32
    %dma_wait3A_175 = arith.constant 0 : i32
    %dma_wait3A_176 = tpu.memref_slice %arg9[%rem3A_171, %dma_wait3A_172, %dma_wait3A_174, %dma_wait3A_175] : memref<3x8x125x16xf32, #tpu.memory_space<vmem>> -> memref<1x1x125x16xf32, #tpu.memory_space<vmem>>
    %dma_wait3A_177 = tpu.memref_squeeze %dma_wait3A_176 : memref<1x1x125x16xf32, #tpu.memory_space<vmem>> -> memref<125x16xf32, #tpu.memory_space<vmem>>
    %dma_wait3A_178 = arith.constant 0 : i32
    %dma_wait3A_179 = tpu.memref_slice %arg8[%dma_wait3A_173, %dma_wait3A_178] : memref<80x125xi32, #tpu.memory_space<vmem>> -> memref<1x125xi32, #tpu.memory_space<vmem>>
    %dma_wait3A_180 = tpu.memref_squeeze %dma_wait3A_179 : memref<1x125xi32, #tpu.memory_space<vmem>> -> memref<125xi32, #tpu.memory_space<vmem>>
    %dma_wait3A_181 = arith.constant 0 : i32
    %dma_wait3A_182 = arith.constant 0 : i32
    %dma_wait3A_183 = tpu.memref_slice %arg11[%dma_wait3A_181, %dma_wait3A_182] : memref<10240x16xf32, #tpu.memory_space<vmem_shared>> -> memref<10240x16xf32, #tpu.memory_space<vmem_shared>>
    tpu.wait_indirect_dma semaphore(%arg13 : memref<!tpu.dma_semaphore, #tpu.memory_space<semaphore_mem>>) src(%dma_wait3A_177 : memref<125x16xf32, #tpu.memory_space<vmem>>) dst(%dma_wait3A_183 : memref<10240x16xf32, #tpu.memory_space<vmem_shared>>)
    %rem3A_184 = arith.constant 9 : i32
    %rem3A_185 = arith.constant 3 : i32
    %rem3A_186 = arith.remsi %rem3A_184, %rem3A_185 : i32
    %dma_wait3A_187 = arith.constant 5 : i32
    %dma_wait3A_188 = arith.constant 77 : i32
    %dma_wait3A_189 = arith.constant 0 : i32
    %dma_wait3A_190 = arith.constant 0 : i32
    %dma_wait3A_191 = tpu.memref_slice %arg9[%rem3A_186, %dma_wait3A_187, %dma_wait3A_189, %dma_wait3A_190] : memref<3x8x125x16xf32, #tpu.memory_space<vmem>> -> memref<1x1x125x16xf32, #tpu.memory_space<vmem>>
    %dma_wait3A_192 = tpu.memref_squeeze %dma_wait3A_191 : memref<1x1x125x16xf32, #tpu.memory_space<vmem>> -> memref<125x16xf32, #tpu.memory_space<vmem>>
    %dma_wait3A_193 = arith.constant 0 : i32
    %dma_wait3A_194 = tpu.memref_slice %arg8[%dma_wait3A_188, %dma_wait3A_193] : memref<80x125xi32, #tpu.memory_space<vmem>> -> memref<1x125xi32, #tpu.memory_space<vmem>>
    %dma_wait3A_195 = tpu.memref_squeeze %dma_wait3A_194 : memref<1x125xi32, #tpu.memory_space<vmem>> -> memref<125xi32, #tpu.memory_space<vmem>>
    %dma_wait3A_196 = arith.constant 0 : i32
    %dma_wait3A_197 = arith.constant 0 : i32
    %dma_wait3A_198 = tpu.memref_slice %arg11[%dma_wait3A_196, %dma_wait3A_197] : memref<10240x16xf32, #tpu.memory_space<vmem_shared>> -> memref<10240x16xf32, #tpu.memory_space<vmem_shared>>
    tpu.wait_indirect_dma semaphore(%arg13 : memref<!tpu.dma_semaphore, #tpu.memory_space<semaphore_mem>>) src(%dma_wait3A_192 : memref<125x16xf32, #tpu.memory_space<vmem>>) dst(%dma_wait3A_198 : memref<10240x16xf32, #tpu.memory_space<vmem_shared>>)
    %rem3A_199 = arith.constant 9 : i32
    %rem3A_200 = arith.constant 3 : i32
    %rem3A_201 = arith.remsi %rem3A_199, %rem3A_200 : i32
    %dma_wait3A_202 = arith.constant 6 : i32
    %dma_wait3A_203 = arith.constant 78 : i32
    %dma_wait3A_204 = arith.constant 0 : i32
    %dma_wait3A_205 = arith.constant 0 : i32
    %dma_wait3A_206 = tpu.memref_slice %arg9[%rem3A_201, %dma_wait3A_202, %dma_wait3A_204, %dma_wait3A_205] : memref<3x8x125x16xf32, #tpu.memory_space<vmem>> -> memref<1x1x125x16xf32, #tpu.memory_space<vmem>>
    %dma_wait3A_207 = tpu.memref_squeeze %dma_wait3A_206 : memref<1x1x125x16xf32, #tpu.memory_space<vmem>> -> memref<125x16xf32, #tpu.memory_space<vmem>>
    %dma_wait3A_208 = arith.constant 0 : i32
    %dma_wait3A_209 = tpu.memref_slice %arg8[%dma_wait3A_203, %dma_wait3A_208] : memref<80x125xi32, #tpu.memory_space<vmem>> -> memref<1x125xi32, #tpu.memory_space<vmem>>
    %dma_wait3A_210 = tpu.memref_squeeze %dma_wait3A_209 : memref<1x125xi32, #tpu.memory_space<vmem>> -> memref<125xi32, #tpu.memory_space<vmem>>
    %dma_wait3A_211 = arith.constant 0 : i32
    %dma_wait3A_212 = arith.constant 0 : i32
    %dma_wait3A_213 = tpu.memref_slice %arg11[%dma_wait3A_211, %dma_wait3A_212] : memref<10240x16xf32, #tpu.memory_space<vmem_shared>> -> memref<10240x16xf32, #tpu.memory_space<vmem_shared>>
    tpu.wait_indirect_dma semaphore(%arg13 : memref<!tpu.dma_semaphore, #tpu.memory_space<semaphore_mem>>) src(%dma_wait3A_207 : memref<125x16xf32, #tpu.memory_space<vmem>>) dst(%dma_wait3A_213 : memref<10240x16xf32, #tpu.memory_space<vmem_shared>>)
    %rem3A_214 = arith.constant 9 : i32
    %rem3A_215 = arith.constant 3 : i32
    %rem3A_216 = arith.remsi %rem3A_214, %rem3A_215 : i32
    %dma_wait3A_217 = arith.constant 7 : i32
    %dma_wait3A_218 = arith.constant 79 : i32
    %dma_wait3A_219 = arith.constant 0 : i32
    %dma_wait3A_220 = arith.constant 0 : i32
    %dma_wait3A_221 = tpu.memref_slice %arg9[%rem3A_216, %dma_wait3A_217, %dma_wait3A_219, %dma_wait3A_220] : memref<3x8x125x16xf32, #tpu.memory_space<vmem>> -> memref<1x1x125x16xf32, #tpu.memory_space<vmem>>
    %dma_wait3A_222 = tpu.memref_squeeze %dma_wait3A_221 : memref<1x1x125x16xf32, #tpu.memory_space<vmem>> -> memref<125x16xf32, #tpu.memory_space<vmem>>
    %dma_wait3A_223 = arith.constant 0 : i32
    %dma_wait3A_224 = tpu.memref_slice %arg8[%dma_wait3A_218, %dma_wait3A_223] : memref<80x125xi32, #tpu.memory_space<vmem>> -> memref<1x125xi32, #tpu.memory_space<vmem>>
    %dma_wait3A_225 = tpu.memref_squeeze %dma_wait3A_224 : memref<1x125xi32, #tpu.memory_space<vmem>> -> memref<125xi32, #tpu.memory_space<vmem>>
    %dma_wait3A_226 = arith.constant 0 : i32
    %dma_wait3A_227 = arith.constant 0 : i32
    %dma_wait3A_228 = tpu.memref_slice %arg11[%dma_wait3A_226, %dma_wait3A_227] : memref<10240x16xf32, #tpu.memory_space<vmem_shared>> -> memref<10240x16xf32, #tpu.memory_space<vmem_shared>>
    tpu.wait_indirect_dma semaphore(%arg13 : memref<!tpu.dma_semaphore, #tpu.memory_space<semaphore_mem>>) src(%dma_wait3A_222 : memref<125x16xf32, #tpu.memory_space<vmem>>) dst(%dma_wait3A_228 : memref<10240x16xf32, #tpu.memory_space<vmem_shared>>)
    %barrier3A_229 = arith.constant 0 : index
    tpu.barrier barrier_id(%barrier3A_229)
    "tpu.region"() ({
      %run_scoped3A = tpu.sem_alloc : memref<!tpu.dma_semaphore, #tpu.memory_space<semaphore_mem>>
      %dma_start3A_230 = arith.constant 0 : i32
      %dma_start3A_231 = tpu.memref_slice %arg6[%arg0, %mul3A_2, %dma_start3A_230] : memref<2x10240x16xf32, #tpu.memory_space<hbm>> -> memref<1x640x16xf32, #tpu.memory_space<hbm>>
      %dma_start3A_232 = tpu.memref_squeeze %dma_start3A_231 : memref<1x640x16xf32, #tpu.memory_space<hbm>> -> memref<640x16xf32, #tpu.memory_space<hbm>>
      %dma_start3A_233 = arith.constant 0 : i32
      %dma_start3A_234 = tpu.memref_slice %arg11[%mul3A_2, %dma_start3A_233] : memref<10240x16xf32, #tpu.memory_space<vmem_shared>> -> memref<640x16xf32, #tpu.memory_space<vmem_shared>>
      tpu.enqueue_dma source(%dma_start3A_234 : memref<640x16xf32, #tpu.memory_space<vmem_shared>>) target(%dma_start3A_232 : memref<640x16xf32, #tpu.memory_space<hbm>>) target_semaphore(%run_scoped3A : memref<!tpu.dma_semaphore, #tpu.memory_space<semaphore_mem>>)
      %dma_wait3A_235 = arith.constant 0 : i32
      %dma_wait3A_236 = tpu.memref_slice %arg6[%arg0, %mul3A_2, %dma_wait3A_235] : memref<2x10240x16xf32, #tpu.memory_space<hbm>> -> memref<1x640x16xf32, #tpu.memory_space<hbm>>
      %dma_wait3A_237 = tpu.memref_squeeze %dma_wait3A_236 : memref<1x640x16xf32, #tpu.memory_space<hbm>> -> memref<640x16xf32, #tpu.memory_space<hbm>>
      %dma_wait3A_238 = arith.constant 0 : i32
      %dma_wait3A_239 = tpu.memref_slice %arg11[%mul3A_2, %dma_wait3A_238] : memref<10240x16xf32, #tpu.memory_space<vmem_shared>> -> memref<640x16xf32, #tpu.memory_space<vmem_shared>>
      tpu.wait_dma2 semaphore(%run_scoped3A : memref<!tpu.dma_semaphore, #tpu.memory_space<semaphore_mem>>) src(%dma_wait3A_239 : memref<640x16xf32, #tpu.memory_space<vmem_shared>>) dst(%dma_wait3A_237 : memref<640x16xf32, #tpu.memory_space<hbm>>)
      tpu.yield
    }) : () -> ()
    return
  }
}

module attributes {stable_mosaic.version = 14 : i64} {
  func.func @_matmul_body(%arg0: i32, %arg1: memref<256x8x128xf32, #tpu.memory_space<vmem>>, %arg2: memref<128x16xf32, #tpu.memory_space<vmem>>, %arg3: memref<256x128xf32, #tpu.memory_space<vmem>>) attributes {dimension_semantics = [#tpu.dimension_semantics<arbitrary>], iteration_bounds = array<i64: 5>, scalar_prefetch = 0 : i64, scratch_operands = 0 : i64, tpu.core_type = #tpu.core_type<tc>, window_params = [{transform_indices = @transform_0, window_bounds = array<i64: 256, 8, 128>}, {pipeline_mode = #tpu.pipeline_mode<synchronous>, transform_indices = @transform_1, window_bounds = array<i64: 128, 16>}, {transform_indices = @transform_2, window_bounds = array<i64: 256, 128>}]} {
    %get3A = arith.constant 0 : index
    %get3A_0 = arith.constant 0 : index
    %get3A_1 = vector.load %arg2[%get3A, %get3A_0] : memref<128x16xf32, #tpu.memory_space<vmem>>, vector<128x16xf32>
    %get3A_2 = arith.constant 0 : index
    %get3A_3 = arith.constant 0 : index
    %get3A_4 = arith.constant 0 : index
    %get3A_5 = vector.load %arg1[%get3A_2, %get3A_3, %get3A_4] : memref<256x8x128xf32, #tpu.memory_space<vmem>>, vector<256x1x128xf32>
    %get3A_6 = vector.shape_cast %get3A_5 : vector<256x1x128xf32> to vector<256x128xf32>
    %dot_general3A = arith.constant dense<0.000000e+00> : vector<256x16xf32>
    %dot_general3A_7 = tpu.matmul %get3A_6, %get3A_1, %dot_general3A {dimension_numbers = #tpu.dot_dimension_numbers<[1], [0], [0], [1], [0, 0, 1, 1], [], []>, transpose_lhs_hint = false} : vector<256x128xf32>, vector<128x16xf32>, vector<256x16xf32> -> vector<256x16xf32>
    %swap3A = arith.constant 0 : index
    %swap3A_8 = arith.constant 0 : index
    %swap3A_9 = vector.load %arg3[%swap3A, %swap3A_8] : memref<256x128xf32, #tpu.memory_space<vmem>>, vector<256x16xf32>
    tpu.vector_store %arg3[%swap3A, %swap3A_8], %dot_general3A_7 {strides = array<i32>} : memref<256x128xf32, #tpu.memory_space<vmem>>, vector<256x16xf32>,
    %get3A_10 = arith.constant 0 : index
    %get3A_11 = arith.constant 1 : index
    %get3A_12 = arith.constant 0 : index
    %get3A_13 = vector.load %arg1[%get3A_10, %get3A_11, %get3A_12] : memref<256x8x128xf32, #tpu.memory_space<vmem>>, vector<256x1x128xf32>
    %get3A_14 = vector.shape_cast %get3A_13 : vector<256x1x128xf32> to vector<256x128xf32>
    %dot_general3A_15 = arith.constant dense<0.000000e+00> : vector<256x16xf32>
    %dot_general3A_16 = tpu.matmul %get3A_14, %get3A_1, %dot_general3A_15 {dimension_numbers = #tpu.dot_dimension_numbers<[1], [0], [0], [1], [0, 0, 1, 1], [], []>, transpose_lhs_hint = false} : vector<256x128xf32>, vector<128x16xf32>, vector<256x16xf32> -> vector<256x16xf32>
    %swap3A_17 = arith.constant 0 : index
    %swap3A_18 = arith.constant 16 : index
    %swap3A_19 = vector.load %arg3[%swap3A_17, %swap3A_18] : memref<256x128xf32, #tpu.memory_space<vmem>>, vector<256x16xf32>
    tpu.vector_store %arg3[%swap3A_17, %swap3A_18], %dot_general3A_16 {strides = array<i32>} : memref<256x128xf32, #tpu.memory_space<vmem>>, vector<256x16xf32>,
    %get3A_20 = arith.constant 0 : index
    %get3A_21 = arith.constant 2 : index
    %get3A_22 = arith.constant 0 : index
    %get3A_23 = vector.load %arg1[%get3A_20, %get3A_21, %get3A_22] : memref<256x8x128xf32, #tpu.memory_space<vmem>>, vector<256x1x128xf32>
    %get3A_24 = vector.shape_cast %get3A_23 : vector<256x1x128xf32> to vector<256x128xf32>
    %dot_general3A_25 = arith.constant dense<0.000000e+00> : vector<256x16xf32>
    %dot_general3A_26 = tpu.matmul %get3A_24, %get3A_1, %dot_general3A_25 {dimension_numbers = #tpu.dot_dimension_numbers<[1], [0], [0], [1], [0, 0, 1, 1], [], []>, transpose_lhs_hint = false} : vector<256x128xf32>, vector<128x16xf32>, vector<256x16xf32> -> vector<256x16xf32>
    %swap3A_27 = arith.constant 0 : index
    %swap3A_28 = arith.constant 32 : index
    %swap3A_29 = vector.load %arg3[%swap3A_27, %swap3A_28] : memref<256x128xf32, #tpu.memory_space<vmem>>, vector<256x16xf32>
    tpu.vector_store %arg3[%swap3A_27, %swap3A_28], %dot_general3A_26 {strides = array<i32>} : memref<256x128xf32, #tpu.memory_space<vmem>>, vector<256x16xf32>,
    %get3A_30 = arith.constant 0 : index
    %get3A_31 = arith.constant 3 : index
    %get3A_32 = arith.constant 0 : index
    %get3A_33 = vector.load %arg1[%get3A_30, %get3A_31, %get3A_32] : memref<256x8x128xf32, #tpu.memory_space<vmem>>, vector<256x1x128xf32>
    %get3A_34 = vector.shape_cast %get3A_33 : vector<256x1x128xf32> to vector<256x128xf32>
    %dot_general3A_35 = arith.constant dense<0.000000e+00> : vector<256x16xf32>
    %dot_general3A_36 = tpu.matmul %get3A_34, %get3A_1, %dot_general3A_35 {dimension_numbers = #tpu.dot_dimension_numbers<[1], [0], [0], [1], [0, 0, 1, 1], [], []>, transpose_lhs_hint = false} : vector<256x128xf32>, vector<128x16xf32>, vector<256x16xf32> -> vector<256x16xf32>
    %swap3A_37 = arith.constant 0 : index
    %swap3A_38 = arith.constant 48 : index
    %swap3A_39 = vector.load %arg3[%swap3A_37, %swap3A_38] : memref<256x128xf32, #tpu.memory_space<vmem>>, vector<256x16xf32>
    tpu.vector_store %arg3[%swap3A_37, %swap3A_38], %dot_general3A_36 {strides = array<i32>} : memref<256x128xf32, #tpu.memory_space<vmem>>, vector<256x16xf32>,
    %get3A_40 = arith.constant 0 : index
    %get3A_41 = arith.constant 4 : index
    %get3A_42 = arith.constant 0 : index
    %get3A_43 = vector.load %arg1[%get3A_40, %get3A_41, %get3A_42] : memref<256x8x128xf32, #tpu.memory_space<vmem>>, vector<256x1x128xf32>
    %get3A_44 = vector.shape_cast %get3A_43 : vector<256x1x128xf32> to vector<256x128xf32>
    %dot_general3A_45 = arith.constant dense<0.000000e+00> : vector<256x16xf32>
    %dot_general3A_46 = tpu.matmul %get3A_44, %get3A_1, %dot_general3A_45 {dimension_numbers = #tpu.dot_dimension_numbers<[1], [0], [0], [1], [0, 0, 1, 1], [], []>, transpose_lhs_hint = false} : vector<256x128xf32>, vector<128x16xf32>, vector<256x16xf32> -> vector<256x16xf32>
    %swap3A_47 = arith.constant 0 : index
    %swap3A_48 = arith.constant 64 : index
    %swap3A_49 = vector.load %arg3[%swap3A_47, %swap3A_48] : memref<256x128xf32, #tpu.memory_space<vmem>>, vector<256x16xf32>
    tpu.vector_store %arg3[%swap3A_47, %swap3A_48], %dot_general3A_46 {strides = array<i32>} : memref<256x128xf32, #tpu.memory_space<vmem>>, vector<256x16xf32>,
    %get3A_50 = arith.constant 0 : index
    %get3A_51 = arith.constant 5 : index
    %get3A_52 = arith.constant 0 : index
    %get3A_53 = vector.load %arg1[%get3A_50, %get3A_51, %get3A_52] : memref<256x8x128xf32, #tpu.memory_space<vmem>>, vector<256x1x128xf32>
    %get3A_54 = vector.shape_cast %get3A_53 : vector<256x1x128xf32> to vector<256x128xf32>
    %dot_general3A_55 = arith.constant dense<0.000000e+00> : vector<256x16xf32>
    %dot_general3A_56 = tpu.matmul %get3A_54, %get3A_1, %dot_general3A_55 {dimension_numbers = #tpu.dot_dimension_numbers<[1], [0], [0], [1], [0, 0, 1, 1], [], []>, transpose_lhs_hint = false} : vector<256x128xf32>, vector<128x16xf32>, vector<256x16xf32> -> vector<256x16xf32>
    %swap3A_57 = arith.constant 0 : index
    %swap3A_58 = arith.constant 80 : index
    %swap3A_59 = vector.load %arg3[%swap3A_57, %swap3A_58] : memref<256x128xf32, #tpu.memory_space<vmem>>, vector<256x16xf32>
    tpu.vector_store %arg3[%swap3A_57, %swap3A_58], %dot_general3A_56 {strides = array<i32>} : memref<256x128xf32, #tpu.memory_space<vmem>>, vector<256x16xf32>,
    %get3A_60 = arith.constant 0 : index
    %get3A_61 = arith.constant 6 : index
    %get3A_62 = arith.constant 0 : index
    %get3A_63 = vector.load %arg1[%get3A_60, %get3A_61, %get3A_62] : memref<256x8x128xf32, #tpu.memory_space<vmem>>, vector<256x1x128xf32>
    %get3A_64 = vector.shape_cast %get3A_63 : vector<256x1x128xf32> to vector<256x128xf32>
    %dot_general3A_65 = arith.constant dense<0.000000e+00> : vector<256x16xf32>
    %dot_general3A_66 = tpu.matmul %get3A_64, %get3A_1, %dot_general3A_65 {dimension_numbers = #tpu.dot_dimension_numbers<[1], [0], [0], [1], [0, 0, 1, 1], [], []>, transpose_lhs_hint = false} : vector<256x128xf32>, vector<128x16xf32>, vector<256x16xf32> -> vector<256x16xf32>
    %swap3A_67 = arith.constant 0 : index
    %swap3A_68 = arith.constant 96 : index
    %swap3A_69 = vector.load %arg3[%swap3A_67, %swap3A_68] : memref<256x128xf32, #tpu.memory_space<vmem>>, vector<256x16xf32>
    tpu.vector_store %arg3[%swap3A_67, %swap3A_68], %dot_general3A_66 {strides = array<i32>} : memref<256x128xf32, #tpu.memory_space<vmem>>, vector<256x16xf32>,
    %get3A_70 = arith.constant 0 : index
    %get3A_71 = arith.constant 7 : index
    %get3A_72 = arith.constant 0 : index
    %get3A_73 = vector.load %arg1[%get3A_70, %get3A_71, %get3A_72] : memref<256x8x128xf32, #tpu.memory_space<vmem>>, vector<256x1x128xf32>
    %get3A_74 = vector.shape_cast %get3A_73 : vector<256x1x128xf32> to vector<256x128xf32>
    %dot_general3A_75 = arith.constant dense<0.000000e+00> : vector<256x16xf32>
    %dot_general3A_76 = tpu.matmul %get3A_74, %get3A_1, %dot_general3A_75 {dimension_numbers = #tpu.dot_dimension_numbers<[1], [0], [0], [1], [0, 0, 1, 1], [], []>, transpose_lhs_hint = false} : vector<256x128xf32>, vector<128x16xf32>, vector<256x16xf32> -> vector<256x16xf32>
    %swap3A_77 = arith.constant 0 : index
    %swap3A_78 = arith.constant 112 : index
    %swap3A_79 = vector.load %arg3[%swap3A_77, %swap3A_78] : memref<256x128xf32, #tpu.memory_space<vmem>>, vector<256x16xf32>
    tpu.vector_store %arg3[%swap3A_77, %swap3A_78], %dot_general3A_76 {strides = array<i32>} : memref<256x128xf32, #tpu.memory_space<vmem>>, vector<256x16xf32>,
    return
  }
  func.func @transform_0(%arg0: i32) -> (i32, i32, i32) {
    %c0_i32 = arith.constant 0 : i32
    %c0_i32_0 = arith.constant 0 : i32
    %c0_i32_1 = arith.constant 0 : i32
    return %arg0, %c0_i32, %c0_i32_0 : i32, i32, i32
  }
  func.func @transform_1(%arg0: i32) -> (i32, i32) {
    %c0_i32 = arith.constant 0 : i32
    %c0_i32_0 = arith.constant 0 : i32
    %c0_i32_1 = arith.constant 0 : i32
    return %c0_i32, %c0_i32_0 : i32, i32
  }
  func.func @transform_2(%arg0: i32) -> (i32, i32) {
    %c0_i32 = arith.constant 0 : i32
    %c0_i32_0 = arith.constant 0 : i32
    return %arg0, %c0_i32 : i32, i32
  }
}

module attributes {stable_mosaic.version = 14 : i64} {
  func.func @_scale_body(%arg0: i32, %arg1: memref<256x128xf32, #tpu.memory_space<vmem>>, %arg2: memref<2x256x128xf32, #tpu.memory_space<vmem>>, %arg3: memref<256x128xf32, #tpu.memory_space<vmem>>, %arg4: memref<256x128xf32, #tpu.memory_space<vmem>>) attributes {dimension_semantics = [#tpu.dimension_semantics<arbitrary>], iteration_bounds = array<i64: 5>, scalar_prefetch = 0 : i64, scratch_operands = 0 : i64, tpu.core_type = #tpu.core_type<tc>, window_params = [{transform_indices = @transform_0, window_bounds = array<i64: 256, 128>}, {transform_indices = @transform_1, window_bounds = array<i64: 2, 256, 128>}, {transform_indices = @transform_2, window_bounds = array<i64: 256, 128>}, {transform_indices = @transform_3, window_bounds = array<i64: 256, 128>}]} {
    %get3A = arith.constant 0 : index
    %get3A_0 = arith.constant 0 : index
    %get3A_1 = arith.constant 0 : index
    %get3A_2 = vector.load %arg2[%get3A, %get3A_0, %get3A_1] : memref<2x256x128xf32, #tpu.memory_space<vmem>>, vector<1x256x128xf32>
    %get3A_3 = vector.shape_cast %get3A_2 : vector<1x256x128xf32> to vector<256x128xf32>
    %get3A_4 = arith.constant 1 : index
    %get3A_5 = arith.constant 0 : index
    %get3A_6 = arith.constant 0 : index
    %get3A_7 = vector.load %arg2[%get3A_4, %get3A_5, %get3A_6] : memref<2x256x128xf32, #tpu.memory_space<vmem>>, vector<1x256x128xf32>
    %get3A_8 = vector.shape_cast %get3A_7 : vector<1x256x128xf32> to vector<256x128xf32>
    %add3A = arith.addf %get3A_3, %get3A_8 : vector<256x128xf32>
    %add3A_9 = arith.constant 1.000000e+00 : f32
    %add3A_10 = vector.broadcast %add3A_9 : f32 to vector<256x128xf32>
    %add3A_11 = arith.addf %add3A, %add3A_10 : vector<256x128xf32>
    %rsqrt3A = math.rsqrt %add3A_11 : vector<256x128xf32>
    %get3A_12 = arith.constant 0 : index
    %get3A_13 = arith.constant 0 : index
    %get3A_14 = vector.load %arg1[%get3A_12, %get3A_13] : memref<256x128xf32, #tpu.memory_space<vmem>>, vector<256x128xf32>
    %mul3A = arith.mulf %rsqrt3A, %get3A_14 : vector<256x128xf32>
    %swap3A = arith.constant 0 : index
    %swap3A_15 = arith.constant 0 : index
    %swap3A_16 = vector.load %arg3[%swap3A, %swap3A_15] : memref<256x128xf32, #tpu.memory_space<vmem>>, vector<256x128xf32>
    tpu.vector_store %arg3[%swap3A, %swap3A_15], %mul3A {strides = array<i32>} : memref<256x128xf32, #tpu.memory_space<vmem>>, vector<256x128xf32>,
    %swap3A_17 = arith.constant 0 : index
    %swap3A_18 = arith.constant 0 : index
    %swap3A_19 = vector.load %arg4[%swap3A_17, %swap3A_18] : memref<256x128xf32, #tpu.memory_space<vmem>>, vector<256x128xf32>
    tpu.vector_store %arg4[%swap3A_17, %swap3A_18], %rsqrt3A {strides = array<i32>} : memref<256x128xf32, #tpu.memory_space<vmem>>, vector<256x128xf32>,
    return
  }
  func.func @transform_0(%arg0: i32) -> (i32, i32) {
    %c0_i32 = arith.constant 0 : i32
    %c0_i32_0 = arith.constant 0 : i32
    return %arg0, %c0_i32 : i32, i32
  }
  func.func @transform_1(%arg0: i32) -> (i32, i32, i32) {
    %c0_i32 = arith.constant 0 : i32
    %c0_i32_0 = arith.constant 0 : i32
    %c0_i32_1 = arith.constant 0 : i32
    return %c0_i32, %arg0, %c0_i32_0 : i32, i32, i32
  }
  func.func @transform_2(%arg0: i32) -> (i32, i32) {
    %c0_i32 = arith.constant 0 : i32
    %c0_i32_0 = arith.constant 0 : i32
    return %arg0, %c0_i32 : i32, i32
  }
  func.func @transform_3(%arg0: i32) -> (i32, i32) {
    %c0_i32 = arith.constant 0 : i32
    %c0_i32_0 = arith.constant 0 : i32
    return %arg0, %c0_i32 : i32, i32
  }
}

module attributes {stable_mosaic.version = 14 : i64} {
  func.func @_hidden_body(%arg0: i32, %arg1: memref<2x256x128xf32, #tpu.memory_space<vmem>>, %arg2: memref<256x128xf32, #tpu.memory_space<vmem>>, %arg3: memref<256x128xf32, #tpu.memory_space<vmem>>, %arg4: memref<1x128xf32, #tpu.memory_space<vmem>>, %arg5: memref<256x128xf32, #tpu.memory_space<vmem>>) attributes {dimension_semantics = [#tpu.dimension_semantics<arbitrary>], iteration_bounds = array<i64: 5>, scalar_prefetch = 0 : i64, scratch_operands = 0 : i64, tpu.core_type = #tpu.core_type<tc>, window_params = [{transform_indices = @transform_0, window_bounds = array<i64: 2, 256, 128>}, {transform_indices = @transform_1, window_bounds = array<i64: 256, 128>}, {transform_indices = @transform_2, window_bounds = array<i64: 256, 128>}, {pipeline_mode = #tpu.pipeline_mode<synchronous>, transform_indices = @transform_3, window_bounds = array<i64: 1, 128>}, {transform_indices = @transform_4, window_bounds = array<i64: 256, 128>}]} {
    %get3A = arith.constant 0 : index
    %get3A_0 = arith.constant 0 : index
    %get3A_1 = vector.load %arg3[%get3A, %get3A_0] : memref<256x128xf32, #tpu.memory_space<vmem>>, vector<256x128xf32>
    %get3A_2 = arith.constant 0 : index
    %get3A_3 = arith.constant 0 : index
    %get3A_4 = arith.constant 0 : index
    %get3A_5 = vector.load %arg1[%get3A_2, %get3A_3, %get3A_4] : memref<2x256x128xf32, #tpu.memory_space<vmem>>, vector<1x256x128xf32>
    %get3A_6 = vector.shape_cast %get3A_5 : vector<1x256x128xf32> to vector<256x128xf32>
    %get3A_7 = arith.constant 1 : index
    %get3A_8 = arith.constant 0 : index
    %get3A_9 = arith.constant 0 : index
    %get3A_10 = vector.load %arg1[%get3A_7, %get3A_8, %get3A_9] : memref<2x256x128xf32, #tpu.memory_space<vmem>>, vector<1x256x128xf32>
    %get3A_11 = vector.shape_cast %get3A_10 : vector<1x256x128xf32> to vector<256x128xf32>
    %add3A = arith.addf %get3A_6, %get3A_11 : vector<256x128xf32>
    %get3A_12 = arith.constant 0 : index
    %get3A_13 = arith.constant 0 : index
    %get3A_14 = vector.load %arg2[%get3A_12, %get3A_13] : memref<256x128xf32, #tpu.memory_space<vmem>>, vector<256x128xf32>
    %add3A_15 = arith.addf %add3A, %get3A_14 : vector<256x128xf32>
    %mul3A = arith.mulf %get3A_1, %add3A_15 : vector<256x128xf32>
    %get3A_16 = arith.constant 0 : index
    %get3A_17 = arith.constant 0 : index
    %get3A_18 = vector.load %arg4[%get3A_16, %get3A_17] : memref<1x128xf32, #tpu.memory_space<vmem>>, vector<1x128xf32>
    %add3A_19 = vector.broadcast %get3A_18 : vector<1x128xf32> to vector<256x128xf32>
    %add3A_20 = arith.addf %mul3A, %add3A_19 : vector<256x128xf32>
    %max3A = arith.constant 0.000000e+00 : f32
    %max3A_21 = vector.broadcast %max3A : f32 to vector<256x128xf32>
    %max3A_22 = arith.maximumf %add3A_20, %max3A_21 : vector<256x128xf32>
    %mul3A_23 = arith.mulf %get3A_1, %max3A_22 : vector<256x128xf32>
    %swap3A = arith.constant 0 : index
    %swap3A_24 = arith.constant 0 : index
    %swap3A_25 = vector.load %arg5[%swap3A, %swap3A_24] : memref<256x128xf32, #tpu.memory_space<vmem>>, vector<256x128xf32>
    tpu.vector_store %arg5[%swap3A, %swap3A_24], %mul3A_23 {strides = array<i32>} : memref<256x128xf32, #tpu.memory_space<vmem>>, vector<256x128xf32>,
    return
  }
  func.func @transform_0(%arg0: i32) -> (i32, i32, i32) {
    %c0_i32 = arith.constant 0 : i32
    %c0_i32_0 = arith.constant 0 : i32
    %c0_i32_1 = arith.constant 0 : i32
    return %c0_i32, %arg0, %c0_i32_0 : i32, i32, i32
  }
  func.func @transform_1(%arg0: i32) -> (i32, i32) {
    %c0_i32 = arith.constant 0 : i32
    %c0_i32_0 = arith.constant 0 : i32
    return %arg0, %c0_i32 : i32, i32
  }
  func.func @transform_2(%arg0: i32) -> (i32, i32) {
    %c0_i32 = arith.constant 0 : i32
    %c0_i32_0 = arith.constant 0 : i32
    return %arg0, %c0_i32 : i32, i32
  }
  func.func @transform_3(%arg0: i32) -> (i32, i32) {
    %c0_i32 = arith.constant 0 : i32
    %c0_i32_0 = arith.constant 0 : i32
    %c0_i32_1 = arith.constant 0 : i32
    return %c0_i32, %c0_i32_0 : i32, i32
  }
  func.func @transform_4(%arg0: i32) -> (i32, i32) {
    %c0_i32 = arith.constant 0 : i32
    %c0_i32_0 = arith.constant 0 : i32
    return %arg0, %c0_i32 : i32, i32
  }
}

module attributes {stable_mosaic.version = 14 : i64} {
  func.func @_pool_body(%arg0: memref<2x1280x128xf32, #tpu.memory_space<vmem>>, %arg1: memref<1280x128xf32, #tpu.memory_space<vmem>>, %arg2: memref<1280x128xf32, #tpu.memory_space<vmem>>, %arg3: memref<1280x128xi32, #tpu.memory_space<vmem>>, %arg4: memref<16x2xf32, #tpu.memory_space<vmem>>, %arg5: memref<1x2xf32, #tpu.memory_space<vmem>>, %arg6: memref<64x2xf32, #tpu.memory_space<vmem>>) attributes {dimension_semantics = [], scalar_prefetch = 0 : i64, scratch_operands = 0 : i64, tpu.core_type = #tpu.core_type<tc>} {
    %get3A = arith.constant 0 : index
    %get3A_0 = arith.constant 0 : index
    %get3A_1 = vector.load %arg2[%get3A, %get3A_0] : memref<1280x128xf32, #tpu.memory_space<vmem>>, vector<1280x128xf32>
    %get3A_2 = arith.constant 0 : index
    %get3A_3 = arith.constant 0 : index
    %get3A_4 = arith.constant 0 : index
    %get3A_5 = vector.load %arg0[%get3A_2, %get3A_3, %get3A_4] : memref<2x1280x128xf32, #tpu.memory_space<vmem>>, vector<1x1280x128xf32>
    %get3A_6 = vector.shape_cast %get3A_5 : vector<1x1280x128xf32> to vector<1280x128xf32>
    %get3A_7 = arith.constant 1 : index
    %get3A_8 = arith.constant 0 : index
    %get3A_9 = arith.constant 0 : index
    %get3A_10 = vector.load %arg0[%get3A_7, %get3A_8, %get3A_9] : memref<2x1280x128xf32, #tpu.memory_space<vmem>>, vector<1x1280x128xf32>
    %get3A_11 = vector.shape_cast %get3A_10 : vector<1x1280x128xf32> to vector<1280x128xf32>
    %add3A = arith.addf %get3A_6, %get3A_11 : vector<1280x128xf32>
    %get3A_12 = arith.constant 0 : index
    %get3A_13 = arith.constant 0 : index
    %get3A_14 = vector.load %arg1[%get3A_12, %get3A_13] : memref<1280x128xf32, #tpu.memory_space<vmem>>, vector<1280x128xf32>
    %add3A_15 = arith.addf %add3A, %get3A_14 : vector<1280x128xf32>
    %mul3A = arith.mulf %get3A_1, %add3A_15 : vector<1280x128xf32>
    %iota3A = tpu.iota {dimensions = array<i32: 0>} : vector<1280x1xi32>
    %lt3A = arith.constant 1250 : i32
    %lt3A_16 = vector.broadcast %lt3A : i32 to vector<1280x1xi32>
    %lt3A_17 = arith.cmpi slt, %iota3A, %lt3A_16 : vector<1280x1xi32>
    %jit3A = arith.constant 0.000000e+00 : f32
    %broadcast_in_dim3A = vector.shape_cast %lt3A_17 : vector<1280x1xi1> to vector<1280x1xi1>
    %broadcast_in_dim3A_18 = vector.broadcast %broadcast_in_dim3A : vector<1280x1xi1> to vector<1280x128xi1>
    %broadcast_in_dim3A_19 = vector.broadcast %jit3A : f32 to vector<1280x128xf32>
    %select_n3A = arith.select %broadcast_in_dim3A_18, %mul3A, %broadcast_in_dim3A_19 : vector<1280x128xi1>, vector<1280x128xf32>
    %iota3A_20 = tpu.iota {dimensions = array<i32: 1>} : vector<1280x64xi32>
    %broadcast_in_dim3A_21 = arith.constant 1.000000e+00 : f32
    %broadcast_in_dim3A_22 = vector.broadcast %broadcast_in_dim3A_21 : f32 to vector<1280x1xf32>
    %broadcast_in_dim3A_23 = arith.constant 0.000000e+00 : f32
    %broadcast_in_dim3A_24 = vector.broadcast %broadcast_in_dim3A_23 : f32 to vector<64x16xf32>
    %broadcast_in_dim3A_25 = arith.constant 0.000000e+00 : f32
    %broadcast_in_dim3A_26 = vector.broadcast %broadcast_in_dim3A_25 : f32 to vector<64x1xf32>
    %get3A_27 = arith.constant 0 : index
    %get3A_28 = arith.constant 0 : index
    %get3A_29 = vector.load %arg3[%get3A_27, %get3A_28] : memref<1280x128xi32, #tpu.memory_space<vmem>>, vector<1280x1xi32>
    %eq3A = vector.broadcast %get3A_29 : vector<1280x1xi32> to vector<1280x64xi32>
    %eq3A_30 = arith.cmpi eq, %eq3A, %iota3A_20 : vector<1280x64xi32>
    %convert_element_type3A = arith.extui %eq3A_30 : vector<1280x64xi1> to vector<1280x64xi32>
    %convert_element_type3A_31 = arith.sitofp %convert_element_type3A : vector<1280x64xi32> to vector<1280x64xf32>
    %slice3A = vector.extract_strided_slice %select_n3A {offsets = [0, 0], sizes = [1280, 16], strides = [1, 1]} : vector<1280x128xf32> to vector<1280x16xf32>
    %dot_general3A = arith.constant dense<0.000000e+00> : vector<64x16xf32>
    %dot_general3A_32 = tpu.matmul %convert_element_type3A_31, %slice3A, %dot_general3A {dimension_numbers = #tpu.dot_dimension_numbers<[0], [0], [1], [1], [0, 1, 1, 1], [], []>, transpose_lhs_hint = false} : vector<1280x64xf32>, vector<1280x16xf32>, vector<64x16xf32> -> vector<64x16xf32>
    %add3A_33 = arith.addf %broadcast_in_dim3A_24, %dot_general3A_32 : vector<64x16xf32>
    %dot_general3A_34 = arith.constant dense<0.000000e+00> : vector<64x1xf32>
    %dot_general3A_35 = tpu.matmul %convert_element_type3A_31, %broadcast_in_dim3A_22, %dot_general3A_34 {dimension_numbers = #tpu.dot_dimension_numbers<[0], [0], [1], [1], [0, 1, 1, 1], [], []>, transpose_lhs_hint = false} : vector<1280x64xf32>, vector<1280x1xf32>, vector<64x1xf32> -> vector<64x1xf32>
    %add3A_36 = arith.addf %broadcast_in_dim3A_26, %dot_general3A_35 : vector<64x1xf32>
    %get3A_37 = arith.constant 0 : index
    %get3A_38 = arith.constant 16 : index
    %get3A_39 = vector.load %arg3[%get3A_37, %get3A_38] : memref<1280x128xi32, #tpu.memory_space<vmem>>, vector<1280x1xi32>
    %eq3A_40 = vector.broadcast %get3A_39 : vector<1280x1xi32> to vector<1280x64xi32>
    %eq3A_41 = arith.cmpi eq, %eq3A_40, %iota3A_20 : vector<1280x64xi32>
    %convert_element_type3A_42 = arith.extui %eq3A_41 : vector<1280x64xi1> to vector<1280x64xi32>
    %convert_element_type3A_43 = arith.sitofp %convert_element_type3A_42 : vector<1280x64xi32> to vector<1280x64xf32>
    %slice3A_44 = vector.extract_strided_slice %select_n3A {offsets = [0, 16], sizes = [1280, 16], strides = [1, 1]} : vector<1280x128xf32> to vector<1280x16xf32>
    %dot_general3A_45 = arith.constant dense<0.000000e+00> : vector<64x16xf32>
    %dot_general3A_46 = tpu.matmul %convert_element_type3A_43, %slice3A_44, %dot_general3A_45 {dimension_numbers = #tpu.dot_dimension_numbers<[0], [0], [1], [1], [0, 1, 1, 1], [], []>, transpose_lhs_hint = false} : vector<1280x64xf32>, vector<1280x16xf32>, vector<64x16xf32> -> vector<64x16xf32>
    %add3A_47 = arith.addf %add3A_33, %dot_general3A_46 : vector<64x16xf32>
    %dot_general3A_48 = arith.constant dense<0.000000e+00> : vector<64x1xf32>
    %dot_general3A_49 = tpu.matmul %convert_element_type3A_43, %broadcast_in_dim3A_22, %dot_general3A_48 {dimension_numbers = #tpu.dot_dimension_numbers<[0], [0], [1], [1], [0, 1, 1, 1], [], []>, transpose_lhs_hint = false} : vector<1280x64xf32>, vector<1280x1xf32>, vector<64x1xf32> -> vector<64x1xf32>
    %add3A_50 = arith.addf %add3A_36, %dot_general3A_49 : vector<64x1xf32>
    %get3A_51 = arith.constant 0 : index
    %get3A_52 = arith.constant 32 : index
    %get3A_53 = vector.load %arg3[%get3A_51, %get3A_52] : memref<1280x128xi32, #tpu.memory_space<vmem>>, vector<1280x1xi32>
    %eq3A_54 = vector.broadcast %get3A_53 : vector<1280x1xi32> to vector<1280x64xi32>
    %eq3A_55 = arith.cmpi eq, %eq3A_54, %iota3A_20 : vector<1280x64xi32>
    %convert_element_type3A_56 = arith.extui %eq3A_55 : vector<1280x64xi1> to vector<1280x64xi32>
    %convert_element_type3A_57 = arith.sitofp %convert_element_type3A_56 : vector<1280x64xi32> to vector<1280x64xf32>
    %slice3A_58 = vector.extract_strided_slice %select_n3A {offsets = [0, 32], sizes = [1280, 16], strides = [1, 1]} : vector<1280x128xf32> to vector<1280x16xf32>
    %dot_general3A_59 = arith.constant dense<0.000000e+00> : vector<64x16xf32>
    %dot_general3A_60 = tpu.matmul %convert_element_type3A_57, %slice3A_58, %dot_general3A_59 {dimension_numbers = #tpu.dot_dimension_numbers<[0], [0], [1], [1], [0, 1, 1, 1], [], []>, transpose_lhs_hint = false} : vector<1280x64xf32>, vector<1280x16xf32>, vector<64x16xf32> -> vector<64x16xf32>
    %add3A_61 = arith.addf %add3A_47, %dot_general3A_60 : vector<64x16xf32>
    %dot_general3A_62 = arith.constant dense<0.000000e+00> : vector<64x1xf32>
    %dot_general3A_63 = tpu.matmul %convert_element_type3A_57, %broadcast_in_dim3A_22, %dot_general3A_62 {dimension_numbers = #tpu.dot_dimension_numbers<[0], [0], [1], [1], [0, 1, 1, 1], [], []>, transpose_lhs_hint = false} : vector<1280x64xf32>, vector<1280x1xf32>, vector<64x1xf32> -> vector<64x1xf32>
    %add3A_64 = arith.addf %add3A_50, %dot_general3A_63 : vector<64x1xf32>
    %get3A_65 = arith.constant 0 : index
    %get3A_66 = arith.constant 48 : index
    %get3A_67 = vector.load %arg3[%get3A_65, %get3A_66] : memref<1280x128xi32, #tpu.memory_space<vmem>>, vector<1280x1xi32>
    %eq3A_68 = vector.broadcast %get3A_67 : vector<1280x1xi32> to vector<1280x64xi32>
    %eq3A_69 = arith.cmpi eq, %eq3A_68, %iota3A_20 : vector<1280x64xi32>
    %convert_element_type3A_70 = arith.extui %eq3A_69 : vector<1280x64xi1> to vector<1280x64xi32>
    %convert_element_type3A_71 = arith.sitofp %convert_element_type3A_70 : vector<1280x64xi32> to vector<1280x64xf32>
    %slice3A_72 = vector.extract_strided_slice %select_n3A {offsets = [0, 48], sizes = [1280, 16], strides = [1, 1]} : vector<1280x128xf32> to vector<1280x16xf32>
    %dot_general3A_73 = arith.constant dense<0.000000e+00> : vector<64x16xf32>
    %dot_general3A_74 = tpu.matmul %convert_element_type3A_71, %slice3A_72, %dot_general3A_73 {dimension_numbers = #tpu.dot_dimension_numbers<[0], [0], [1], [1], [0, 1, 1, 1], [], []>, transpose_lhs_hint = false} : vector<1280x64xf32>, vector<1280x16xf32>, vector<64x16xf32> -> vector<64x16xf32>
    %add3A_75 = arith.addf %add3A_61, %dot_general3A_74 : vector<64x16xf32>
    %dot_general3A_76 = arith.constant dense<0.000000e+00> : vector<64x1xf32>
    %dot_general3A_77 = tpu.matmul %convert_element_type3A_71, %broadcast_in_dim3A_22, %dot_general3A_76 {dimension_numbers = #tpu.dot_dimension_numbers<[0], [0], [1], [1], [0, 1, 1, 1], [], []>, transpose_lhs_hint = false} : vector<1280x64xf32>, vector<1280x1xf32>, vector<64x1xf32> -> vector<64x1xf32>
    %add3A_78 = arith.addf %add3A_64, %dot_general3A_77 : vector<64x1xf32>
    %get3A_79 = arith.constant 0 : index
    %get3A_80 = arith.constant 64 : index
    %get3A_81 = vector.load %arg3[%get3A_79, %get3A_80] : memref<1280x128xi32, #tpu.memory_space<vmem>>, vector<1280x1xi32>
    %eq3A_82 = vector.broadcast %get3A_81 : vector<1280x1xi32> to vector<1280x64xi32>
    %eq3A_83 = arith.cmpi eq, %eq3A_82, %iota3A_20 : vector<1280x64xi32>
    %convert_element_type3A_84 = arith.extui %eq3A_83 : vector<1280x64xi1> to vector<1280x64xi32>
    %convert_element_type3A_85 = arith.sitofp %convert_element_type3A_84 : vector<1280x64xi32> to vector<1280x64xf32>
    %slice3A_86 = vector.extract_strided_slice %select_n3A {offsets = [0, 64], sizes = [1280, 16], strides = [1, 1]} : vector<1280x128xf32> to vector<1280x16xf32>
    %dot_general3A_87 = arith.constant dense<0.000000e+00> : vector<64x16xf32>
    %dot_general3A_88 = tpu.matmul %convert_element_type3A_85, %slice3A_86, %dot_general3A_87 {dimension_numbers = #tpu.dot_dimension_numbers<[0], [0], [1], [1], [0, 1, 1, 1], [], []>, transpose_lhs_hint = false} : vector<1280x64xf32>, vector<1280x16xf32>, vector<64x16xf32> -> vector<64x16xf32>
    %add3A_89 = arith.addf %add3A_75, %dot_general3A_88 : vector<64x16xf32>
    %dot_general3A_90 = arith.constant dense<0.000000e+00> : vector<64x1xf32>
    %dot_general3A_91 = tpu.matmul %convert_element_type3A_85, %broadcast_in_dim3A_22, %dot_general3A_90 {dimension_numbers = #tpu.dot_dimension_numbers<[0], [0], [1], [1], [0, 1, 1, 1], [], []>, transpose_lhs_hint = false} : vector<1280x64xf32>, vector<1280x1xf32>, vector<64x1xf32> -> vector<64x1xf32>
    %add3A_92 = arith.addf %add3A_78, %dot_general3A_91 : vector<64x1xf32>
    %get3A_93 = arith.constant 0 : index
    %get3A_94 = arith.constant 80 : index
    %get3A_95 = vector.load %arg3[%get3A_93, %get3A_94] : memref<1280x128xi32, #tpu.memory_space<vmem>>, vector<1280x1xi32>
    %eq3A_96 = vector.broadcast %get3A_95 : vector<1280x1xi32> to vector<1280x64xi32>
    %eq3A_97 = arith.cmpi eq, %eq3A_96, %iota3A_20 : vector<1280x64xi32>
    %convert_element_type3A_98 = arith.extui %eq3A_97 : vector<1280x64xi1> to vector<1280x64xi32>
    %convert_element_type3A_99 = arith.sitofp %convert_element_type3A_98 : vector<1280x64xi32> to vector<1280x64xf32>
    %slice3A_100 = vector.extract_strided_slice %select_n3A {offsets = [0, 80], sizes = [1280, 16], strides = [1, 1]} : vector<1280x128xf32> to vector<1280x16xf32>
    %dot_general3A_101 = arith.constant dense<0.000000e+00> : vector<64x16xf32>
    %dot_general3A_102 = tpu.matmul %convert_element_type3A_99, %slice3A_100, %dot_general3A_101 {dimension_numbers = #tpu.dot_dimension_numbers<[0], [0], [1], [1], [0, 1, 1, 1], [], []>, transpose_lhs_hint = false} : vector<1280x64xf32>, vector<1280x16xf32>, vector<64x16xf32> -> vector<64x16xf32>
    %add3A_103 = arith.addf %add3A_89, %dot_general3A_102 : vector<64x16xf32>
    %dot_general3A_104 = arith.constant dense<0.000000e+00> : vector<64x1xf32>
    %dot_general3A_105 = tpu.matmul %convert_element_type3A_99, %broadcast_in_dim3A_22, %dot_general3A_104 {dimension_numbers = #tpu.dot_dimension_numbers<[0], [0], [1], [1], [0, 1, 1, 1], [], []>, transpose_lhs_hint = false} : vector<1280x64xf32>, vector<1280x1xf32>, vector<64x1xf32> -> vector<64x1xf32>
    %add3A_106 = arith.addf %add3A_92, %dot_general3A_105 : vector<64x1xf32>
    %get3A_107 = arith.constant 0 : index
    %get3A_108 = arith.constant 96 : index
    %get3A_109 = vector.load %arg3[%get3A_107, %get3A_108] : memref<1280x128xi32, #tpu.memory_space<vmem>>, vector<1280x1xi32>
    %eq3A_110 = vector.broadcast %get3A_109 : vector<1280x1xi32> to vector<1280x64xi32>
    %eq3A_111 = arith.cmpi eq, %eq3A_110, %iota3A_20 : vector<1280x64xi32>
    %convert_element_type3A_112 = arith.extui %eq3A_111 : vector<1280x64xi1> to vector<1280x64xi32>
    %convert_element_type3A_113 = arith.sitofp %convert_element_type3A_112 : vector<1280x64xi32> to vector<1280x64xf32>
    %slice3A_114 = vector.extract_strided_slice %select_n3A {offsets = [0, 96], sizes = [1280, 16], strides = [1, 1]} : vector<1280x128xf32> to vector<1280x16xf32>
    %dot_general3A_115 = arith.constant dense<0.000000e+00> : vector<64x16xf32>
    %dot_general3A_116 = tpu.matmul %convert_element_type3A_113, %slice3A_114, %dot_general3A_115 {dimension_numbers = #tpu.dot_dimension_numbers<[0], [0], [1], [1], [0, 1, 1, 1], [], []>, transpose_lhs_hint = false} : vector<1280x64xf32>, vector<1280x16xf32>, vector<64x16xf32> -> vector<64x16xf32>
    %add3A_117 = arith.addf %add3A_103, %dot_general3A_116 : vector<64x16xf32>
    %dot_general3A_118 = arith.constant dense<0.000000e+00> : vector<64x1xf32>
    %dot_general3A_119 = tpu.matmul %convert_element_type3A_113, %broadcast_in_dim3A_22, %dot_general3A_118 {dimension_numbers = #tpu.dot_dimension_numbers<[0], [0], [1], [1], [0, 1, 1, 1], [], []>, transpose_lhs_hint = false} : vector<1280x64xf32>, vector<1280x1xf32>, vector<64x1xf32> -> vector<64x1xf32>
    %add3A_120 = arith.addf %add3A_106, %dot_general3A_119 : vector<64x1xf32>
    %get3A_121 = arith.constant 0 : index
    %get3A_122 = arith.constant 112 : index
    %get3A_123 = vector.load %arg3[%get3A_121, %get3A_122] : memref<1280x128xi32, #tpu.memory_space<vmem>>, vector<1280x1xi32>
    %eq3A_124 = vector.broadcast %get3A_123 : vector<1280x1xi32> to vector<1280x64xi32>
    %eq3A_125 = arith.cmpi eq, %eq3A_124, %iota3A_20 : vector<1280x64xi32>
    %convert_element_type3A_126 = arith.extui %eq3A_125 : vector<1280x64xi1> to vector<1280x64xi32>
    %convert_element_type3A_127 = arith.sitofp %convert_element_type3A_126 : vector<1280x64xi32> to vector<1280x64xf32>
    %slice3A_128 = vector.extract_strided_slice %select_n3A {offsets = [0, 112], sizes = [1280, 16], strides = [1, 1]} : vector<1280x128xf32> to vector<1280x16xf32>
    %dot_general3A_129 = arith.constant dense<0.000000e+00> : vector<64x16xf32>
    %dot_general3A_130 = tpu.matmul %convert_element_type3A_127, %slice3A_128, %dot_general3A_129 {dimension_numbers = #tpu.dot_dimension_numbers<[0], [0], [1], [1], [0, 1, 1, 1], [], []>, transpose_lhs_hint = false} : vector<1280x64xf32>, vector<1280x16xf32>, vector<64x16xf32> -> vector<64x16xf32>
    %add3A_131 = arith.addf %add3A_117, %dot_general3A_130 : vector<64x16xf32>
    %dot_general3A_132 = arith.constant dense<0.000000e+00> : vector<64x1xf32>
    %dot_general3A_133 = tpu.matmul %convert_element_type3A_127, %broadcast_in_dim3A_22, %dot_general3A_132 {dimension_numbers = #tpu.dot_dimension_numbers<[0], [0], [1], [1], [0, 1, 1, 1], [], []>, transpose_lhs_hint = false} : vector<1280x64xf32>, vector<1280x1xf32>, vector<64x1xf32> -> vector<64x1xf32>
    %add3A_134 = arith.addf %add3A_120, %dot_general3A_133 : vector<64x1xf32>
    %max3A = arith.constant 1.000000e+00 : f32
    %max3A_135 = vector.broadcast %max3A : f32 to vector<64x1xf32>
    %max3A_136 = arith.maximumf %add3A_134, %max3A_135 : vector<64x1xf32>
    %div3A = vector.broadcast %max3A_136 : vector<64x1xf32> to vector<64x16xf32>
    %div3A_137 = arith.divf %add3A_131, %div3A : vector<64x16xf32>
    %get3A_138 = arith.constant 0 : index
    %get3A_139 = arith.constant 0 : index
    %get3A_140 = vector.load %arg4[%get3A_138, %get3A_139] : memref<16x2xf32, #tpu.memory_space<vmem>>, vector<16x2xf32>
    %dot_general3A_141 = arith.constant dense<0.000000e+00> : vector<64x2xf32>
    %dot_general3A_142 = tpu.matmul %div3A_137, %get3A_140, %dot_general3A_141 {dimension_numbers = #tpu.dot_dimension_numbers<[1], [0], [0], [1], [0, 0, 1, 1], [], []>, transpose_lhs_hint = false} : vector<64x16xf32>, vector<16x2xf32>, vector<64x2xf32> -> vector<64x2xf32>
    %get3A_143 = arith.constant 0 : index
    %get3A_144 = arith.constant 0 : index
    %get3A_145 = vector.load %arg5[%get3A_143, %get3A_144] : memref<1x2xf32, #tpu.memory_space<vmem>>, vector<1x2xf32>
    %add3A_146 = vector.broadcast %get3A_145 : vector<1x2xf32> to vector<64x2xf32>
    %add3A_147 = arith.addf %dot_general3A_142, %add3A_146 : vector<64x2xf32>
    %reduce_max3A = arith.constant dense<0xFF800000> : vector<64xf32>
    %reduce_max3A_148 = vector.multi_reduction <maximumf>, %add3A_147, %reduce_max3A [1] : vector<64x2xf32> to vector<64xf32>
    %broadcast_in_dim3A_149 = vector.shape_cast %reduce_max3A_148 : vector<64xf32> to vector<64x1xf32>
    %sub3A = vector.broadcast %broadcast_in_dim3A_149 : vector<64x1xf32> to vector<64x2xf32>
    %sub3A_150 = arith.subf %add3A_147, %sub3A : vector<64x2xf32>
    %exp3A = math.exp %sub3A_150 : vector<64x2xf32>
    %reduce_sum3A = arith.constant dense<0.000000e+00> : vector<64xf32>
    %reduce_sum3A_151 = vector.multi_reduction <add>, %exp3A, %reduce_sum3A [1] : vector<64x2xf32> to vector<64xf32>
    %broadcast_in_dim3A_152 = vector.shape_cast %reduce_sum3A_151 : vector<64xf32> to vector<64x1xf32>
    %log3A = math.log %broadcast_in_dim3A_152 : vector<64x1xf32>
    %add3A_153 = arith.addf %broadcast_in_dim3A_149, %log3A : vector<64x1xf32>
    %sub3A_154 = vector.broadcast %add3A_153 : vector<64x1xf32> to vector<64x2xf32>
    %sub3A_155 = arith.subf %add3A_147, %sub3A_154 : vector<64x2xf32>
    %swap3A = arith.constant 0 : index
    %swap3A_156 = arith.constant 0 : index
    %swap3A_157 = vector.load %arg6[%swap3A, %swap3A_156] : memref<64x2xf32, #tpu.memory_space<vmem>>, vector<64x2xf32>
    tpu.vector_store %arg6[%swap3A, %swap3A_156], %sub3A_155 {strides = array<i32>} : memref<64x2xf32, #tpu.memory_space<vmem>>, vector<64x2xf32>,
    return
  }
}

</mosaic_0001>

<sc_bundles>
// kernel: gcn_degree_sc.3.cloned.1.call-start
scs
__scs_entry_jumppad:
0x0: {  	(pc) =	sbr.rel $0x88, $3  }
0x1: {  	(tag) =	ssettag $0x0;
	lr =	simm.s32 $0x1  }
0x2: {  	[smem:$0x3F9A] =	sst lr;
	_ =	strace $0xD0000000  }
0x3: {  	_ = 	snop  }
0x4: {  	_ = 	snop  }
0x5: {  	_ = 	snop  }
0x6: {  	_ = 	snop  }
0x7: {  	_ = 	snop  }
__scs_overlays_trampoline_lowered:
0x8: {  	[smem:$0x3FA9] =	sst s0  }
0x9: {  	[smem:$0x3FAA] =	sst s1  }
0xa: {  	[smem:$0x3FAB] =	sst s2  }
0xb: {  	[smem:$0x3FAC] =	sst s3  }
0xc: {  	[smem:$0x3FAD] =	sst s4  }
0xd: {  	[smem:$0x3FAE] =	sst s5  }
0xe: {  	[smem:$0x3FAF] =	sst s6  }
0xf: {  	[smem:$0x3FB0] =	sst s7  }
0x10: {  	[smem:$0x3FB1] =	sst s8  }
0x11: {  	[smem:$0x3FB2] =	sst s9;
	s0 =	simm.s32 @!p0 $0x0  }
0x12: {  	s1 =	sld [smem:$0x3F98];
	s0 =	simm.s32 @p0 $0x1  }
0x13: {  	[smem:$0x3FB3] =	sst s0;
	s0 =	simm.s32 @!p1 $0x0  }
0x14: {  	s2 =	sld [smem:$0x3F97];
	s0 =	simm.s32 @p1 $0x1  }
0x15: {  	[smem:$0x3FB4] =	sst s0;
	s0 =	simm.s32 @!p2 $0x0  }
0x16: {  	s3 =	sld [smem:$0x3FDB];
	s0 =	simm.s32 @p2 $0x1  }
0x17: {  	s4 =	simm.s32 $0x1BF5;
	[smem:$0x3FB6] =	sst s0  }
0x18: {  	s0 =	sld [smem:$0x3F99];
	_ =	swait.ge [sflag:s4], $0x0  }
0x19: {  	s7 =	sld [smem:$0x3F9A]  }
0x1a: {  	s8 =	sadd.s32 $0xFFFFE003, lr  }
0x1b: {  	s9 =	sadd.s32 $0xFFFFFEF7, lr;
	s5 =	simm.s32 $0xFFFFFFFF;
	p2 =	slt.u32 s8, $0xFFFFF086  }
0x1c: {  	p1 =	slt.u32 s9, $0xF7A;
	s5 =	simm.s32 @!p2 $0x0  }
0x1d: {  	s5 =	simm.s32 @p1 $0x1;
	p0 =	seq.s32 s7, s2  }
0x1e: {  	s7 =	smul.u32 @!p0 $0xF7A, s2;
	p2 =	seq.s32 @!p0 s5, $0x0  }
0x1f: {  	s9 =	smul.u32 $0xF7A, s1;
	s8 =	simm.s32 @!p0 $0x1BF5;
	p2 =	por !p2, p0  }
0x20: {  	[sflag:s8] =	ssyncset.s32 @!p0 $0xFFFFF086;
	s6 =	sadd.s32 @!p0 s3, s7;
	s7 =	simm.s32 @!p0 $0x108  }
0x21: {  	s3 =	sadd.s32 s3, s9;
	s6 =	sadd.s32 @!p0 $0x88, s6;
	s7 =	simm.s32 @p2 $0x1082  }
0x22: {  	[simem:s7], [sflag:s8] =	dma.local @!p0 [hbm:s6], $0xF7A  }
0x23: {  	s9 =	sor.u32 $0xD0000000, s2;
	s6 =	simm.s32 $0x108;
	_ =	swait.ge @!p0 [sflag:s8], $0x0  }
0x24: {  	s3 =	sadd.s32 $0x88, s3;
	s6 =	simm.s32 @!p1 $0x1082;
	[sflag:s4] =	ssyncset.s32 $0xFFFFF086  }
0x25: {  	[simem:s6], [sflag:s4] =	dma.local [hbm:s3], $0xF7A  }
0x26: {  	[smem:$0x3F9A] =	sst s1;
	(tag) =	ssettag s2;
	_ =	strace s9  }
0x27: {  	s1 =	sld [smem:$0x3FAA]  }
0x28: {  	s2 =	sld [smem:$0x3FAB]  }
0x29: {  	s4 =	sld [smem:$0x3FAD]  }
0x2a: {  	p0 =	seq.s32 s5, $0x0;
	s5 =	sld [smem:$0x3FAE]  }
0x2b: {  	s6 =	sld [smem:$0x3FAF]  }
0x2c: {  	s7 =	sld [smem:$0x3FB0]  }
0x2d: {  	s3 =	simm.s32 $0x108;
	s8 =	sld [smem:$0x3FB1]  }
0x2e: {  	s3 =	simm.s32 @!p0 $0x1082;
	s9 =	sld [smem:$0x3FB2]  }
0x2f: {  	lr =	sadd.s32 s0, s3;
	s0 =	sld [smem:$0x3FA9]  }
0x30: {  	s3 =	sld [smem:$0x3FAC]  }
0x31: {  	[smem:$0x3FB5] =	sst s10  }
0x32: {  	s10 =	sld [smem:$0x3FB3];
	_ =	sdelay $0x3  }
0x33: {  	p0 =	seq.s32 s10, $0x1;
	s10 =	sld [smem:$0x3FB5];
	_ =	sdelay $0x3  }
0x34: {  	[smem:$0x3FB5] =	sst s10  }
0x35: {  	s10 =	sld [smem:$0x3FB4];
	_ =	sdelay $0x3  }
0x36: {  	p1 =	seq.s32 s10, $0x1;
	s10 =	sld [smem:$0x3FB5];
	_ =	sdelay $0x3  }
0x37: {  	[smem:$0x3FB5] =	sst s10  }
0x38: {  	s10 =	sld [smem:$0x3FB6]  }
0x39: {  	_ = 	snop;
	(pc) =	sbr.ind lr, $3  }
0x3a: {  	_ = 	snop  }
0x3b: {  	_ = 	snop  }
0x3c: {  	p2 =	seq.s32 s10, $0x1;
	s10 =	sld [smem:$0x3FB5]  }
0x3d: {  	_ =	shalt  }
0x3e: {  	_ =	shalt  }
0x3f: {  	_ =	shalt  }
0x40: {  	_ =	shalt  }
0x41: {  	_ =	shalt  }
0x42: {  	_ =	shalt  }
0x43: {  	_ =	shalt  }
0x44: {  	_ =	shalt  }
0x45: {  	_ =	shalt  }
0x46: {  	_ =	shalt  }
0x47: {  	_ =	shalt  }
0x48: {  	_ =	shalt  }
0x49: {  	_ =	shalt  }
0x4a: {  	_ =	shalt  }
0x4b: {  	_ =	shalt  }
0x4c: {  	_ =	shalt  }
0x4d: {  	_ =	shalt  }
0x4e: {  	_ =	shalt  }
0x4f: {  	_ =	shalt  }
0x50: {  	_ =	shalt  }
0x51: {  	_ =	shalt  }
0x52: {  	_ =	shalt  }
0x53: {  	_ =	shalt  }
0x54: {  	_ =	shalt  }
0x55: {  	_ =	shalt  }
0x56: {  	_ =	shalt  }
0x57: {  	_ =	shalt  }
0x58: {  	_ =	shalt  }
0x59: {  	_ =	shalt  }
0x5a: {  	_ =	shalt  }
0x5b: {  	_ =	shalt  }
0x5c: {  	_ =	shalt  }
0x5d: {  	_ =	shalt  }
0x5e: {  	_ =	shalt  }
0x5f: {  	_ =	shalt  }
0x60: {  	_ =	shalt  }
0x61: {  	_ =	shalt  }
0x62: {  	_ =	shalt  }
0x63: {  	_ =	shalt  }
0x64: {  	_ =	shalt  }
0x65: {  	_ =	shalt  }
0x66: {  	_ =	shalt  }
0x67: {  	_ =	shalt  }
0x68: {  	_ =	shalt  }
0x69: {  	_ =	shalt  }
0x6a: {  	_ =	shalt  }
0x6b: {  	_ =	shalt  }
0x6c: {  	_ =	shalt  }
0x6d: {  	_ =	shalt  }
0x6e: {  	_ =	shalt  }
0x6f: {  	_ =	shalt  }
0x70: {  	_ =	shalt  }
0x71: {  	_ =	shalt  }
0x72: {  	_ =	shalt  }
0x73: {  	_ =	shalt  }
0x74: {  	_ =	shalt  }
0x75: {  	_ =	shalt  }
0x76: {  	_ =	shalt  }
0x77: {  	_ =	shalt  }
0x78: {  	_ =	shalt  }
0x79: {  	_ =	shalt  }
0x7a: {  	_ =	shalt  }
0x7b: {  	_ =	shalt  }
0x7c: {  	_ =	shalt  }
0x7d: {  	_ =	shalt  }
0x7e: {  	_ =	shalt  }
0x7f: {  	_ =	shalt  }
0x80: {  	_ =	shalt  }
0x81: {  	_ =	shalt  }
0x82: {  	_ =	shalt  }
0x83: {  	_ =	shalt  }
0x84: {  	_ =	shalt  }
0x85: {  	_ =	shalt  }
0x86: {  	_ =	shalt  }
0x87: {  	_ =	shalt  }
.Lfunc_end0:
.L_simem_size_0:
called_computation_lowered:
.L_overlay_start_0:
0x88: {  	s2 =	sld [smem:$0x3FD9]  }
0x89: {  	s3 =	sld [smem:$0x3FFE];
	_ =	sdelay $0x1  }
0x8a: {  	s1 =	srdreg.scid  }
0x8b: {  	s0 =	sand.u32 $0x1, s1  }
0x8c: {  	s16 =	sshll.u32 s0, $0xA;
	s2 =	sadd.s32 s3, s2  }
0x8d: {  	s2 =	sadd.s32 s2, s16  }
0x8e: {  	[smem:$0x3FC1] =	sst s2  }
0x8f: {  	_ = 	snop  }
0x90: {  	(tm) =	ssettm $0x1  }
0x91: {  	s17 =	sld [smem:$0x3FFB];
	_ =	sdelay $0x3  }
0x92: {  	_ =	strace s17  }
0x93: {  	s2 =	sld [smem:$0x3FFC];
	_ =	sdelay $0x3  }
0x94: {  	_ =	strace s2  }
0x95: {  	s2 =	sld [smem:$0x3FFD];
	_ =	sdelay $0x3  }
0x96: {  	_ =	strace s2  }
0x97: {  	_ =	strace $0x8FFFFFFF  }
0x98: {  	s18 =	sld [smem:$0x3FDB];
	_ =	sdelay $0x1  }
0x99: {  	s19 =	simm.s32 $_scs_section_size  }
0x9a: {  	s4 =	simm.s32 $_size__tile_overlayer_lowered;
	s5 =	simm.s32 $_tile_overlayer_lowered  }
0x9b: {  	s22 =	simm.s32 $0x1BFF;
	s21 =	sshll.u32 s5, $0x1;
	s2 =	sadd.s32 s19, s18  }
0x9c: {  	s6 =	simm.s32 $0x0;
	s20 =	sshll.u32 s4, $0x1;
	s4 =	sadd.s32 s21, s2  }
0x9d: {  	[timem:s6], [sflag:s22] =	dma.local [hbm:s4], s20  }
0x9e: {  	_ =	swait.ge [sflag:s22], s20  }
0x9f: {  	s3 =	ssub.s32 $0x0, s20;
	[sflag:s22] =	ssyncset.done $0x0  }
0xa0: {  	[sflag:s22] =	ssyncadd.s32 s3;
	_ =	sdelay $0x1  }
0xa1: {  	s23 =	simm.s32 $0x1B8B  }
0xa2: {  	_ =	swait.ge [sflag:s23], $0x1  }
0xa3: {  	[sflag:s23] =	ssyncset.done $0x0  }
0xa4: {  	s25 =	simm.s32 $0x1B8E;
	s24 =	sld [smem:$0x3FFE];
	[sflag:s23] =	ssyncadd.s32 $0xFFFFFFFF  }
0xa5: {  	s26 =	simm.s32 $execute0_lowered;
	[smem:$0x3FD2] =	sst s25  }
0xa6: {  	s4 =	sshll.u32 s26, $0x1;
	_ =	strace $0x80000046;
	[dreg:$0x1] =	wrdreg $0xFFFFFFFF  }
0xa7: {  	s28 =	simm.s32 $_size_execute0_lowered;
	s2 =	sadd.s32 s2, s4;
	[dreg:$0x0] =	wrdreg $0x0  }
0xa8: {  	s4 =	sshll.u32 s28, $0x1;
	[dreg:$0x2] =	wrdreg s2  }
0xa9: {  	[dreg:$0x3] =	wrdreg s4  }
0xaa: {  	[dreg:$0x4] =	wrdreg $0xC0  }
0xab: {  	_ =	task [dreg:s6], $0x5FFFF  }
0xac: {  	[dreg:$0x1] =	wrdreg $0xFFFFFFFF  }
0xad: {  	[dreg:$0x0] =	wrdreg $0x60  }
0xae: {  	[dreg:$0x2] =	wrdreg s24  }
0xaf: {  	[dreg:$0x3] =	wrdreg $0x2FD00  }
0xb0: {  	[dreg:$0x4] =	wrdreg $0x9  }
0xb1: {  	_ =	task.clear_ibuf [dreg:s6], $0x5FFFF;
	_ =	strace $0x90000046  }
0xb2: {  	s29 =	simm.s32 $0x9;
	_ =	strace $0x80000048  }
0xb3: {  	_ =	swait.ge [sflag:s29], $0x1  }
0xb4: {  	[sflag:s29] =	ssyncadd.s32 $0xFFFFFFFF  }
0xb5: {  	_ =	strace $0x90000048  }
0xb6: {  	_ =	sfence  }
0xb7: {  	s30 =	sld [smem:$0x0];
	_ =	sdelay $0x2  }
0xb8: {  	s31 =	sshll.u32 s1, $0xD;
	s1 =	sshrl.u32 s1, $0x2  }
0xb9: {  	s3 =	sand.u32 $0x4000, s31;
	s1 =	sadd.s32 s1, s30  }
0xba: {  	s0 =	sor.u32 s3, s0;
	s1 =	sshll.u32 s1, $0x11  }
0xbb: {  	s0 =	sor.u32 s1, s0  }
0xbc: {  	s0 =	sadd.s32 $0x8F2B, s0  }
0xbd: {  	[sflag:s0] =	ssyncadd.remote.s32 $0x1  }
0xbe: {  	_ =	sfence.sel $0xFFFF  }
0xbf: {  	[dreg:$0x0] =	wrdreg $0xFFFFFFFF;
	(pc) =	sbr.abs _section_cstart, $3  }
0xc0: {  	[dreg:$0x1] =	wrdreg $0xFFFFFFFF  }
0xc1: {  	_ =	task.clear_ibuf [dreg:s6], $0x2FFFF;
	_ =	strace $0x9FFFFFFF  }
0xc2: {  	(tm) =	ssettm $0x7FFFFFFF  }
0xc3: {  	_ =	shalt  }
tec
execute0_lowered:
.L_overlay_start_1:
0x0: {  	(tag) =	ssettag $0x1  }
0x1: {  	s1 =	srdreg.scid;
	s7 =	rddreg [dreg:$0x0]  }
0x2: {  	s0 =	stileid.u32;
	s2 =	rddreg [dreg:$0x1];
	s3 =	simm.s32 $0x0  }
0x3: {  	s14 =	simm.s32 $0x1;
	s15 =	simm.s32 $0x0;
	s6 =	sand.u32 $0x1, s1  }
0x4: {  	s30 =	sshll.u32 s0, $0x1;
	s8 =	smul.u32 $0x2800, s0;
	[smem:$0x7FF] =	sst s3  }
0x5: {  	s11 =	sshll.u32 s0, $0x6;
	s1 =	sor.u32 s6, s30;
	s5 =	smul.u32 $0x28000, s6  }
0x6: {  	s6 =	ssub.s32 $0x2, s6;
	s4 =	smul.u32 $0x500, s1;
	s1 =	rddreg [dreg:$0x2]  }
0x7: {  	_ =	strace $0x80000047;
	s31 =	sshrl.u32 s6, $0x1;
	s13 =	sadd.s32 s8, s2  }
0x8: {  	s10 =	sadd.s32 s8, s5;
	s5 =	sadd.s32 $0xC600, s7;
	s12 =	ssub.s32 s6, s31  }
0x9: {  	s6 =	sor.u32 $0x1C02, s11;
	s11 =	simm.s32 $0x2;
	s10 =	sshrl.u32 s10, $0x3  }
0xa: {  	s9 =	sadd.s32 s4, s7;
	s4 =	sadd.s32 $0xCC00, s7;
	s10 =	sadd.s32 s10, s7  }
0xb: {  	s7 =	sadd.s32 $0x2600, s9;
	s9 =	smax.u32 s12, $0x1;
	s12 =	simm.s32 $0x2800  }
0xc: {  	s8 =	sadd.s32 $0xCE00, s10;
	s10 =	sshrl.u32 s13, $0x3;
	s13 =	simm.s32 $0x7D  }
.LBB2_1:
0xd: {  	[spmem:s10], [sflag:s6] =	dma.local [hbm:s5], $0x500  }
0xe: {  	_ =	swait.ge [sflag:s11], $0x500  }
0xf: {  	[sflag:s11] =	ssyncset.done $0x0  }
0x10: {  	[sflag:s11] =	ssyncadd.s32 $0xFFFFFB00  }
0x11: {  	[tilespmem:s12], [sflag:$0x2] =	stream.linear.gather [hbm4b:s4+s3], $0x7D0, $0x38;
	[tilespmem:$0x57D0] =	vst v63  }
0x12: {  	_ =	swait.ge [sflag:s11], $0x7D0  }
0x13: {  	[sflag:s11] =	ssyncset.done $0x0  }
0x14: {  	[sflag:s11] =	ssyncadd.s32 $0xFFFFF830  }
0x15: {  	[tilespmem:s3], [sflag:$0x2] =	stream.linear.gather [hbm4b:s7+s3], $0x2800, $0x38;
	[tilespmem:$0x57D0] =	vst v63  }
0x16: {  	_ =	swait.ge [sflag:s11], $0x2800  }
0x17: {  	[sflag:s11] =	ssyncset.done $0x0  }
0x18: {  	[sflag:s11] =	ssyncadd.s32 $0xFFFFD800  }
0x19: {  	s16 =	simm.s32 $0x0;
	[bflag:$0x0] =	sbarrier.arrive $0xFFFF  }
0x1a: {  	[spmem:s2] =	stream.indirect.scatter.add.f32 [tilespmem:s12], [sflag:$0x1], $0x10, s16, s13, $0xb8;
	[tilespmem:$0x57D0] =	vst v63  }
0x1b: {  	s24 =	simm.s32 $0x80  }
0x1c: {  	[spmem:s2] =	stream.indirect.scatter.add.f32 [tilespmem:s12], [sflag:$0x1], $0x10, s24, s13, $0xb8;
	[tilespmem:$0x57D0] =	vst v63  }
0x1d: {  	s25 =	simm.s32 $0x100  }
0x1e: {  	[spmem:s2] =	stream.indirect.scatter.add.f32 [tilespmem:s12], [sflag:$0x1], $0x10, s25, s13, $0xb8;
	[tilespmem:$0x57D0] =	vst v63  }
0x1f: {  	s26 =	simm.s32 $0x180  }
0x20: {  	[spmem:s2] =	stream.indirect.scatter.add.f32 [tilespmem:s12], [sflag:$0x1], $0x10, s26, s13, $0xb8;
	[tilespmem:$0x57D0] =	vst v63  }
0x21: {  	s28 =	simm.s32 $0x200  }
0x22: {  	[spmem:s2] =	stream.indirect.scatter.add.f32 [tilespmem:s12], [sflag:$0x1], $0x10, s28, s13, $0xb8;
	[tilespmem:$0x57D0] =	vst v63  }
0x23: {  	s29 =	simm.s32 $0x280  }
0x24: {  	[spmem:s2] =	stream.indirect.scatter.add.f32 [tilespmem:s12], [sflag:$0x1], $0x10, s29, s13, $0xb8;
	[tilespmem:$0x57D0] =	vst v63  }
0x25: {  	s30 =	simm.s32 $0x300  }
0x26: {  	[spmem:s2] =	stream.indirect.scatter.add.f32 [tilespmem:s12], [sflag:$0x1], $0x10, s30, s13, $0xb8;
	[tilespmem:$0x57D0] =	vst v63  }
0x27: {  	s31 =	simm.s32 $0x380  }
0x28: {  	[spmem:s2] =	stream.indirect.scatter.add.f32 [tilespmem:s12], [sflag:$0x1], $0x10, s31, s13, $0xb8;
	[tilespmem:$0x57D0] =	vst v63  }
0x29: {  	_ =	swait.ge [sflag:s14], $0x7D0  }
0x2a: {  	[sflag:s14] =	ssyncset.done $0x0  }
0x2b: {  	[sflag:s14] =	ssyncadd.s32 $0xFFFFF830  }
0x2c: {  	_ =	swait.ge [sflag:s14], $0x7D0  }
0x2d: {  	[sflag:s14] =	ssyncset.done $0x0  }
0x2e: {  	[sflag:s14] =	ssyncadd.s32 $0xFFFFF830  }
0x2f: {  	_ =	swait.ge [sflag:s14], $0x7D0  }
0x30: {  	[sflag:s14] =	ssyncset.done $0x0  }
0x31: {  	[sflag:s14] =	ssyncadd.s32 $0xFFFFF830  }
0x32: {  	_ =	swait.ge [sflag:s14], $0x7D0  }
0x33: {  	[sflag:s14] =	ssyncset.done $0x0  }
0x34: {  	[sflag:s14] =	ssyncadd.s32 $0xFFFFF830  }
0x35: {  	_ =	swait.ge [sflag:s14], $0x7D0  }
0x36: {  	[sflag:s14] =	ssyncset.done $0x0  }
0x37: {  	[sflag:s14] =	ssyncadd.s32 $0xFFFFF830  }
0x38: {  	_ =	swait.ge [sflag:s14], $0x7D0  }
0x39: {  	[sflag:s14] =	ssyncset.done $0x0  }
0x3a: {  	[sflag:s14] =	ssyncadd.s32 $0xFFFFF830  }
0x3b: {  	_ =	swait.ge [sflag:s14], $0x7D0  }
0x3c: {  	[sflag:s14] =	ssyncset.done $0x0  }
0x3d: {  	[sflag:s14] =	ssyncadd.s32 $0xFFFFF830  }
0x3e: {  	_ =	swait.ge [sflag:s14], $0x7D0  }
0x3f: {  	s18 =	simm.s32 $0x2000;
	s16 =	simm.s32 $0x1000;
	[sflag:s14] =	ssyncset.done $0x0  }
.LBB2_2:
0x40: {  	s19 =	sshra.s32 s16, $0x2  }
0x41: {  	[sflag:s14] =	ssyncadd.s32 $0xFFFFF830;
	s16 =	smov.u32 s18;
	s17 =	sadd.s32 $0x1000, s18  }
0x42: {  	[spmem:s2] =	stream.indirect.scatter.add.f32 [tilespmem:s12], [sflag:$0x1], $0x10, s19, s13, $0xb8;
	[tilespmem:$0x57D0] =	vst v63  }
0x43: {  	p0 =	sne.s32 s18, $0x9000;
	s18 =	sadd.s32 $0x80, s19  }
0x44: {  	[spmem:s2] =	stream.indirect.scatter.add.f32 [tilespmem:s12], [sflag:$0x1], $0x10, s18, s13, $0xb8;
	[tilespmem:$0x57D0] =	vst v63  }
0x45: {  	s18 =	sadd.s32 $0x100, s19  }
0x46: {  	[spmem:s2] =	stream.indirect.scatter.add.f32 [tilespmem:s12], [sflag:$0x1], $0x10, s18, s13, $0xb8;
	[tilespmem:$0x57D0] =	vst v63  }
0x47: {  	s18 =	sadd.s32 $0x180, s19  }
0x48: {  	[spmem:s2] =	stream.indirect.scatter.add.f32 [tilespmem:s12], [sflag:$0x1], $0x10, s18, s13, $0xb8;
	[tilespmem:$0x57D0] =	vst v63  }
0x49: {  	s18 =	sadd.s32 $0x200, s19  }
0x4a: {  	[spmem:s2] =	stream.indirect.scatter.add.f32 [tilespmem:s12], [sflag:$0x1], $0x10, s18, s13, $0xb8;
	[tilespmem:$0x57D0] =	vst v63  }
0x4b: {  	s18 =	sadd.s32 $0x280, s19  }
0x4c: {  	[spmem:s2] =	stream.indirect.scatter.add.f32 [tilespmem:s12], [sflag:$0x1], $0x10, s18, s13, $0xb8;
	[tilespmem:$0x57D0] =	vst v63  }
0x4d: {  	s18 =	sadd.s32 $0x300, s19  }
0x4e: {  	[spmem:s2] =	stream.indirect.scatter.add.f32 [tilespmem:s12], [sflag:$0x1], $0x10, s18, s13, $0xb8;
	[tilespmem:$0x57D0] =	vst v63  }
0x4f: {  	s18 =	sadd.s32 $0x380, s19  }
0x50: {  	[spmem:s2] =	stream.indirect.scatter.add.f32 [tilespmem:s12], [sflag:$0x1], $0x10, s18, s13, $0xb8;
	[tilespmem:$0x57D0] =	vst v63  }
0x51: {  	_ =	swait.ge [sflag:s14], $0x7D0  }
0x52: {  	[sflag:s14] =	ssyncset.done $0x0  }
0x53: {  	[sflag:s14] =	ssyncadd.s32 $0xFFFFF830  }
0x54: {  	_ =	swait.ge [sflag:s14], $0x7D0  }
0x55: {  	[sflag:s14] =	ssyncset.done $0x0  }
0x56: {  	[sflag:s14] =	ssyncadd.s32 $0xFFFFF830  }
0x57: {  	_ =	swait.ge [sflag:s14], $0x7D0  }
0x58: {  	[sflag:s14] =	ssyncset.done $0x0  }
0x59: {  	[sflag:s14] =	ssyncadd.s32 $0xFFFFF830  }
0x5a: {  	_ =	swait.ge [sflag:s14], $0x7D0  }
0x5b: {  	[sflag:s14] =	ssyncset.done $0x0  }
0x5c: {  	[sflag:s14] =	ssyncadd.s32 $0xFFFFF830  }
0x5d: {  	_ =	swait.ge [sflag:s14], $0x7D0  }
0x5e: {  	[sflag:s14] =	ssyncset.done $0x0  }
0x5f: {  	[sflag:s14] =	ssyncadd.s32 $0xFFFFF830  }
0x60: {  	_ =	swait.ge [sflag:s14], $0x7D0  }
0x61: {  	[sflag:s14] =	ssyncset.done $0x0  }
0x62: {  	[sflag:s14] =	ssyncadd.s32 $0xFFFFF830  }
.Ltmp0:
0x63: {  	_ =	swait.ge [sflag:s14], $0x7D0;
	(pc) =	sbr.rel @p0 .LBB2_2-.Ltmp0, $4  }
0x64: {  	[sflag:s14] =	ssyncset.done $0x0  }
0x65: {  	[sflag:s14] =	ssyncadd.s32 $0xFFFFF830  }
0x66: {  	_ =	swait.ge [sflag:s14], $0x7D0  }
0x67: {  	s18 =	smov.u32 s17;
	[sflag:s14] =	ssyncset.done $0x0  }
0x68: {  	s16 =	sshra.s32 s16, $0x2;
	[sflag:s14] =	ssyncadd.s32 $0xFFFFF830  }
0x69: {  	[spmem:s2] =	stream.indirect.scatter.add.f32 [tilespmem:s12], [sflag:$0x1], $0x10, s16, s13, $0xb8;
	[tilespmem:$0x57D0] =	vst v63  }
0x6a: {  	s17 =	sadd.s32 $0x80, s16  }
0x6b: {  	[spmem:s2] =	stream.indirect.scatter.add.f32 [tilespmem:s12], [sflag:$0x1], $0x10, s17, s13, $0xb8;
	[tilespmem:$0x57D0] =	vst v63  }
0x6c: {  	s26 =	sadd.s32 $0x100, s16  }
0x6d: {  	[spmem:s2] =	stream.indirect.scatter.add.f32 [tilespmem:s12], [sflag:$0x1], $0x10, s26, s13, $0xb8;
	[tilespmem:$0x57D0] =	vst v63  }
0x6e: {  	s28 =	sadd.s32 $0x180, s16  }
0x6f: {  	[spmem:s2] =	stream.indirect.scatter.add.f32 [tilespmem:s12], [sflag:$0x1], $0x10, s28, s13, $0xb8;
	[tilespmem:$0x57D0] =	vst v63  }
0x70: {  	s29 =	sadd.s32 $0x200, s16  }
0x71: {  	[spmem:s2] =	stream.indirect.scatter.add.f32 [tilespmem:s12], [sflag:$0x1], $0x10, s29, s13, $0xb8;
	[tilespmem:$0x57D0] =	vst v63  }
0x72: {  	s30 =	sadd.s32 $0x280, s16  }
0x73: {  	[spmem:s2] =	stream.indirect.scatter.add.f32 [tilespmem:s12], [sflag:$0x1], $0x10, s30, s13, $0xb8;
	[tilespmem:$0x57D0] =	vst v63  }
0x74: {  	s31 =	sadd.s32 $0x300, s16  }
0x75: {  	[spmem:s2] =	stream.indirect.scatter.add.f32 [tilespmem:s12], [sflag:$0x1], $0x10, s31, s13, $0xb8;
	[tilespmem:$0x57D0] =	vst v63  }
0x76: {  	s16 =	sadd.s32 $0x380, s16  }
0x77: {  	[spmem:s2] =	stream.indirect.scatter.add.f32 [tilespmem:s12], [sflag:$0x1], $0x10, s16, s13, $0xb8;
	[tilespmem:$0x57D0] =	vst v63  }
0x78: {  	_ =	swait.ge [sflag:s14], $0x7D0  }
0x79: {  	[sflag:s14] =	ssyncset.done $0x0  }
0x7a: {  	[sflag:s14] =	ssyncadd.s32 $0xFFFFF830  }
0x7b: {  	_ =	swait.ge [sflag:s14], $0x7D0  }
0x7c: {  	[sflag:s14] =	ssyncset.done $0x0  }
0x7d: {  	[sflag:s14] =	ssyncadd.s32 $0xFFFFF830  }
0x7e: {  	_ =	swait.ge [sflag:s14], $0x7D0  }
0x7f: {  	[sflag:s14] =	ssyncset.done $0x0  }
0x80: {  	[sflag:s14] =	ssyncadd.s32 $0xFFFFF830  }
0x81: {  	_ =	swait.ge [sflag:s14], $0x7D0  }
0x82: {  	[sflag:s14] =	ssyncset.done $0x0  }
0x83: {  	[sflag:s14] =	ssyncadd.s32 $0xFFFFF830  }
0x84: {  	_ =	swait.ge [sflag:s14], $0x7D0  }
0x85: {  	[sflag:s14] =	ssyncset.done $0x0  }
0x86: {  	[sflag:s14] =	ssyncadd.s32 $0xFFFFF830  }
0x87: {  	_ =	swait.ge [sflag:s14], $0x7D0  }
0x88: {  	[sflag:s14] =	ssyncset.done $0x0  }
0x89: {  	[sflag:s14] =	ssyncadd.s32 $0xFFFFF830  }
0x8a: {  	_ =	swait.ge [sflag:s14], $0x7D0  }
0x8b: {  	[sflag:s14] =	ssyncset.done $0x0  }
0x8c: {  	[sflag:s14] =	ssyncadd.s32 $0xFFFFF830  }
0x8d: {  	_ =	swait.ge [sflag:s14], $0x7D0  }
0x8e: {  	s15 =	sadd.s32 $0x1, s15;
	[sflag:s14] =	ssyncset.done $0x0  }
0x8f: {  	p0 =	sne.s32 s15, s9;
	[sflag:s14] =	ssyncadd.s32 $0xFFFFF830  }
.Ltmp1:
0x90: {  	[bflag:$0x0] =	sbarrier.arrive $0xFFFF;
	(pc) =	sbr.rel @p0 .LBB2_1-.Ltmp1, $4  }
0x91: {  	[hbm:s8], [sflag:s6] =	dma.local [spmem:s10], $0x500  }
0x92: {  	_ =	swait.ge [sflag:s11], $0x500  }
0x93: {  	[sflag:s11] =	ssyncset.done $0x0  }
0x94: {  	[sflag:s11] =	ssyncadd.s32 $0xFFFFFB00  }
0x95: {  	_ =	sfence.sel $0x180000  }
0x96: {  	[bflag:$0x0] =	sbarrier.arrive $0xFFFF  }
0x97: {  	p0 =	sne.s32 s0, $0x0;
	_ =	strace $0x90000047  }
0x98: {  	s0 =	sadd.s32 @!p0 $0x100000, s1;
	[bflag:$0x2] =	sbarrier.arrive $0xFFFF  }
0x99: {  	[sflag:s0] =	ssyncadd.tile.s32 @!p0 $0x1;
	_ =	shalt  }
.Lfunc_end2:
_tile_overlayer_lowered:
.L_overlay_start_2:
0x9a: {  	(tag) =	ssettag $0x2  }
0x9b: {  	s0 =	rddreg [dreg:$0x0];
	s2 =	stileid.u32  }
0x9c: {  	s1 =	rddreg [dreg:$0x1];
	p0 =	sne.s32 s2, $0x0  }
0x9d: {  	s3 =	rddreg [dreg:$0x2];
	[bflag:$0x3] =	sbarrier.arrive $0xFFFF;
	s2 =	simm.s32 @!p0 $0x1C02  }
0x9e: {  	[timem:s3], [sflag:s2] =	dma.local @!p0 [hbm:s0], s1  }
0x9f: {  	s0 =	simm.s32 @!p0 $0x2  }
0xa0: {  	_ =	swait.ge @!p0 [sflag:s0], s1  }
0xa1: {  	s1 =	ssub.s32 @!p0 $0x0, s1;
	[sflag:s0] =	ssyncset.done @!p0 $0x0  }
0xa2: {  	[sflag:s0] =	ssyncadd.s32 @!p0 s1  }
0xa3: {  	[bflag:$0x3] =	sbarrier.arrive $0xFFFF  }
0xa4: {  	_ =	shalt  }

// kernel: gcn_edges1_sc.3.cloned.1.call-start
scs
__scs_entry_jumppad:
0x0: {  	(pc) =	sbr.rel $0x88, $3  }
0x1: {  	(tag) =	ssettag $0x0;
	lr =	simm.s32 $0x1  }
0x2: {  	[smem:$0x3F9A] =	sst lr;
	_ =	strace $0xD0000000  }
0x3: {  	_ = 	snop  }
0x4: {  	_ = 	snop  }
0x5: {  	_ = 	snop  }
0x6: {  	_ = 	snop  }
0x7: {  	_ = 	snop  }
__scs_overlays_trampoline_lowered:
0x8: {  	[smem:$0x3FA9] =	sst s0  }
0x9: {  	[smem:$0x3FAA] =	sst s1  }
0xa: {  	[smem:$0x3FAB] =	sst s2  }
0xb: {  	[smem:$0x3FAC] =	sst s3  }
0xc: {  	[smem:$0x3FAD] =	sst s4  }
0xd: {  	[smem:$0x3FAE] =	sst s5  }
0xe: {  	[smem:$0x3FAF] =	sst s6  }
0xf: {  	[smem:$0x3FB0] =	sst s7  }
0x10: {  	[smem:$0x3FB1] =	sst s8  }
0x11: {  	[smem:$0x3FB2] =	sst s9;
	s0 =	simm.s32 @!p0 $0x0  }
0x12: {  	s1 =	sld [smem:$0x3F98];
	s0 =	simm.s32 @p0 $0x1  }
0x13: {  	[smem:$0x3FB3] =	sst s0;
	s0 =	simm.s32 @!p1 $0x0  }
0x14: {  	s2 =	sld [smem:$0x3F97];
	s0 =	simm.s32 @p1 $0x1  }
0x15: {  	[smem:$0x3FB4] =	sst s0;
	s0 =	simm.s32 @!p2 $0x0  }
0x16: {  	s3 =	sld [smem:$0x3FDB];
	s0 =	simm.s32 @p2 $0x1  }
0x17: {  	s4 =	simm.s32 $0x1BF5;
	[smem:$0x3FB6] =	sst s0  }
0x18: {  	s0 =	sld [smem:$0x3F99];
	_ =	swait.ge [sflag:s4], $0x0  }
0x19: {  	s7 =	sld [smem:$0x3F9A]  }
0x1a: {  	s8 =	sadd.s32 $0xFFFFE003, lr  }
0x1b: {  	s9 =	sadd.s32 $0xFFFFFEF7, lr;
	s5 =	simm.s32 $0xFFFFFFFF;
	p2 =	slt.u32 s8, $0xFFFFF086  }
0x1c: {  	p1 =	slt.u32 s9, $0xF7A;
	s5 =	simm.s32 @!p2 $0x0  }
0x1d: {  	s5 =	simm.s32 @p1 $0x1;
	p0 =	seq.s32 s7, s2  }
0x1e: {  	s7 =	smul.u32 @!p0 $0xF7A, s2;
	p2 =	seq.s32 @!p0 s5, $0x0  }
0x1f: {  	s9 =	smul.u32 $0xF7A, s1;
	s8 =	simm.s32 @!p0 $0x1BF5;
	p2 =	por !p2, p0  }
0x20: {  	[sflag:s8] =	ssyncset.s32 @!p0 $0xFFFFF086;
	s6 =	sadd.s32 @!p0 s3, s7;
	s7 =	simm.s32 @!p0 $0x108  }
0x21: {  	s3 =	sadd.s32 s3, s9;
	s6 =	sadd.s32 @!p0 $0x88, s6;
	s7 =	simm.s32 @p2 $0x1082  }
0x22: {  	[simem:s7], [sflag:s8] =	dma.local @!p0 [hbm:s6], $0xF7A  }
0x23: {  	s9 =	sor.u32 $0xD0000000, s2;
	s6 =	simm.s32 $0x108;
	_ =	swait.ge @!p0 [sflag:s8], $0x0  }
0x24: {  	s3 =	sadd.s32 $0x88, s3;
	s6 =	simm.s32 @!p1 $0x1082;
	[sflag:s4] =	ssyncset.s32 $0xFFFFF086  }
0x25: {  	[simem:s6], [sflag:s4] =	dma.local [hbm:s3], $0xF7A  }
0x26: {  	[smem:$0x3F9A] =	sst s1;
	(tag) =	ssettag s2;
	_ =	strace s9  }
0x27: {  	s1 =	sld [smem:$0x3FAA]  }
0x28: {  	s2 =	sld [smem:$0x3FAB]  }
0x29: {  	s4 =	sld [smem:$0x3FAD]  }
0x2a: {  	p0 =	seq.s32 s5, $0x0;
	s5 =	sld [smem:$0x3FAE]  }
0x2b: {  	s6 =	sld [smem:$0x3FAF]  }
0x2c: {  	s7 =	sld [smem:$0x3FB0]  }
0x2d: {  	s3 =	simm.s32 $0x108;
	s8 =	sld [smem:$0x3FB1]  }
0x2e: {  	s3 =	simm.s32 @!p0 $0x1082;
	s9 =	sld [smem:$0x3FB2]  }
0x2f: {  	lr =	sadd.s32 s0, s3;
	s0 =	sld [smem:$0x3FA9]  }
0x30: {  	s3 =	sld [smem:$0x3FAC]  }
0x31: {  	[smem:$0x3FB5] =	sst s10  }
0x32: {  	s10 =	sld [smem:$0x3FB3];
	_ =	sdelay $0x3  }
0x33: {  	p0 =	seq.s32 s10, $0x1;
	s10 =	sld [smem:$0x3FB5];
	_ =	sdelay $0x3  }
0x34: {  	[smem:$0x3FB5] =	sst s10  }
0x35: {  	s10 =	sld [smem:$0x3FB4];
	_ =	sdelay $0x3  }
0x36: {  	p1 =	seq.s32 s10, $0x1;
	s10 =	sld [smem:$0x3FB5];
	_ =	sdelay $0x3  }
0x37: {  	[smem:$0x3FB5] =	sst s10  }
0x38: {  	s10 =	sld [smem:$0x3FB6]  }
0x39: {  	_ = 	snop;
	(pc) =	sbr.ind lr, $3  }
0x3a: {  	_ = 	snop  }
0x3b: {  	_ = 	snop  }
0x3c: {  	p2 =	seq.s32 s10, $0x1;
	s10 =	sld [smem:$0x3FB5]  }
0x3d: {  	_ =	shalt  }
0x3e: {  	_ =	shalt  }
0x3f: {  	_ =	shalt  }
0x40: {  	_ =	shalt  }
0x41: {  	_ =	shalt  }
0x42: {  	_ =	shalt  }
0x43: {  	_ =	shalt  }
0x44: {  	_ =	shalt  }
0x45: {  	_ =	shalt  }
0x46: {  	_ =	shalt  }
0x47: {  	_ =	shalt  }
0x48: {  	_ =	shalt  }
0x49: {  	_ =	shalt  }
0x4a: {  	_ =	shalt  }
0x4b: {  	_ =	shalt  }
0x4c: {  	_ =	shalt  }
0x4d: {  	_ =	shalt  }
0x4e: {  	_ =	shalt  }
0x4f: {  	_ =	shalt  }
0x50: {  	_ =	shalt  }
0x51: {  	_ =	shalt  }
0x52: {  	_ =	shalt  }
0x53: {  	_ =	shalt  }
0x54: {  	_ =	shalt  }
0x55: {  	_ =	shalt  }
0x56: {  	_ =	shalt  }
0x57: {  	_ =	shalt  }
0x58: {  	_ =	shalt  }
0x59: {  	_ =	shalt  }
0x5a: {  	_ =	shalt  }
0x5b: {  	_ =	shalt  }
0x5c: {  	_ =	shalt  }
0x5d: {  	_ =	shalt  }
0x5e: {  	_ =	shalt  }
0x5f: {  	_ =	shalt  }
0x60: {  	_ =	shalt  }
0x61: {  	_ =	shalt  }
0x62: {  	_ =	shalt  }
0x63: {  	_ =	shalt  }
0x64: {  	_ =	shalt  }
0x65: {  	_ =	shalt  }
0x66: {  	_ =	shalt  }
0x67: {  	_ =	shalt  }
0x68: {  	_ =	shalt  }
0x69: {  	_ =	shalt  }
0x6a: {  	_ =	shalt  }
0x6b: {  	_ =	shalt  }
0x6c: {  	_ =	shalt  }
0x6d: {  	_ =	shalt  }
0x6e: {  	_ =	shalt  }
0x6f: {  	_ =	shalt  }
0x70: {  	_ =	shalt  }
0x71: {  	_ =	shalt  }
0x72: {  	_ =	shalt  }
0x73: {  	_ =	shalt  }
0x74: {  	_ =	shalt  }
0x75: {  	_ =	shalt  }
0x76: {  	_ =	shalt  }
0x77: {  	_ =	shalt  }
0x78: {  	_ =	shalt  }
0x79: {  	_ =	shalt  }
0x7a: {  	_ =	shalt  }
0x7b: {  	_ =	shalt  }
0x7c: {  	_ =	shalt  }
0x7d: {  	_ =	shalt  }
0x7e: {  	_ =	shalt  }
0x7f: {  	_ =	shalt  }
0x80: {  	_ =	shalt  }
0x81: {  	_ =	shalt  }
0x82: {  	_ =	shalt  }
0x83: {  	_ =	shalt  }
0x84: {  	_ =	shalt  }
0x85: {  	_ =	shalt  }
0x86: {  	_ =	shalt  }
0x87: {  	_ =	shalt  }
.Lfunc_end0:
.L_simem_size_0:
called_computation.1_lowered:
.L_overlay_start_0:
0x88: {  	s2 =	sld [smem:$0x3FD9]  }
0x89: {  	s3 =	sld [smem:$0x3FFE];
	_ =	sdelay $0x1  }
0x8a: {  	s1 =	srdreg.scid  }
0x8b: {  	s0 =	sand.u32 $0x1, s1  }
0x8c: {  	s16 =	sshll.u32 s0, $0xA;
	s2 =	sadd.s32 s3, s2  }
0x8d: {  	s2 =	sadd.s32 s2, s16  }
0x8e: {  	[smem:$0x3FC1] =	sst s2  }
0x8f: {  	_ = 	snop  }
0x90: {  	(tm) =	ssettm $0x1  }
0x91: {  	s17 =	sld [smem:$0x3FFB];
	_ =	sdelay $0x3  }
0x92: {  	_ =	strace s17  }
0x93: {  	s2 =	sld [smem:$0x3FFC];
	_ =	sdelay $0x3  }
0x94: {  	_ =	strace s2  }
0x95: {  	s2 =	sld [smem:$0x3FFD];
	_ =	sdelay $0x3  }
0x96: {  	_ =	strace s2  }
0x97: {  	_ =	strace $0x8FFFFFFF  }
0x98: {  	s18 =	sld [smem:$0x3FDB];
	_ =	sdelay $0x1  }
0x99: {  	s19 =	simm.s32 $_scs_section_size  }
0x9a: {  	s4 =	simm.s32 $_size__tile_overlayer_lowered;
	s5 =	simm.s32 $_tile_overlayer_lowered  }
0x9b: {  	s22 =	simm.s32 $0x1BFF;
	s21 =	sshll.u32 s5, $0x1;
	s2 =	sadd.s32 s19, s18  }
0x9c: {  	s6 =	simm.s32 $0x0;
	s20 =	sshll.u32 s4, $0x1;
	s4 =	sadd.s32 s21, s2  }
0x9d: {  	[timem:s6], [sflag:s22] =	dma.local [hbm:s4], s20  }
0x9e: {  	_ =	swait.ge [sflag:s22], s20  }
0x9f: {  	s3 =	ssub.s32 $0x0, s20;
	[sflag:s22] =	ssyncset.done $0x0  }
0xa0: {  	[sflag:s22] =	ssyncadd.s32 s3;
	_ =	sdelay $0x1  }
0xa1: {  	s23 =	simm.s32 $0x1B8B  }
0xa2: {  	_ =	swait.ge [sflag:s23], $0x1  }
0xa3: {  	[sflag:s23] =	ssyncset.done $0x0  }
0xa4: {  	s25 =	simm.s32 $0x1B8E;
	s24 =	sld [smem:$0x3FFE];
	[sflag:s23] =	ssyncadd.s32 $0xFFFFFFFF  }
0xa5: {  	s26 =	simm.s32 $execute0_lowered;
	[smem:$0x3FD2] =	sst s25  }
0xa6: {  	s4 =	sshll.u32 s26, $0x1;
	_ =	strace $0x80000049;
	[dreg:$0x1] =	wrdreg $0xFFFFFFFF  }
0xa7: {  	s28 =	simm.s32 $_size_execute0_lowered;
	s2 =	sadd.s32 s2, s4;
	[dreg:$0x0] =	wrdreg $0x0  }
0xa8: {  	s4 =	sshll.u32 s28, $0x1;
	[dreg:$0x2] =	wrdreg s2  }
0xa9: {  	[dreg:$0x3] =	wrdreg s4  }
0xaa: {  	[dreg:$0x4] =	wrdreg $0xC0  }
0xab: {  	_ =	task [dreg:s6], $0x5FFFF  }
0xac: {  	[dreg:$0x1] =	wrdreg $0xFFFFFFFF  }
0xad: {  	[dreg:$0x0] =	wrdreg $0x60  }
0xae: {  	[dreg:$0x2] =	wrdreg s24  }
0xaf: {  	[dreg:$0x3] =	wrdreg $0x10B800  }
0xb0: {  	[dreg:$0x4] =	wrdreg $0x133800  }
0xb1: {  	[dreg:$0x5] =	wrdreg $0x9  }
0xb2: {  	_ =	task.clear_ibuf [dreg:s6], $0x6FFFF;
	_ =	strace $0x90000049  }
0xb3: {  	s29 =	simm.s32 $0x9;
	_ =	strace $0x8000004B  }
0xb4: {  	_ =	swait.ge [sflag:s29], $0x1  }
0xb5: {  	[sflag:s29] =	ssyncadd.s32 $0xFFFFFFFF  }
0xb6: {  	_ =	strace $0x9000004B  }
0xb7: {  	_ =	sfence  }
0xb8: {  	s30 =	sld [smem:$0x0];
	_ =	sdelay $0x2  }
0xb9: {  	s31 =	sshll.u32 s1, $0xD;
	s1 =	sshrl.u32 s1, $0x2  }
0xba: {  	s3 =	sand.u32 $0x4000, s31;
	s1 =	sadd.s32 s1, s30  }
0xbb: {  	s0 =	sor.u32 s3, s0;
	s1 =	sshll.u32 s1, $0x11  }
0xbc: {  	s0 =	sor.u32 s1, s0  }
0xbd: {  	s0 =	sadd.s32 $0x8F2B, s0  }
0xbe: {  	[sflag:s0] =	ssyncadd.remote.s32 $0x1  }
0xbf: {  	_ =	sfence.sel $0xFFFF  }
0xc0: {  	[dreg:$0x0] =	wrdreg $0xFFFFFFFF;
	(pc) =	sbr.abs _section_cstart, $3  }
0xc1: {  	[dreg:$0x1] =	wrdreg $0xFFFFFFFF  }
0xc2: {  	_ =	task.clear_ibuf [dreg:s6], $0x2FFFF;
	_ =	strace $0x9FFFFFFF  }
0xc3: {  	(tm) =	ssettm $0x7FFFFFFF  }
tec
execute0_lowered:
.L_overlay_start_1:
0x0: {  	(tag) =	ssettag $0x1  }
0x1: {  	s0 =	rddreg [dreg:$0x0]  }
0x2: {  	s2 =	rddreg [dreg:$0x1]  }
0x3: {  	s3 =	rddreg [dreg:$0x2]  }
0x4: {  	s4 =	stileid.u32;
	s1 =	srdreg.scid  }
0x5: {  	s8 =	simm.s32 $0x0;
	s13 =	simm.s32 $0x3;
	s16 =	simm.s32 $0x7D  }
0x6: {  	s15 =	simm.s32 $0x2;
	s17 =	simm.s32 $0x0;
	s5 =	smul.u32 $0x2800, s4  }
0x7: {  	s1 =	sand.u32 $0x1, s1;
	s6 =	sshll.u32 s4, $0x1;
	[smem:$0x7FF] =	sst s8  }
0x8: {  	s9 =	sadd.s32 $0xC600, s0;
	s25 =	sshll.u32 s4, $0x6;
	s6 =	sor.u32 s1, s6  }
0x9: {  	s7 =	smul.u32 $0x28000, s1;
	_ =	strace $0x8000004A;
	s1 =	ssub.s32 $0x2, s1  }
0xa: {  	[dreg:$0x4] =	wrdreg s9;
	s22 =	sshrl.u32 s5, $0x3;
	s6 =	smul.u32 $0x500, s6  }
0xb: {  	s23 =	sshrl.u32 s1, $0x1;
	s24 =	sadd.s32 s5, s2;
	s8 =	sadd.s32 s22, s0  }
0xc: {  	s7 =	sadd.s32 s5, s7;
	s1 =	ssub.s32 s1, s23;
	s31 =	sshrl.u32 s24, $0x3  }
0xd: {  	s5 =	sadd.s32 s5, s3;
	s26 =	sadd.s32 $0xCC00, s8;
	[dreg:$0xa] =	wrdreg s31  }
0xe: {  	s6 =	sadd.s32 s6, s0;
	s30 =	smax.u32 s1, $0x1;
	[dreg:$0x5] =	wrdreg s26  }
0xf: {  	s7 =	sshrl.u32 s7, $0x3;
	s28 =	sadd.s32 $0x16E00, s6;
	[dreg:$0x9] =	wrdreg s30  }
0x10: {  	s0 =	sadd.s32 s7, s0;
	s29 =	sadd.s32 $0x2600, s6;
	[dreg:$0x6] =	wrdreg s28  }
0x11: {  	s14 =	sshrl.u32 s5, $0x3;
	[dreg:$0x7] =	wrdreg s29;
	s0 =	sadd.s32 $0x20E00, s0  }
0x12: {  	s1 =	simm.s32 $0x1;
	s7 =	sor.u32 $0x1C03, s25;
	[dreg:$0x8] =	wrdreg s0  }
.LBB2_1:
0x13: {  	s0 =	rddreg [dreg:$0x5]  }
0x14: {  	s4 =	rddreg [dreg:$0xa]  }
0x15: {  	[spmem:s4], [sflag:s7] =	dma.local [hbm:s0], $0x500  }
0x16: {  	_ =	swait.ge [sflag:s13], $0x500  }
0x17: {  	[sflag:s13] =	ssyncset.done $0x0  }
0x18: {  	s24 =	rddreg [dreg:$0x4];
	[sflag:s13] =	ssyncadd.s32 $0xFFFFFB00  }
0x19: {  	[spmem:s14], [sflag:s7] =	dma.local [hbm:s24], $0x500  }
0x1a: {  	_ =	swait.ge [sflag:s13], $0x500  }
0x1b: {  	[sflag:s13] =	ssyncset.done $0x0  }
0x1c: {  	s25 =	simm.s32 $0x0;
	s26 =	rddreg [dreg:$0x6];
	[sflag:s13] =	ssyncadd.s32 $0xFFFFFB00  }
0x1d: {  	[tilespmem:s25], [sflag:$0x3] =	stream.linear.gather [hbm4b:s26+s25], $0x2800, $0x38;
	[tilespmem:$0x15B80] =	vst v63  }
0x1e: {  	_ =	swait.ge [sflag:s13], $0x2800  }
0x1f: {  	[sflag:s13] =	ssyncset.done $0x0  }
0x20: {  	s5 =	simm.s32 $0x2800;
	s30 =	rddreg [dreg:$0x7];
	[sflag:s13] =	ssyncadd.s32 $0xFFFFD800  }
0x21: {  	[tilespmem:s5], [sflag:$0x3] =	stream.linear.gather [hbm4b:s30+s25], $0x2800, $0x38;
	[tilespmem:$0x15B80] =	vst v63  }
0x22: {  	_ =	swait.ge [sflag:s13], $0x2800  }
0x23: {  	[sflag:s13] =	ssyncset.done $0x0  }
0x24: {  	s6 =	simm.s32 $0x5000;
	p0 =	por $0x0, $0x0;
	[sflag:s13] =	ssyncadd.s32 $0xFFFFD800  }
0x25: {  	s8 =	simm.s32 $0x80;
	s0 =	smul.u32 @!p0 $0xAB, s1;
	[bflag:$0x0] =	sbarrier.arrive $0xFFFF  }
0x26: {  	[tilespmem:s6], [sflag:$0x1] =	stream.indirect.gather [spmem:s2], $0x10, s25, s16, $0xb8;
	[tilespmem:$0x15B80] =	vst v63  }
0x27: {  	s9 =	simm.s32 $0x57D0;
	s10 =	simm.s32 $0x100;
	s0 =	sshrl.u32 @!p0 s0, $0x9  }
0x28: {  	[tilespmem:s9], [sflag:$0x1] =	stream.indirect.gather [spmem:s2], $0x10, s8, s16, $0xb8;
	[tilespmem:$0x15B80] =	vst v63  }
0x29: {  	s11 =	simm.s32 $0x5FA0;
	s12 =	simm.s32 $0x180;
	s0 =	sand.u32 @!p0 $0x7F, s0  }
0x2a: {  	[tilespmem:s11], [sflag:$0x1] =	stream.indirect.gather [spmem:s2], $0x10, s10, s16, $0xb8;
	[tilespmem:$0x15B80] =	vst v63  }
0x2b: {  	s18 =	simm.s32 $0x6770;
	s19 =	simm.s32 $0x200;
	s0 =	smul.u32 @!p0 $0x3, s0  }
0x2c: {  	[tilespmem:s18], [sflag:$0x1] =	stream.indirect.gather [spmem:s2], $0x10, s12, s16, $0xb8;
	[tilespmem:$0x15B80] =	vst v63  }
0x2d: {  	s20 =	simm.s32 $0x6F40;
	s21 =	simm.s32 $0x280;
	s0 =	ssub.s32 @!p0 $0x1, s0  }
0x2e: {  	[tilespmem:s20], [sflag:$0x1] =	stream.indirect.gather [spmem:s2], $0x10, s19, s16, $0xb8;
	[tilespmem:$0x15B80] =	vst v63  }
0x2f: {  	s22 =	simm.s32 $0x7710;
	s23 =	simm.s32 $0x300;
	s0 =	sand.u32 @!p0 $0xFF, s0  }
0x30: {  	[tilespmem:s22], [sflag:$0x1] =	stream.indirect.gather [spmem:s2], $0x10, s21, s16, $0xb8;
	[tilespmem:$0x15B80] =	vst v63  }
0x31: {  	s24 =	simm.s32 $0x7EE0;
	s0 =	smul.u32 @!p0 $0xFA00, s0;
	s26 =	simm.s32 $0x86B0  }
0x32: {  	[tilespmem:s24], [sflag:$0x1] =	stream.indirect.gather [spmem:s2], $0x10, s23, s16, $0xb8;
	[tilespmem:$0x15B80] =	vst v63  }
0x33: {  	s0 =	sshrl.u32 @!p0 s0, $0x2;
	s5 =	simm.s32 @!p0 $0x400;
	s25 =	simm.s32 $0x380  }
0x34: {  	[tilespmem:s26], [sflag:$0x1] =	stream.indirect.gather [spmem:s2], $0x10, s25, s16, $0xb8;
	[tilespmem:$0x15B80] =	vst v63  }
0x35: {  	s6 =	simm.s32 @!p0 $0x7D;
	s8 =	sadd.s32 @!p0 $0x5000, s0;
	s9 =	simm.s32 $0x0  }
0x36: {  	[tilespmem:s8], [sflag:$0x1] =	stream.indirect.gather @!p0 [spmem:s2], $0x10, s5, s6, $0xb8;
	[tilespmem:$0x15B80] =	vst v63  }
0x37: {  	s9 =	smul.u32 $0xAB, s9;
	s5 =	simm.s32 @!p0 $0x480;
	s8 =	sadd.s32 @!p0 $0x57D0, s0  }
0x38: {  	[tilespmem:s8], [sflag:$0x1] =	stream.indirect.gather @!p0 [spmem:s2], $0x10, s5, s6, $0xb8;
	[tilespmem:$0x15B80] =	vst v63  }
0x39: {  	s9 =	sshrl.u32 s9, $0x9;
	s5 =	simm.s32 @!p0 $0x500;
	s8 =	sadd.s32 @!p0 $0x5FA0, s0  }
0x3a: {  	[tilespmem:s8], [sflag:$0x1] =	stream.indirect.gather @!p0 [spmem:s2], $0x10, s5, s6, $0xb8;
	[tilespmem:$0x15B80] =	vst v63  }
0x3b: {  	s9 =	sand.u32 $0x7F, s9;
	s5 =	simm.s32 @!p0 $0x580;
	s8 =	sadd.s32 @!p0 $0x6770, s0  }
0x3c: {  	[tilespmem:s8], [sflag:$0x1] =	stream.indirect.gather @!p0 [spmem:s2], $0x10, s5, s6, $0xb8;
	[tilespmem:$0x15B80] =	vst v63  }
0x3d: {  	s9 =	smul.u32 $0x3, s9;
	s5 =	simm.s32 @!p0 $0x600;
	s8 =	sadd.s32 @!p0 $0x6F40, s0  }
0x3e: {  	[tilespmem:s8], [sflag:$0x1] =	stream.indirect.gather @!p0 [spmem:s2], $0x10, s5, s6, $0xb8;
	[tilespmem:$0x15B80] =	vst v63  }
0x3f: {  	s9 =	ssub.s32 $0x0, s9;
	s5 =	simm.s32 @!p0 $0x680;
	s8 =	sadd.s32 @!p0 $0x7710, s0  }
0x40: {  	[tilespmem:s8], [sflag:$0x1] =	stream.indirect.gather @!p0 [spmem:s2], $0x10, s5, s6, $0xb8;
	[tilespmem:$0x15B80] =	vst v63  }
0x41: {  	s30 =	sand.u32 $0xFF, s9;
	s5 =	simm.s32 @!p0 $0x700;
	s8 =	sadd.s32 @!p0 $0x7EE0, s0  }
0x42: {  	[tilespmem:s8], [sflag:$0x1] =	stream.indirect.gather @!p0 [spmem:s2], $0x10, s5, s6, $0xb8;
	[tilespmem:$0x15B80] =	vst v63  }
0x43: {  	s0 =	sadd.s32 @!p0 $0x86B0, s0;
	s8 =	simm.s32 @!p0 $0x780;
	s5 =	smul.u32 $0xFA00, s30  }
0x44: {  	[tilespmem:s0], [sflag:$0x1] =	stream.indirect.gather @!p0 [spmem:s2], $0x10, s8, s6, $0xb8;
	[tilespmem:$0x15B80] =	vst v63  }
0x45: {  	_ =	swait.ge [sflag:s1], $0x7D0  }
0x46: {  	s4 =	sshrl.u32 s5, $0x2;
	[sflag:s1] =	ssyncset.done $0x0  }
0x47: {  	s9 =	simm.s32 $0x2800;
	s5 =	sadd.s32 $0x5000, s4;
	[sflag:s1] =	ssyncadd.s32 $0xFFFFF830  }
0x48: {  	[spmem:s3] =	stream.indirect.scatter.add.f32 [tilespmem:s5], [sflag:$0x2], $0x10, s9, s16, $0xb8;
	[tilespmem:$0x15B80] =	vst v63  }
0x49: {  	_ =	swait.ge [sflag:s1], $0x7D0  }
0x4a: {  	[sflag:s1] =	ssyncset.done $0x0  }
0x4b: {  	s11 =	simm.s32 $0x2880;
	s10 =	sadd.s32 $0x57D0, s4;
	[sflag:s1] =	ssyncadd.s32 $0xFFFFF830  }
0x4c: {  	[spmem:s3] =	stream.indirect.scatter.add.f32 [tilespmem:s10], [sflag:$0x2], $0x10, s11, s16, $0xb8;
	[tilespmem:$0x15B80] =	vst v63  }
0x4d: {  	_ =	swait.ge [sflag:s1], $0x7D0  }
0x4e: {  	[sflag:s1] =	ssyncset.done $0x0  }
0x4f: {  	s18 =	simm.s32 $0x2900;
	s12 =	sadd.s32 $0x5FA0, s4;
	[sflag:s1] =	ssyncadd.s32 $0xFFFFF830  }
0x50: {  	[spmem:s3] =	stream.indirect.scatter.add.f32 [tilespmem:s12], [sflag:$0x2], $0x10, s18, s16, $0xb8;
	[tilespmem:$0x15B80] =	vst v63  }
0x51: {  	_ =	swait.ge [sflag:s1], $0x7D0  }
0x52: {  	[sflag:s1] =	ssyncset.done $0x0  }
0x53: {  	s19 =	simm.s32 $0x2980;
	s20 =	sadd.s32 $0x6770, s4;
	[sflag:s1] =	ssyncadd.s32 $0xFFFFF830  }
0x54: {  	[spmem:s3] =	stream.indirect.scatter.add.f32 [tilespmem:s20], [sflag:$0x2], $0x10, s19, s16, $0xb8;
	[tilespmem:$0x15B80] =	vst v63  }
0x55: {  	_ =	swait.ge [sflag:s1], $0x7D0  }
0x56: {  	[sflag:s1] =	ssyncset.done $0x0  }
0x57: {  	s21 =	simm.s32 $0x2A00;
	s22 =	sadd.s32 $0x6F40, s4;
	[sflag:s1] =	ssyncadd.s32 $0xFFFFF830  }
0x58: {  	[spmem:s3] =	stream.indirect.scatter.add.f32 [tilespmem:s22], [sflag:$0x2], $0x10, s21, s16, $0xb8;
	[tilespmem:$0x15B80] =	vst v63  }
0x59: {  	p1 =	por $0x1, $0x1;
	s23 =	simm.s32 $0x2A80;
	_ =	swait.ge [sflag:s1], $0x7D0  }
0x5a: {  	p0 =	por $0x0, $0x0;
	s19 =	simm.s32 $0x2;
	[sflag:s1] =	ssyncset.done $0x0  }
0x5b: {  	s24 =	sadd.s32 $0x7710, s4;
	s6 =	smul.u32 @!p0 $0xAB, s19;
	[sflag:s1] =	ssyncadd.s32 $0xFFFFF830  }
0x5c: {  	[spmem:s3] =	stream.indirect.scatter.add.f32 [tilespmem:s24], [sflag:$0x2], $0x10, s23, s16, $0xb8;
	[tilespmem:$0x15B80] =	vst v63  }
0x5d: {  	s25 =	simm.s32 $0x2B00;
	s26 =	simm.s32 $0x2B80;
	_ =	swait.ge [sflag:s1], $0x7D0  }
0x5e: {  	s29 =	simm.s32 @!p0 $0x400;
	s6 =	sshrl.u32 @!p0 s6, $0x9;
	[sflag:s1] =	ssyncset.done $0x0  }
0x5f: {  	s30 =	sadd.s32 $0x7EE0, s4;
	s6 =	sand.u32 @!p0 $0x7F, s6;
	[sflag:s1] =	ssyncadd.s32 $0xFFFFF830  }
0x60: {  	[spmem:s3] =	stream.indirect.scatter.add.f32 [tilespmem:s30], [sflag:$0x2], $0x10, s25, s16, $0xb8;
	[tilespmem:$0x15B80] =	vst v63  }
0x61: {  	s28 =	simm.s32 @!p0 $0x900;
	s5 =	smul.u32 @!p0 $0x3, s6;
	_ =	swait.ge [sflag:s1], $0x7D0  }
0x62: {  	s0 =	sadd.s32 $0x86B0, s4;
	s31 =	simm.s32 @!p0 $0x980;
	[sflag:s1] =	ssyncset.done $0x0  }
0x63: {  	s18 =	simm.s32 $0x1000;
	s5 =	ssub.s32 @!p0 $0x2, s5;
	[sflag:s1] =	ssyncadd.s32 $0xFFFFF830  }
0x64: {  	[spmem:s3] =	stream.indirect.scatter.add.f32 [tilespmem:s0], [sflag:$0x2], $0x10, s26, s16, $0xb8;
	[tilespmem:$0x15B80] =	vst v63  }
0x65: {  	s20 =	simm.s32 $0x2000;
	s21 =	simm.s32 @!p1 $0x2;
	s0 =	sand.u32 @!p0 $0xFF, s5  }
0x66: {  	s22 =	simm.s32 @!p0 $0xA80;
	s24 =	simm.s32 @!p0 $0x880;
	s5 =	smul.u32 @!p0 $0xFA00, s0  }
0x67: {  	s23 =	simm.s32 @!p0 $0xB00;
	s25 =	simm.s32 @!p0 $0x800;
	s26 =	simm.s32 @!p0 $0xA00  }
.LBB2_2:
0x68: {  	s5 =	sshrl.u32 @!p0 s5, $0x2;
	s0 =	simm.s32 @!p0 $0x7D  }
0x69: {  	_ =	swait.ge @!p1 [sflag:s21], $0x7D0;
	s30 =	smov.u32 s18;
	s18 =	smov.u32 s20  }
0x6a: {  	s10 =	sadd.s32 @!p0 $0x5000, s5;
	s11 =	sadd.s32 @!p0 $0x57D0, s5;
	[sflag:s21] =	ssyncset.done @!p1 $0x0  }
0x6b: {  	s12 =	sadd.s32 @!p0 $0x5FA0, s5;
	s6 =	sadd.s32 @!p0 $0x7710, s5;
	[sflag:s21] =	ssyncadd.s32 @!p1 $0xFFFFF830  }
0x6c: {  	s4 =	sadd.s32 @!p0 $0x6770, s5;
	s9 =	sadd.s32 @!p0 $0x6F40, s5;
	_ =	swait.ge @!p1 [sflag:s21], $0x7D0  }
0x6d: {  	s8 =	sadd.s32 @!p0 $0x7EE0, s5;
	s5 =	sadd.s32 @!p0 $0x86B0, s5;
	[sflag:s21] =	ssyncset.done @!p1 $0x0  }
0x6e: {  	s20 =	sadd.s32 $0x1000, s20;
	s29 =	sadd.s32 @!p0 $0x780, s29;
	[sflag:s21] =	ssyncadd.s32 @!p1 $0xFFFFF830  }
0x6f: {  	p2 =	sne.s32 s20, $0xA000;
	_ =	swait.ge @!p1 [sflag:s21], $0x7D0  }
0x70: {  	[sflag:s21] =	ssyncset.done @!p1 $0x0  }
0x71: {  	[sflag:s21] =	ssyncadd.s32 @!p1 $0xFFFFF830  }
0x72: {  	_ =	swait.ge @!p1 [sflag:s21], $0x7D0  }
0x73: {  	[sflag:s21] =	ssyncset.done @!p1 $0x0  }
0x74: {  	[sflag:s21] =	ssyncadd.s32 @!p1 $0xFFFFF830  }
0x75: {  	_ =	swait.ge @!p1 [sflag:s21], $0x7D0  }
0x76: {  	[sflag:s21] =	ssyncset.done @!p1 $0x0  }
0x77: {  	[sflag:s21] =	ssyncadd.s32 @!p1 $0xFFFFF830  }
0x78: {  	_ =	swait.ge @!p1 [sflag:s21], $0x7D0  }
0x79: {  	[sflag:s21] =	ssyncset.done @!p1 $0x0  }
0x7a: {  	[sflag:s21] =	ssyncadd.s32 @!p1 $0xFFFFF830  }
0x7b: {  	_ =	swait.ge @!p1 [sflag:s21], $0x7D0  }
0x7c: {  	[sflag:s21] =	ssyncset.done @!p1 $0x0  }
0x7d: {  	[sflag:s21] =	ssyncadd.s32 @!p1 $0xFFFFF830  }
0x7e: {  	_ =	swait.ge @!p1 [sflag:s21], $0x7D0  }
0x7f: {  	[sflag:s21] =	ssyncset.done @!p1 $0x0  }
0x80: {  	[sflag:s21] =	ssyncadd.s32 @!p1 $0xFFFFF830  }
0x81: {  	[tilespmem:s10], [sflag:$0x1] =	stream.indirect.gather @!p0 [spmem:s2], $0x10, s25, s0, $0xb8;
	[tilespmem:$0x15B80] =	vst v63  }
0x82: {  	s10 =	sadd.s32 $0xFFFFFFFF, s19  }
0x83: {  	[tilespmem:s11], [sflag:$0x1] =	stream.indirect.gather @!p0 [spmem:s2], $0x10, s24, s0, $0xb8;
	[tilespmem:$0x15B80] =	vst v63  }
0x84: {  	s11 =	smul.u32 $0xAB, s10  }
0x85: {  	[tilespmem:s12], [sflag:$0x1] =	stream.indirect.gather @!p0 [spmem:s2], $0x10, s28, s0, $0xb8;
	[tilespmem:$0x15B80] =	vst v63  }
0x86: {  	s11 =	sshrl.u32 s11, $0x9  }
0x87: {  	[tilespmem:s4], [sflag:$0x1] =	stream.indirect.gather @!p0 [spmem:s2], $0x10, s31, s0, $0xb8;
	[tilespmem:$0x15B80] =	vst v63  }
0x88: {  	s4 =	sand.u32 $0x7F, s11  }
0x89: {  	[tilespmem:s9], [sflag:$0x1] =	stream.indirect.gather @!p0 [spmem:s2], $0x10, s26, s0, $0xb8;
	[tilespmem:$0x15B80] =	vst v63  }
0x8a: {  	s4 =	smul.u32 $0x3, s4  }
0x8b: {  	[tilespmem:s6], [sflag:$0x1] =	stream.indirect.gather @!p0 [spmem:s2], $0x10, s22, s0, $0xb8;
	[tilespmem:$0x15B80] =	vst v63  }
0x8c: {  	s4 =	ssub.s32 s10, s4  }
0x8d: {  	[tilespmem:s8], [sflag:$0x1] =	stream.indirect.gather @!p0 [spmem:s2], $0x10, s23, s0, $0xb8;
	[tilespmem:$0x15B80] =	vst v63  }
0x8e: {  	s4 =	sand.u32 $0xFF, s4  }
0x8f: {  	s4 =	smul.u32 $0xFA00, s4  }
0x90: {  	[tilespmem:s5], [sflag:$0x1] =	stream.indirect.gather @!p0 [spmem:s2], $0x10, s29, s0, $0xb8;
	[tilespmem:$0x15B80] =	vst v63  }
0x91: {  	s0 =	sshrl.u32 s4, $0x2;
	_ =	swait.ge [sflag:s1], $0x7D0  }
0x92: {  	s4 =	sshra.s32 s30, $0x2;
	[sflag:s1] =	ssyncset.done $0x0  }
0x93: {  	s5 =	sadd.s32 $0x5000, s0;
	s6 =	sadd.s32 $0x2800, s4;
	[sflag:s1] =	ssyncadd.s32 $0xFFFFF830  }
0x94: {  	[spmem:s3] =	stream.indirect.scatter.add.f32 [tilespmem:s5], [sflag:$0x2], $0x10, s6, s16, $0xb8;
	[tilespmem:$0x15B80] =	vst v63  }
0x95: {  	_ =	swait.ge [sflag:s1], $0x7D0  }
0x96: {  	[sflag:s1] =	ssyncset.done $0x0  }
0x97: {  	s5 =	sadd.s32 $0x57D0, s0;
	s6 =	sadd.s32 $0x2880, s4;
	[sflag:s1] =	ssyncadd.s32 $0xFFFFF830  }
0x98: {  	[spmem:s3] =	stream.indirect.scatter.add.f32 [tilespmem:s5], [sflag:$0x2], $0x10, s6, s16, $0xb8;
	[tilespmem:$0x15B80] =	vst v63  }
0x99: {  	_ =	swait.ge [sflag:s1], $0x7D0  }
0x9a: {  	[sflag:s1] =	ssyncset.done $0x0  }
0x9b: {  	s5 =	sadd.s32 $0x5FA0, s0;
	s6 =	sadd.s32 $0x2900, s4;
	[sflag:s1] =	ssyncadd.s32 $0xFFFFF830  }
0x9c: {  	[spmem:s3] =	stream.indirect.scatter.add.f32 [tilespmem:s5], [sflag:$0x2], $0x10, s6, s16, $0xb8;
	[tilespmem:$0x15B80] =	vst v63  }
0x9d: {  	s5 =	sadd.s32 $0x2980, s4;
	_ =	swait.ge [sflag:s1], $0x7D0  }
0x9e: {  	p1 =	seq.s32 s30, $0x0;
	s19 =	sadd.s32 $0x1, s19;
	[sflag:s1] =	ssyncset.done $0x0  }
0x9f: {  	s21 =	simm.s32 @!p1 $0x2;
	s6 =	sadd.s32 $0x6770, s0;
	[sflag:s1] =	ssyncadd.s32 $0xFFFFF830  }
0xa0: {  	[spmem:s3] =	stream.indirect.scatter.add.f32 [tilespmem:s6], [sflag:$0x2], $0x10, s5, s16, $0xb8;
	[tilespmem:$0x15B80] =	vst v63  }
0xa1: {  	s5 =	sadd.s32 $0x2B00, s4;
	s6 =	sadd.s32 $0x2B80, s4;
	_ =	swait.ge [sflag:s1], $0x7D0  }
0xa2: {  	s8 =	sadd.s32 $0x2A00, s4;
	s4 =	sadd.s32 $0x2A80, s4;
	[sflag:s1] =	ssyncset.done $0x0  }
0xa3: {  	p0 =	seq.s32 s18, $0x9000;
	s9 =	sadd.s32 $0x6F40, s0;
	[sflag:s1] =	ssyncadd.s32 $0xFFFFF830  }
0xa4: {  	[spmem:s3] =	stream.indirect.scatter.add.f32 [tilespmem:s9], [sflag:$0x2], $0x10, s8, s16, $0xb8;
	[tilespmem:$0x15B80] =	vst v63  }
0xa5: {  	s29 =	sshra.s32 @!p0 s18, $0x2;
	s8 =	smul.u32 @!p0 $0xAB, s19;
	_ =	swait.ge [sflag:s1], $0x7D0  }
0xa6: {  	s25 =	sadd.s32 @!p0 $0x400, s29;
	s24 =	sadd.s32 @!p0 $0x480, s29;
	[sflag:s1] =	ssyncset.done $0x0  }
0xa7: {  	s9 =	sadd.s32 $0x7710, s0;
	s8 =	sshrl.u32 @!p0 s8, $0x9;
	[sflag:s1] =	ssyncadd.s32 $0xFFFFF830  }
0xa8: {  	[spmem:s3] =	stream.indirect.scatter.add.f32 [tilespmem:s9], [sflag:$0x2], $0x10, s4, s16, $0xb8;
	[tilespmem:$0x15B80] =	vst v63  }
0xa9: {  	s28 =	sadd.s32 @!p0 $0x500, s29;
	s4 =	sand.u32 @!p0 $0x7F, s8;
	_ =	swait.ge [sflag:s1], $0x7D0  }
0xaa: {  	s26 =	sadd.s32 @!p0 $0x600, s29;
	s4 =	smul.u32 @!p0 $0x3, s4;
	[sflag:s1] =	ssyncset.done $0x0  }
0xab: {  	s22 =	sadd.s32 @!p0 $0x680, s29;
	s8 =	sadd.s32 $0x7EE0, s0;
	[sflag:s1] =	ssyncadd.s32 $0xFFFFF830  }
0xac: {  	[spmem:s3] =	stream.indirect.scatter.add.f32 [tilespmem:s8], [sflag:$0x2], $0x10, s5, s16, $0xb8;
	[tilespmem:$0x15B80] =	vst v63  }
.Ltmp0:
0xad: {  	_ = 	snop;
	(pc) =	sbr.rel @p2 .LBB2_2-.Ltmp0, $4  }
0xae: {  	s23 =	sadd.s32 @!p0 $0x700, s29;
	s4 =	ssub.s32 @!p0 s19, s4;
	_ =	swait.ge [sflag:s1], $0x7D0  }
0xaf: {  	s31 =	sadd.s32 @!p0 $0x580, s29;
	s4 =	sand.u32 @!p0 $0xFF, s4;
	[sflag:s1] =	ssyncset.done $0x0  }
0xb0: {  	s0 =	sadd.s32 $0x86B0, s0;
	s5 =	smul.u32 @!p0 $0xFA00, s4;
	[sflag:s1] =	ssyncadd.s32 $0xFFFFF830  }
0xb1: {  	[spmem:s3] =	stream.indirect.scatter.add.f32 [tilespmem:s0], [sflag:$0x2], $0x10, s6, s16, $0xb8;
	[tilespmem:$0x15B80] =	vst v63  }
0xb2: {  	_ =	swait.ge @!p1 [sflag:s21], $0x7D0  }
0xb3: {  	[sflag:s21] =	ssyncset.done @!p1 $0x0  }
0xb4: {  	[sflag:s21] =	ssyncadd.s32 @!p1 $0xFFFFF830  }
0xb5: {  	_ =	swait.ge @!p1 [sflag:s21], $0x7D0  }
0xb6: {  	[sflag:s21] =	ssyncset.done @!p1 $0x0  }
0xb7: {  	[sflag:s21] =	ssyncadd.s32 @!p1 $0xFFFFF830  }
0xb8: {  	_ =	swait.ge @!p1 [sflag:s21], $0x7D0  }
0xb9: {  	[sflag:s21] =	ssyncset.done @!p1 $0x0  }
0xba: {  	[sflag:s21] =	ssyncadd.s32 @!p1 $0xFFFFF830  }
0xbb: {  	_ =	swait.ge @!p1 [sflag:s21], $0x7D0  }
0xbc: {  	[sflag:s21] =	ssyncset.done @!p1 $0x0  }
0xbd: {  	[sflag:s21] =	ssyncadd.s32 @!p1 $0xFFFFF830  }
0xbe: {  	_ =	swait.ge @!p1 [sflag:s21], $0x7D0  }
0xbf: {  	[sflag:s21] =	ssyncset.done @!p1 $0x0  }
0xc0: {  	[sflag:s21] =	ssyncadd.s32 @!p1 $0xFFFFF830  }
0xc1: {  	_ =	swait.ge @!p1 [sflag:s21], $0x7D0  }
0xc2: {  	[sflag:s21] =	ssyncset.done @!p1 $0x0  }
0xc3: {  	[sflag:s21] =	ssyncadd.s32 @!p1 $0xFFFFF830  }
0xc4: {  	_ =	swait.ge @!p1 [sflag:s21], $0x7D0  }
0xc5: {  	[sflag:s21] =	ssyncset.done @!p1 $0x0  }
0xc6: {  	[sflag:s21] =	ssyncadd.s32 @!p1 $0xFFFFF830  }
0xc7: {  	_ =	swait.ge @!p1 [sflag:s21], $0x7D0  }
0xc8: {  	s0 =	sshrl.u32 @!p0 s5, $0x2;
	[sflag:s21] =	ssyncset.done @!p1 $0x0  }
0xc9: {  	s4 =	simm.s32 @!p0 $0x7D;
	s5 =	sadd.s32 @!p0 $0x5000, s0;
	[sflag:s21] =	ssyncadd.s32 @!p1 $0xFFFFF830  }
0xca: {  	[tilespmem:s5], [sflag:$0x1] =	stream.indirect.gather @!p0 [spmem:s2], $0x10, s25, s4, $0xb8;
	[tilespmem:$0x15B80] =	vst v63  }
0xcb: {  	s5 =	sadd.s32 @!p0 $0x57D0, s0  }
0xcc: {  	[tilespmem:s5], [sflag:$0x1] =	stream.indirect.gather @!p0 [spmem:s2], $0x10, s24, s4, $0xb8;
	[tilespmem:$0x15B80] =	vst v63  }
0xcd: {  	s5 =	sadd.s32 @!p0 $0x5FA0, s0  }
0xce: {  	[tilespmem:s5], [sflag:$0x1] =	stream.indirect.gather @!p0 [spmem:s2], $0x10, s28, s4, $0xb8;
	[tilespmem:$0x15B80] =	vst v63  }
0xcf: {  	s6 =	sadd.s32 $0xFFFFFFFF, s19;
	s5 =	sadd.s32 @!p0 $0x6770, s0  }
0xd0: {  	[tilespmem:s5], [sflag:$0x1] =	stream.indirect.gather @!p0 [spmem:s2], $0x10, s31, s4, $0xb8;
	[tilespmem:$0x15B80] =	vst v63  }
0xd1: {  	s8 =	smul.u32 $0xAB, s6;
	s5 =	sadd.s32 @!p0 $0x6F40, s0  }
0xd2: {  	[tilespmem:s5], [sflag:$0x1] =	stream.indirect.gather @!p0 [spmem:s2], $0x10, s26, s4, $0xb8;
	[tilespmem:$0x15B80] =	vst v63  }
0xd3: {  	s31 =	sshrl.u32 s8, $0x9;
	s5 =	sadd.s32 @!p0 $0x7710, s0  }
0xd4: {  	[tilespmem:s5], [sflag:$0x1] =	stream.indirect.gather @!p0 [spmem:s2], $0x10, s22, s4, $0xb8;
	[tilespmem:$0x15B80] =	vst v63  }
0xd5: {  	s5 =	sand.u32 $0x7F, s31  }
0xd6: {  	s8 =	sadd.s32 @!p0 $0x7EE0, s0;
	s5 =	smul.u32 $0x3, s5  }
0xd7: {  	[tilespmem:s8], [sflag:$0x1] =	stream.indirect.gather @!p0 [spmem:s2], $0x10, s23, s4, $0xb8;
	[tilespmem:$0x15B80] =	vst v63  }
0xd8: {  	s5 =	ssub.s32 s6, s5  }
0xd9: {  	s0 =	sadd.s32 @!p0 $0x86B0, s0;
	s6 =	sadd.s32 @!p0 $0x780, s29;
	s5 =	sand.u32 $0xFF, s5  }
0xda: {  	[tilespmem:s0], [sflag:$0x1] =	stream.indirect.gather @!p0 [spmem:s2], $0x10, s6, s4, $0xb8;
	[tilespmem:$0x15B80] =	vst v63  }
0xdb: {  	s5 =	smul.u32 $0xFA00, s5  }
0xdc: {  	_ =	swait.ge [sflag:s1], $0x7D0  }
0xdd: {  	s9 =	sshra.s32 s18, $0x2;
	[sflag:s1] =	ssyncset.done $0x0;
	s8 =	sshrl.u32 s5, $0x2  }
0xde: {  	s10 =	sadd.s32 $0x2800, s9;
	[sflag:s1] =	ssyncadd.s32 $0xFFFFF830;
	s5 =	sadd.s32 $0x5000, s8  }
0xdf: {  	[spmem:s3] =	stream.indirect.scatter.add.f32 [tilespmem:s5], [sflag:$0x2], $0x10, s10, s16, $0xb8;
	[tilespmem:$0x15B80] =	vst v63  }
0xe0: {  	_ =	swait.ge [sflag:s1], $0x7D0  }
0xe1: {  	[sflag:s1] =	ssyncset.done $0x0  }
0xe2: {  	s12 =	sadd.s32 $0x2880, s9;
	s11 =	sadd.s32 $0x57D0, s8;
	[sflag:s1] =	ssyncadd.s32 $0xFFFFF830  }
0xe3: {  	[spmem:s3] =	stream.indirect.scatter.add.f32 [tilespmem:s11], [sflag:$0x2], $0x10, s12, s16, $0xb8;
	[tilespmem:$0x15B80] =	vst v63  }
0xe4: {  	_ =	swait.ge [sflag:s1], $0x7D0  }
0xe5: {  	[sflag:s1] =	ssyncset.done $0x0  }
0xe6: {  	s20 =	sadd.s32 $0x2900, s9;
	s19 =	sadd.s32 $0x5FA0, s8;
	[sflag:s1] =	ssyncadd.s32 $0xFFFFF830  }
0xe7: {  	[spmem:s3] =	stream.indirect.scatter.add.f32 [tilespmem:s19], [sflag:$0x2], $0x10, s20, s16, $0xb8;
	[tilespmem:$0x15B80] =	vst v63  }
0xe8: {  	_ =	swait.ge [sflag:s1], $0x7D0  }
0xe9: {  	[sflag:s1] =	ssyncset.done $0x0  }
0xea: {  	s21 =	sadd.s32 $0x2980, s9;
	s22 =	sadd.s32 $0x6770, s8;
	[sflag:s1] =	ssyncadd.s32 $0xFFFFF830  }
0xeb: {  	[spmem:s3] =	stream.indirect.scatter.add.f32 [tilespmem:s22], [sflag:$0x2], $0x10, s21, s16, $0xb8;
	[tilespmem:$0x15B80] =	vst v63  }
0xec: {  	_ =	swait.ge [sflag:s1], $0x7D0  }
0xed: {  	[sflag:s1] =	ssyncset.done $0x0  }
0xee: {  	s23 =	sadd.s32 $0x2A00, s9;
	s24 =	sadd.s32 $0x6F40, s8;
	[sflag:s1] =	ssyncadd.s32 $0xFFFFF830  }
0xef: {  	[spmem:s3] =	stream.indirect.scatter.add.f32 [tilespmem:s24], [sflag:$0x2], $0x10, s23, s16, $0xb8;
	[tilespmem:$0x15B80] =	vst v63  }
0xf0: {  	_ =	swait.ge [sflag:s1], $0x7D0  }
0xf1: {  	[sflag:s1] =	ssyncset.done $0x0  }
0xf2: {  	s25 =	sadd.s32 $0x2A80, s9;
	s26 =	sadd.s32 $0x7710, s8;
	[sflag:s1] =	ssyncadd.s32 $0xFFFFF830  }
0xf3: {  	[spmem:s3] =	stream.indirect.scatter.add.f32 [tilespmem:s26], [sflag:$0x2], $0x10, s25, s16, $0xb8;
	[tilespmem:$0x15B80] =	vst v63  }
0xf4: {  	_ =	swait.ge [sflag:s1], $0x7D0  }
0xf5: {  	[sflag:s1] =	ssyncset.done $0x0  }
0xf6: {  	s28 =	sadd.s32 $0x2B00, s9;
	s29 =	sadd.s32 $0x7EE0, s8;
	[sflag:s1] =	ssyncadd.s32 $0xFFFFF830  }
0xf7: {  	[spmem:s3] =	stream.indirect.scatter.add.f32 [tilespmem:s29], [sflag:$0x2], $0x10, s28, s16, $0xb8;
	[tilespmem:$0x15B80] =	vst v63  }
0xf8: {  	_ =	swait.ge [sflag:s1], $0x7D0  }
0xf9: {  	s4 =	sadd.s32 $0x2B80, s9;
	[sflag:s1] =	ssyncset.done $0x0  }
0xfa: {  	p0 =	seq.s32 s18, $0x0;
	s0 =	sadd.s32 $0x86B0, s8;
	[sflag:s1] =	ssyncadd.s32 $0xFFFFF830  }
0xfb: {  	[spmem:s3] =	stream.indirect.scatter.add.f32 [tilespmem:s0], [sflag:$0x2], $0x10, s4, s16, $0xb8;
	[tilespmem:$0x15B80] =	vst v63  }
0xfc: {  	s0 =	simm.s32 @!p0 $0x2  }
0xfd: {  	_ =	swait.ge @!p0 [sflag:s0], $0x7D0  }
0xfe: {  	[sflag:s0] =	ssyncset.done @!p0 $0x0  }
0xff: {  	[sflag:s0] =	ssyncadd.s32 @!p0 $0xFFFFF830  }
0x100: {  	_ =	swait.ge @!p0 [sflag:s0], $0x7D0  }
0x101: {  	[sflag:s0] =	ssyncset.done @!p0 $0x0  }
0x102: {  	[sflag:s0] =	ssyncadd.s32 @!p0 $0xFFFFF830  }
0x103: {  	_ =	swait.ge @!p0 [sflag:s0], $0x7D0  }
0x104: {  	[sflag:s0] =	ssyncset.done @!p0 $0x0  }
0x105: {  	[sflag:s0] =	ssyncadd.s32 @!p0 $0xFFFFF830  }
0x106: {  	_ =	swait.ge @!p0 [sflag:s0], $0x7D0  }
0x107: {  	[sflag:s0] =	ssyncset.done @!p0 $0x0  }
0x108: {  	[sflag:s0] =	ssyncadd.s32 @!p0 $0xFFFFF830  }
0x109: {  	_ =	swait.ge @!p0 [sflag:s0], $0x7D0  }
0x10a: {  	[sflag:s0] =	ssyncset.done @!p0 $0x0  }
0x10b: {  	[sflag:s0] =	ssyncadd.s32 @!p0 $0xFFFFF830  }
0x10c: {  	_ =	swait.ge @!p0 [sflag:s0], $0x7D0  }
0x10d: {  	[sflag:s0] =	ssyncset.done @!p0 $0x0  }
0x10e: {  	[sflag:s0] =	ssyncadd.s32 @!p0 $0xFFFFF830  }
0x10f: {  	_ =	swait.ge @!p0 [sflag:s0], $0x7D0  }
0x110: {  	[sflag:s0] =	ssyncset.done @!p0 $0x0  }
0x111: {  	[sflag:s0] =	ssyncadd.s32 @!p0 $0xFFFFF830  }
0x112: {  	_ =	swait.ge @!p0 [sflag:s0], $0x7D0  }
0x113: {  	[sflag:s0] =	ssyncset.done @!p0 $0x0  }
0x114: {  	[sflag:s0] =	ssyncadd.s32 @!p0 $0xFFFFF830  }
0x115: {  	_ =	swait.ge [sflag:s15], $0x7D0  }
0x116: {  	[sflag:s15] =	ssyncset.done $0x0  }
0x117: {  	[sflag:s15] =	ssyncadd.s32 $0xFFFFF830  }
0x118: {  	_ =	swait.ge [sflag:s15], $0x7D0  }
0x119: {  	[sflag:s15] =	ssyncset.done $0x0  }
0x11a: {  	[sflag:s15] =	ssyncadd.s32 $0xFFFFF830  }
0x11b: {  	_ =	swait.ge [sflag:s15], $0x7D0  }
0x11c: {  	[sflag:s15] =	ssyncset.done $0x0  }
0x11d: {  	[sflag:s15] =	ssyncadd.s32 $0xFFFFF830  }
0x11e: {  	_ =	swait.ge [sflag:s15], $0x7D0  }
0x11f: {  	[sflag:s15] =	ssyncset.done $0x0  }
0x120: {  	[sflag:s15] =	ssyncadd.s32 $0xFFFFF830  }
0x121: {  	_ =	swait.ge [sflag:s15], $0x7D0  }
0x122: {  	[sflag:s15] =	ssyncset.done $0x0  }
0x123: {  	[sflag:s15] =	ssyncadd.s32 $0xFFFFF830  }
0x124: {  	_ =	swait.ge [sflag:s15], $0x7D0  }
0x125: {  	[sflag:s15] =	ssyncset.done $0x0  }
0x126: {  	[sflag:s15] =	ssyncadd.s32 $0xFFFFF830  }
0x127: {  	_ =	swait.ge [sflag:s15], $0x7D0  }
0x128: {  	[sflag:s15] =	ssyncset.done $0x0  }
0x129: {  	[sflag:s15] =	ssyncadd.s32 $0xFFFFF830  }
0x12a: {  	_ =	swait.ge [sflag:s15], $0x7D0  }
0x12b: {  	[sflag:s15] =	ssyncset.done $0x0  }
0x12c: {  	[sflag:s15] =	ssyncadd.s32 $0xFFFFF830  }
0x12d: {  	[bflag:$0x0] =	sbarrier.arrive $0xFFFF  }
0x12e: {  	s30 =	rddreg [dreg:$0x8]  }
0x12f: {  	[hbm:s30], [sflag:s7] =	dma.local [spmem:s14], $0x500  }
0x130: {  	_ =	swait.ge [sflag:s13], $0x500  }
0x131: {  	s17 =	sadd.s32 $0x1, s17;
	s31 =	rddreg [dreg:$0x9]  }
0x132: {  	p0 =	sne.s32 s17, s31  }
.Ltmp1:
0x133: {  	_ = 	snop;
	(pc) =	sbr.rel @p0 .LBB2_1-.Ltmp1, $3  }
0x134: {  	_ =	sdelay $0x1  }
0x135: {  	[sflag:s13] =	ssyncset.done $0x0  }
0x136: {  	[sflag:s13] =	ssyncadd.s32 $0xFFFFFB00  }
0x137: {  	_ =	sfence.sel $0x180000  }
0x138: {  	[bflag:$0x0] =	sbarrier.arrive $0xFFFF  }
0x139: {  	_ =	strace $0x9000004A  }
0x13a: {  	s0 =	stileid.u32;
	[bflag:$0x2] =	sbarrier.arrive $0xFFFF  }
0x13b: {  	p0 =	sne.s32 s0, $0x0;
	s0 =	rddreg [dreg:$0x3]  }
0x13c: {  	s0 =	sadd.s32 @!p0 $0x100000, s0  }
0x13d: {  	[sflag:s0] =	ssyncadd.tile.s32 @!p0 $0x1;
	_ =	shalt  }
.Lfunc_end2:
_tile_overlayer_lowered:
.L_overlay_start_2:
0x13e: {  	(tag) =	ssettag $0x2  }
0x13f: {  	s0 =	rddreg [dreg:$0x0];
	s2 =	stileid.u32  }
0x140: {  	s1 =	rddreg [dreg:$0x1];
	p0 =	sne.s32 s2, $0x0  }
0x141: {  	s3 =	rddreg [dreg:$0x2];
	[bflag:$0x3] =	sbarrier.arrive $0xFFFF;
	s2 =	simm.s32 @!p0 $0x1C03  }
0x142: {  	[timem:s3], [sflag:s2] =	dma.local @!p0 [hbm:s0], s1  }
0x143: {  	s0 =	simm.s32 @!p0 $0x3  }
0x144: {  	_ =	swait.ge @!p0 [sflag:s0], s1  }
0x145: {  	s1 =	ssub.s32 @!p0 $0x0, s1;
	[sflag:s0] =	ssyncset.done @!p0 $0x0  }
0x146: {  	[sflag:s0] =	ssyncadd.s32 @!p0 s1  }
0x147: {  	[bflag:$0x3] =	sbarrier.arrive $0xFFFF  }
0x148: {  	_ =	shalt  }

// kernel: gcn_edges2_sc.3.cloned.1.call-start
scs
__scs_entry_jumppad:
0x0: {  	(pc) =	sbr.rel $0x88, $3  }
0x1: {  	(tag) =	ssettag $0x0;
	lr =	simm.s32 $0x1  }
0x2: {  	[smem:$0x3F9A] =	sst lr;
	_ =	strace $0xD0000000  }
0x3: {  	_ = 	snop  }
0x4: {  	_ = 	snop  }
0x5: {  	_ = 	snop  }
0x6: {  	_ = 	snop  }
0x7: {  	_ = 	snop  }
__scs_overlays_trampoline_lowered:
0x8: {  	[smem:$0x3FA9] =	sst s0  }
0x9: {  	[smem:$0x3FAA] =	sst s1  }
0xa: {  	[smem:$0x3FAB] =	sst s2  }
0xb: {  	[smem:$0x3FAC] =	sst s3  }
0xc: {  	[smem:$0x3FAD] =	sst s4  }
0xd: {  	[smem:$0x3FAE] =	sst s5  }
0xe: {  	[smem:$0x3FAF] =	sst s6  }
0xf: {  	[smem:$0x3FB0] =	sst s7  }
0x10: {  	[smem:$0x3FB1] =	sst s8  }
0x11: {  	[smem:$0x3FB2] =	sst s9;
	s0 =	simm.s32 @!p0 $0x0  }
0x12: {  	s1 =	sld [smem:$0x3F98];
	s0 =	simm.s32 @p0 $0x1  }
0x13: {  	[smem:$0x3FB3] =	sst s0;
	s0 =	simm.s32 @!p1 $0x0  }
0x14: {  	s2 =	sld [smem:$0x3F97];
	s0 =	simm.s32 @p1 $0x1  }
0x15: {  	[smem:$0x3FB4] =	sst s0;
	s0 =	simm.s32 @!p2 $0x0  }
0x16: {  	s3 =	sld [smem:$0x3FDB];
	s0 =	simm.s32 @p2 $0x1  }
0x17: {  	s4 =	simm.s32 $0x1BF5;
	[smem:$0x3FB6] =	sst s0  }
0x18: {  	s0 =	sld [smem:$0x3F99];
	_ =	swait.ge [sflag:s4], $0x0  }
0x19: {  	s7 =	sld [smem:$0x3F9A]  }
0x1a: {  	s8 =	sadd.s32 $0xFFFFE003, lr  }
0x1b: {  	s9 =	sadd.s32 $0xFFFFFEF7, lr;
	s5 =	simm.s32 $0xFFFFFFFF;
	p2 =	slt.u32 s8, $0xFFFFF086  }
0x1c: {  	p1 =	slt.u32 s9, $0xF7A;
	s5 =	simm.s32 @!p2 $0x0  }
0x1d: {  	s5 =	simm.s32 @p1 $0x1;
	p0 =	seq.s32 s7, s2  }
0x1e: {  	s7 =	smul.u32 @!p0 $0xF7A, s2;
	p2 =	seq.s32 @!p0 s5, $0x0  }
0x1f: {  	s9 =	smul.u32 $0xF7A, s1;
	s8 =	simm.s32 @!p0 $0x1BF5;
	p2 =	por !p2, p0  }
0x20: {  	[sflag:s8] =	ssyncset.s32 @!p0 $0xFFFFF086;
	s6 =	sadd.s32 @!p0 s3, s7;
	s7 =	simm.s32 @!p0 $0x108  }
0x21: {  	s3 =	sadd.s32 s3, s9;
	s6 =	sadd.s32 @!p0 $0x88, s6;
	s7 =	simm.s32 @p2 $0x1082  }
0x22: {  	[simem:s7], [sflag:s8] =	dma.local @!p0 [hbm:s6], $0xF7A  }
0x23: {  	s9 =	sor.u32 $0xD0000000, s2;
	s6 =	simm.s32 $0x108;
	_ =	swait.ge @!p0 [sflag:s8], $0x0  }
0x24: {  	s3 =	sadd.s32 $0x88, s3;
	s6 =	simm.s32 @!p1 $0x1082;
	[sflag:s4] =	ssyncset.s32 $0xFFFFF086  }
0x25: {  	[simem:s6], [sflag:s4] =	dma.local [hbm:s3], $0xF7A  }
0x26: {  	[smem:$0x3F9A] =	sst s1;
	(tag) =	ssettag s2;
	_ =	strace s9  }
0x27: {  	s1 =	sld [smem:$0x3FAA]  }
0x28: {  	s2 =	sld [smem:$0x3FAB]  }
0x29: {  	s4 =	sld [smem:$0x3FAD]  }
0x2a: {  	p0 =	seq.s32 s5, $0x0;
	s5 =	sld [smem:$0x3FAE]  }
0x2b: {  	s6 =	sld [smem:$0x3FAF]  }
0x2c: {  	s7 =	sld [smem:$0x3FB0]  }
0x2d: {  	s3 =	simm.s32 $0x108;
	s8 =	sld [smem:$0x3FB1]  }
0x2e: {  	s3 =	simm.s32 @!p0 $0x1082;
	s9 =	sld [smem:$0x3FB2]  }
0x2f: {  	lr =	sadd.s32 s0, s3;
	s0 =	sld [smem:$0x3FA9]  }
0x30: {  	s3 =	sld [smem:$0x3FAC]  }
0x31: {  	[smem:$0x3FB5] =	sst s10  }
0x32: {  	s10 =	sld [smem:$0x3FB3];
	_ =	sdelay $0x3  }
0x33: {  	p0 =	seq.s32 s10, $0x1;
	s10 =	sld [smem:$0x3FB5];
	_ =	sdelay $0x3  }
0x34: {  	[smem:$0x3FB5] =	sst s10  }
0x35: {  	s10 =	sld [smem:$0x3FB4];
	_ =	sdelay $0x3  }
0x36: {  	p1 =	seq.s32 s10, $0x1;
	s10 =	sld [smem:$0x3FB5];
	_ =	sdelay $0x3  }
0x37: {  	[smem:$0x3FB5] =	sst s10  }
0x38: {  	s10 =	sld [smem:$0x3FB6]  }
0x39: {  	_ = 	snop;
	(pc) =	sbr.ind lr, $3  }
0x3a: {  	_ = 	snop  }
0x3b: {  	_ = 	snop  }
0x3c: {  	p2 =	seq.s32 s10, $0x1;
	s10 =	sld [smem:$0x3FB5]  }
0x3d: {  	_ =	shalt  }
0x3e: {  	_ =	shalt  }
0x3f: {  	_ =	shalt  }
0x40: {  	_ =	shalt  }
0x41: {  	_ =	shalt  }
0x42: {  	_ =	shalt  }
0x43: {  	_ =	shalt  }
0x44: {  	_ =	shalt  }
0x45: {  	_ =	shalt  }
0x46: {  	_ =	shalt  }
0x47: {  	_ =	shalt  }
0x48: {  	_ =	shalt  }
0x49: {  	_ =	shalt  }
0x4a: {  	_ =	shalt  }
0x4b: {  	_ =	shalt  }
0x4c: {  	_ =	shalt  }
0x4d: {  	_ =	shalt  }
0x4e: {  	_ =	shalt  }
0x4f: {  	_ =	shalt  }
0x50: {  	_ =	shalt  }
0x51: {  	_ =	shalt  }
0x52: {  	_ =	shalt  }
0x53: {  	_ =	shalt  }
0x54: {  	_ =	shalt  }
0x55: {  	_ =	shalt  }
0x56: {  	_ =	shalt  }
0x57: {  	_ =	shalt  }
0x58: {  	_ =	shalt  }
0x59: {  	_ =	shalt  }
0x5a: {  	_ =	shalt  }
0x5b: {  	_ =	shalt  }
0x5c: {  	_ =	shalt  }
0x5d: {  	_ =	shalt  }
0x5e: {  	_ =	shalt  }
0x5f: {  	_ =	shalt  }
0x60: {  	_ =	shalt  }
0x61: {  	_ =	shalt  }
0x62: {  	_ =	shalt  }
0x63: {  	_ =	shalt  }
0x64: {  	_ =	shalt  }
0x65: {  	_ =	shalt  }
0x66: {  	_ =	shalt  }
0x67: {  	_ =	shalt  }
0x68: {  	_ =	shalt  }
0x69: {  	_ =	shalt  }
0x6a: {  	_ =	shalt  }
0x6b: {  	_ =	shalt  }
0x6c: {  	_ =	shalt  }
0x6d: {  	_ =	shalt  }
0x6e: {  	_ =	shalt  }
0x6f: {  	_ =	shalt  }
0x70: {  	_ =	shalt  }
0x71: {  	_ =	shalt  }
0x72: {  	_ =	shalt  }
0x73: {  	_ =	shalt  }
0x74: {  	_ =	shalt  }
0x75: {  	_ =	shalt  }
0x76: {  	_ =	shalt  }
0x77: {  	_ =	shalt  }
0x78: {  	_ =	shalt  }
0x79: {  	_ =	shalt  }
0x7a: {  	_ =	shalt  }
0x7b: {  	_ =	shalt  }
0x7c: {  	_ =	shalt  }
0x7d: {  	_ =	shalt  }
0x7e: {  	_ =	shalt  }
0x7f: {  	_ =	shalt  }
0x80: {  	_ =	shalt  }
0x81: {  	_ =	shalt  }
0x82: {  	_ =	shalt  }
0x83: {  	_ =	shalt  }
0x84: {  	_ =	shalt  }
0x85: {  	_ =	shalt  }
0x86: {  	_ =	shalt  }
0x87: {  	_ =	shalt  }
.Lfunc_end0:
.L_simem_size_0:
called_computation.2_lowered:
.L_overlay_start_0:
0x88: {  	s2 =	sld [smem:$0x3FD9]  }
0x89: {  	s3 =	sld [smem:$0x3FFE];
	_ =	sdelay $0x1  }
0x8a: {  	s1 =	srdreg.scid  }
0x8b: {  	s0 =	sand.u32 $0x1, s1  }
0x8c: {  	s16 =	sshll.u32 s0, $0xA;
	s2 =	sadd.s32 s3, s2  }
0x8d: {  	s2 =	sadd.s32 s2, s16  }
0x8e: {  	[smem:$0x3FC1] =	sst s2  }
0x8f: {  	_ = 	snop  }
0x90: {  	(tm) =	ssettm $0x1  }
0x91: {  	s17 =	sld [smem:$0x3FFB];
	_ =	sdelay $0x3  }
0x92: {  	_ =	strace s17  }
0x93: {  	s2 =	sld [smem:$0x3FFC];
	_ =	sdelay $0x3  }
0x94: {  	_ =	strace s2  }
0x95: {  	s2 =	sld [smem:$0x3FFD];
	_ =	sdelay $0x3  }
0x96: {  	_ =	strace s2  }
0x97: {  	_ =	strace $0x8FFFFFFF  }
0x98: {  	s18 =	sld [smem:$0x3FDB];
	_ =	sdelay $0x1  }
0x99: {  	s19 =	simm.s32 $_scs_section_size  }
0x9a: {  	s4 =	simm.s32 $_size__tile_overlayer_lowered;
	s5 =	simm.s32 $_tile_overlayer_lowered  }
0x9b: {  	s22 =	simm.s32 $0x1BFF;
	s21 =	sshll.u32 s5, $0x1;
	s2 =	sadd.s32 s19, s18  }
0x9c: {  	s6 =	simm.s32 $0x0;
	s20 =	sshll.u32 s4, $0x1;
	s4 =	sadd.s32 s21, s2  }
0x9d: {  	[timem:s6], [sflag:s22] =	dma.local [hbm:s4], s20  }
0x9e: {  	_ =	swait.ge [sflag:s22], s20  }
0x9f: {  	s3 =	ssub.s32 $0x0, s20;
	[sflag:s22] =	ssyncset.done $0x0  }
0xa0: {  	[sflag:s22] =	ssyncadd.s32 s3;
	_ =	sdelay $0x1  }
0xa1: {  	s23 =	simm.s32 $0x1B8B  }
0xa2: {  	_ =	swait.ge [sflag:s23], $0x1  }
0xa3: {  	[sflag:s23] =	ssyncset.done $0x0  }
0xa4: {  	s25 =	simm.s32 $0x1B8E;
	s24 =	sld [smem:$0x3FFE];
	[sflag:s23] =	ssyncadd.s32 $0xFFFFFFFF  }
0xa5: {  	s26 =	simm.s32 $execute0_lowered;
	[smem:$0x3FD2] =	sst s25  }
0xa6: {  	s4 =	sshll.u32 s26, $0x1;
	_ =	strace $0x8000004C;
	[dreg:$0x1] =	wrdreg $0xFFFFFFFF  }
0xa7: {  	s28 =	simm.s32 $_size_execute0_lowered;
	s2 =	sadd.s32 s2, s4;
	[dreg:$0x0] =	wrdreg $0x0  }
0xa8: {  	s4 =	sshll.u32 s28, $0x1;
	[dreg:$0x2] =	wrdreg s2  }
0xa9: {  	[dreg:$0x3] =	wrdreg s4  }
0xaa: {  	[dreg:$0x4] =	wrdreg $0xC0  }
0xab: {  	_ =	task [dreg:s6], $0x5FFFF  }
0xac: {  	[dreg:$0x1] =	wrdreg $0xFFFFFFFF  }
0xad: {  	[dreg:$0x0] =	wrdreg $0x60  }
0xae: {  	[dreg:$0x2] =	wrdreg s24  }
0xaf: {  	[dreg:$0x3] =	wrdreg $0x10B800  }
0xb0: {  	[dreg:$0x4] =	wrdreg $0x133800  }
0xb1: {  	[dreg:$0x5] =	wrdreg $0x9  }
0xb2: {  	_ =	task.clear_ibuf [dreg:s6], $0x6FFFF;
	_ =	strace $0x9000004C  }
0xb3: {  	s29 =	simm.s32 $0x9;
	_ =	strace $0x8000004E  }
0xb4: {  	_ =	swait.ge [sflag:s29], $0x1  }
0xb5: {  	[sflag:s29] =	ssyncadd.s32 $0xFFFFFFFF  }
0xb6: {  	_ =	strace $0x9000004E  }
0xb7: {  	_ =	sfence  }
0xb8: {  	s30 =	sld [smem:$0x0];
	_ =	sdelay $0x2  }
0xb9: {  	s31 =	sshll.u32 s1, $0xD;
	s1 =	sshrl.u32 s1, $0x2  }
0xba: {  	s3 =	sand.u32 $0x4000, s31;
	s1 =	sadd.s32 s1, s30  }
0xbb: {  	s0 =	sor.u32 s3, s0;
	s1 =	sshll.u32 s1, $0x11  }
0xbc: {  	s0 =	sor.u32 s1, s0  }
0xbd: {  	s0 =	sadd.s32 $0x8F2B, s0  }
0xbe: {  	[sflag:s0] =	ssyncadd.remote.s32 $0x1  }
0xbf: {  	_ =	sfence.sel $0xFFFF  }
0xc0: {  	[dreg:$0x0] =	wrdreg $0xFFFFFFFF;
	(pc) =	sbr.abs _section_cstart, $3  }
0xc1: {  	[dreg:$0x1] =	wrdreg $0xFFFFFFFF  }
0xc2: {  	_ =	task.clear_ibuf [dreg:s6], $0x2FFFF;
	_ =	strace $0x9FFFFFFF  }
0xc3: {  	(tm) =	ssettm $0x7FFFFFFF  }
tec
execute0_lowered:
.L_overlay_start_1:
0x0: {  	(tag) =	ssettag $0x1  }
0x1: {  	s0 =	rddreg [dreg:$0x0]  }
0x2: {  	s2 =	rddreg [dreg:$0x1]  }
0x3: {  	s3 =	rddreg [dreg:$0x2]  }
0x4: {  	s4 =	stileid.u32;
	s1 =	srdreg.scid  }
0x5: {  	s8 =	simm.s32 $0x0;
	s13 =	simm.s32 $0x3;
	s16 =	simm.s32 $0x7D  }
0x6: {  	s15 =	simm.s32 $0x2;
	s17 =	simm.s32 $0x0;
	s5 =	smul.u32 $0x2800, s4  }
0x7: {  	s1 =	sand.u32 $0x1, s1;
	s6 =	sshll.u32 s4, $0x1;
	[smem:$0x7FF] =	sst s8  }
0x8: {  	s9 =	sadd.s32 $0xC600, s0;
	s25 =	sshll.u32 s4, $0x6;
	s6 =	sor.u32 s1, s6  }
0x9: {  	s7 =	smul.u32 $0x28000, s1;
	_ =	strace $0x8000004D;
	s1 =	ssub.s32 $0x2, s1  }
0xa: {  	[dreg:$0x4] =	wrdreg s9;
	s22 =	sshrl.u32 s5, $0x3;
	s6 =	smul.u32 $0x500, s6  }
0xb: {  	s23 =	sshrl.u32 s1, $0x1;
	s24 =	sadd.s32 s5, s2;
	s8 =	sadd.s32 s22, s0  }
0xc: {  	s7 =	sadd.s32 s5, s7;
	s1 =	ssub.s32 s1, s23;
	s31 =	sshrl.u32 s24, $0x3  }
0xd: {  	s5 =	sadd.s32 s5, s3;
	s26 =	sadd.s32 $0xCC00, s8;
	[dreg:$0xa] =	wrdreg s31  }
0xe: {  	s6 =	sadd.s32 s6, s0;
	s30 =	smax.u32 s1, $0x1;
	[dreg:$0x5] =	wrdreg s26  }
0xf: {  	s7 =	sshrl.u32 s7, $0x3;
	s28 =	sadd.s32 $0x16E00, s6;
	[dreg:$0x9] =	wrdreg s30  }
0x10: {  	s0 =	sadd.s32 s7, s0;
	s29 =	sadd.s32 $0x2600, s6;
	[dreg:$0x6] =	wrdreg s28  }
0x11: {  	s14 =	sshrl.u32 s5, $0x3;
	[dreg:$0x7] =	wrdreg s29;
	s0 =	sadd.s32 $0x20E00, s0  }
0x12: {  	s1 =	simm.s32 $0x1;
	s7 =	sor.u32 $0x1C03, s25;
	[dreg:$0x8] =	wrdreg s0  }
.LBB2_1:
0x13: {  	s0 =	rddreg [dreg:$0x5]  }
0x14: {  	s4 =	rddreg [dreg:$0xa]  }
0x15: {  	[spmem:s4], [sflag:s7] =	dma.local [hbm:s0], $0x500  }
0x16: {  	_ =	swait.ge [sflag:s13], $0x500  }
0x17: {  	[sflag:s13] =	ssyncset.done $0x0  }
0x18: {  	s24 =	rddreg [dreg:$0x4];
	[sflag:s13] =	ssyncadd.s32 $0xFFFFFB00  }
0x19: {  	[spmem:s14], [sflag:s7] =	dma.local [hbm:s24], $0x500  }
0x1a: {  	_ =	swait.ge [sflag:s13], $0x500  }
0x1b: {  	[sflag:s13] =	ssyncset.done $0x0  }
0x1c: {  	s25 =	simm.s32 $0x0;
	s26 =	rddreg [dreg:$0x6];
	[sflag:s13] =	ssyncadd.s32 $0xFFFFFB00  }
0x1d: {  	[tilespmem:s25], [sflag:$0x3] =	stream.linear.gather [hbm4b:s26+s25], $0x2800, $0x38;
	[tilespmem:$0x15B80] =	vst v63  }
0x1e: {  	_ =	swait.ge [sflag:s13], $0x2800  }
0x1f: {  	[sflag:s13] =	ssyncset.done $0x0  }
0x20: {  	s5 =	simm.s32 $0x2800;
	s30 =	rddreg [dreg:$0x7];
	[sflag:s13] =	ssyncadd.s32 $0xFFFFD800  }
0x21: {  	[tilespmem:s5], [sflag:$0x3] =	stream.linear.gather [hbm4b:s30+s25], $0x2800, $0x38;
	[tilespmem:$0x15B80] =	vst v63  }
0x22: {  	_ =	swait.ge [sflag:s13], $0x2800  }
0x23: {  	[sflag:s13] =	ssyncset.done $0x0  }
0x24: {  	s6 =	simm.s32 $0x5000;
	p0 =	por $0x0, $0x0;
	[sflag:s13] =	ssyncadd.s32 $0xFFFFD800  }
0x25: {  	s8 =	simm.s32 $0x80;
	s0 =	smul.u32 @!p0 $0xAB, s1;
	[bflag:$0x0] =	sbarrier.arrive $0xFFFF  }
0x26: {  	[tilespmem:s6], [sflag:$0x1] =	stream.indirect.gather [spmem:s2], $0x10, s25, s16, $0xb8;
	[tilespmem:$0x15B80] =	vst v63  }
0x27: {  	s9 =	simm.s32 $0x57D0;
	s10 =	simm.s32 $0x100;
	s0 =	sshrl.u32 @!p0 s0, $0x9  }
0x28: {  	[tilespmem:s9], [sflag:$0x1] =	stream.indirect.gather [spmem:s2], $0x10, s8, s16, $0xb8;
	[tilespmem:$0x15B80] =	vst v63  }
0x29: {  	s11 =	simm.s32 $0x5FA0;
	s12 =	simm.s32 $0x180;
	s0 =	sand.u32 @!p0 $0x7F, s0  }
0x2a: {  	[tilespmem:s11], [sflag:$0x1] =	stream.indirect.gather [spmem:s2], $0x10, s10, s16, $0xb8;
	[tilespmem:$0x15B80] =	vst v63  }
0x2b: {  	s18 =	simm.s32 $0x6770;
	s19 =	simm.s32 $0x200;
	s0 =	smul.u32 @!p0 $0x3, s0  }
0x2c: {  	[tilespmem:s18], [sflag:$0x1] =	stream.indirect.gather [spmem:s2], $0x10, s12, s16, $0xb8;
	[tilespmem:$0x15B80] =	vst v63  }
0x2d: {  	s20 =	simm.s32 $0x6F40;
	s21 =	simm.s32 $0x280;
	s0 =	ssub.s32 @!p0 $0x1, s0  }
0x2e: {  	[tilespmem:s20], [sflag:$0x1] =	stream.indirect.gather [spmem:s2], $0x10, s19, s16, $0xb8;
	[tilespmem:$0x15B80] =	vst v63  }
0x2f: {  	s22 =	simm.s32 $0x7710;
	s23 =	simm.s32 $0x300;
	s0 =	sand.u32 @!p0 $0xFF, s0  }
0x30: {  	[tilespmem:s22], [sflag:$0x1] =	stream.indirect.gather [spmem:s2], $0x10, s21, s16, $0xb8;
	[tilespmem:$0x15B80] =	vst v63  }
0x31: {  	s24 =	simm.s32 $0x7EE0;
	s0 =	smul.u32 @!p0 $0xFA00, s0;
	s26 =	simm.s32 $0x86B0  }
0x32: {  	[tilespmem:s24], [sflag:$0x1] =	stream.indirect.gather [spmem:s2], $0x10, s23, s16, $0xb8;
	[tilespmem:$0x15B80] =	vst v63  }
0x33: {  	s0 =	sshrl.u32 @!p0 s0, $0x2;
	s5 =	simm.s32 @!p0 $0x400;
	s25 =	simm.s32 $0x380  }
0x34: {  	[tilespmem:s26], [sflag:$0x1] =	stream.indirect.gather [spmem:s2], $0x10, s25, s16, $0xb8;
	[tilespmem:$0x15B80] =	vst v63  }
0x35: {  	s6 =	simm.s32 @!p0 $0x7D;
	s8 =	sadd.s32 @!p0 $0x5000, s0;
	s9 =	simm.s32 $0x0  }
0x36: {  	[tilespmem:s8], [sflag:$0x1] =	stream.indirect.gather @!p0 [spmem:s2], $0x10, s5, s6, $0xb8;
	[tilespmem:$0x15B80] =	vst v63  }
0x37: {  	s9 =	smul.u32 $0xAB, s9;
	s5 =	simm.s32 @!p0 $0x480;
	s8 =	sadd.s32 @!p0 $0x57D0, s0  }
0x38: {  	[tilespmem:s8], [sflag:$0x1] =	stream.indirect.gather @!p0 [spmem:s2], $0x10, s5, s6, $0xb8;
	[tilespmem:$0x15B80] =	vst v63  }
0x39: {  	s9 =	sshrl.u32 s9, $0x9;
	s5 =	simm.s32 @!p0 $0x500;
	s8 =	sadd.s32 @!p0 $0x5FA0, s0  }
0x3a: {  	[tilespmem:s8], [sflag:$0x1] =	stream.indirect.gather @!p0 [spmem:s2], $0x10, s5, s6, $0xb8;
	[tilespmem:$0x15B80] =	vst v63  }
0x3b: {  	s9 =	sand.u32 $0x7F, s9;
	s5 =	simm.s32 @!p0 $0x580;
	s8 =	sadd.s32 @!p0 $0x6770, s0  }
0x3c: {  	[tilespmem:s8], [sflag:$0x1] =	stream.indirect.gather @!p0 [spmem:s2], $0x10, s5, s6, $0xb8;
	[tilespmem:$0x15B80] =	vst v63  }
0x3d: {  	s9 =	smul.u32 $0x3, s9;
	s5 =	simm.s32 @!p0 $0x600;
	s8 =	sadd.s32 @!p0 $0x6F40, s0  }
0x3e: {  	[tilespmem:s8], [sflag:$0x1] =	stream.indirect.gather @!p0 [spmem:s2], $0x10, s5, s6, $0xb8;
	[tilespmem:$0x15B80] =	vst v63  }
0x3f: {  	s9 =	ssub.s32 $0x0, s9;
	s5 =	simm.s32 @!p0 $0x680;
	s8 =	sadd.s32 @!p0 $0x7710, s0  }
0x40: {  	[tilespmem:s8], [sflag:$0x1] =	stream.indirect.gather @!p0 [spmem:s2], $0x10, s5, s6, $0xb8;
	[tilespmem:$0x15B80] =	vst v63  }
0x41: {  	s30 =	sand.u32 $0xFF, s9;
	s5 =	simm.s32 @!p0 $0x700;
	s8 =	sadd.s32 @!p0 $0x7EE0, s0  }
0x42: {  	[tilespmem:s8], [sflag:$0x1] =	stream.indirect.gather @!p0 [spmem:s2], $0x10, s5, s6, $0xb8;
	[tilespmem:$0x15B80] =	vst v63  }
0x43: {  	s0 =	sadd.s32 @!p0 $0x86B0, s0;
	s8 =	simm.s32 @!p0 $0x780;
	s5 =	smul.u32 $0xFA00, s30  }
0x44: {  	[tilespmem:s0], [sflag:$0x1] =	stream.indirect.gather @!p0 [spmem:s2], $0x10, s8, s6, $0xb8;
	[tilespmem:$0x15B80] =	vst v63  }
0x45: {  	_ =	swait.ge [sflag:s1], $0x7D0  }
0x46: {  	s4 =	sshrl.u32 s5, $0x2;
	[sflag:s1] =	ssyncset.done $0x0  }
0x47: {  	s9 =	simm.s32 $0x2800;
	s5 =	sadd.s32 $0x5000, s4;
	[sflag:s1] =	ssyncadd.s32 $0xFFFFF830  }
0x48: {  	[spmem:s3] =	stream.indirect.scatter.add.f32 [tilespmem:s5], [sflag:$0x2], $0x10, s9, s16, $0xb8;
	[tilespmem:$0x15B80] =	vst v63  }
0x49: {  	_ =	swait.ge [sflag:s1], $0x7D0  }
0x4a: {  	[sflag:s1] =	ssyncset.done $0x0  }
0x4b: {  	s11 =	simm.s32 $0x2880;
	s10 =	sadd.s32 $0x57D0, s4;
	[sflag:s1] =	ssyncadd.s32 $0xFFFFF830  }
0x4c: {  	[spmem:s3] =	stream.indirect.scatter.add.f32 [tilespmem:s10], [sflag:$0x2], $0x10, s11, s16, $0xb8;
	[tilespmem:$0x15B80] =	vst v63  }
0x4d: {  	_ =	swait.ge [sflag:s1], $0x7D0  }
0x4e: {  	[sflag:s1] =	ssyncset.done $0x0  }
0x4f: {  	s18 =	simm.s32 $0x2900;
	s12 =	sadd.s32 $0x5FA0, s4;
	[sflag:s1] =	ssyncadd.s32 $0xFFFFF830  }
0x50: {  	[spmem:s3] =	stream.indirect.scatter.add.f32 [tilespmem:s12], [sflag:$0x2], $0x10, s18, s16, $0xb8;
	[tilespmem:$0x15B80] =	vst v63  }
0x51: {  	_ =	swait.ge [sflag:s1], $0x7D0  }
0x52: {  	[sflag:s1] =	ssyncset.done $0x0  }
0x53: {  	s19 =	simm.s32 $0x2980;
	s20 =	sadd.s32 $0x6770, s4;
	[sflag:s1] =	ssyncadd.s32 $0xFFFFF830  }
0x54: {  	[spmem:s3] =	stream.indirect.scatter.add.f32 [tilespmem:s20], [sflag:$0x2], $0x10, s19, s16, $0xb8;
	[tilespmem:$0x15B80] =	vst v63  }
0x55: {  	_ =	swait.ge [sflag:s1], $0x7D0  }
0x56: {  	[sflag:s1] =	ssyncset.done $0x0  }
0x57: {  	s21 =	simm.s32 $0x2A00;
	s22 =	sadd.s32 $0x6F40, s4;
	[sflag:s1] =	ssyncadd.s32 $0xFFFFF830  }
0x58: {  	[spmem:s3] =	stream.indirect.scatter.add.f32 [tilespmem:s22], [sflag:$0x2], $0x10, s21, s16, $0xb8;
	[tilespmem:$0x15B80] =	vst v63  }
0x59: {  	p1 =	por $0x1, $0x1;
	s23 =	simm.s32 $0x2A80;
	_ =	swait.ge [sflag:s1], $0x7D0  }
0x5a: {  	p0 =	por $0x0, $0x0;
	s19 =	simm.s32 $0x2;
	[sflag:s1] =	ssyncset.done $0x0  }
0x5b: {  	s24 =	sadd.s32 $0x7710, s4;
	s6 =	smul.u32 @!p0 $0xAB, s19;
	[sflag:s1] =	ssyncadd.s32 $0xFFFFF830  }
0x5c: {  	[spmem:s3] =	stream.indirect.scatter.add.f32 [tilespmem:s24], [sflag:$0x2], $0x10, s23, s16, $0xb8;
	[tilespmem:$0x15B80] =	vst v63  }
0x5d: {  	s25 =	simm.s32 $0x2B00;
	s26 =	simm.s32 $0x2B80;
	_ =	swait.ge [sflag:s1], $0x7D0  }
0x5e: {  	s29 =	simm.s32 @!p0 $0x400;
	s6 =	sshrl.u32 @!p0 s6, $0x9;
	[sflag:s1] =	ssyncset.done $0x0  }
0x5f: {  	s30 =	sadd.s32 $0x7EE0, s4;
	s6 =	sand.u32 @!p0 $0x7F, s6;
	[sflag:s1] =	ssyncadd.s32 $0xFFFFF830  }
0x60: {  	[spmem:s3] =	stream.indirect.scatter.add.f32 [tilespmem:s30], [sflag:$0x2], $0x10, s25, s16, $0xb8;
	[tilespmem:$0x15B80] =	vst v63  }
0x61: {  	s28 =	simm.s32 @!p0 $0x900;
	s5 =	smul.u32 @!p0 $0x3, s6;
	_ =	swait.ge [sflag:s1], $0x7D0  }
0x62: {  	s0 =	sadd.s32 $0x86B0, s4;
	s31 =	simm.s32 @!p0 $0x980;
	[sflag:s1] =	ssyncset.done $0x0  }
0x63: {  	s18 =	simm.s32 $0x1000;
	s5 =	ssub.s32 @!p0 $0x2, s5;
	[sflag:s1] =	ssyncadd.s32 $0xFFFFF830  }
0x64: {  	[spmem:s3] =	stream.indirect.scatter.add.f32 [tilespmem:s0], [sflag:$0x2], $0x10, s26, s16, $0xb8;
	[tilespmem:$0x15B80] =	vst v63  }
0x65: {  	s20 =	simm.s32 $0x2000;
	s21 =	simm.s32 @!p1 $0x2;
	s0 =	sand.u32 @!p0 $0xFF, s5  }
0x66: {  	s22 =	simm.s32 @!p0 $0xA80;
	s24 =	simm.s32 @!p0 $0x880;
	s5 =	smul.u32 @!p0 $0xFA00, s0  }
0x67: {  	s23 =	simm.s32 @!p0 $0xB00;
	s25 =	simm.s32 @!p0 $0x800;
	s26 =	simm.s32 @!p0 $0xA00  }
.LBB2_2:
0x68: {  	s5 =	sshrl.u32 @!p0 s5, $0x2;
	s0 =	simm.s32 @!p0 $0x7D  }
0x69: {  	_ =	swait.ge @!p1 [sflag:s21], $0x7D0;
	s30 =	smov.u32 s18;
	s18 =	smov.u32 s20  }
0x6a: {  	s10 =	sadd.s32 @!p0 $0x5000, s5;
	s11 =	sadd.s32 @!p0 $0x57D0, s5;
	[sflag:s21] =	ssyncset.done @!p1 $0x0  }
0x6b: {  	s12 =	sadd.s32 @!p0 $0x5FA0, s5;
	s6 =	sadd.s32 @!p0 $0x7710, s5;
	[sflag:s21] =	ssyncadd.s32 @!p1 $0xFFFFF830  }
0x6c: {  	s4 =	sadd.s32 @!p0 $0x6770, s5;
	s9 =	sadd.s32 @!p0 $0x6F40, s5;
	_ =	swait.ge @!p1 [sflag:s21], $0x7D0  }
0x6d: {  	s8 =	sadd.s32 @!p0 $0x7EE0, s5;
	s5 =	sadd.s32 @!p0 $0x86B0, s5;
	[sflag:s21] =	ssyncset.done @!p1 $0x0  }
0x6e: {  	s20 =	sadd.s32 $0x1000, s20;
	s29 =	sadd.s32 @!p0 $0x780, s29;
	[sflag:s21] =	ssyncadd.s32 @!p1 $0xFFFFF830  }
0x6f: {  	p2 =	sne.s32 s20, $0xA000;
	_ =	swait.ge @!p1 [sflag:s21], $0x7D0  }
0x70: {  	[sflag:s21] =	ssyncset.done @!p1 $0x0  }
0x71: {  	[sflag:s21] =	ssyncadd.s32 @!p1 $0xFFFFF830  }
0x72: {  	_ =	swait.ge @!p1 [sflag:s21], $0x7D0  }
0x73: {  	[sflag:s21] =	ssyncset.done @!p1 $0x0  }
0x74: {  	[sflag:s21] =	ssyncadd.s32 @!p1 $0xFFFFF830  }
0x75: {  	_ =	swait.ge @!p1 [sflag:s21], $0x7D0  }
0x76: {  	[sflag:s21] =	ssyncset.done @!p1 $0x0  }
0x77: {  	[sflag:s21] =	ssyncadd.s32 @!p1 $0xFFFFF830  }
0x78: {  	_ =	swait.ge @!p1 [sflag:s21], $0x7D0  }
0x79: {  	[sflag:s21] =	ssyncset.done @!p1 $0x0  }
0x7a: {  	[sflag:s21] =	ssyncadd.s32 @!p1 $0xFFFFF830  }
0x7b: {  	_ =	swait.ge @!p1 [sflag:s21], $0x7D0  }
0x7c: {  	[sflag:s21] =	ssyncset.done @!p1 $0x0  }
0x7d: {  	[sflag:s21] =	ssyncadd.s32 @!p1 $0xFFFFF830  }
0x7e: {  	_ =	swait.ge @!p1 [sflag:s21], $0x7D0  }
0x7f: {  	[sflag:s21] =	ssyncset.done @!p1 $0x0  }
0x80: {  	[sflag:s21] =	ssyncadd.s32 @!p1 $0xFFFFF830  }
0x81: {  	[tilespmem:s10], [sflag:$0x1] =	stream.indirect.gather @!p0 [spmem:s2], $0x10, s25, s0, $0xb8;
	[tilespmem:$0x15B80] =	vst v63  }
0x82: {  	s10 =	sadd.s32 $0xFFFFFFFF, s19  }
0x83: {  	[tilespmem:s11], [sflag:$0x1] =	stream.indirect.gather @!p0 [spmem:s2], $0x10, s24, s0, $0xb8;
	[tilespmem:$0x15B80] =	vst v63  }
0x84: {  	s11 =	smul.u32 $0xAB, s10  }
0x85: {  	[tilespmem:s12], [sflag:$0x1] =	stream.indirect.gather @!p0 [spmem:s2], $0x10, s28, s0, $0xb8;
	[tilespmem:$0x15B80] =	vst v63  }
0x86: {  	s11 =	sshrl.u32 s11, $0x9  }
0x87: {  	[tilespmem:s4], [sflag:$0x1] =	stream.indirect.gather @!p0 [spmem:s2], $0x10, s31, s0, $0xb8;
	[tilespmem:$0x15B80] =	vst v63  }
0x88: {  	s4 =	sand.u32 $0x7F, s11  }
0x89: {  	[tilespmem:s9], [sflag:$0x1] =	stream.indirect.gather @!p0 [spmem:s2], $0x10, s26, s0, $0xb8;
	[tilespmem:$0x15B80] =	vst v63  }
0x8a: {  	s4 =	smul.u32 $0x3, s4  }
0x8b: {  	[tilespmem:s6], [sflag:$0x1] =	stream.indirect.gather @!p0 [spmem:s2], $0x10, s22, s0, $0xb8;
	[tilespmem:$0x15B80] =	vst v63  }
0x8c: {  	s4 =	ssub.s32 s10, s4  }
0x8d: {  	[tilespmem:s8], [sflag:$0x1] =	stream.indirect.gather @!p0 [spmem:s2], $0x10, s23, s0, $0xb8;
	[tilespmem:$0x15B80] =	vst v63  }
0x8e: {  	s4 =	sand.u32 $0xFF, s4  }
0x8f: {  	s4 =	smul.u32 $0xFA00, s4  }
0x90: {  	[tilespmem:s5], [sflag:$0x1] =	stream.indirect.gather @!p0 [spmem:s2], $0x10, s29, s0, $0xb8;
	[tilespmem:$0x15B80] =	vst v63  }
0x91: {  	s0 =	sshrl.u32 s4, $0x2;
	_ =	swait.ge [sflag:s1], $0x7D0  }
0x92: {  	s4 =	sshra.s32 s30, $0x2;
	[sflag:s1] =	ssyncset.done $0x0  }
0x93: {  	s5 =	sadd.s32 $0x5000, s0;
	s6 =	sadd.s32 $0x2800, s4;
	[sflag:s1] =	ssyncadd.s32 $0xFFFFF830  }
0x94: {  	[spmem:s3] =	stream.indirect.scatter.add.f32 [tilespmem:s5], [sflag:$0x2], $0x10, s6, s16, $0xb8;
	[tilespmem:$0x15B80] =	vst v63  }
0x95: {  	_ =	swait.ge [sflag:s1], $0x7D0  }
0x96: {  	[sflag:s1] =	ssyncset.done $0x0  }
0x97: {  	s5 =	sadd.s32 $0x57D0, s0;
	s6 =	sadd.s32 $0x2880, s4;
	[sflag:s1] =	ssyncadd.s32 $0xFFFFF830  }
0x98: {  	[spmem:s3] =	stream.indirect.scatter.add.f32 [tilespmem:s5], [sflag:$0x2], $0x10, s6, s16, $0xb8;
	[tilespmem:$0x15B80] =	vst v63  }
0x99: {  	_ =	swait.ge [sflag:s1], $0x7D0  }
0x9a: {  	[sflag:s1] =	ssyncset.done $0x0  }
0x9b: {  	s5 =	sadd.s32 $0x5FA0, s0;
	s6 =	sadd.s32 $0x2900, s4;
	[sflag:s1] =	ssyncadd.s32 $0xFFFFF830  }
0x9c: {  	[spmem:s3] =	stream.indirect.scatter.add.f32 [tilespmem:s5], [sflag:$0x2], $0x10, s6, s16, $0xb8;
	[tilespmem:$0x15B80] =	vst v63  }
0x9d: {  	s5 =	sadd.s32 $0x2980, s4;
	_ =	swait.ge [sflag:s1], $0x7D0  }
0x9e: {  	p1 =	seq.s32 s30, $0x0;
	s19 =	sadd.s32 $0x1, s19;
	[sflag:s1] =	ssyncset.done $0x0  }
0x9f: {  	s21 =	simm.s32 @!p1 $0x2;
	s6 =	sadd.s32 $0x6770, s0;
	[sflag:s1] =	ssyncadd.s32 $0xFFFFF830  }
0xa0: {  	[spmem:s3] =	stream.indirect.scatter.add.f32 [tilespmem:s6], [sflag:$0x2], $0x10, s5, s16, $0xb8;
	[tilespmem:$0x15B80] =	vst v63  }
0xa1: {  	s5 =	sadd.s32 $0x2B00, s4;
	s6 =	sadd.s32 $0x2B80, s4;
	_ =	swait.ge [sflag:s1], $0x7D0  }
0xa2: {  	s8 =	sadd.s32 $0x2A00, s4;
	s4 =	sadd.s32 $0x2A80, s4;
	[sflag:s1] =	ssyncset.done $0x0  }
0xa3: {  	p0 =	seq.s32 s18, $0x9000;
	s9 =	sadd.s32 $0x6F40, s0;
	[sflag:s1] =	ssyncadd.s32 $0xFFFFF830  }
0xa4: {  	[spmem:s3] =	stream.indirect.scatter.add.f32 [tilespmem:s9], [sflag:$0x2], $0x10, s8, s16, $0xb8;
	[tilespmem:$0x15B80] =	vst v63  }
0xa5: {  	s29 =	sshra.s32 @!p0 s18, $0x2;
	s8 =	smul.u32 @!p0 $0xAB, s19;
	_ =	swait.ge [sflag:s1], $0x7D0  }
0xa6: {  	s25 =	sadd.s32 @!p0 $0x400, s29;
	s24 =	sadd.s32 @!p0 $0x480, s29;
	[sflag:s1] =	ssyncset.done $0x0  }
0xa7: {  	s9 =	sadd.s32 $0x7710, s0;
	s8 =	sshrl.u32 @!p0 s8, $0x9;
	[sflag:s1] =	ssyncadd.s32 $0xFFFFF830  }
0xa8: {  	[spmem:s3] =	stream.indirect.scatter.add.f32 [tilespmem:s9], [sflag:$0x2], $0x10, s4, s16, $0xb8;
	[tilespmem:$0x15B80] =	vst v63  }
0xa9: {  	s28 =	sadd.s32 @!p0 $0x500, s29;
	s4 =	sand.u32 @!p0 $0x7F, s8;
	_ =	swait.ge [sflag:s1], $0x7D0  }
0xaa: {  	s26 =	sadd.s32 @!p0 $0x600, s29;
	s4 =	smul.u32 @!p0 $0x3, s4;
	[sflag:s1] =	ssyncset.done $0x0  }
0xab: {  	s22 =	sadd.s32 @!p0 $0x680, s29;
	s8 =	sadd.s32 $0x7EE0, s0;
	[sflag:s1] =	ssyncadd.s32 $0xFFFFF830  }
0xac: {  	[spmem:s3] =	stream.indirect.scatter.add.f32 [tilespmem:s8], [sflag:$0x2], $0x10, s5, s16, $0xb8;
	[tilespmem:$0x15B80] =	vst v63  }
.Ltmp0:
0xad: {  	_ = 	snop;
	(pc) =	sbr.rel @p2 .LBB2_2-.Ltmp0, $4  }
0xae: {  	s23 =	sadd.s32 @!p0 $0x700, s29;
	s4 =	ssub.s32 @!p0 s19, s4;
	_ =	swait.ge [sflag:s1], $0x7D0  }
0xaf: {  	s31 =	sadd.s32 @!p0 $0x580, s29;
	s4 =	sand.u32 @!p0 $0xFF, s4;
	[sflag:s1] =	ssyncset.done $0x0  }
0xb0: {  	s0 =	sadd.s32 $0x86B0, s0;
	s5 =	smul.u32 @!p0 $0xFA00, s4;
	[sflag:s1] =	ssyncadd.s32 $0xFFFFF830  }
0xb1: {  	[spmem:s3] =	stream.indirect.scatter.add.f32 [tilespmem:s0], [sflag:$0x2], $0x10, s6, s16, $0xb8;
	[tilespmem:$0x15B80] =	vst v63  }
0xb2: {  	_ =	swait.ge @!p1 [sflag:s21], $0x7D0  }
0xb3: {  	[sflag:s21] =	ssyncset.done @!p1 $0x0  }
0xb4: {  	[sflag:s21] =	ssyncadd.s32 @!p1 $0xFFFFF830  }
0xb5: {  	_ =	swait.ge @!p1 [sflag:s21], $0x7D0  }
0xb6: {  	[sflag:s21] =	ssyncset.done @!p1 $0x0  }
0xb7: {  	[sflag:s21] =	ssyncadd.s32 @!p1 $0xFFFFF830  }
0xb8: {  	_ =	swait.ge @!p1 [sflag:s21], $0x7D0  }
0xb9: {  	[sflag:s21] =	ssyncset.done @!p1 $0x0  }
0xba: {  	[sflag:s21] =	ssyncadd.s32 @!p1 $0xFFFFF830  }
0xbb: {  	_ =	swait.ge @!p1 [sflag:s21], $0x7D0  }
0xbc: {  	[sflag:s21] =	ssyncset.done @!p1 $0x0  }
0xbd: {  	[sflag:s21] =	ssyncadd.s32 @!p1 $0xFFFFF830  }
0xbe: {  	_ =	swait.ge @!p1 [sflag:s21], $0x7D0  }
0xbf: {  	[sflag:s21] =	ssyncset.done @!p1 $0x0  }
0xc0: {  	[sflag:s21] =	ssyncadd.s32 @!p1 $0xFFFFF830  }
0xc1: {  	_ =	swait.ge @!p1 [sflag:s21], $0x7D0  }
0xc2: {  	[sflag:s21] =	ssyncset.done @!p1 $0x0  }
0xc3: {  	[sflag:s21] =	ssyncadd.s32 @!p1 $0xFFFFF830  }
0xc4: {  	_ =	swait.ge @!p1 [sflag:s21], $0x7D0  }
0xc5: {  	[sflag:s21] =	ssyncset.done @!p1 $0x0  }
0xc6: {  	[sflag:s21] =	ssyncadd.s32 @!p1 $0xFFFFF830  }
0xc7: {  	_ =	swait.ge @!p1 [sflag:s21], $0x7D0  }
0xc8: {  	s0 =	sshrl.u32 @!p0 s5, $0x2;
	[sflag:s21] =	ssyncset.done @!p1 $0x0  }
0xc9: {  	s4 =	simm.s32 @!p0 $0x7D;
	s5 =	sadd.s32 @!p0 $0x5000, s0;
	[sflag:s21] =	ssyncadd.s32 @!p1 $0xFFFFF830  }
0xca: {  	[tilespmem:s5], [sflag:$0x1] =	stream.indirect.gather @!p0 [spmem:s2], $0x10, s25, s4, $0xb8;
	[tilespmem:$0x15B80] =	vst v63  }
0xcb: {  	s5 =	sadd.s32 @!p0 $0x57D0, s0  }
0xcc: {  	[tilespmem:s5], [sflag:$0x1] =	stream.indirect.gather @!p0 [spmem:s2], $0x10, s24, s4, $0xb8;
	[tilespmem:$0x15B80] =	vst v63  }
0xcd: {  	s5 =	sadd.s32 @!p0 $0x5FA0, s0  }
0xce: {  	[tilespmem:s5], [sflag:$0x1] =	stream.indirect.gather @!p0 [spmem:s2], $0x10, s28, s4, $0xb8;
	[tilespmem:$0x15B80] =	vst v63  }
0xcf: {  	s6 =	sadd.s32 $0xFFFFFFFF, s19;
	s5 =	sadd.s32 @!p0 $0x6770, s0  }
0xd0: {  	[tilespmem:s5], [sflag:$0x1] =	stream.indirect.gather @!p0 [spmem:s2], $0x10, s31, s4, $0xb8;
	[tilespmem:$0x15B80] =	vst v63  }
0xd1: {  	s8 =	smul.u32 $0xAB, s6;
	s5 =	sadd.s32 @!p0 $0x6F40, s0  }
0xd2: {  	[tilespmem:s5], [sflag:$0x1] =	stream.indirect.gather @!p0 [spmem:s2], $0x10, s26, s4, $0xb8;
	[tilespmem:$0x15B80] =	vst v63  }
0xd3: {  	s31 =	sshrl.u32 s8, $0x9;
	s5 =	sadd.s32 @!p0 $0x7710, s0  }
0xd4: {  	[tilespmem:s5], [sflag:$0x1] =	stream.indirect.gather @!p0 [spmem:s2], $0x10, s22, s4, $0xb8;
	[tilespmem:$0x15B80] =	vst v63  }
0xd5: {  	s5 =	sand.u32 $0x7F, s31  }
0xd6: {  	s8 =	sadd.s32 @!p0 $0x7EE0, s0;
	s5 =	smul.u32 $0x3, s5  }
0xd7: {  	[tilespmem:s8], [sflag:$0x1] =	stream.indirect.gather @!p0 [spmem:s2], $0x10, s23, s4, $0xb8;
	[tilespmem:$0x15B80] =	vst v63  }
0xd8: {  	s5 =	ssub.s32 s6, s5  }
0xd9: {  	s0 =	sadd.s32 @!p0 $0x86B0, s0;
	s6 =	sadd.s32 @!p0 $0x780, s29;
	s5 =	sand.u32 $0xFF, s5  }
0xda: {  	[tilespmem:s0], [sflag:$0x1] =	stream.indirect.gather @!p0 [spmem:s2], $0x10, s6, s4, $0xb8;
	[tilespmem:$0x15B80] =	vst v63  }
0xdb: {  	s5 =	smul.u32 $0xFA00, s5  }
0xdc: {  	_ =	swait.ge [sflag:s1], $0x7D0  }
0xdd: {  	s9 =	sshra.s32 s18, $0x2;
	[sflag:s1] =	ssyncset.done $0x0;
	s8 =	sshrl.u32 s5, $0x2  }
0xde: {  	s10 =	sadd.s32 $0x2800, s9;
	[sflag:s1] =	ssyncadd.s32 $0xFFFFF830;
	s5 =	sadd.s32 $0x5000, s8  }
0xdf: {  	[spmem:s3] =	stream.indirect.scatter.add.f32 [tilespmem:s5], [sflag:$0x2], $0x10, s10, s16, $0xb8;
	[tilespmem:$0x15B80] =	vst v63  }
0xe0: {  	_ =	swait.ge [sflag:s1], $0x7D0  }
0xe1: {  	[sflag:s1] =	ssyncset.done $0x0  }
0xe2: {  	s12 =	sadd.s32 $0x2880, s9;
	s11 =	sadd.s32 $0x57D0, s8;
	[sflag:s1] =	ssyncadd.s32 $0xFFFFF830  }
0xe3: {  	[spmem:s3] =	stream.indirect.scatter.add.f32 [tilespmem:s11], [sflag:$0x2], $0x10, s12, s16, $0xb8;
	[tilespmem:$0x15B80] =	vst v63  }
0xe4: {  	_ =	swait.ge [sflag:s1], $0x7D0  }
0xe5: {  	[sflag:s1] =	ssyncset.done $0x0  }
0xe6: {  	s20 =	sadd.s32 $0x2900, s9;
	s19 =	sadd.s32 $0x5FA0, s8;
	[sflag:s1] =	ssyncadd.s32 $0xFFFFF830  }
0xe7: {  	[spmem:s3] =	stream.indirect.scatter.add.f32 [tilespmem:s19], [sflag:$0x2], $0x10, s20, s16, $0xb8;
	[tilespmem:$0x15B80] =	vst v63  }
0xe8: {  	_ =	swait.ge [sflag:s1], $0x7D0  }
0xe9: {  	[sflag:s1] =	ssyncset.done $0x0  }
0xea: {  	s21 =	sadd.s32 $0x2980, s9;
	s22 =	sadd.s32 $0x6770, s8;
	[sflag:s1] =	ssyncadd.s32 $0xFFFFF830  }
0xeb: {  	[spmem:s3] =	stream.indirect.scatter.add.f32 [tilespmem:s22], [sflag:$0x2], $0x10, s21, s16, $0xb8;
	[tilespmem:$0x15B80] =	vst v63  }
0xec: {  	_ =	swait.ge [sflag:s1], $0x7D0  }
0xed: {  	[sflag:s1] =	ssyncset.done $0x0  }
0xee: {  	s23 =	sadd.s32 $0x2A00, s9;
	s24 =	sadd.s32 $0x6F40, s8;
	[sflag:s1] =	ssyncadd.s32 $0xFFFFF830  }
0xef: {  	[spmem:s3] =	stream.indirect.scatter.add.f32 [tilespmem:s24], [sflag:$0x2], $0x10, s23, s16, $0xb8;
	[tilespmem:$0x15B80] =	vst v63  }
0xf0: {  	_ =	swait.ge [sflag:s1], $0x7D0  }
0xf1: {  	[sflag:s1] =	ssyncset.done $0x0  }
0xf2: {  	s25 =	sadd.s32 $0x2A80, s9;
	s26 =	sadd.s32 $0x7710, s8;
	[sflag:s1] =	ssyncadd.s32 $0xFFFFF830  }
0xf3: {  	[spmem:s3] =	stream.indirect.scatter.add.f32 [tilespmem:s26], [sflag:$0x2], $0x10, s25, s16, $0xb8;
	[tilespmem:$0x15B80] =	vst v63  }
0xf4: {  	_ =	swait.ge [sflag:s1], $0x7D0  }
0xf5: {  	[sflag:s1] =	ssyncset.done $0x0  }
0xf6: {  	s28 =	sadd.s32 $0x2B00, s9;
	s29 =	sadd.s32 $0x7EE0, s8;
	[sflag:s1] =	ssyncadd.s32 $0xFFFFF830  }
0xf7: {  	[spmem:s3] =	stream.indirect.scatter.add.f32 [tilespmem:s29], [sflag:$0x2], $0x10, s28, s16, $0xb8;
	[tilespmem:$0x15B80] =	vst v63  }
0xf8: {  	_ =	swait.ge [sflag:s1], $0x7D0  }
0xf9: {  	s4 =	sadd.s32 $0x2B80, s9;
	[sflag:s1] =	ssyncset.done $0x0  }
0xfa: {  	p0 =	seq.s32 s18, $0x0;
	s0 =	sadd.s32 $0x86B0, s8;
	[sflag:s1] =	ssyncadd.s32 $0xFFFFF830  }
0xfb: {  	[spmem:s3] =	stream.indirect.scatter.add.f32 [tilespmem:s0], [sflag:$0x2], $0x10, s4, s16, $0xb8;
	[tilespmem:$0x15B80] =	vst v63  }
0xfc: {  	s0 =	simm.s32 @!p0 $0x2  }
0xfd: {  	_ =	swait.ge @!p0 [sflag:s0], $0x7D0  }
0xfe: {  	[sflag:s0] =	ssyncset.done @!p0 $0x0  }
0xff: {  	[sflag:s0] =	ssyncadd.s32 @!p0 $0xFFFFF830  }
0x100: {  	_ =	swait.ge @!p0 [sflag:s0], $0x7D0  }
0x101: {  	[sflag:s0] =	ssyncset.done @!p0 $0x0  }
0x102: {  	[sflag:s0] =	ssyncadd.s32 @!p0 $0xFFFFF830  }
0x103: {  	_ =	swait.ge @!p0 [sflag:s0], $0x7D0  }
0x104: {  	[sflag:s0] =	ssyncset.done @!p0 $0x0  }
0x105: {  	[sflag:s0] =	ssyncadd.s32 @!p0 $0xFFFFF830  }
0x106: {  	_ =	swait.ge @!p0 [sflag:s0], $0x7D0  }
0x107: {  	[sflag:s0] =	ssyncset.done @!p0 $0x0  }
0x108: {  	[sflag:s0] =	ssyncadd.s32 @!p0 $0xFFFFF830  }
0x109: {  	_ =	swait.ge @!p0 [sflag:s0], $0x7D0  }
0x10a: {  	[sflag:s0] =	ssyncset.done @!p0 $0x0  }
0x10b: {  	[sflag:s0] =	ssyncadd.s32 @!p0 $0xFFFFF830  }
0x10c: {  	_ =	swait.ge @!p0 [sflag:s0], $0x7D0  }
0x10d: {  	[sflag:s0] =	ssyncset.done @!p0 $0x0  }
0x10e: {  	[sflag:s0] =	ssyncadd.s32 @!p0 $0xFFFFF830  }
0x10f: {  	_ =	swait.ge @!p0 [sflag:s0], $0x7D0  }
0x110: {  	[sflag:s0] =	ssyncset.done @!p0 $0x0  }
0x111: {  	[sflag:s0] =	ssyncadd.s32 @!p0 $0xFFFFF830  }
0x112: {  	_ =	swait.ge @!p0 [sflag:s0], $0x7D0  }
0x113: {  	[sflag:s0] =	ssyncset.done @!p0 $0x0  }
0x114: {  	[sflag:s0] =	ssyncadd.s32 @!p0 $0xFFFFF830  }
0x115: {  	_ =	swait.ge [sflag:s15], $0x7D0  }
0x116: {  	[sflag:s15] =	ssyncset.done $0x0  }
0x117: {  	[sflag:s15] =	ssyncadd.s32 $0xFFFFF830  }
0x118: {  	_ =	swait.ge [sflag:s15], $0x7D0  }
0x119: {  	[sflag:s15] =	ssyncset.done $0x0  }
0x11a: {  	[sflag:s15] =	ssyncadd.s32 $0xFFFFF830  }
0x11b: {  	_ =	swait.ge [sflag:s15], $0x7D0  }
0x11c: {  	[sflag:s15] =	ssyncset.done $0x0  }
0x11d: {  	[sflag:s15] =	ssyncadd.s32 $0xFFFFF830  }
0x11e: {  	_ =	swait.ge [sflag:s15], $0x7D0  }
0x11f: {  	[sflag:s15] =	ssyncset.done $0x0  }
0x120: {  	[sflag:s15] =	ssyncadd.s32 $0xFFFFF830  }
0x121: {  	_ =	swait.ge [sflag:s15], $0x7D0  }
0x122: {  	[sflag:s15] =	ssyncset.done $0x0  }
0x123: {  	[sflag:s15] =	ssyncadd.s32 $0xFFFFF830  }
0x124: {  	_ =	swait.ge [sflag:s15], $0x7D0  }
0x125: {  	[sflag:s15] =	ssyncset.done $0x0  }
0x126: {  	[sflag:s15] =	ssyncadd.s32 $0xFFFFF830  }
0x127: {  	_ =	swait.ge [sflag:s15], $0x7D0  }
0x128: {  	[sflag:s15] =	ssyncset.done $0x0  }
0x129: {  	[sflag:s15] =	ssyncadd.s32 $0xFFFFF830  }
0x12a: {  	_ =	swait.ge [sflag:s15], $0x7D0  }
0x12b: {  	[sflag:s15] =	ssyncset.done $0x0  }
0x12c: {  	[sflag:s15] =	ssyncadd.s32 $0xFFFFF830  }
0x12d: {  	[bflag:$0x0] =	sbarrier.arrive $0xFFFF  }
0x12e: {  	s30 =	rddreg [dreg:$0x8]  }
0x12f: {  	[hbm:s30], [sflag:s7] =	dma.local [spmem:s14], $0x500  }
0x130: {  	_ =	swait.ge [sflag:s13], $0x500  }
0x131: {  	s17 =	sadd.s32 $0x1, s17;
	s31 =	rddreg [dreg:$0x9]  }
0x132: {  	p0 =	sne.s32 s17, s31  }
.Ltmp1:
0x133: {  	_ = 	snop;
	(pc) =	sbr.rel @p0 .LBB2_1-.Ltmp1, $3  }
0x134: {  	_ =	sdelay $0x1  }
0x135: {  	[sflag:s13] =	ssyncset.done $0x0  }
0x136: {  	[sflag:s13] =	ssyncadd.s32 $0xFFFFFB00  }
0x137: {  	_ =	sfence.sel $0x180000  }
0x138: {  	[bflag:$0x0] =	sbarrier.arrive $0xFFFF  }
0x139: {  	_ =	strace $0x9000004D  }
0x13a: {  	s0 =	stileid.u32;
	[bflag:$0x2] =	sbarrier.arrive $0xFFFF  }
0x13b: {  	p0 =	sne.s32 s0, $0x0;
	s0 =	rddreg [dreg:$0x3]  }
0x13c: {  	s0 =	sadd.s32 @!p0 $0x100000, s0  }
0x13d: {  	[sflag:s0] =	ssyncadd.tile.s32 @!p0 $0x1;
	_ =	shalt  }
.Lfunc_end2:
_tile_overlayer_lowered:
.L_overlay_start_2:
0x13e: {  	(tag) =	ssettag $0x2  }
0x13f: {  	s0 =	rddreg [dreg:$0x0];
	s2 =	stileid.u32  }
0x140: {  	s1 =	rddreg [dreg:$0x1];
	p0 =	sne.s32 s2, $0x0  }
0x141: {  	s3 =	rddreg [dreg:$0x2];
	[bflag:$0x3] =	sbarrier.arrive $0xFFFF;
	s2 =	simm.s32 @!p0 $0x1C03  }
0x142: {  	[timem:s3], [sflag:s2] =	dma.local @!p0 [hbm:s0], s1  }
0x143: {  	s0 =	simm.s32 @!p0 $0x3  }
0x144: {  	_ =	swait.ge @!p0 [sflag:s0], s1  }
0x145: {  	s1 =	ssub.s32 @!p0 $0x0, s1;
	[sflag:s0] =	ssyncset.done @!p0 $0x0  }
0x146: {  	[sflag:s0] =	ssyncadd.s32 @!p0 s1  }
0x147: {  	[bflag:$0x3] =	sbarrier.arrive $0xFFFF  }
0x148: {  	_ =	shalt  }

</sc_bundles>
